<compile_context>
chip_gen: v7x
topology: tpu7x:2x2x1
jax: 0.10.2.dev20260603
libtpu: 0.0.44.dev20260713+nightly
codegen_flags: <defaults>
</compile_context>

<pallas_src>
import functools

import jax
import jax.numpy as jnp
from jax import lax
from jax.experimental import pallas as pl
from jax.experimental.pallas import tpu as pltpu
from jax.experimental.pallas import tpu_sc as plsc

NN = 10000
NE = 160000
D = 256
DE = 16
HALF = D // 2
QW = D // 4
NC, NS = 2, 16
RPT = 624

CH_L = 80
NCH_L = (NE // NS) // CH_L
CH_E = 40
NCH_E = (NE // (NC * NS)) // CH_E

_MESH = plsc.VectorSubcoreMesh(
    core_axis_name="c", subcore_axis_name="s", num_cores=NC, num_subcores=NS)


def _copy_tile_rows(src, dst, s, src_base=0, dst_base=0):
  start = s * RPT
  pltpu.sync_copy(src.at[pl.ds(src_base + start, RPT)],
                  dst.at[pl.ds(dst_base + start, RPT)])

  @pl.when(s == NS - 1)
  def _():
    tail = NS * RPT
    pltpu.sync_copy(src.at[pl.ds(src_base + tail, NN - tail)],
                    dst.at[pl.ds(dst_base + tail, NN - tail)])



def _mm_body(a_ref, b_ref, o_ref):
  o_ref[...] = jnp.dot(a_ref[...], b_ref[...],
                       preferred_element_type=jnp.float32)


def _mm_bias_body(a_ref, b_ref, bias_ref, o_ref):
  o_ref[...] = jnp.dot(a_ref[...], b_ref[...],
                       preferred_element_type=jnp.float32) + bias_ref[...]


def _hm_body(a_ref, w_ref, wx_ref, o_ref):
  t = jnp.dot(a_ref[...], w_ref[...], preferred_element_type=jnp.float32)
  for q in range(4):
    o_ref[q] = jnp.dot(t, wx_ref[:, q * QW:(q + 1) * QW],
                       preferred_element_type=jnp.float32)


def _hm_matmul(a, w, wx, block_m=1000):
  m = a.shape[0]
  gm = m // block_m
  out = pl.pallas_call(
      _hm_body,
      grid=(gm,),
      in_specs=[
          pl.BlockSpec((block_m, D), lambda i: (i, 0)),
          pl.BlockSpec((D, D), lambda i: (0, 0)),
          pl.BlockSpec((D, D), lambda i: (0, 0)),
      ],
      out_specs=pl.BlockSpec((4, block_m, QW), lambda i: (0, i, 0)),
      out_shape=jax.ShapeDtypeStruct((4, m, QW), jnp.float32),
  )(a, w, wx)
  return out.reshape(4 * m, QW)


def _eap_body(a_ref, b_ref, bias_ref, dre_ref, o_ref):
  t = jnp.dot(a_ref[...], b_ref[...],
              preferred_element_type=jnp.float32) + bias_ref[...]
  t = t * dre_ref[...]
  for q in range(4):
    o_ref[q] = t[:, q * QW:(q + 1) * QW]


def _eap_matmul(a, b, bias, dre, block_m=2000):
  m = a.shape[0]
  gm = m // block_m
  out = pl.pallas_call(
      _eap_body,
      grid=(gm,),
      in_specs=[
          pl.BlockSpec((block_m, DE), lambda i: (i, 0)),
          pl.BlockSpec((DE, D), lambda i: (0, 0)),
          pl.BlockSpec((1, D), lambda i: (0, 0)),
          pl.BlockSpec((block_m, 1), lambda i: (i, 0)),
      ],
      out_specs=pl.BlockSpec((4, block_m, QW), lambda i: (0, i, 0)),
      out_shape=jax.ShapeDtypeStruct((4, m, QW), jnp.float32),
  )(a, b, bias.reshape(1, D), dre)
  return out.reshape(4 * m, QW)


def _matmul(a, b, bias=None, block_m=1000):
  m, k = a.shape
  nout = b.shape[1]
  gm = m // block_m
  in_specs = [
      pl.BlockSpec((block_m, k), lambda i: (i, 0)),
      pl.BlockSpec((k, nout), lambda i: (0, 0)),
  ]
  args = [a, b]
  body = _mm_body
  if bias is not None:
    in_specs.append(pl.BlockSpec((1, nout), lambda i: (0, 0)))
    args.append(bias.reshape(1, nout))
    body = _mm_bias_body
  return pl.pallas_call(
      body,
      grid=(gm,),
      in_specs=in_specs,
      out_specs=pl.BlockSpec((block_m, nout), lambda i: (i, 0)),
      out_shape=jax.ShapeDtypeStruct((m, nout), jnp.float32),
  )(*args)



EPT_E = NE // (NC * NS)


def _rsqrt16(d):
  yi = 0x5F3759DF - (plsc.bitcast(d, jnp.int32) >> 1)
  y = plsc.bitcast(yi, jnp.float32)
  for _ in range(3):
    y = y * (1.5 - 0.5 * d * y * y)
  return jnp.where(d > 0, y, 0.0)


@functools.partial(
    pl.kernel,
    out_type=[
        jax.ShapeDtypeStruct((NN,), jnp.float32),
        jax.ShapeDtypeStruct((NE,), jnp.float32),
    ],
    mesh=_MESH,
    scratch_types=[
        pltpu.VMEM((CH_L,), jnp.float32),
        pltpu.VMEM((NCH_L, CH_L), jnp.int32),
        pltpu.VMEM((NN,), jnp.float32),
        pltpu.VMEM((EPT_E + 16,), jnp.int32),
        pltpu.VMEM((EPT_E + 16,), jnp.float32),
        pltpu.VMEM_SHARED((NN,), jnp.float32),
    ],
    compiler_params=pltpu.CompilerParams(needs_layout_passes=False),
)
def _deg_dre_kernel(row_hbm, rows4_hbm, zeros_hbm, ones_hbm, dinv_hbm,
                    dre_hbm, ones_v, rows2d, dinv_v, ri_all, dre_v, dacc):
  c = lax.axis_index("c")
  s = lax.axis_index("s")
  pltpu.sync_copy(ones_hbm, ones_v)
  start = s * RPT
  pltpu.sync_copy(zeros_hbm.at[pl.ds(0, RPT + 16)],
                  dre_v.at[pl.ds(0, RPT + 16)])
  pltpu.sync_copy(dre_v.at[pl.ds(0, RPT)], dacc.at[pl.ds(start, RPT)])

  @pl.when(s == NS - 1)
  def _():
    pltpu.sync_copy(dre_v.at[pl.ds(0, NN - NS * RPT)],
                    dacc.at[pl.ds(NS * RPT, NN - NS * RPT)])

  pltpu.sync_copy(rows4_hbm.at[0, s], rows2d)
  wid = c * NS + s
  ebase = wid * EPT_E
  ri_all[pl.ds(EPT_E - 8, 16)] = jnp.zeros((16,), jnp.int32)
  pltpu.sync_copy(row_hbm.at[pl.ds(ebase, EPT_E)], ri_all.at[pl.ds(0, EPT_E)])
  plsc.subcore_barrier()

  def dchunk(j, carry):
    pltpu.sync_copy(ones_v, dacc.at[rows2d.at[j]], add=True)
    return carry

  lax.fori_loop(0, NCH_L, dchunk, 0)
  plsc.subcore_barrier()

  pltpu.sync_copy(dacc, dinv_v)

  def rsq(i, carry):
    sl = pl.ds(i * 16, 16)
    dinv_v[sl] = _rsqrt16(dinv_v[sl])
    return carry

  lax.fori_loop(0, NN // 16, rsq, 0)

  @pl.when(c == 0)
  def _():
    pltpu.sync_copy(dinv_v.at[pl.ds(start, RPT)],
                    dinv_hbm.at[pl.ds(start, RPT)])

    @pl.when(s == NS - 1)
    def _():
      pltpu.sync_copy(dinv_v.at[pl.ds(NS * RPT, NN - NS * RPT)],
                      dinv_hbm.at[pl.ds(NS * RPT, NN - NS * RPT)])

  def body(i, carry):
    sl = pl.ds(i * 16, 16)
    dre_v[sl] = plsc.load_gather(dinv_v, [ri_all[sl]])
    return carry

  lax.fori_loop(0, (EPT_E + 8) // 16, body, 0)
  pltpu.sync_copy(dre_v.at[pl.ds(0, EPT_E)], dre_hbm.at[pl.ds(ebase, EPT_E)])



EPT_L = NE // NS


@functools.partial(
    pl.kernel,
    out_type=jax.ShapeDtypeStruct((4 * NN, QW), jnp.float32),
    mesh=_MESH,
    scratch_types=[
        pltpu.VMEM((NCH_L, CH_L), jnp.int32),
        pltpu.VMEM((NCH_L, CH_L), jnp.int32),
        pltpu.VMEM((CH_L, QW), jnp.float32),
        pltpu.VMEM((CH_L, QW), jnp.float32),
        pltpu.VMEM((CH_L, QW), jnp.float32),
        pltpu.VMEM((CH_L, QW), jnp.float32),
        pltpu.VMEM((CH_L, QW), jnp.float32),
        pltpu.VMEM((CH_L, QW), jnp.float32),
        pltpu.VMEM_SHARED((NN, QW), jnp.float32),
        pltpu.SemaphoreType.DMA,
        pltpu.SemaphoreType.DMA,
        pltpu.SemaphoreType.DMA,
        pltpu.SemaphoreType.DMA,
    ],
    compiler_params=pltpu.CompilerParams(
        needs_layout_passes=False, use_tc_tiling_on_sc=False),
)
def _layer_kernel(hm_hbm, eap_hbm, rows4_hbm, cols3_hbm, zeros_hbm, out_hbm,
                  rows2, cols2, hr0, hr1, eb0, eb1,
                  mv0, mv1, acc, gsem0, gsem1, esem0, esem1):
  c = lax.axis_index("c")
  s = lax.axis_index("s")
  ebase = s * EPT_L
  bufs = ((hr0, eb0, mv0, gsem0, esem0),
          (hr1, eb1, mv1, gsem1, esem1))

  pltpu.sync_copy(cols3_hbm.at[s], cols2)

  for p in range(2):
    q = 2 * p + c

    def issue(j, b):
      hr, eb, mv, gsem, esem = b
      pltpu.async_copy(hm_hbm.at[rows2.at[j]], hr, gsem)
      pltpu.async_copy(
          eap_hbm.at[pl.ds(q * NE + ebase + j * CH_L, CH_L)], eb, esem)

    def wait_inputs(j, b):
      hr, eb, mv, gsem, esem = b
      pltpu.make_async_copy(hm_hbm.at[rows2.at[j]], hr, gsem).wait()
      pltpu.make_async_copy(
          eap_hbm.at[pl.ds(q * NE + ebase + j * CH_L, CH_L)], eb,
          esem).wait()

    def run(j, b, nb):
      hr, eb, mv, gsem, esem = b

      @pl.when(j + 1 < NCH_L)
      def _():
        issue(j + 1, nb)

      wait_inputs(j, b)

      def edge(e, inner):
        for l in range(QW // 16):
          sl = pl.ds(l * 16, 16)
          mv[e, sl] = jnp.maximum(hr[e, sl] + eb[e, sl], 0.0)
        return inner

      lax.fori_loop(0, CH_L, edge, 0)
      pltpu.sync_copy(mv, acc.at[cols2.at[j]], add=True)

    pltpu.sync_copy(rows4_hbm.at[q, s], rows2)
    _copy_tile_rows(zeros_hbm, acc, s)
    issue(0, bufs[0])
    plsc.subcore_barrier()

    def body(j, carry):
      @pl.when(j % 2 == 0)
      def _():
        run(j, bufs[0], bufs[1])

      @pl.when(j % 2 == 1)
      def _():
        run(j, bufs[1], bufs[0])

      return carry

    lax.fori_loop(0, NCH_L, body, 0)
    plsc.subcore_barrier()
    _copy_tile_rows(acc, out_hbm, s, dst_base=q * NN)



CH_U = 128
EPT_U = 4992
NCH_U = EPT_U // CH_U
TAIL_U = NE - 32 * EPT_U


@functools.partial(
    pl.kernel,
    out_type=jax.ShapeDtypeStruct((NE, DE), jnp.float32),
    mesh=_MESH,
    scratch_types=[
        pltpu.VMEM((NCH_U + 1, CH_U), jnp.int32),
        pltpu.VMEM((NCH_U + 1, CH_U), jnp.int32),
        pltpu.VMEM((CH_U, DE), jnp.float32),
        pltpu.VMEM((CH_U, DE), jnp.float32),
        pltpu.VMEM((CH_U, DE), jnp.float32),
        pltpu.VMEM((CH_U, DE), jnp.float32),
        pltpu.VMEM((CH_U, DE), jnp.float32),
        pltpu.VMEM((CH_U, DE), jnp.float32),
        pltpu.VMEM((CH_U, DE), jnp.float32),
        pltpu.VMEM((CH_U, DE), jnp.float32),
        pltpu.SemaphoreType.DMA,
        pltpu.SemaphoreType.DMA,
        pltpu.SemaphoreType.DMA,
        pltpu.SemaphoreType.DMA,
        pltpu.SemaphoreType.DMA,
        pltpu.SemaphoreType.DMA,
        pltpu.SemaphoreType.DMA,
        pltpu.SemaphoreType.DMA,
    ],
    compiler_params=pltpu.CompilerParams(use_tc_tiling_on_sc=False),
)
def _edge_update_kernel(g_hbm, eaw_hbm, rowsu_hbm, colsu_hbm, out_hbm,
                        rows2, cols2, gr0, gr1,
                        gc0, gc1, ew0, ew1, ov0, ov1, rsem0, rsem1, csem0,
                        csem1, esem0, esem1, osem0, osem1):
  c = lax.axis_index("c")
  s = lax.axis_index("s")
  wid = c * NS + s
  tbase = wid * EPT_U
  bufs = ((gr0, gc0, ew0, ov0, rsem0, csem0, esem0, osem0),
          (gr1, gc1, ew1, ov1, rsem1, csem1, esem1, osem1))

  has_tail = wid < (TAIL_U // CH_U)
  nch = jnp.where(has_tail, NCH_U + 1, NCH_U)

  def chunk_base(j):
    return jnp.where(j < NCH_U, tbase + j * CH_U,
                     32 * EPT_U + wid * CH_U)

  pltpu.sync_copy(rowsu_hbm.at[wid], rows2)
  pltpu.sync_copy(colsu_hbm.at[wid], cols2)

  def issue(j, b):
    gr, gc, ew, ov, rsem, csem, esem, osem = b
    pltpu.async_copy(g_hbm.at[rows2.at[j]], gr, rsem)
    pltpu.async_copy(g_hbm.at[cols2.at[j]], gc, csem)
    pltpu.async_copy(eaw_hbm.at[pl.ds(chunk_base(j), CH_U)], ew, esem)

  def run(j, b, nb):
    gr, gc, ew, ov, rsem, csem, esem, osem = b

    @pl.when(j + 1 < nch)
    def _():
      issue(j + 1, nb)

    pltpu.make_async_copy(g_hbm.at[rows2.at[j]], gr, rsem).wait()
    pltpu.make_async_copy(g_hbm.at[cols2.at[j]], gc, csem).wait()
    pltpu.make_async_copy(
        eaw_hbm.at[pl.ds(chunk_base(j), CH_U)], ew, esem).wait()

    @pl.when(j >= 2)
    def _():
      pltpu.make_async_copy(ov, out_hbm.at[pl.ds(chunk_base(j - 2), CH_U)],
                            osem).wait()

    def edge(e, inner):
      ov[e] = jnp.maximum(gr[e] + gc[e] + ew[e], 0.0)
      return inner

    lax.fori_loop(0, CH_U, edge, 0)
    pltpu.async_copy(ov, out_hbm.at[pl.ds(chunk_base(j), CH_U)], osem)

    @pl.when(j + 1 >= nch)
    def _():
      pltpu.make_async_copy(ov, out_hbm.at[pl.ds(chunk_base(j), CH_U)],
                            osem).wait()
      ovp = nb[3]
      osemp = nb[7]
      pltpu.make_async_copy(ovp, out_hbm.at[pl.ds(chunk_base(j - 1), CH_U)],
                            osemp).wait()

  issue(0, bufs[0])

  def body(j, carry):
    @pl.when(j < nch)
    def _():
      @pl.when(j % 2 == 0)
      def _():
        run(j, bufs[0], bufs[1])

      @pl.when(j % 2 == 1)
      def _():
        run(j, bufs[1], bufs[0])

    return carry

  lax.fori_loop(0, NCH_U + 1, body, 0)



def kernel(x, edge_attr, edge_index, W0, b0, Wm0, bm0, W1, b1, Wm1, bm1,
           Weu0, beu0, Weu1, beu1):
  row = edge_index[0]
  col = edge_index[1]
  zeros_l = jnp.zeros((NN, QW), jnp.float32)
  zeros_1 = jnp.zeros((NN,), jnp.float32)

  rows4 = (row[None, :] +
           (jnp.arange(4, dtype=jnp.int32) * NN)[:, None]).reshape(
               4, NS, NCH_L, CH_L)
  cols3 = col.reshape(NS, NCH_L, CH_L)
  tail_r = jnp.zeros((32, 1, CH_U), jnp.int32).at[:2, 0].set(
      row[32 * EPT_U:].reshape(2, CH_U))
  tail_c = jnp.zeros((32, 1, CH_U), jnp.int32).at[:2, 0].set(
      col[32 * EPT_U:].reshape(2, CH_U))
  rows_u = jnp.concatenate(
      [row[:32 * EPT_U].reshape(32, NCH_U, CH_U), tail_r], axis=1)
  cols_u = jnp.concatenate(
      [col[:32 * EPT_U].reshape(32, NCH_U, CH_U), tail_c], axis=1)

  dinv, dre_flat = _deg_dre_kernel(row, rows4, zeros_1,
                                   jnp.ones((CH_L,), jnp.float32))
  dre = dre_flat.reshape(NE, 1)
  dcol = dinv[:, None]

  def conv(xin, ea, W, b, Wm, bm):
    hm = _hm_matmul(xin * dcol, W, Wm[:D])
    eap = _eap_matmul(ea, Wm[D:], bm, dre)
    a4 = _layer_kernel(hm, eap, rows4, cols3, zeros_l)
    out = jnp.concatenate(
        [a4[:NN], a4[NN:2 * NN], a4[2 * NN:3 * NN], a4[3 * NN:]], axis=1)
    return out * dcol + b

  def edge_update(xin, ea, Weu, beu):
    g = _matmul(xin, 0.5 * Weu[:D], block_m=1000)
    eaw = _matmul(ea, Weu[D:], bias=beu, block_m=2000)
    return _edge_update_kernel(g, eaw, rows_u, cols_u)

  x1 = conv(x, edge_attr, W0, b0, Wm0, bm0)
  ea1 = edge_update(x1, edge_attr, Weu0, beu0)
  x2 = conv(x1, ea1, W1, b1, Wm1, bm1)
  ea2 = edge_update(x2, ea1, Weu1, beu1)
  return (x2, ea2)

# --- scband reference (transcript-rebuilt; emitter-appended) ---
"""Pipeline reference for scband-gnnstack-56324201119780 (READ-ONLY COPY).

The authoritative reference and input builder live on the scoring server;
editing this copy changes nothing except your own understanding.
"""

import jax, jax.numpy as jnp
import numpy as np

N, E, D, DE = 10000, 160000, 256, 16

def _glorot(key, shape):
    lim = (6.0 / (shape[0] + shape[1])) ** 0.5
    return jax.random.uniform(key, shape, minval=-lim, maxval=lim, dtype=jnp.float32)

def setup_inputs(seed: int = 0):
    key = jax.random.key(seed)
    ks = jax.random.split(key, 16)
    x = jax.random.normal(ks[0], (N, D), dtype=jnp.float32)
    edge_attr = jax.random.normal(ks[1], (E, DE), dtype=jnp.float32)
    edge_index = jax.random.randint(ks[2], (2, E), 0, N, dtype=jnp.int32)
    return {
        'x': x, 'edge_attr': edge_attr, 'edge_index': edge_index,
        'W0': _glorot(ks[3], (D, D)), 'b0': jnp.zeros((D,), jnp.float32),
        'Wm0': _glorot(ks[4], (D + DE, D)), 'bm0': jnp.zeros((D,), jnp.float32),
        'W1': _glorot(ks[5], (D, D)), 'b1': jnp.zeros((D,), jnp.float32),
        'Wm1': _glorot(ks[6], (D + DE, D)), 'bm1': jnp.zeros((D,), jnp.float32),
        'Weu0': _glorot(ks[7], (D + DE, DE)), 'beu0': jnp.zeros((DE,), jnp.float32),
        'Weu1': _glorot(ks[8], (D + DE, DE)), 'beu1': jnp.zeros((DE,), jnp.float32),
    }

def _egcn_layer(x, edge_attr, row, col, n, W, b, Wm, bm):
    h = x @ W
    ones = jnp.ones((row.shape[0],), jnp.float32)
    deg = jax.ops.segment_sum(ones, row, num_segments=n)
    dinv = jnp.where(deg > 0, jax.lax.rsqrt(jnp.maximum(deg, 1e-12)), 0.0)
    norm = dinv[row] * dinv[col]
    xj = h[row]
    m = jax.nn.relu(jnp.concatenate([xj, edge_attr], axis=-1) @ Wm + bm)
    m = norm[:, None] * m
    out = jax.ops.segment_sum(m, col, num_segments=n) + b
    return out

def _edge_update(x, edge_attr, row, col, Weu, beu):
    xi = x[row]
    xj = x[col]
    z = jnp.concatenate([(xi + xj) / 2.0, edge_attr], axis=-1)
    return jax.nn.relu(z @ Weu + beu)

def reference(x, edge_attr, edge_index, W0, b0, Wm0, bm0, W1, b1, Wm1, bm1, Weu0, beu0, Weu1, beu1):
    row = edge_index[0]
    col = edge_index[1]
    n = x.shape[0]
    x = _egcn_layer(x, edge_attr, row, col, n, W0, b0, Wm0, bm0)
    edge_attr = _edge_update(x, edge_attr, row, col, Weu0, beu0)
    x = _egcn_layer(x, edge_attr, row, col, n, W1, b1, Wm1, bm1)
    edge_attr = _edge_update(x, edge_attr, row, col, Weu1, beu1)
    return (x, edge_attr)

if __name__ == "__main__":
    import jax
    _d = setup_inputs()
    print(jax.jit(kernel)(*tuple(_d.values())))

</pallas_src>

<mosaic_0001>
#map = affine_map<(d0, d1) -> (0, 0)>
#map1 = affine_map<(d0, d1) -> (0, 0, 0, 0)>
#map2 = affine_map<(d0, d1) -> (0, 0, 0)>
module attributes {stable_mosaic.version = 14 : i64} {
  func.func @_layer_kernel(%arg0: i32, %arg1: i32, %arg2: memref<40000x64xf32, #tpu.memory_space<hbm>>, %arg3: memref<640000x64xf32, #tpu.memory_space<hbm>>, %arg4: memref<4x16x125x80xi32, #tpu.memory_space<hbm>>, %arg5: memref<16x125x80xi32, #tpu.memory_space<hbm>>, %arg6: memref<10000x64xf32, #tpu.memory_space<hbm>>, %arg7: memref<40000x64xf32, #tpu.memory_space<hbm>>, %arg8: memref<125x80xi32, #tpu.memory_space<vmem>>, %arg9: memref<125x80xi32, #tpu.memory_space<vmem>>, %arg10: memref<80x64xf32, #tpu.memory_space<vmem>>, %arg11: memref<80x64xf32, #tpu.memory_space<vmem>>, %arg12: memref<80x64xf32, #tpu.memory_space<vmem>>, %arg13: memref<80x64xf32, #tpu.memory_space<vmem>>, %arg14: memref<80x64xf32, #tpu.memory_space<vmem>>, %arg15: memref<80x64xf32, #tpu.memory_space<vmem>>, %arg16: memref<10000x64xf32, #tpu.memory_space<vmem_shared>>, %arg17: memref<!tpu.dma_semaphore, #tpu.memory_space<semaphore_mem>>, %arg18: memref<!tpu.dma_semaphore, #tpu.memory_space<semaphore_mem>>, %arg19: memref<!tpu.dma_semaphore, #tpu.memory_space<semaphore_mem>>, %arg20: memref<!tpu.dma_semaphore, #tpu.memory_space<semaphore_mem>>) attributes {dimension_semantics = [#tpu.dimension_semantics<core_parallel>, #tpu.dimension_semantics<subcore_parallel>], iteration_bounds = array<i64: 2, 16>, scalar_prefetch = 0 : i64, scratch_operands = 13 : i64, tpu.core_type = #tpu.core_type<sc_vector_subcore>, window_params = [{transform_indices = #map}, {transform_indices = #map}, {transform_indices = #map1}, {transform_indices = #map2}, {transform_indices = #map}, {transform_indices = #map}]} {
    %mul3A = arith.constant 10000 : i32
    %mul3A_0 = arith.muli %arg1, %mul3A : i32
    "tpu.region"() ({
      %run_scoped3A = tpu.sem_alloc : memref<!tpu.dma_semaphore, #tpu.memory_space<semaphore_mem>>
      %dma_start3A_92 = arith.constant 0 : i32
      %dma_start3A_93 = arith.constant 0 : i32
      %dma_start3A_94 = tpu.memref_slice %arg5[%arg1, %dma_start3A_92, %dma_start3A_93] : memref<16x125x80xi32, #tpu.memory_space<hbm>> -> memref<1x125x80xi32, #tpu.memory_space<hbm>>
      %dma_start3A_95 = tpu.memref_squeeze %dma_start3A_94 : memref<1x125x80xi32, #tpu.memory_space<hbm>> -> memref<125x80xi32, #tpu.memory_space<hbm>>
      %dma_start3A_96 = arith.constant 0 : i32
      %dma_start3A_97 = arith.constant 0 : i32
      %dma_start3A_98 = tpu.memref_slice %arg5[%arg1, %dma_start3A_96, %dma_start3A_97] : memref<16x125x80xi32, #tpu.memory_space<hbm>> -> memref<1x125x80xi32, #tpu.memory_space<hbm>>
      %dma_start3A_99 = tpu.memref_squeeze %dma_start3A_98 : memref<1x125x80xi32, #tpu.memory_space<hbm>> -> memref<125x80xi32, #tpu.memory_space<hbm>>
      tpu.enqueue_dma source(%dma_start3A_99 : memref<125x80xi32, #tpu.memory_space<hbm>>) target(%arg9 : memref<125x80xi32, #tpu.memory_space<vmem>>) target_semaphore(%run_scoped3A : memref<!tpu.dma_semaphore, #tpu.memory_space<semaphore_mem>>)
      %dma_wait3A = arith.constant 0 : i32
      %dma_wait3A_100 = arith.constant 0 : i32
      %dma_wait3A_101 = tpu.memref_slice %arg5[%arg1, %dma_wait3A, %dma_wait3A_100] : memref<16x125x80xi32, #tpu.memory_space<hbm>> -> memref<1x125x80xi32, #tpu.memory_space<hbm>>
      %dma_wait3A_102 = tpu.memref_squeeze %dma_wait3A_101 : memref<1x125x80xi32, #tpu.memory_space<hbm>> -> memref<125x80xi32, #tpu.memory_space<hbm>>
      %dma_wait3A_103 = arith.constant 0 : i32
      %dma_wait3A_104 = arith.constant 0 : i32
      %dma_wait3A_105 = tpu.memref_slice %arg5[%arg1, %dma_wait3A_103, %dma_wait3A_104] : memref<16x125x80xi32, #tpu.memory_space<hbm>> -> memref<1x125x80xi32, #tpu.memory_space<hbm>>
      %dma_wait3A_106 = tpu.memref_squeeze %dma_wait3A_105 : memref<1x125x80xi32, #tpu.memory_space<hbm>> -> memref<125x80xi32, #tpu.memory_space<hbm>>
      tpu.wait_dma2 semaphore(%run_scoped3A : memref<!tpu.dma_semaphore, #tpu.memory_space<semaphore_mem>>) src(%dma_wait3A_106 : memref<125x80xi32, #tpu.memory_space<hbm>>) dst(%arg9 : memref<125x80xi32, #tpu.memory_space<vmem>>)
      tpu.yield
    }) : () -> ()
    %add3A = arith.constant 0 : i32
    %add3A_1 = arith.addi %add3A, %arg0 : i32
    "tpu.region"() ({
      %run_scoped3A = tpu.sem_alloc : memref<!tpu.dma_semaphore, #tpu.memory_space<semaphore_mem>>
      %dma_start3A_92 = arith.constant 0 : i32
      %dma_start3A_93 = arith.constant 0 : i32
      %dma_start3A_94 = tpu.memref_slice %arg4[%add3A_1, %arg1, %dma_start3A_92, %dma_start3A_93] : memref<4x16x125x80xi32, #tpu.memory_space<hbm>> -> memref<1x1x125x80xi32, #tpu.memory_space<hbm>>
      %dma_start3A_95 = tpu.memref_squeeze %dma_start3A_94 : memref<1x1x125x80xi32, #tpu.memory_space<hbm>> -> memref<125x80xi32, #tpu.memory_space<hbm>>
      %dma_start3A_96 = arith.constant 0 : i32
      %dma_start3A_97 = arith.constant 0 : i32
      %dma_start3A_98 = tpu.memref_slice %arg4[%add3A_1, %arg1, %dma_start3A_96, %dma_start3A_97] : memref<4x16x125x80xi32, #tpu.memory_space<hbm>> -> memref<1x1x125x80xi32, #tpu.memory_space<hbm>>
      %dma_start3A_99 = tpu.memref_squeeze %dma_start3A_98 : memref<1x1x125x80xi32, #tpu.memory_space<hbm>> -> memref<125x80xi32, #tpu.memory_space<hbm>>
      tpu.enqueue_dma source(%dma_start3A_99 : memref<125x80xi32, #tpu.memory_space<hbm>>) target(%arg8 : memref<125x80xi32, #tpu.memory_space<vmem>>) target_semaphore(%run_scoped3A : memref<!tpu.dma_semaphore, #tpu.memory_space<semaphore_mem>>)
      %dma_wait3A = arith.constant 0 : i32
      %dma_wait3A_100 = arith.constant 0 : i32
      %dma_wait3A_101 = tpu.memref_slice %arg4[%add3A_1, %arg1, %dma_wait3A, %dma_wait3A_100] : memref<4x16x125x80xi32, #tpu.memory_space<hbm>> -> memref<1x1x125x80xi32, #tpu.memory_space<hbm>>
      %dma_wait3A_102 = tpu.memref_squeeze %dma_wait3A_101 : memref<1x1x125x80xi32, #tpu.memory_space<hbm>> -> memref<125x80xi32, #tpu.memory_space<hbm>>
      %dma_wait3A_103 = arith.constant 0 : i32
      %dma_wait3A_104 = arith.constant 0 : i32
      %dma_wait3A_105 = tpu.memref_slice %arg4[%add3A_1, %arg1, %dma_wait3A_103, %dma_wait3A_104] : memref<4x16x125x80xi32, #tpu.memory_space<hbm>> -> memref<1x1x125x80xi32, #tpu.memory_space<hbm>>
      %dma_wait3A_106 = tpu.memref_squeeze %dma_wait3A_105 : memref<1x1x125x80xi32, #tpu.memory_space<hbm>> -> memref<125x80xi32, #tpu.memory_space<hbm>>
      tpu.wait_dma2 semaphore(%run_scoped3A : memref<!tpu.dma_semaphore, #tpu.memory_space<semaphore_mem>>) src(%dma_wait3A_106 : memref<125x80xi32, #tpu.memory_space<hbm>>) dst(%arg8 : memref<125x80xi32, #tpu.memory_space<vmem>>)
      tpu.yield
    }) : () -> ()
    %mul3A_2 = arith.constant 624 : i32
    %mul3A_3 = arith.muli %arg1, %mul3A_2 : i32
    %add3A_4 = arith.constant 0 : i32
    %add3A_5 = arith.addi %add3A_4, %mul3A_3 : i32
    %add3A_6 = arith.constant 0 : i32
    %add3A_7 = arith.addi %add3A_6, %mul3A_3 : i32
    "tpu.region"() ({
      %run_scoped3A = tpu.sem_alloc : memref<!tpu.dma_semaphore, #tpu.memory_space<semaphore_mem>>
      %dma_start3A_92 = arith.constant 0 : i32
      %dma_start3A_93 = tpu.memref_slice %arg16[%add3A_7, %dma_start3A_92] : memref<10000x64xf32, #tpu.memory_space<vmem_shared>> -> memref<624x64xf32, #tpu.memory_space<vmem_shared>>
      %dma_start3A_94 = arith.constant 0 : i32
      %dma_start3A_95 = tpu.memref_slice %arg6[%add3A_5, %dma_start3A_94] : memref<10000x64xf32, #tpu.memory_space<hbm>> -> memref<624x64xf32, #tpu.memory_space<hbm>>
      tpu.enqueue_dma source(%dma_start3A_95 : memref<624x64xf32, #tpu.memory_space<hbm>>) target(%dma_start3A_93 : memref<624x64xf32, #tpu.memory_space<vmem_shared>>) target_semaphore(%run_scoped3A : memref<!tpu.dma_semaphore, #tpu.memory_space<semaphore_mem>>)
      %dma_wait3A = arith.constant 0 : i32
      %dma_wait3A_96 = tpu.memref_slice %arg16[%add3A_7, %dma_wait3A] : memref<10000x64xf32, #tpu.memory_space<vmem_shared>> -> memref<624x64xf32, #tpu.memory_space<vmem_shared>>
      %dma_wait3A_97 = arith.constant 0 : i32
      %dma_wait3A_98 = tpu.memref_slice %arg6[%add3A_5, %dma_wait3A_97] : memref<10000x64xf32, #tpu.memory_space<hbm>> -> memref<624x64xf32, #tpu.memory_space<hbm>>
      tpu.wait_dma2 semaphore(%run_scoped3A : memref<!tpu.dma_semaphore, #tpu.memory_space<semaphore_mem>>) src(%dma_wait3A_98 : memref<624x64xf32, #tpu.memory_space<hbm>>) dst(%dma_wait3A_96 : memref<624x64xf32, #tpu.memory_space<vmem_shared>>)
      tpu.yield
    }) : () -> ()
    %eq3A = arith.constant 15 : i32
    %eq3A_8 = arith.cmpi eq, %arg1, %eq3A : i32
    %convert_element_type3A = arith.extui %eq3A_8 : i1 to i32
    %cond3A = arith.constant 0 : i32
    %cond3A_9 = arith.cmpi ne, %convert_element_type3A, %cond3A : i32
    scf.if %cond3A_9 {
      "tpu.region"() ({
        %run_scoped3A = tpu.sem_alloc : memref<!tpu.dma_semaphore, #tpu.memory_space<semaphore_mem>>
        %dma_start3A_92 = arith.constant 9984 : i32
        %dma_start3A_93 = arith.constant 0 : i32
        %dma_start3A_94 = tpu.memref_slice %arg16[%dma_start3A_92, %dma_start3A_93] : memref<10000x64xf32, #tpu.memory_space<vmem_shared>> -> memref<16x64xf32, #tpu.memory_space<vmem_shared>>
        %dma_start3A_95 = arith.constant 9984 : i32
        %dma_start3A_96 = arith.constant 0 : i32
        %dma_start3A_97 = tpu.memref_slice %arg6[%dma_start3A_95, %dma_start3A_96] : memref<10000x64xf32, #tpu.memory_space<hbm>> -> memref<16x64xf32, #tpu.memory_space<hbm>>
        tpu.enqueue_dma source(%dma_start3A_97 : memref<16x64xf32, #tpu.memory_space<hbm>>) target(%dma_start3A_94 : memref<16x64xf32, #tpu.memory_space<vmem_shared>>) target_semaphore(%run_scoped3A : memref<!tpu.dma_semaphore, #tpu.memory_space<semaphore_mem>>)
        %dma_wait3A = arith.constant 9984 : i32
        %dma_wait3A_98 = arith.constant 0 : i32
        %dma_wait3A_99 = tpu.memref_slice %arg16[%dma_wait3A, %dma_wait3A_98] : memref<10000x64xf32, #tpu.memory_space<vmem_shared>> -> memref<16x64xf32, #tpu.memory_space<vmem_shared>>
        %dma_wait3A_100 = arith.constant 9984 : i32
        %dma_wait3A_101 = arith.constant 0 : i32
        %dma_wait3A_102 = tpu.memref_slice %arg6[%dma_wait3A_100, %dma_wait3A_101] : memref<10000x64xf32, #tpu.memory_space<hbm>> -> memref<16x64xf32, #tpu.memory_space<hbm>>
        tpu.wait_dma2 semaphore(%run_scoped3A : memref<!tpu.dma_semaphore, #tpu.memory_space<semaphore_mem>>) src(%dma_wait3A_102 : memref<16x64xf32, #tpu.memory_space<hbm>>) dst(%dma_wait3A_99 : memref<16x64xf32, #tpu.memory_space<vmem_shared>>)
        tpu.yield
      }) : () -> ()
    } else {
    }
    %dma_start3A = arith.constant 0 : i32
    %dma_start3A_10 = arith.constant 0 : i32
    %dma_start3A_11 = tpu.memref_slice %arg8[%dma_start3A, %dma_start3A_10] : memref<125x80xi32, #tpu.memory_space<vmem>> -> memref<1x80xi32, #tpu.memory_space<vmem>>
    %dma_start3A_12 = tpu.memref_squeeze %dma_start3A_11 : memref<1x80xi32, #tpu.memory_space<vmem>> -> memref<80xi32, #tpu.memory_space<vmem>>
    %dma_start3A_13 = arith.constant 0 : i32
    %dma_start3A_14 = arith.constant 0 : i32
    %dma_start3A_15 = tpu.memref_slice %arg2[%dma_start3A_13, %dma_start3A_14] : memref<40000x64xf32, #tpu.memory_space<hbm>> -> memref<40000x64xf32, #tpu.memory_space<hbm>>
    tpu.enqueue_indirect_dma source(%dma_start3A_15 : memref<40000x64xf32, #tpu.memory_space<hbm>>) target(%arg10 : memref<80x64xf32, #tpu.memory_space<vmem>>) offsets(%dma_start3A_12 : memref<80xi32, #tpu.memory_space<vmem>>) semaphore(%arg17 : memref<!tpu.dma_semaphore, #tpu.memory_space<semaphore_mem>>)
    %mul3A_16 = arith.constant 160000 : i32
    %mul3A_17 = arith.muli %add3A_1, %mul3A_16 : i32
    %add3A_18 = arith.addi %mul3A_17, %mul3A_0 : i32
    %add3A_19 = arith.constant 0 : i32
    %add3A_20 = arith.addi %add3A_18, %add3A_19 : i32
    %dma_start3A_21 = arith.constant 0 : i32
    %dma_start3A_22 = tpu.memref_slice %arg3[%add3A_20, %dma_start3A_21] : memref<640000x64xf32, #tpu.memory_space<hbm>> -> memref<80x64xf32, #tpu.memory_space<hbm>>
    %dma_start3A_23 = arith.constant 0 : i32
    %dma_start3A_24 = tpu.memref_slice %arg3[%add3A_20, %dma_start3A_23] : memref<640000x64xf32, #tpu.memory_space<hbm>> -> memref<80x64xf32, #tpu.memory_space<hbm>>
    tpu.enqueue_dma source(%dma_start3A_24 : memref<80x64xf32, #tpu.memory_space<hbm>>) target(%arg12 : memref<80x64xf32, #tpu.memory_space<vmem>>) target_semaphore(%arg19 : memref<!tpu.dma_semaphore, #tpu.memory_space<semaphore_mem>>)
    %barrier3A = arith.constant 0 : index
    tpu.barrier barrier_id(%barrier3A)
    %scan3A = arith.constant 0 : i32
    %scan3A_25 = arith.constant 0 : i32
    %scan3A_26 = arith.constant 125 : i32
    %scan3A_27 = arith.addi %scan3A_25, %scan3A_26 : i32
    %scan3A_28 = arith.constant 1 : i32
    scf.for %scan3A_92 = %scan3A_25 to %scan3A_27 step %scan3A_28  : i32 {
      %jit3A = arith.constant 2 : i32
      %eq3A_93 = arith.constant 0 : i32
      %eq3A_94 = arith.cmpi eq, %jit3A, %eq3A_93 : i32
      %jit3A_95 = arith.constant 1 : i32
      %select_n3A = arith.select %eq3A_94, %jit3A_95, %jit3A : i32
      %rem3A = arith.remsi %scan3A_92, %select_n3A : i32
      %ne3A = arith.constant 0 : i32
      %ne3A_96 = arith.cmpi ne, %rem3A, %ne3A : i32
      %lt3A = arith.constant 0 : i32
      %lt3A_97 = arith.cmpi slt, %rem3A, %lt3A : i32
      %lt3A_98 = arith.constant 0 : i32
      %lt3A_99 = arith.cmpi slt, %select_n3A, %lt3A_98 : i32
      %ne3A_100 = arith.xori %lt3A_97, %lt3A_99 : i1
      %and3A = arith.andi %ne3A_100, %ne3A_96 : i1
      %add3A_101 = arith.addi %rem3A, %select_n3A : i32
      %select_n3A_102 = arith.select %and3A, %add3A_101, %rem3A : i32
      %eq3A_103 = arith.constant 0 : i32
      %eq3A_104 = arith.cmpi eq, %select_n3A_102, %eq3A_103 : i32
      %convert_element_type3A_105 = arith.extui %eq3A_104 : i1 to i32
      %cond3A_106 = arith.constant 0 : i32
      %cond3A_107 = arith.cmpi ne, %convert_element_type3A_105, %cond3A_106 : i32
      scf.if %cond3A_107 {
        %add3A_129 = arith.constant 1 : i32
        %add3A_130 = arith.addi %scan3A_92, %add3A_129 : i32
        %lt3A_131 = arith.constant 125 : i32
        %lt3A_132 = arith.cmpi slt, %add3A_130, %lt3A_131 : i32
        %convert_element_type3A_133 = arith.extui %lt3A_132 : i1 to i32
        %cond3A_134 = arith.constant 0 : i32
        %cond3A_135 = arith.cmpi ne, %convert_element_type3A_133, %cond3A_134 : i32
        scf.if %cond3A_135 {
          %add3A_157 = arith.constant 1 : i32
          %add3A_158 = arith.addi %scan3A_92, %add3A_157 : i32
          %dma_start3A_159 = arith.constant 0 : i32
          %dma_start3A_160 = tpu.memref_slice %arg8[%add3A_158, %dma_start3A_159] : memref<125x80xi32, #tpu.memory_space<vmem>> -> memref<1x80xi32, #tpu.memory_space<vmem>>
          %dma_start3A_161 = tpu.memref_squeeze %dma_start3A_160 : memref<1x80xi32, #tpu.memory_space<vmem>> -> memref<80xi32, #tpu.memory_space<vmem>>
          %dma_start3A_162 = arith.constant 0 : i32
          %dma_start3A_163 = arith.constant 0 : i32
          %dma_start3A_164 = tpu.memref_slice %arg2[%dma_start3A_162, %dma_start3A_163] : memref<40000x64xf32, #tpu.memory_space<hbm>> -> memref<40000x64xf32, #tpu.memory_space<hbm>>
          tpu.enqueue_indirect_dma source(%dma_start3A_164 : memref<40000x64xf32, #tpu.memory_space<hbm>>) target(%arg11 : memref<80x64xf32, #tpu.memory_space<vmem>>) offsets(%dma_start3A_161 : memref<80xi32, #tpu.memory_space<vmem>>) semaphore(%arg18 : memref<!tpu.dma_semaphore, #tpu.memory_space<semaphore_mem>>)
          %mul3A_165 = arith.constant 160000 : i32
          %mul3A_166 = arith.muli %add3A_1, %mul3A_165 : i32
          %add3A_167 = arith.addi %mul3A_166, %mul3A_0 : i32
          %mul3A_168 = arith.constant 80 : i32
          %mul3A_169 = arith.muli %add3A_158, %mul3A_168 : i32
          %add3A_170 = arith.addi %add3A_167, %mul3A_169 : i32
          %dma_start3A_171 = arith.constant 0 : i32
          %dma_start3A_172 = tpu.memref_slice %arg3[%add3A_170, %dma_start3A_171] : memref<640000x64xf32, #tpu.memory_space<hbm>> -> memref<80x64xf32, #tpu.memory_space<hbm>>
          %dma_start3A_173 = arith.constant 0 : i32
          %dma_start3A_174 = tpu.memref_slice %arg3[%add3A_170, %dma_start3A_173] : memref<640000x64xf32, #tpu.memory_space<hbm>> -> memref<80x64xf32, #tpu.memory_space<hbm>>
          tpu.enqueue_dma source(%dma_start3A_174 : memref<80x64xf32, #tpu.memory_space<hbm>>) target(%arg13 : memref<80x64xf32, #tpu.memory_space<vmem>>) target_semaphore(%arg20 : memref<!tpu.dma_semaphore, #tpu.memory_space<semaphore_mem>>)
        } else {
        }
        %dma_wait3A = arith.constant 0 : i32
        %dma_wait3A_136 = tpu.memref_slice %arg8[%scan3A_92, %dma_wait3A] : memref<125x80xi32, #tpu.memory_space<vmem>> -> memref<1x80xi32, #tpu.memory_space<vmem>>
        %dma_wait3A_137 = tpu.memref_squeeze %dma_wait3A_136 : memref<1x80xi32, #tpu.memory_space<vmem>> -> memref<80xi32, #tpu.memory_space<vmem>>
        %dma_wait3A_138 = arith.constant 0 : i32
        %dma_wait3A_139 = arith.constant 0 : i32
        %dma_wait3A_140 = tpu.memref_slice %arg2[%dma_wait3A_138, %dma_wait3A_139] : memref<40000x64xf32, #tpu.memory_space<hbm>> -> memref<40000x64xf32, #tpu.memory_space<hbm>>
        tpu.wait_indirect_dma semaphore(%arg17 : memref<!tpu.dma_semaphore, #tpu.memory_space<semaphore_mem>>) src(%dma_wait3A_140 : memref<40000x64xf32, #tpu.memory_space<hbm>>) dst(%arg10 : memref<80x64xf32, #tpu.memory_space<vmem>>)
        %mul3A_141 = arith.constant 160000 : i32
        %mul3A_142 = arith.muli %add3A_1, %mul3A_141 : i32
        %add3A_143 = arith.addi %mul3A_142, %mul3A_0 : i32
        %mul3A_144 = arith.constant 80 : i32
        %mul3A_145 = arith.muli %scan3A_92, %mul3A_144 : i32
        %add3A_146 = arith.addi %add3A_143, %mul3A_145 : i32
        %dma_wait3A_147 = arith.constant 0 : i32
        %dma_wait3A_148 = tpu.memref_slice %arg3[%add3A_146, %dma_wait3A_147] : memref<640000x64xf32, #tpu.memory_space<hbm>> -> memref<80x64xf32, #tpu.memory_space<hbm>>
        %dma_wait3A_149 = arith.constant 0 : i32
        %dma_wait3A_150 = tpu.memref_slice %arg3[%add3A_146, %dma_wait3A_149] : memref<640000x64xf32, #tpu.memory_space<hbm>> -> memref<80x64xf32, #tpu.memory_space<hbm>>
        tpu.wait_dma2 semaphore(%arg19 : memref<!tpu.dma_semaphore, #tpu.memory_space<semaphore_mem>>) src(%dma_wait3A_150 : memref<80x64xf32, #tpu.memory_space<hbm>>) dst(%arg12 : memref<80x64xf32, #tpu.memory_space<vmem>>)
        %scan3A_151 = arith.constant 0 : i32
        %scan3A_152 = arith.constant 0 : i32
        %scan3A_153 = arith.constant 80 : i32
        %scan3A_154 = arith.addi %scan3A_152, %scan3A_153 : i32
        %scan3A_155 = arith.constant 1 : i32
        scf.for %scan3A_157 = %scan3A_152 to %scan3A_154 step %scan3A_155  : i32 {
          %get3A = arith.index_cast %scan3A_157 : i32 to index
          %get3A_158 = arith.constant 0 : index
          %get3A_159 = tpu.vector_load %arg10[%get3A, %get3A_158] {strides = array<i32>} : memref<80x64xf32, #tpu.memory_space<vmem>>, vector<16xf32>,
          %get3A_160 = arith.index_cast %scan3A_157 : i32 to index
          %get3A_161 = arith.constant 0 : index
          %get3A_162 = tpu.vector_load %arg12[%get3A_160, %get3A_161] {strides = array<i32>} : memref<80x64xf32, #tpu.memory_space<vmem>>, vector<16xf32>,
          %add3A_163 = arith.addf %get3A_159, %get3A_162 : vector<16xf32>
          %max3A = arith.constant 0.000000e+00 : f32
          %max3A_164 = vector.broadcast %max3A : f32 to vector<16xf32>
          %max3A_165 = arith.maximumf %add3A_163, %max3A_164 : vector<16xf32>
          %swap3A = arith.index_cast %scan3A_157 : i32 to index
          %swap3A_166 = arith.constant 0 : index
          %swap3A_167 = tpu.vector_load %arg14[%swap3A, %swap3A_166] {strides = array<i32>} : memref<80x64xf32, #tpu.memory_space<vmem>>, vector<16xf32>,
          tpu.vector_store %arg14[%swap3A, %swap3A_166], %max3A_165 {strides = array<i32>} : memref<80x64xf32, #tpu.memory_space<vmem>>, vector<16xf32>,
          %get3A_168 = arith.index_cast %scan3A_157 : i32 to index
          %get3A_169 = arith.constant 16 : index
          %get3A_170 = tpu.vector_load %arg10[%get3A_168, %get3A_169] {strides = array<i32>} : memref<80x64xf32, #tpu.memory_space<vmem>>, vector<16xf32>,
          %get3A_171 = arith.index_cast %scan3A_157 : i32 to index
          %get3A_172 = arith.constant 16 : index
          %get3A_173 = tpu.vector_load %arg12[%get3A_171, %get3A_172] {strides = array<i32>} : memref<80x64xf32, #tpu.memory_space<vmem>>, vector<16xf32>,
          %add3A_174 = arith.addf %get3A_170, %get3A_173 : vector<16xf32>
          %max3A_175 = arith.constant 0.000000e+00 : f32
          %max3A_176 = vector.broadcast %max3A_175 : f32 to vector<16xf32>
          %max3A_177 = arith.maximumf %add3A_174, %max3A_176 : vector<16xf32>
          %swap3A_178 = arith.index_cast %scan3A_157 : i32 to index
          %swap3A_179 = arith.constant 16 : index
          %swap3A_180 = tpu.vector_load %arg14[%swap3A_178, %swap3A_179] {strides = array<i32>} : memref<80x64xf32, #tpu.memory_space<vmem>>, vector<16xf32>,
          tpu.vector_store %arg14[%swap3A_178, %swap3A_179], %max3A_177 {strides = array<i32>} : memref<80x64xf32, #tpu.memory_space<vmem>>, vector<16xf32>,
          %get3A_181 = arith.index_cast %scan3A_157 : i32 to index
          %get3A_182 = arith.constant 32 : index
          %get3A_183 = tpu.vector_load %arg10[%get3A_181, %get3A_182] {strides = array<i32>} : memref<80x64xf32, #tpu.memory_space<vmem>>, vector<16xf32>,
          %get3A_184 = arith.index_cast %scan3A_157 : i32 to index
          %get3A_185 = arith.constant 32 : index
          %get3A_186 = tpu.vector_load %arg12[%get3A_184, %get3A_185] {strides = array<i32>} : memref<80x64xf32, #tpu.memory_space<vmem>>, vector<16xf32>,
          %add3A_187 = arith.addf %get3A_183, %get3A_186 : vector<16xf32>
          %max3A_188 = arith.constant 0.000000e+00 : f32
          %max3A_189 = vector.broadcast %max3A_188 : f32 to vector<16xf32>
          %max3A_190 = arith.maximumf %add3A_187, %max3A_189 : vector<16xf32>
          %swap3A_191 = arith.index_cast %scan3A_157 : i32 to index
          %swap3A_192 = arith.constant 32 : index
          %swap3A_193 = tpu.vector_load %arg14[%swap3A_191, %swap3A_192] {strides = array<i32>} : memref<80x64xf32, #tpu.memory_space<vmem>>, vector<16xf32>,
          tpu.vector_store %arg14[%swap3A_191, %swap3A_192], %max3A_190 {strides = array<i32>} : memref<80x64xf32, #tpu.memory_space<vmem>>, vector<16xf32>,
          %get3A_194 = arith.index_cast %scan3A_157 : i32 to index
          %get3A_195 = arith.constant 48 : index
          %get3A_196 = tpu.vector_load %arg10[%get3A_194, %get3A_195] {strides = array<i32>} : memref<80x64xf32, #tpu.memory_space<vmem>>, vector<16xf32>,
          %get3A_197 = arith.index_cast %scan3A_157 : i32 to index
          %get3A_198 = arith.constant 48 : index
          %get3A_199 = tpu.vector_load %arg12[%get3A_197, %get3A_198] {strides = array<i32>} : memref<80x64xf32, #tpu.memory_space<vmem>>, vector<16xf32>,
          %add3A_200 = arith.addf %get3A_196, %get3A_199 : vector<16xf32>
          %max3A_201 = arith.constant 0.000000e+00 : f32
          %max3A_202 = vector.broadcast %max3A_201 : f32 to vector<16xf32>
          %max3A_203 = arith.maximumf %add3A_200, %max3A_202 : vector<16xf32>
          %swap3A_204 = arith.index_cast %scan3A_157 : i32 to index
          %swap3A_205 = arith.constant 48 : index
          %swap3A_206 = tpu.vector_load %arg14[%swap3A_204, %swap3A_205] {strides = array<i32>} : memref<80x64xf32, #tpu.memory_space<vmem>>, vector<16xf32>,
          tpu.vector_store %arg14[%swap3A_204, %swap3A_205], %max3A_203 {strides = array<i32>} : memref<80x64xf32, #tpu.memory_space<vmem>>, vector<16xf32>,
        }
        %scan3A_156 = arith.constant 80 : i32
        "tpu.region"() ({
          %run_scoped3A = tpu.sem_alloc : memref<!tpu.dma_semaphore, #tpu.memory_space<semaphore_mem>>
          %dma_start3A_157 = arith.constant 0 : i32
          %dma_start3A_158 = tpu.memref_slice %arg9[%scan3A_92, %dma_start3A_157] : memref<125x80xi32, #tpu.memory_space<vmem>> -> memref<1x80xi32, #tpu.memory_space<vmem>>
          %dma_start3A_159 = tpu.memref_squeeze %dma_start3A_158 : memref<1x80xi32, #tpu.memory_space<vmem>> -> memref<80xi32, #tpu.memory_space<vmem>>
          %dma_start3A_160 = arith.constant 0 : i32
          %dma_start3A_161 = arith.constant 0 : i32
          %dma_start3A_162 = tpu.memref_slice %arg16[%dma_start3A_160, %dma_start3A_161] : memref<10000x64xf32, #tpu.memory_space<vmem_shared>> -> memref<10000x64xf32, #tpu.memory_space<vmem_shared>>
          tpu.enqueue_indirect_dma source(%arg14 : memref<80x64xf32, #tpu.memory_space<vmem>>) target(%dma_start3A_162 : memref<10000x64xf32, #tpu.memory_space<vmem_shared>>) offsets(%dma_start3A_159 : memref<80xi32, #tpu.memory_space<vmem>>) semaphore(%run_scoped3A : memref<!tpu.dma_semaphore, #tpu.memory_space<semaphore_mem>>) {add = true}
          %dma_wait3A_163 = arith.constant 0 : i32
          %dma_wait3A_164 = tpu.memref_slice %arg9[%scan3A_92, %dma_wait3A_163] : memref<125x80xi32, #tpu.memory_space<vmem>> -> memref<1x80xi32, #tpu.memory_space<vmem>>
          %dma_wait3A_165 = tpu.memref_squeeze %dma_wait3A_164 : memref<1x80xi32, #tpu.memory_space<vmem>> -> memref<80xi32, #tpu.memory_space<vmem>>
          %dma_wait3A_166 = arith.constant 0 : i32
          %dma_wait3A_167 = arith.constant 0 : i32
          %dma_wait3A_168 = tpu.memref_slice %arg16[%dma_wait3A_166, %dma_wait3A_167] : memref<10000x64xf32, #tpu.memory_space<vmem_shared>> -> memref<10000x64xf32, #tpu.memory_space<vmem_shared>>
          tpu.wait_indirect_dma semaphore(%run_scoped3A : memref<!tpu.dma_semaphore, #tpu.memory_space<semaphore_mem>>) src(%arg14 : memref<80x64xf32, #tpu.memory_space<vmem>>) dst(%dma_wait3A_168 : memref<10000x64xf32, #tpu.memory_space<vmem_shared>>)
          tpu.yield
        }) : () -> ()
      } else {
      }
      %jit3A_108 = arith.constant 2 : i32
      %eq3A_109 = arith.constant 0 : i32
      %eq3A_110 = arith.cmpi eq, %jit3A_108, %eq3A_109 : i32
      %jit3A_111 = arith.constant 1 : i32
      %select_n3A_112 = arith.select %eq3A_110, %jit3A_111, %jit3A_108 : i32
      %rem3A_113 = arith.remsi %scan3A_92, %select_n3A_112 : i32
      %ne3A_114 = arith.constant 0 : i32
      %ne3A_115 = arith.cmpi ne, %rem3A_113, %ne3A_114 : i32
      %lt3A_116 = arith.constant 0 : i32
      %lt3A_117 = arith.cmpi slt, %rem3A_113, %lt3A_116 : i32
      %lt3A_118 = arith.constant 0 : i32
      %lt3A_119 = arith.cmpi slt, %select_n3A_112, %lt3A_118 : i32
      %ne3A_120 = arith.xori %lt3A_117, %lt3A_119 : i1
      %and3A_121 = arith.andi %ne3A_120, %ne3A_115 : i1
      %add3A_122 = arith.addi %rem3A_113, %select_n3A_112 : i32
      %select_n3A_123 = arith.select %and3A_121, %add3A_122, %rem3A_113 : i32
      %eq3A_124 = arith.constant 1 : i32
      %eq3A_125 = arith.cmpi eq, %select_n3A_123, %eq3A_124 : i32
      %convert_element_type3A_126 = arith.extui %eq3A_125 : i1 to i32
      %cond3A_127 = arith.constant 0 : i32
      %cond3A_128 = arith.cmpi ne, %convert_element_type3A_126, %cond3A_127 : i32
      scf.if %cond3A_128 {
        %add3A_129 = arith.constant 1 : i32
        %add3A_130 = arith.addi %scan3A_92, %add3A_129 : i32
        %lt3A_131 = arith.constant 125 : i32
        %lt3A_132 = arith.cmpi slt, %add3A_130, %lt3A_131 : i32
        %convert_element_type3A_133 = arith.extui %lt3A_132 : i1 to i32
        %cond3A_134 = arith.constant 0 : i32
        %cond3A_135 = arith.cmpi ne, %convert_element_type3A_133, %cond3A_134 : i32
        scf.if %cond3A_135 {
          %add3A_157 = arith.constant 1 : i32
          %add3A_158 = arith.addi %scan3A_92, %add3A_157 : i32
          %dma_start3A_159 = arith.constant 0 : i32
          %dma_start3A_160 = tpu.memref_slice %arg8[%add3A_158, %dma_start3A_159] : memref<125x80xi32, #tpu.memory_space<vmem>> -> memref<1x80xi32, #tpu.memory_space<vmem>>
          %dma_start3A_161 = tpu.memref_squeeze %dma_start3A_160 : memref<1x80xi32, #tpu.memory_space<vmem>> -> memref<80xi32, #tpu.memory_space<vmem>>
          %dma_start3A_162 = arith.constant 0 : i32
          %dma_start3A_163 = arith.constant 0 : i32
          %dma_start3A_164 = tpu.memref_slice %arg2[%dma_start3A_162, %dma_start3A_163] : memref<40000x64xf32, #tpu.memory_space<hbm>> -> memref<40000x64xf32, #tpu.memory_space<hbm>>
          tpu.enqueue_indirect_dma source(%dma_start3A_164 : memref<40000x64xf32, #tpu.memory_space<hbm>>) target(%arg10 : memref<80x64xf32, #tpu.memory_space<vmem>>) offsets(%dma_start3A_161 : memref<80xi32, #tpu.memory_space<vmem>>) semaphore(%arg17 : memref<!tpu.dma_semaphore, #tpu.memory_space<semaphore_mem>>)
          %mul3A_165 = arith.constant 160000 : i32
          %mul3A_166 = arith.muli %add3A_1, %mul3A_165 : i32
          %add3A_167 = arith.addi %mul3A_166, %mul3A_0 : i32
          %mul3A_168 = arith.constant 80 : i32
          %mul3A_169 = arith.muli %add3A_158, %mul3A_168 : i32
          %add3A_170 = arith.addi %add3A_167, %mul3A_169 : i32
          %dma_start3A_171 = arith.constant 0 : i32
          %dma_start3A_172 = tpu.memref_slice %arg3[%add3A_170, %dma_start3A_171] : memref<640000x64xf32, #tpu.memory_space<hbm>> -> memref<80x64xf32, #tpu.memory_space<hbm>>
          %dma_start3A_173 = arith.constant 0 : i32
          %dma_start3A_174 = tpu.memref_slice %arg3[%add3A_170, %dma_start3A_173] : memref<640000x64xf32, #tpu.memory_space<hbm>> -> memref<80x64xf32, #tpu.memory_space<hbm>>
          tpu.enqueue_dma source(%dma_start3A_174 : memref<80x64xf32, #tpu.memory_space<hbm>>) target(%arg12 : memref<80x64xf32, #tpu.memory_space<vmem>>) target_semaphore(%arg19 : memref<!tpu.dma_semaphore, #tpu.memory_space<semaphore_mem>>)
        } else {
        }
        %dma_wait3A = arith.constant 0 : i32
        %dma_wait3A_136 = tpu.memref_slice %arg8[%scan3A_92, %dma_wait3A] : memref<125x80xi32, #tpu.memory_space<vmem>> -> memref<1x80xi32, #tpu.memory_space<vmem>>
        %dma_wait3A_137 = tpu.memref_squeeze %dma_wait3A_136 : memref<1x80xi32, #tpu.memory_space<vmem>> -> memref<80xi32, #tpu.memory_space<vmem>>
        %dma_wait3A_138 = arith.constant 0 : i32
        %dma_wait3A_139 = arith.constant 0 : i32
        %dma_wait3A_140 = tpu.memref_slice %arg2[%dma_wait3A_138, %dma_wait3A_139] : memref<40000x64xf32, #tpu.memory_space<hbm>> -> memref<40000x64xf32, #tpu.memory_space<hbm>>
        tpu.wait_indirect_dma semaphore(%arg18 : memref<!tpu.dma_semaphore, #tpu.memory_space<semaphore_mem>>) src(%dma_wait3A_140 : memref<40000x64xf32, #tpu.memory_space<hbm>>) dst(%arg11 : memref<80x64xf32, #tpu.memory_space<vmem>>)
        %mul3A_141 = arith.constant 160000 : i32
        %mul3A_142 = arith.muli %add3A_1, %mul3A_141 : i32
        %add3A_143 = arith.addi %mul3A_142, %mul3A_0 : i32
        %mul3A_144 = arith.constant 80 : i32
        %mul3A_145 = arith.muli %scan3A_92, %mul3A_144 : i32
        %add3A_146 = arith.addi %add3A_143, %mul3A_145 : i32
        %dma_wait3A_147 = arith.constant 0 : i32
        %dma_wait3A_148 = tpu.memref_slice %arg3[%add3A_146, %dma_wait3A_147] : memref<640000x64xf32, #tpu.memory_space<hbm>> -> memref<80x64xf32, #tpu.memory_space<hbm>>
        %dma_wait3A_149 = arith.constant 0 : i32
        %dma_wait3A_150 = tpu.memref_slice %arg3[%add3A_146, %dma_wait3A_149] : memref<640000x64xf32, #tpu.memory_space<hbm>> -> memref<80x64xf32, #tpu.memory_space<hbm>>
        tpu.wait_dma2 semaphore(%arg20 : memref<!tpu.dma_semaphore, #tpu.memory_space<semaphore_mem>>) src(%dma_wait3A_150 : memref<80x64xf32, #tpu.memory_space<hbm>>) dst(%arg13 : memref<80x64xf32, #tpu.memory_space<vmem>>)
        %scan3A_151 = arith.constant 0 : i32
        %scan3A_152 = arith.constant 0 : i32
        %scan3A_153 = arith.constant 80 : i32
        %scan3A_154 = arith.addi %scan3A_152, %scan3A_153 : i32
        %scan3A_155 = arith.constant 1 : i32
        scf.for %scan3A_157 = %scan3A_152 to %scan3A_154 step %scan3A_155  : i32 {
          %get3A = arith.index_cast %scan3A_157 : i32 to index
          %get3A_158 = arith.constant 0 : index
          %get3A_159 = tpu.vector_load %arg11[%get3A, %get3A_158] {strides = array<i32>} : memref<80x64xf32, #tpu.memory_space<vmem>>, vector<16xf32>,
          %get3A_160 = arith.index_cast %scan3A_157 : i32 to index
          %get3A_161 = arith.constant 0 : index
          %get3A_162 = tpu.vector_load %arg13[%get3A_160, %get3A_161] {strides = array<i32>} : memref<80x64xf32, #tpu.memory_space<vmem>>, vector<16xf32>,
          %add3A_163 = arith.addf %get3A_159, %get3A_162 : vector<16xf32>
          %max3A = arith.constant 0.000000e+00 : f32
          %max3A_164 = vector.broadcast %max3A : f32 to vector<16xf32>
          %max3A_165 = arith.maximumf %add3A_163, %max3A_164 : vector<16xf32>
          %swap3A = arith.index_cast %scan3A_157 : i32 to index
          %swap3A_166 = arith.constant 0 : index
          %swap3A_167 = tpu.vector_load %arg15[%swap3A, %swap3A_166] {strides = array<i32>} : memref<80x64xf32, #tpu.memory_space<vmem>>, vector<16xf32>,
          tpu.vector_store %arg15[%swap3A, %swap3A_166], %max3A_165 {strides = array<i32>} : memref<80x64xf32, #tpu.memory_space<vmem>>, vector<16xf32>,
          %get3A_168 = arith.index_cast %scan3A_157 : i32 to index
          %get3A_169 = arith.constant 16 : index
          %get3A_170 = tpu.vector_load %arg11[%get3A_168, %get3A_169] {strides = array<i32>} : memref<80x64xf32, #tpu.memory_space<vmem>>, vector<16xf32>,
          %get3A_171 = arith.index_cast %scan3A_157 : i32 to index
          %get3A_172 = arith.constant 16 : index
          %get3A_173 = tpu.vector_load %arg13[%get3A_171, %get3A_172] {strides = array<i32>} : memref<80x64xf32, #tpu.memory_space<vmem>>, vector<16xf32>,
          %add3A_174 = arith.addf %get3A_170, %get3A_173 : vector<16xf32>
          %max3A_175 = arith.constant 0.000000e+00 : f32
          %max3A_176 = vector.broadcast %max3A_175 : f32 to vector<16xf32>
          %max3A_177 = arith.maximumf %add3A_174, %max3A_176 : vector<16xf32>
          %swap3A_178 = arith.index_cast %scan3A_157 : i32 to index
          %swap3A_179 = arith.constant 16 : index
          %swap3A_180 = tpu.vector_load %arg15[%swap3A_178, %swap3A_179] {strides = array<i32>} : memref<80x64xf32, #tpu.memory_space<vmem>>, vector<16xf32>,
          tpu.vector_store %arg15[%swap3A_178, %swap3A_179], %max3A_177 {strides = array<i32>} : memref<80x64xf32, #tpu.memory_space<vmem>>, vector<16xf32>,
          %get3A_181 = arith.index_cast %scan3A_157 : i32 to index
          %get3A_182 = arith.constant 32 : index
          %get3A_183 = tpu.vector_load %arg11[%get3A_181, %get3A_182] {strides = array<i32>} : memref<80x64xf32, #tpu.memory_space<vmem>>, vector<16xf32>,
          %get3A_184 = arith.index_cast %scan3A_157 : i32 to index
          %get3A_185 = arith.constant 32 : index
          %get3A_186 = tpu.vector_load %arg13[%get3A_184, %get3A_185] {strides = array<i32>} : memref<80x64xf32, #tpu.memory_space<vmem>>, vector<16xf32>,
          %add3A_187 = arith.addf %get3A_183, %get3A_186 : vector<16xf32>
          %max3A_188 = arith.constant 0.000000e+00 : f32
          %max3A_189 = vector.broadcast %max3A_188 : f32 to vector<16xf32>
          %max3A_190 = arith.maximumf %add3A_187, %max3A_189 : vector<16xf32>
          %swap3A_191 = arith.index_cast %scan3A_157 : i32 to index
          %swap3A_192 = arith.constant 32 : index
          %swap3A_193 = tpu.vector_load %arg15[%swap3A_191, %swap3A_192] {strides = array<i32>} : memref<80x64xf32, #tpu.memory_space<vmem>>, vector<16xf32>,
          tpu.vector_store %arg15[%swap3A_191, %swap3A_192], %max3A_190 {strides = array<i32>} : memref<80x64xf32, #tpu.memory_space<vmem>>, vector<16xf32>,
          %get3A_194 = arith.index_cast %scan3A_157 : i32 to index
          %get3A_195 = arith.constant 48 : index
          %get3A_196 = tpu.vector_load %arg11[%get3A_194, %get3A_195] {strides = array<i32>} : memref<80x64xf32, #tpu.memory_space<vmem>>, vector<16xf32>,
          %get3A_197 = arith.index_cast %scan3A_157 : i32 to index
          %get3A_198 = arith.constant 48 : index
          %get3A_199 = tpu.vector_load %arg13[%get3A_197, %get3A_198] {strides = array<i32>} : memref<80x64xf32, #tpu.memory_space<vmem>>, vector<16xf32>,
          %add3A_200 = arith.addf %get3A_196, %get3A_199 : vector<16xf32>
          %max3A_201 = arith.constant 0.000000e+00 : f32
          %max3A_202 = vector.broadcast %max3A_201 : f32 to vector<16xf32>
          %max3A_203 = arith.maximumf %add3A_200, %max3A_202 : vector<16xf32>
          %swap3A_204 = arith.index_cast %scan3A_157 : i32 to index
          %swap3A_205 = arith.constant 48 : index
          %swap3A_206 = tpu.vector_load %arg15[%swap3A_204, %swap3A_205] {strides = array<i32>} : memref<80x64xf32, #tpu.memory_space<vmem>>, vector<16xf32>,
          tpu.vector_store %arg15[%swap3A_204, %swap3A_205], %max3A_203 {strides = array<i32>} : memref<80x64xf32, #tpu.memory_space<vmem>>, vector<16xf32>,
        }
        %scan3A_156 = arith.constant 80 : i32
        "tpu.region"() ({
          %run_scoped3A = tpu.sem_alloc : memref<!tpu.dma_semaphore, #tpu.memory_space<semaphore_mem>>
          %dma_start3A_157 = arith.constant 0 : i32
          %dma_start3A_158 = tpu.memref_slice %arg9[%scan3A_92, %dma_start3A_157] : memref<125x80xi32, #tpu.memory_space<vmem>> -> memref<1x80xi32, #tpu.memory_space<vmem>>
          %dma_start3A_159 = tpu.memref_squeeze %dma_start3A_158 : memref<1x80xi32, #tpu.memory_space<vmem>> -> memref<80xi32, #tpu.memory_space<vmem>>
          %dma_start3A_160 = arith.constant 0 : i32
          %dma_start3A_161 = arith.constant 0 : i32
          %dma_start3A_162 = tpu.memref_slice %arg16[%dma_start3A_160, %dma_start3A_161] : memref<10000x64xf32, #tpu.memory_space<vmem_shared>> -> memref<10000x64xf32, #tpu.memory_space<vmem_shared>>
          tpu.enqueue_indirect_dma source(%arg15 : memref<80x64xf32, #tpu.memory_space<vmem>>) target(%dma_start3A_162 : memref<10000x64xf32, #tpu.memory_space<vmem_shared>>) offsets(%dma_start3A_159 : memref<80xi32, #tpu.memory_space<vmem>>) semaphore(%run_scoped3A : memref<!tpu.dma_semaphore, #tpu.memory_space<semaphore_mem>>) {add = true}
          %dma_wait3A_163 = arith.constant 0 : i32
          %dma_wait3A_164 = tpu.memref_slice %arg9[%scan3A_92, %dma_wait3A_163] : memref<125x80xi32, #tpu.memory_space<vmem>> -> memref<1x80xi32, #tpu.memory_space<vmem>>
          %dma_wait3A_165 = tpu.memref_squeeze %dma_wait3A_164 : memref<1x80xi32, #tpu.memory_space<vmem>> -> memref<80xi32, #tpu.memory_space<vmem>>
          %dma_wait3A_166 = arith.constant 0 : i32
          %dma_wait3A_167 = arith.constant 0 : i32
          %dma_wait3A_168 = tpu.memref_slice %arg16[%dma_wait3A_166, %dma_wait3A_167] : memref<10000x64xf32, #tpu.memory_space<vmem_shared>> -> memref<10000x64xf32, #tpu.memory_space<vmem_shared>>
          tpu.wait_indirect_dma semaphore(%run_scoped3A : memref<!tpu.dma_semaphore, #tpu.memory_space<semaphore_mem>>) src(%arg15 : memref<80x64xf32, #tpu.memory_space<vmem>>) dst(%dma_wait3A_168 : memref<10000x64xf32, #tpu.memory_space<vmem_shared>>)
          tpu.yield
        }) : () -> ()
      } else {
      }
    }
    %scan3A_29 = arith.constant 125 : i32
    %barrier3A_30 = arith.constant 0 : index
    tpu.barrier barrier_id(%barrier3A_30)
    %mul3A_31 = arith.constant 10000 : i32
    %mul3A_32 = arith.muli %add3A_1, %mul3A_31 : i32
    %mul3A_33 = arith.constant 624 : i32
    %mul3A_34 = arith.muli %arg1, %mul3A_33 : i32
    %add3A_35 = arith.constant 0 : i32
    %add3A_36 = arith.addi %add3A_35, %mul3A_34 : i32
    %add3A_37 = arith.addi %mul3A_32, %mul3A_34 : i32
    "tpu.region"() ({
      %run_scoped3A = tpu.sem_alloc : memref<!tpu.dma_semaphore, #tpu.memory_space<semaphore_mem>>
      %dma_start3A_92 = arith.constant 0 : i32
      %dma_start3A_93 = tpu.memref_slice %arg7[%add3A_37, %dma_start3A_92] : memref<40000x64xf32, #tpu.memory_space<hbm>> -> memref<624x64xf32, #tpu.memory_space<hbm>>
      %dma_start3A_94 = arith.constant 0 : i32
      %dma_start3A_95 = tpu.memref_slice %arg16[%add3A_36, %dma_start3A_94] : memref<10000x64xf32, #tpu.memory_space<vmem_shared>> -> memref<624x64xf32, #tpu.memory_space<vmem_shared>>
      tpu.enqueue_dma source(%dma_start3A_95 : memref<624x64xf32, #tpu.memory_space<vmem_shared>>) target(%dma_start3A_93 : memref<624x64xf32, #tpu.memory_space<hbm>>) target_semaphore(%run_scoped3A : memref<!tpu.dma_semaphore, #tpu.memory_space<semaphore_mem>>)
      %dma_wait3A = arith.constant 0 : i32
      %dma_wait3A_96 = tpu.memref_slice %arg7[%add3A_37, %dma_wait3A] : memref<40000x64xf32, #tpu.memory_space<hbm>> -> memref<624x64xf32, #tpu.memory_space<hbm>>
      %dma_wait3A_97 = arith.constant 0 : i32
      %dma_wait3A_98 = tpu.memref_slice %arg16[%add3A_36, %dma_wait3A_97] : memref<10000x64xf32, #tpu.memory_space<vmem_shared>> -> memref<624x64xf32, #tpu.memory_space<vmem_shared>>
      tpu.wait_dma2 semaphore(%run_scoped3A : memref<!tpu.dma_semaphore, #tpu.memory_space<semaphore_mem>>) src(%dma_wait3A_98 : memref<624x64xf32, #tpu.memory_space<vmem_shared>>) dst(%dma_wait3A_96 : memref<624x64xf32, #tpu.memory_space<hbm>>)
      tpu.yield
    }) : () -> ()
    %eq3A_38 = arith.constant 15 : i32
    %eq3A_39 = arith.cmpi eq, %arg1, %eq3A_38 : i32
    %convert_element_type3A_40 = arith.extui %eq3A_39 : i1 to i32
    %cond3A_41 = arith.constant 0 : i32
    %cond3A_42 = arith.cmpi ne, %convert_element_type3A_40, %cond3A_41 : i32
    scf.if %cond3A_42 {
      %add3A_92 = arith.constant 9984 : i32
      %add3A_93 = arith.addi %mul3A_32, %add3A_92 : i32
      "tpu.region"() ({
        %run_scoped3A = tpu.sem_alloc : memref<!tpu.dma_semaphore, #tpu.memory_space<semaphore_mem>>
        %dma_start3A_94 = arith.constant 0 : i32
        %dma_start3A_95 = tpu.memref_slice %arg7[%add3A_93, %dma_start3A_94] : memref<40000x64xf32, #tpu.memory_space<hbm>> -> memref<16x64xf32, #tpu.memory_space<hbm>>
        %dma_start3A_96 = arith.constant 9984 : i32
        %dma_start3A_97 = arith.constant 0 : i32
        %dma_start3A_98 = tpu.memref_slice %arg16[%dma_start3A_96, %dma_start3A_97] : memref<10000x64xf32, #tpu.memory_space<vmem_shared>> -> memref<16x64xf32, #tpu.memory_space<vmem_shared>>
        tpu.enqueue_dma source(%dma_start3A_98 : memref<16x64xf32, #tpu.memory_space<vmem_shared>>) target(%dma_start3A_95 : memref<16x64xf32, #tpu.memory_space<hbm>>) target_semaphore(%run_scoped3A : memref<!tpu.dma_semaphore, #tpu.memory_space<semaphore_mem>>)
        %dma_wait3A = arith.constant 0 : i32
        %dma_wait3A_99 = tpu.memref_slice %arg7[%add3A_93, %dma_wait3A] : memref<40000x64xf32, #tpu.memory_space<hbm>> -> memref<16x64xf32, #tpu.memory_space<hbm>>
        %dma_wait3A_100 = arith.constant 9984 : i32
        %dma_wait3A_101 = arith.constant 0 : i32
        %dma_wait3A_102 = tpu.memref_slice %arg16[%dma_wait3A_100, %dma_wait3A_101] : memref<10000x64xf32, #tpu.memory_space<vmem_shared>> -> memref<16x64xf32, #tpu.memory_space<vmem_shared>>
        tpu.wait_dma2 semaphore(%run_scoped3A : memref<!tpu.dma_semaphore, #tpu.memory_space<semaphore_mem>>) src(%dma_wait3A_102 : memref<16x64xf32, #tpu.memory_space<vmem_shared>>) dst(%dma_wait3A_99 : memref<16x64xf32, #tpu.memory_space<hbm>>)
        tpu.yield
      }) : () -> ()
    } else {
    }
    %add3A_43 = arith.constant 2 : i32
    %add3A_44 = arith.addi %add3A_43, %arg0 : i32
    "tpu.region"() ({
      %run_scoped3A = tpu.sem_alloc : memref<!tpu.dma_semaphore, #tpu.memory_space<semaphore_mem>>
      %dma_start3A_92 = arith.constant 0 : i32
      %dma_start3A_93 = arith.constant 0 : i32
      %dma_start3A_94 = tpu.memref_slice %arg4[%add3A_44, %arg1, %dma_start3A_92, %dma_start3A_93] : memref<4x16x125x80xi32, #tpu.memory_space<hbm>> -> memref<1x1x125x80xi32, #tpu.memory_space<hbm>>
      %dma_start3A_95 = tpu.memref_squeeze %dma_start3A_94 : memref<1x1x125x80xi32, #tpu.memory_space<hbm>> -> memref<125x80xi32, #tpu.memory_space<hbm>>
      %dma_start3A_96 = arith.constant 0 : i32
      %dma_start3A_97 = arith.constant 0 : i32
      %dma_start3A_98 = tpu.memref_slice %arg4[%add3A_44, %arg1, %dma_start3A_96, %dma_start3A_97] : memref<4x16x125x80xi32, #tpu.memory_space<hbm>> -> memref<1x1x125x80xi32, #tpu.memory_space<hbm>>
      %dma_start3A_99 = tpu.memref_squeeze %dma_start3A_98 : memref<1x1x125x80xi32, #tpu.memory_space<hbm>> -> memref<125x80xi32, #tpu.memory_space<hbm>>
      tpu.enqueue_dma source(%dma_start3A_99 : memref<125x80xi32, #tpu.memory_space<hbm>>) target(%arg8 : memref<125x80xi32, #tpu.memory_space<vmem>>) target_semaphore(%run_scoped3A : memref<!tpu.dma_semaphore, #tpu.memory_space<semaphore_mem>>)
      %dma_wait3A = arith.constant 0 : i32
      %dma_wait3A_100 = arith.constant 0 : i32
      %dma_wait3A_101 = tpu.memref_slice %arg4[%add3A_44, %arg1, %dma_wait3A, %dma_wait3A_100] : memref<4x16x125x80xi32, #tpu.memory_space<hbm>> -> memref<1x1x125x80xi32, #tpu.memory_space<hbm>>
      %dma_wait3A_102 = tpu.memref_squeeze %dma_wait3A_101 : memref<1x1x125x80xi32, #tpu.memory_space<hbm>> -> memref<125x80xi32, #tpu.memory_space<hbm>>
      %dma_wait3A_103 = arith.constant 0 : i32
      %dma_wait3A_104 = arith.constant 0 : i32
      %dma_wait3A_105 = tpu.memref_slice %arg4[%add3A_44, %arg1, %dma_wait3A_103, %dma_wait3A_104] : memref<4x16x125x80xi32, #tpu.memory_space<hbm>> -> memref<1x1x125x80xi32, #tpu.memory_space<hbm>>
      %dma_wait3A_106 = tpu.memref_squeeze %dma_wait3A_105 : memref<1x1x125x80xi32, #tpu.memory_space<hbm>> -> memref<125x80xi32, #tpu.memory_space<hbm>>
      tpu.wait_dma2 semaphore(%run_scoped3A : memref<!tpu.dma_semaphore, #tpu.memory_space<semaphore_mem>>) src(%dma_wait3A_106 : memref<125x80xi32, #tpu.memory_space<hbm>>) dst(%arg8 : memref<125x80xi32, #tpu.memory_space<vmem>>)
      tpu.yield
    }) : () -> ()
    %mul3A_45 = arith.constant 624 : i32
    %mul3A_46 = arith.muli %arg1, %mul3A_45 : i32
    %add3A_47 = arith.constant 0 : i32
    %add3A_48 = arith.addi %add3A_47, %mul3A_46 : i32
    %add3A_49 = arith.constant 0 : i32
    %add3A_50 = arith.addi %add3A_49, %mul3A_46 : i32
    "tpu.region"() ({
      %run_scoped3A = tpu.sem_alloc : memref<!tpu.dma_semaphore, #tpu.memory_space<semaphore_mem>>
      %dma_start3A_92 = arith.constant 0 : i32
      %dma_start3A_93 = tpu.memref_slice %arg16[%add3A_50, %dma_start3A_92] : memref<10000x64xf32, #tpu.memory_space<vmem_shared>> -> memref<624x64xf32, #tpu.memory_space<vmem_shared>>
      %dma_start3A_94 = arith.constant 0 : i32
      %dma_start3A_95 = tpu.memref_slice %arg6[%add3A_48, %dma_start3A_94] : memref<10000x64xf32, #tpu.memory_space<hbm>> -> memref<624x64xf32, #tpu.memory_space<hbm>>
      tpu.enqueue_dma source(%dma_start3A_95 : memref<624x64xf32, #tpu.memory_space<hbm>>) target(%dma_start3A_93 : memref<624x64xf32, #tpu.memory_space<vmem_shared>>) target_semaphore(%run_scoped3A : memref<!tpu.dma_semaphore, #tpu.memory_space<semaphore_mem>>)
      %dma_wait3A = arith.constant 0 : i32
      %dma_wait3A_96 = tpu.memref_slice %arg16[%add3A_50, %dma_wait3A] : memref<10000x64xf32, #tpu.memory_space<vmem_shared>> -> memref<624x64xf32, #tpu.memory_space<vmem_shared>>
      %dma_wait3A_97 = arith.constant 0 : i32
      %dma_wait3A_98 = tpu.memref_slice %arg6[%add3A_48, %dma_wait3A_97] : memref<10000x64xf32, #tpu.memory_space<hbm>> -> memref<624x64xf32, #tpu.memory_space<hbm>>
      tpu.wait_dma2 semaphore(%run_scoped3A : memref<!tpu.dma_semaphore, #tpu.memory_space<semaphore_mem>>) src(%dma_wait3A_98 : memref<624x64xf32, #tpu.memory_space<hbm>>) dst(%dma_wait3A_96 : memref<624x64xf32, #tpu.memory_space<vmem_shared>>)
      tpu.yield
    }) : () -> ()
    %eq3A_51 = arith.constant 15 : i32
    %eq3A_52 = arith.cmpi eq, %arg1, %eq3A_51 : i32
    %convert_element_type3A_53 = arith.extui %eq3A_52 : i1 to i32
    %cond3A_54 = arith.constant 0 : i32
    %cond3A_55 = arith.cmpi ne, %convert_element_type3A_53, %cond3A_54 : i32
    scf.if %cond3A_55 {
      "tpu.region"() ({
        %run_scoped3A = tpu.sem_alloc : memref<!tpu.dma_semaphore, #tpu.memory_space<semaphore_mem>>
        %dma_start3A_92 = arith.constant 9984 : i32
        %dma_start3A_93 = arith.constant 0 : i32
        %dma_start3A_94 = tpu.memref_slice %arg16[%dma_start3A_92, %dma_start3A_93] : memref<10000x64xf32, #tpu.memory_space<vmem_shared>> -> memref<16x64xf32, #tpu.memory_space<vmem_shared>>
        %dma_start3A_95 = arith.constant 9984 : i32
        %dma_start3A_96 = arith.constant 0 : i32
        %dma_start3A_97 = tpu.memref_slice %arg6[%dma_start3A_95, %dma_start3A_96] : memref<10000x64xf32, #tpu.memory_space<hbm>> -> memref<16x64xf32, #tpu.memory_space<hbm>>
        tpu.enqueue_dma source(%dma_start3A_97 : memref<16x64xf32, #tpu.memory_space<hbm>>) target(%dma_start3A_94 : memref<16x64xf32, #tpu.memory_space<vmem_shared>>) target_semaphore(%run_scoped3A : memref<!tpu.dma_semaphore, #tpu.memory_space<semaphore_mem>>)
        %dma_wait3A = arith.constant 9984 : i32
        %dma_wait3A_98 = arith.constant 0 : i32
        %dma_wait3A_99 = tpu.memref_slice %arg16[%dma_wait3A, %dma_wait3A_98] : memref<10000x64xf32, #tpu.memory_space<vmem_shared>> -> memref<16x64xf32, #tpu.memory_space<vmem_shared>>
        %dma_wait3A_100 = arith.constant 9984 : i32
        %dma_wait3A_101 = arith.constant 0 : i32
        %dma_wait3A_102 = tpu.memref_slice %arg6[%dma_wait3A_100, %dma_wait3A_101] : memref<10000x64xf32, #tpu.memory_space<hbm>> -> memref<16x64xf32, #tpu.memory_space<hbm>>
        tpu.wait_dma2 semaphore(%run_scoped3A : memref<!tpu.dma_semaphore, #tpu.memory_space<semaphore_mem>>) src(%dma_wait3A_102 : memref<16x64xf32, #tpu.memory_space<hbm>>) dst(%dma_wait3A_99 : memref<16x64xf32, #tpu.memory_space<vmem_shared>>)
        tpu.yield
      }) : () -> ()
    } else {
    }
    %dma_start3A_56 = arith.constant 0 : i32
    %dma_start3A_57 = arith.constant 0 : i32
    %dma_start3A_58 = tpu.memref_slice %arg8[%dma_start3A_56, %dma_start3A_57] : memref<125x80xi32, #tpu.memory_space<vmem>> -> memref<1x80xi32, #tpu.memory_space<vmem>>
    %dma_start3A_59 = tpu.memref_squeeze %dma_start3A_58 : memref<1x80xi32, #tpu.memory_space<vmem>> -> memref<80xi32, #tpu.memory_space<vmem>>
    %dma_start3A_60 = arith.constant 0 : i32
    %dma_start3A_61 = arith.constant 0 : i32
    %dma_start3A_62 = tpu.memref_slice %arg2[%dma_start3A_60, %dma_start3A_61] : memref<40000x64xf32, #tpu.memory_space<hbm>> -> memref<40000x64xf32, #tpu.memory_space<hbm>>
    tpu.enqueue_indirect_dma source(%dma_start3A_62 : memref<40000x64xf32, #tpu.memory_space<hbm>>) target(%arg10 : memref<80x64xf32, #tpu.memory_space<vmem>>) offsets(%dma_start3A_59 : memref<80xi32, #tpu.memory_space<vmem>>) semaphore(%arg17 : memref<!tpu.dma_semaphore, #tpu.memory_space<semaphore_mem>>)
    %mul3A_63 = arith.constant 160000 : i32
    %mul3A_64 = arith.muli %add3A_44, %mul3A_63 : i32
    %add3A_65 = arith.addi %mul3A_64, %mul3A_0 : i32
    %add3A_66 = arith.constant 0 : i32
    %add3A_67 = arith.addi %add3A_65, %add3A_66 : i32
    %dma_start3A_68 = arith.constant 0 : i32
    %dma_start3A_69 = tpu.memref_slice %arg3[%add3A_67, %dma_start3A_68] : memref<640000x64xf32, #tpu.memory_space<hbm>> -> memref<80x64xf32, #tpu.memory_space<hbm>>
    %dma_start3A_70 = arith.constant 0 : i32
    %dma_start3A_71 = tpu.memref_slice %arg3[%add3A_67, %dma_start3A_70] : memref<640000x64xf32, #tpu.memory_space<hbm>> -> memref<80x64xf32, #tpu.memory_space<hbm>>
    tpu.enqueue_dma source(%dma_start3A_71 : memref<80x64xf32, #tpu.memory_space<hbm>>) target(%arg12 : memref<80x64xf32, #tpu.memory_space<vmem>>) target_semaphore(%arg19 : memref<!tpu.dma_semaphore, #tpu.memory_space<semaphore_mem>>)
    %barrier3A_72 = arith.constant 0 : index
    tpu.barrier barrier_id(%barrier3A_72)
    %scan3A_73 = arith.constant 0 : i32
    %scan3A_74 = arith.constant 0 : i32
    %scan3A_75 = arith.constant 125 : i32
    %scan3A_76 = arith.addi %scan3A_74, %scan3A_75 : i32
    %scan3A_77 = arith.constant 1 : i32
    scf.for %scan3A_92 = %scan3A_74 to %scan3A_76 step %scan3A_77  : i32 {
      %jit3A = arith.constant 2 : i32
      %eq3A_93 = arith.constant 0 : i32
      %eq3A_94 = arith.cmpi eq, %jit3A, %eq3A_93 : i32
      %jit3A_95 = arith.constant 1 : i32
      %select_n3A = arith.select %eq3A_94, %jit3A_95, %jit3A : i32
      %rem3A = arith.remsi %scan3A_92, %select_n3A : i32
      %ne3A = arith.constant 0 : i32
      %ne3A_96 = arith.cmpi ne, %rem3A, %ne3A : i32
      %lt3A = arith.constant 0 : i32
      %lt3A_97 = arith.cmpi slt, %rem3A, %lt3A : i32
      %lt3A_98 = arith.constant 0 : i32
      %lt3A_99 = arith.cmpi slt, %select_n3A, %lt3A_98 : i32
      %ne3A_100 = arith.xori %lt3A_97, %lt3A_99 : i1
      %and3A = arith.andi %ne3A_100, %ne3A_96 : i1
      %add3A_101 = arith.addi %rem3A, %select_n3A : i32
      %select_n3A_102 = arith.select %and3A, %add3A_101, %rem3A : i32
      %eq3A_103 = arith.constant 0 : i32
      %eq3A_104 = arith.cmpi eq, %select_n3A_102, %eq3A_103 : i32
      %convert_element_type3A_105 = arith.extui %eq3A_104 : i1 to i32
      %cond3A_106 = arith.constant 0 : i32
      %cond3A_107 = arith.cmpi ne, %convert_element_type3A_105, %cond3A_106 : i32
      scf.if %cond3A_107 {
        %add3A_129 = arith.constant 1 : i32
        %add3A_130 = arith.addi %scan3A_92, %add3A_129 : i32
        %lt3A_131 = arith.constant 125 : i32
        %lt3A_132 = arith.cmpi slt, %add3A_130, %lt3A_131 : i32
        %convert_element_type3A_133 = arith.extui %lt3A_132 : i1 to i32
        %cond3A_134 = arith.constant 0 : i32
        %cond3A_135 = arith.cmpi ne, %convert_element_type3A_133, %cond3A_134 : i32
        scf.if %cond3A_135 {
          %add3A_157 = arith.constant 1 : i32
          %add3A_158 = arith.addi %scan3A_92, %add3A_157 : i32
          %dma_start3A_159 = arith.constant 0 : i32
          %dma_start3A_160 = tpu.memref_slice %arg8[%add3A_158, %dma_start3A_159] : memref<125x80xi32, #tpu.memory_space<vmem>> -> memref<1x80xi32, #tpu.memory_space<vmem>>
          %dma_start3A_161 = tpu.memref_squeeze %dma_start3A_160 : memref<1x80xi32, #tpu.memory_space<vmem>> -> memref<80xi32, #tpu.memory_space<vmem>>
          %dma_start3A_162 = arith.constant 0 : i32
          %dma_start3A_163 = arith.constant 0 : i32
          %dma_start3A_164 = tpu.memref_slice %arg2[%dma_start3A_162, %dma_start3A_163] : memref<40000x64xf32, #tpu.memory_space<hbm>> -> memref<40000x64xf32, #tpu.memory_space<hbm>>
          tpu.enqueue_indirect_dma source(%dma_start3A_164 : memref<40000x64xf32, #tpu.memory_space<hbm>>) target(%arg11 : memref<80x64xf32, #tpu.memory_space<vmem>>) offsets(%dma_start3A_161 : memref<80xi32, #tpu.memory_space<vmem>>) semaphore(%arg18 : memref<!tpu.dma_semaphore, #tpu.memory_space<semaphore_mem>>)
          %mul3A_165 = arith.constant 160000 : i32
          %mul3A_166 = arith.muli %add3A_44, %mul3A_165 : i32
          %add3A_167 = arith.addi %mul3A_166, %mul3A_0 : i32
          %mul3A_168 = arith.constant 80 : i32
          %mul3A_169 = arith.muli %add3A_158, %mul3A_168 : i32
          %add3A_170 = arith.addi %add3A_167, %mul3A_169 : i32
          %dma_start3A_171 = arith.constant 0 : i32
          %dma_start3A_172 = tpu.memref_slice %arg3[%add3A_170, %dma_start3A_171] : memref<640000x64xf32, #tpu.memory_space<hbm>> -> memref<80x64xf32, #tpu.memory_space<hbm>>
          %dma_start3A_173 = arith.constant 0 : i32
          %dma_start3A_174 = tpu.memref_slice %arg3[%add3A_170, %dma_start3A_173] : memref<640000x64xf32, #tpu.memory_space<hbm>> -> memref<80x64xf32, #tpu.memory_space<hbm>>
          tpu.enqueue_dma source(%dma_start3A_174 : memref<80x64xf32, #tpu.memory_space<hbm>>) target(%arg13 : memref<80x64xf32, #tpu.memory_space<vmem>>) target_semaphore(%arg20 : memref<!tpu.dma_semaphore, #tpu.memory_space<semaphore_mem>>)
        } else {
        }
        %dma_wait3A = arith.constant 0 : i32
        %dma_wait3A_136 = tpu.memref_slice %arg8[%scan3A_92, %dma_wait3A] : memref<125x80xi32, #tpu.memory_space<vmem>> -> memref<1x80xi32, #tpu.memory_space<vmem>>
        %dma_wait3A_137 = tpu.memref_squeeze %dma_wait3A_136 : memref<1x80xi32, #tpu.memory_space<vmem>> -> memref<80xi32, #tpu.memory_space<vmem>>
        %dma_wait3A_138 = arith.constant 0 : i32
        %dma_wait3A_139 = arith.constant 0 : i32
        %dma_wait3A_140 = tpu.memref_slice %arg2[%dma_wait3A_138, %dma_wait3A_139] : memref<40000x64xf32, #tpu.memory_space<hbm>> -> memref<40000x64xf32, #tpu.memory_space<hbm>>
        tpu.wait_indirect_dma semaphore(%arg17 : memref<!tpu.dma_semaphore, #tpu.memory_space<semaphore_mem>>) src(%dma_wait3A_140 : memref<40000x64xf32, #tpu.memory_space<hbm>>) dst(%arg10 : memref<80x64xf32, #tpu.memory_space<vmem>>)
        %mul3A_141 = arith.constant 160000 : i32
        %mul3A_142 = arith.muli %add3A_44, %mul3A_141 : i32
        %add3A_143 = arith.addi %mul3A_142, %mul3A_0 : i32
        %mul3A_144 = arith.constant 80 : i32
        %mul3A_145 = arith.muli %scan3A_92, %mul3A_144 : i32
        %add3A_146 = arith.addi %add3A_143, %mul3A_145 : i32
        %dma_wait3A_147 = arith.constant 0 : i32
        %dma_wait3A_148 = tpu.memref_slice %arg3[%add3A_146, %dma_wait3A_147] : memref<640000x64xf32, #tpu.memory_space<hbm>> -> memref<80x64xf32, #tpu.memory_space<hbm>>
        %dma_wait3A_149 = arith.constant 0 : i32
        %dma_wait3A_150 = tpu.memref_slice %arg3[%add3A_146, %dma_wait3A_149] : memref<640000x64xf32, #tpu.memory_space<hbm>> -> memref<80x64xf32, #tpu.memory_space<hbm>>
        tpu.wait_dma2 semaphore(%arg19 : memref<!tpu.dma_semaphore, #tpu.memory_space<semaphore_mem>>) src(%dma_wait3A_150 : memref<80x64xf32, #tpu.memory_space<hbm>>) dst(%arg12 : memref<80x64xf32, #tpu.memory_space<vmem>>)
        %scan3A_151 = arith.constant 0 : i32
        %scan3A_152 = arith.constant 0 : i32
        %scan3A_153 = arith.constant 80 : i32
        %scan3A_154 = arith.addi %scan3A_152, %scan3A_153 : i32
        %scan3A_155 = arith.constant 1 : i32
        scf.for %scan3A_157 = %scan3A_152 to %scan3A_154 step %scan3A_155  : i32 {
          %get3A = arith.index_cast %scan3A_157 : i32 to index
          %get3A_158 = arith.constant 0 : index
          %get3A_159 = tpu.vector_load %arg10[%get3A, %get3A_158] {strides = array<i32>} : memref<80x64xf32, #tpu.memory_space<vmem>>, vector<16xf32>,
          %get3A_160 = arith.index_cast %scan3A_157 : i32 to index
          %get3A_161 = arith.constant 0 : index
          %get3A_162 = tpu.vector_load %arg12[%get3A_160, %get3A_161] {strides = array<i32>} : memref<80x64xf32, #tpu.memory_space<vmem>>, vector<16xf32>,
          %add3A_163 = arith.addf %get3A_159, %get3A_162 : vector<16xf32>
          %max3A = arith.constant 0.000000e+00 : f32
          %max3A_164 = vector.broadcast %max3A : f32 to vector<16xf32>
          %max3A_165 = arith.maximumf %add3A_163, %max3A_164 : vector<16xf32>
          %swap3A = arith.index_cast %scan3A_157 : i32 to index
          %swap3A_166 = arith.constant 0 : index
          %swap3A_167 = tpu.vector_load %arg14[%swap3A, %swap3A_166] {strides = array<i32>} : memref<80x64xf32, #tpu.memory_space<vmem>>, vector<16xf32>,
          tpu.vector_store %arg14[%swap3A, %swap3A_166], %max3A_165 {strides = array<i32>} : memref<80x64xf32, #tpu.memory_space<vmem>>, vector<16xf32>,
          %get3A_168 = arith.index_cast %scan3A_157 : i32 to index
          %get3A_169 = arith.constant 16 : index
          %get3A_170 = tpu.vector_load %arg10[%get3A_168, %get3A_169] {strides = array<i32>} : memref<80x64xf32, #tpu.memory_space<vmem>>, vector<16xf32>,
          %get3A_171 = arith.index_cast %scan3A_157 : i32 to index
          %get3A_172 = arith.constant 16 : index
          %get3A_173 = tpu.vector_load %arg12[%get3A_171, %get3A_172] {strides = array<i32>} : memref<80x64xf32, #tpu.memory_space<vmem>>, vector<16xf32>,
          %add3A_174 = arith.addf %get3A_170, %get3A_173 : vector<16xf32>
          %max3A_175 = arith.constant 0.000000e+00 : f32
          %max3A_176 = vector.broadcast %max3A_175 : f32 to vector<16xf32>
          %max3A_177 = arith.maximumf %add3A_174, %max3A_176 : vector<16xf32>
          %swap3A_178 = arith.index_cast %scan3A_157 : i32 to index
          %swap3A_179 = arith.constant 16 : index
          %swap3A_180 = tpu.vector_load %arg14[%swap3A_178, %swap3A_179] {strides = array<i32>} : memref<80x64xf32, #tpu.memory_space<vmem>>, vector<16xf32>,
          tpu.vector_store %arg14[%swap3A_178, %swap3A_179], %max3A_177 {strides = array<i32>} : memref<80x64xf32, #tpu.memory_space<vmem>>, vector<16xf32>,
          %get3A_181 = arith.index_cast %scan3A_157 : i32 to index
          %get3A_182 = arith.constant 32 : index
          %get3A_183 = tpu.vector_load %arg10[%get3A_181, %get3A_182] {strides = array<i32>} : memref<80x64xf32, #tpu.memory_space<vmem>>, vector<16xf32>,
          %get3A_184 = arith.index_cast %scan3A_157 : i32 to index
          %get3A_185 = arith.constant 32 : index
          %get3A_186 = tpu.vector_load %arg12[%get3A_184, %get3A_185] {strides = array<i32>} : memref<80x64xf32, #tpu.memory_space<vmem>>, vector<16xf32>,
          %add3A_187 = arith.addf %get3A_183, %get3A_186 : vector<16xf32>
          %max3A_188 = arith.constant 0.000000e+00 : f32
          %max3A_189 = vector.broadcast %max3A_188 : f32 to vector<16xf32>
          %max3A_190 = arith.maximumf %add3A_187, %max3A_189 : vector<16xf32>
          %swap3A_191 = arith.index_cast %scan3A_157 : i32 to index
          %swap3A_192 = arith.constant 32 : index
          %swap3A_193 = tpu.vector_load %arg14[%swap3A_191, %swap3A_192] {strides = array<i32>} : memref<80x64xf32, #tpu.memory_space<vmem>>, vector<16xf32>,
          tpu.vector_store %arg14[%swap3A_191, %swap3A_192], %max3A_190 {strides = array<i32>} : memref<80x64xf32, #tpu.memory_space<vmem>>, vector<16xf32>,
          %get3A_194 = arith.index_cast %scan3A_157 : i32 to index
          %get3A_195 = arith.constant 48 : index
          %get3A_196 = tpu.vector_load %arg10[%get3A_194, %get3A_195] {strides = array<i32>} : memref<80x64xf32, #tpu.memory_space<vmem>>, vector<16xf32>,
          %get3A_197 = arith.index_cast %scan3A_157 : i32 to index
          %get3A_198 = arith.constant 48 : index
          %get3A_199 = tpu.vector_load %arg12[%get3A_197, %get3A_198] {strides = array<i32>} : memref<80x64xf32, #tpu.memory_space<vmem>>, vector<16xf32>,
          %add3A_200 = arith.addf %get3A_196, %get3A_199 : vector<16xf32>
          %max3A_201 = arith.constant 0.000000e+00 : f32
          %max3A_202 = vector.broadcast %max3A_201 : f32 to vector<16xf32>
          %max3A_203 = arith.maximumf %add3A_200, %max3A_202 : vector<16xf32>
          %swap3A_204 = arith.index_cast %scan3A_157 : i32 to index
          %swap3A_205 = arith.constant 48 : index
          %swap3A_206 = tpu.vector_load %arg14[%swap3A_204, %swap3A_205] {strides = array<i32>} : memref<80x64xf32, #tpu.memory_space<vmem>>, vector<16xf32>,
          tpu.vector_store %arg14[%swap3A_204, %swap3A_205], %max3A_203 {strides = array<i32>} : memref<80x64xf32, #tpu.memory_space<vmem>>, vector<16xf32>,
        }
        %scan3A_156 = arith.constant 80 : i32
        "tpu.region"() ({
          %run_scoped3A = tpu.sem_alloc : memref<!tpu.dma_semaphore, #tpu.memory_space<semaphore_mem>>
          %dma_start3A_157 = arith.constant 0 : i32
          %dma_start3A_158 = tpu.memref_slice %arg9[%scan3A_92, %dma_start3A_157] : memref<125x80xi32, #tpu.memory_space<vmem>> -> memref<1x80xi32, #tpu.memory_space<vmem>>
          %dma_start3A_159 = tpu.memref_squeeze %dma_start3A_158 : memref<1x80xi32, #tpu.memory_space<vmem>> -> memref<80xi32, #tpu.memory_space<vmem>>
          %dma_start3A_160 = arith.constant 0 : i32
          %dma_start3A_161 = arith.constant 0 : i32
          %dma_start3A_162 = tpu.memref_slice %arg16[%dma_start3A_160, %dma_start3A_161] : memref<10000x64xf32, #tpu.memory_space<vmem_shared>> -> memref<10000x64xf32, #tpu.memory_space<vmem_shared>>
          tpu.enqueue_indirect_dma source(%arg14 : memref<80x64xf32, #tpu.memory_space<vmem>>) target(%dma_start3A_162 : memref<10000x64xf32, #tpu.memory_space<vmem_shared>>) offsets(%dma_start3A_159 : memref<80xi32, #tpu.memory_space<vmem>>) semaphore(%run_scoped3A : memref<!tpu.dma_semaphore, #tpu.memory_space<semaphore_mem>>) {add = true}
          %dma_wait3A_163 = arith.constant 0 : i32
          %dma_wait3A_164 = tpu.memref_slice %arg9[%scan3A_92, %dma_wait3A_163] : memref<125x80xi32, #tpu.memory_space<vmem>> -> memref<1x80xi32, #tpu.memory_space<vmem>>
          %dma_wait3A_165 = tpu.memref_squeeze %dma_wait3A_164 : memref<1x80xi32, #tpu.memory_space<vmem>> -> memref<80xi32, #tpu.memory_space<vmem>>
          %dma_wait3A_166 = arith.constant 0 : i32
          %dma_wait3A_167 = arith.constant 0 : i32
          %dma_wait3A_168 = tpu.memref_slice %arg16[%dma_wait3A_166, %dma_wait3A_167] : memref<10000x64xf32, #tpu.memory_space<vmem_shared>> -> memref<10000x64xf32, #tpu.memory_space<vmem_shared>>
          tpu.wait_indirect_dma semaphore(%run_scoped3A : memref<!tpu.dma_semaphore, #tpu.memory_space<semaphore_mem>>) src(%arg14 : memref<80x64xf32, #tpu.memory_space<vmem>>) dst(%dma_wait3A_168 : memref<10000x64xf32, #tpu.memory_space<vmem_shared>>)
          tpu.yield
        }) : () -> ()
      } else {
      }
      %jit3A_108 = arith.constant 2 : i32
      %eq3A_109 = arith.constant 0 : i32
      %eq3A_110 = arith.cmpi eq, %jit3A_108, %eq3A_109 : i32
      %jit3A_111 = arith.constant 1 : i32
      %select_n3A_112 = arith.select %eq3A_110, %jit3A_111, %jit3A_108 : i32
      %rem3A_113 = arith.remsi %scan3A_92, %select_n3A_112 : i32
      %ne3A_114 = arith.constant 0 : i32
      %ne3A_115 = arith.cmpi ne, %rem3A_113, %ne3A_114 : i32
      %lt3A_116 = arith.constant 0 : i32
      %lt3A_117 = arith.cmpi slt, %rem3A_113, %lt3A_116 : i32
      %lt3A_118 = arith.constant 0 : i32
      %lt3A_119 = arith.cmpi slt, %select_n3A_112, %lt3A_118 : i32
      %ne3A_120 = arith.xori %lt3A_117, %lt3A_119 : i1
      %and3A_121 = arith.andi %ne3A_120, %ne3A_115 : i1
      %add3A_122 = arith.addi %rem3A_113, %select_n3A_112 : i32
      %select_n3A_123 = arith.select %and3A_121, %add3A_122, %rem3A_113 : i32
      %eq3A_124 = arith.constant 1 : i32
      %eq3A_125 = arith.cmpi eq, %select_n3A_123, %eq3A_124 : i32
      %convert_element_type3A_126 = arith.extui %eq3A_125 : i1 to i32
      %cond3A_127 = arith.constant 0 : i32
      %cond3A_128 = arith.cmpi ne, %convert_element_type3A_126, %cond3A_127 : i32
      scf.if %cond3A_128 {
        %add3A_129 = arith.constant 1 : i32
        %add3A_130 = arith.addi %scan3A_92, %add3A_129 : i32
        %lt3A_131 = arith.constant 125 : i32
        %lt3A_132 = arith.cmpi slt, %add3A_130, %lt3A_131 : i32
        %convert_element_type3A_133 = arith.extui %lt3A_132 : i1 to i32
        %cond3A_134 = arith.constant 0 : i32
        %cond3A_135 = arith.cmpi ne, %convert_element_type3A_133, %cond3A_134 : i32
        scf.if %cond3A_135 {
          %add3A_157 = arith.constant 1 : i32
          %add3A_158 = arith.addi %scan3A_92, %add3A_157 : i32
          %dma_start3A_159 = arith.constant 0 : i32
          %dma_start3A_160 = tpu.memref_slice %arg8[%add3A_158, %dma_start3A_159] : memref<125x80xi32, #tpu.memory_space<vmem>> -> memref<1x80xi32, #tpu.memory_space<vmem>>
          %dma_start3A_161 = tpu.memref_squeeze %dma_start3A_160 : memref<1x80xi32, #tpu.memory_space<vmem>> -> memref<80xi32, #tpu.memory_space<vmem>>
          %dma_start3A_162 = arith.constant 0 : i32
          %dma_start3A_163 = arith.constant 0 : i32
          %dma_start3A_164 = tpu.memref_slice %arg2[%dma_start3A_162, %dma_start3A_163] : memref<40000x64xf32, #tpu.memory_space<hbm>> -> memref<40000x64xf32, #tpu.memory_space<hbm>>
          tpu.enqueue_indirect_dma source(%dma_start3A_164 : memref<40000x64xf32, #tpu.memory_space<hbm>>) target(%arg10 : memref<80x64xf32, #tpu.memory_space<vmem>>) offsets(%dma_start3A_161 : memref<80xi32, #tpu.memory_space<vmem>>) semaphore(%arg17 : memref<!tpu.dma_semaphore, #tpu.memory_space<semaphore_mem>>)
          %mul3A_165 = arith.constant 160000 : i32
          %mul3A_166 = arith.muli %add3A_44, %mul3A_165 : i32
          %add3A_167 = arith.addi %mul3A_166, %mul3A_0 : i32
          %mul3A_168 = arith.constant 80 : i32
          %mul3A_169 = arith.muli %add3A_158, %mul3A_168 : i32
          %add3A_170 = arith.addi %add3A_167, %mul3A_169 : i32
          %dma_start3A_171 = arith.constant 0 : i32
          %dma_start3A_172 = tpu.memref_slice %arg3[%add3A_170, %dma_start3A_171] : memref<640000x64xf32, #tpu.memory_space<hbm>> -> memref<80x64xf32, #tpu.memory_space<hbm>>
          %dma_start3A_173 = arith.constant 0 : i32
          %dma_start3A_174 = tpu.memref_slice %arg3[%add3A_170, %dma_start3A_173] : memref<640000x64xf32, #tpu.memory_space<hbm>> -> memref<80x64xf32, #tpu.memory_space<hbm>>
          tpu.enqueue_dma source(%dma_start3A_174 : memref<80x64xf32, #tpu.memory_space<hbm>>) target(%arg12 : memref<80x64xf32, #tpu.memory_space<vmem>>) target_semaphore(%arg19 : memref<!tpu.dma_semaphore, #tpu.memory_space<semaphore_mem>>)
        } else {
        }
        %dma_wait3A = arith.constant 0 : i32
        %dma_wait3A_136 = tpu.memref_slice %arg8[%scan3A_92, %dma_wait3A] : memref<125x80xi32, #tpu.memory_space<vmem>> -> memref<1x80xi32, #tpu.memory_space<vmem>>
        %dma_wait3A_137 = tpu.memref_squeeze %dma_wait3A_136 : memref<1x80xi32, #tpu.memory_space<vmem>> -> memref<80xi32, #tpu.memory_space<vmem>>
        %dma_wait3A_138 = arith.constant 0 : i32
        %dma_wait3A_139 = arith.constant 0 : i32
        %dma_wait3A_140 = tpu.memref_slice %arg2[%dma_wait3A_138, %dma_wait3A_139] : memref<40000x64xf32, #tpu.memory_space<hbm>> -> memref<40000x64xf32, #tpu.memory_space<hbm>>
        tpu.wait_indirect_dma semaphore(%arg18 : memref<!tpu.dma_semaphore, #tpu.memory_space<semaphore_mem>>) src(%dma_wait3A_140 : memref<40000x64xf32, #tpu.memory_space<hbm>>) dst(%arg11 : memref<80x64xf32, #tpu.memory_space<vmem>>)
        %mul3A_141 = arith.constant 160000 : i32
        %mul3A_142 = arith.muli %add3A_44, %mul3A_141 : i32
        %add3A_143 = arith.addi %mul3A_142, %mul3A_0 : i32
        %mul3A_144 = arith.constant 80 : i32
        %mul3A_145 = arith.muli %scan3A_92, %mul3A_144 : i32
        %add3A_146 = arith.addi %add3A_143, %mul3A_145 : i32
        %dma_wait3A_147 = arith.constant 0 : i32
        %dma_wait3A_148 = tpu.memref_slice %arg3[%add3A_146, %dma_wait3A_147] : memref<640000x64xf32, #tpu.memory_space<hbm>> -> memref<80x64xf32, #tpu.memory_space<hbm>>
        %dma_wait3A_149 = arith.constant 0 : i32
        %dma_wait3A_150 = tpu.memref_slice %arg3[%add3A_146, %dma_wait3A_149] : memref<640000x64xf32, #tpu.memory_space<hbm>> -> memref<80x64xf32, #tpu.memory_space<hbm>>
        tpu.wait_dma2 semaphore(%arg20 : memref<!tpu.dma_semaphore, #tpu.memory_space<semaphore_mem>>) src(%dma_wait3A_150 : memref<80x64xf32, #tpu.memory_space<hbm>>) dst(%arg13 : memref<80x64xf32, #tpu.memory_space<vmem>>)
        %scan3A_151 = arith.constant 0 : i32
        %scan3A_152 = arith.constant 0 : i32
        %scan3A_153 = arith.constant 80 : i32
        %scan3A_154 = arith.addi %scan3A_152, %scan3A_153 : i32
        %scan3A_155 = arith.constant 1 : i32
        scf.for %scan3A_157 = %scan3A_152 to %scan3A_154 step %scan3A_155  : i32 {
          %get3A = arith.index_cast %scan3A_157 : i32 to index
          %get3A_158 = arith.constant 0 : index
          %get3A_159 = tpu.vector_load %arg11[%get3A, %get3A_158] {strides = array<i32>} : memref<80x64xf32, #tpu.memory_space<vmem>>, vector<16xf32>,
          %get3A_160 = arith.index_cast %scan3A_157 : i32 to index
          %get3A_161 = arith.constant 0 : index
          %get3A_162 = tpu.vector_load %arg13[%get3A_160, %get3A_161] {strides = array<i32>} : memref<80x64xf32, #tpu.memory_space<vmem>>, vector<16xf32>,
          %add3A_163 = arith.addf %get3A_159, %get3A_162 : vector<16xf32>
          %max3A = arith.constant 0.000000e+00 : f32
          %max3A_164 = vector.broadcast %max3A : f32 to vector<16xf32>
          %max3A_165 = arith.maximumf %add3A_163, %max3A_164 : vector<16xf32>
          %swap3A = arith.index_cast %scan3A_157 : i32 to index
          %swap3A_166 = arith.constant 0 : index
          %swap3A_167 = tpu.vector_load %arg15[%swap3A, %swap3A_166] {strides = array<i32>} : memref<80x64xf32, #tpu.memory_space<vmem>>, vector<16xf32>,
          tpu.vector_store %arg15[%swap3A, %swap3A_166], %max3A_165 {strides = array<i32>} : memref<80x64xf32, #tpu.memory_space<vmem>>, vector<16xf32>,
          %get3A_168 = arith.index_cast %scan3A_157 : i32 to index
          %get3A_169 = arith.constant 16 : index
          %get3A_170 = tpu.vector_load %arg11[%get3A_168, %get3A_169] {strides = array<i32>} : memref<80x64xf32, #tpu.memory_space<vmem>>, vector<16xf32>,
          %get3A_171 = arith.index_cast %scan3A_157 : i32 to index
          %get3A_172 = arith.constant 16 : index
          %get3A_173 = tpu.vector_load %arg13[%get3A_171, %get3A_172] {strides = array<i32>} : memref<80x64xf32, #tpu.memory_space<vmem>>, vector<16xf32>,
          %add3A_174 = arith.addf %get3A_170, %get3A_173 : vector<16xf32>
          %max3A_175 = arith.constant 0.000000e+00 : f32
          %max3A_176 = vector.broadcast %max3A_175 : f32 to vector<16xf32>
          %max3A_177 = arith.maximumf %add3A_174, %max3A_176 : vector<16xf32>
          %swap3A_178 = arith.index_cast %scan3A_157 : i32 to index
          %swap3A_179 = arith.constant 16 : index
          %swap3A_180 = tpu.vector_load %arg15[%swap3A_178, %swap3A_179] {strides = array<i32>} : memref<80x64xf32, #tpu.memory_space<vmem>>, vector<16xf32>,
          tpu.vector_store %arg15[%swap3A_178, %swap3A_179], %max3A_177 {strides = array<i32>} : memref<80x64xf32, #tpu.memory_space<vmem>>, vector<16xf32>,
          %get3A_181 = arith.index_cast %scan3A_157 : i32 to index
          %get3A_182 = arith.constant 32 : index
          %get3A_183 = tpu.vector_load %arg11[%get3A_181, %get3A_182] {strides = array<i32>} : memref<80x64xf32, #tpu.memory_space<vmem>>, vector<16xf32>,
          %get3A_184 = arith.index_cast %scan3A_157 : i32 to index
          %get3A_185 = arith.constant 32 : index
          %get3A_186 = tpu.vector_load %arg13[%get3A_184, %get3A_185] {strides = array<i32>} : memref<80x64xf32, #tpu.memory_space<vmem>>, vector<16xf32>,
          %add3A_187 = arith.addf %get3A_183, %get3A_186 : vector<16xf32>
          %max3A_188 = arith.constant 0.000000e+00 : f32
          %max3A_189 = vector.broadcast %max3A_188 : f32 to vector<16xf32>
          %max3A_190 = arith.maximumf %add3A_187, %max3A_189 : vector<16xf32>
          %swap3A_191 = arith.index_cast %scan3A_157 : i32 to index
          %swap3A_192 = arith.constant 32 : index
          %swap3A_193 = tpu.vector_load %arg15[%swap3A_191, %swap3A_192] {strides = array<i32>} : memref<80x64xf32, #tpu.memory_space<vmem>>, vector<16xf32>,
          tpu.vector_store %arg15[%swap3A_191, %swap3A_192], %max3A_190 {strides = array<i32>} : memref<80x64xf32, #tpu.memory_space<vmem>>, vector<16xf32>,
          %get3A_194 = arith.index_cast %scan3A_157 : i32 to index
          %get3A_195 = arith.constant 48 : index
          %get3A_196 = tpu.vector_load %arg11[%get3A_194, %get3A_195] {strides = array<i32>} : memref<80x64xf32, #tpu.memory_space<vmem>>, vector<16xf32>,
          %get3A_197 = arith.index_cast %scan3A_157 : i32 to index
          %get3A_198 = arith.constant 48 : index
          %get3A_199 = tpu.vector_load %arg13[%get3A_197, %get3A_198] {strides = array<i32>} : memref<80x64xf32, #tpu.memory_space<vmem>>, vector<16xf32>,
          %add3A_200 = arith.addf %get3A_196, %get3A_199 : vector<16xf32>
          %max3A_201 = arith.constant 0.000000e+00 : f32
          %max3A_202 = vector.broadcast %max3A_201 : f32 to vector<16xf32>
          %max3A_203 = arith.maximumf %add3A_200, %max3A_202 : vector<16xf32>
          %swap3A_204 = arith.index_cast %scan3A_157 : i32 to index
          %swap3A_205 = arith.constant 48 : index
          %swap3A_206 = tpu.vector_load %arg15[%swap3A_204, %swap3A_205] {strides = array<i32>} : memref<80x64xf32, #tpu.memory_space<vmem>>, vector<16xf32>,
          tpu.vector_store %arg15[%swap3A_204, %swap3A_205], %max3A_203 {strides = array<i32>} : memref<80x64xf32, #tpu.memory_space<vmem>>, vector<16xf32>,
        }
        %scan3A_156 = arith.constant 80 : i32
        "tpu.region"() ({
          %run_scoped3A = tpu.sem_alloc : memref<!tpu.dma_semaphore, #tpu.memory_space<semaphore_mem>>
          %dma_start3A_157 = arith.constant 0 : i32
          %dma_start3A_158 = tpu.memref_slice %arg9[%scan3A_92, %dma_start3A_157] : memref<125x80xi32, #tpu.memory_space<vmem>> -> memref<1x80xi32, #tpu.memory_space<vmem>>
          %dma_start3A_159 = tpu.memref_squeeze %dma_start3A_158 : memref<1x80xi32, #tpu.memory_space<vmem>> -> memref<80xi32, #tpu.memory_space<vmem>>
          %dma_start3A_160 = arith.constant 0 : i32
          %dma_start3A_161 = arith.constant 0 : i32
          %dma_start3A_162 = tpu.memref_slice %arg16[%dma_start3A_160, %dma_start3A_161] : memref<10000x64xf32, #tpu.memory_space<vmem_shared>> -> memref<10000x64xf32, #tpu.memory_space<vmem_shared>>
          tpu.enqueue_indirect_dma source(%arg15 : memref<80x64xf32, #tpu.memory_space<vmem>>) target(%dma_start3A_162 : memref<10000x64xf32, #tpu.memory_space<vmem_shared>>) offsets(%dma_start3A_159 : memref<80xi32, #tpu.memory_space<vmem>>) semaphore(%run_scoped3A : memref<!tpu.dma_semaphore, #tpu.memory_space<semaphore_mem>>) {add = true}
          %dma_wait3A_163 = arith.constant 0 : i32
          %dma_wait3A_164 = tpu.memref_slice %arg9[%scan3A_92, %dma_wait3A_163] : memref<125x80xi32, #tpu.memory_space<vmem>> -> memref<1x80xi32, #tpu.memory_space<vmem>>
          %dma_wait3A_165 = tpu.memref_squeeze %dma_wait3A_164 : memref<1x80xi32, #tpu.memory_space<vmem>> -> memref<80xi32, #tpu.memory_space<vmem>>
          %dma_wait3A_166 = arith.constant 0 : i32
          %dma_wait3A_167 = arith.constant 0 : i32
          %dma_wait3A_168 = tpu.memref_slice %arg16[%dma_wait3A_166, %dma_wait3A_167] : memref<10000x64xf32, #tpu.memory_space<vmem_shared>> -> memref<10000x64xf32, #tpu.memory_space<vmem_shared>>
          tpu.wait_indirect_dma semaphore(%run_scoped3A : memref<!tpu.dma_semaphore, #tpu.memory_space<semaphore_mem>>) src(%arg15 : memref<80x64xf32, #tpu.memory_space<vmem>>) dst(%dma_wait3A_168 : memref<10000x64xf32, #tpu.memory_space<vmem_shared>>)
          tpu.yield
        }) : () -> ()
      } else {
      }
    }
    %scan3A_78 = arith.constant 125 : i32
    %barrier3A_79 = arith.constant 0 : index
    tpu.barrier barrier_id(%barrier3A_79)
    %mul3A_80 = arith.constant 10000 : i32
    %mul3A_81 = arith.muli %add3A_44, %mul3A_80 : i32
    %mul3A_82 = arith.constant 624 : i32
    %mul3A_83 = arith.muli %arg1, %mul3A_82 : i32
    %add3A_84 = arith.constant 0 : i32
    %add3A_85 = arith.addi %add3A_84, %mul3A_83 : i32
    %add3A_86 = arith.addi %mul3A_81, %mul3A_83 : i32
    "tpu.region"() ({
      %run_scoped3A = tpu.sem_alloc : memref<!tpu.dma_semaphore, #tpu.memory_space<semaphore_mem>>
      %dma_start3A_92 = arith.constant 0 : i32
      %dma_start3A_93 = tpu.memref_slice %arg7[%add3A_86, %dma_start3A_92] : memref<40000x64xf32, #tpu.memory_space<hbm>> -> memref<624x64xf32, #tpu.memory_space<hbm>>
      %dma_start3A_94 = arith.constant 0 : i32
      %dma_start3A_95 = tpu.memref_slice %arg16[%add3A_85, %dma_start3A_94] : memref<10000x64xf32, #tpu.memory_space<vmem_shared>> -> memref<624x64xf32, #tpu.memory_space<vmem_shared>>
      tpu.enqueue_dma source(%dma_start3A_95 : memref<624x64xf32, #tpu.memory_space<vmem_shared>>) target(%dma_start3A_93 : memref<624x64xf32, #tpu.memory_space<hbm>>) target_semaphore(%run_scoped3A : memref<!tpu.dma_semaphore, #tpu.memory_space<semaphore_mem>>)
      %dma_wait3A = arith.constant 0 : i32
      %dma_wait3A_96 = tpu.memref_slice %arg7[%add3A_86, %dma_wait3A] : memref<40000x64xf32, #tpu.memory_space<hbm>> -> memref<624x64xf32, #tpu.memory_space<hbm>>
      %dma_wait3A_97 = arith.constant 0 : i32
      %dma_wait3A_98 = tpu.memref_slice %arg16[%add3A_85, %dma_wait3A_97] : memref<10000x64xf32, #tpu.memory_space<vmem_shared>> -> memref<624x64xf32, #tpu.memory_space<vmem_shared>>
      tpu.wait_dma2 semaphore(%run_scoped3A : memref<!tpu.dma_semaphore, #tpu.memory_space<semaphore_mem>>) src(%dma_wait3A_98 : memref<624x64xf32, #tpu.memory_space<vmem_shared>>) dst(%dma_wait3A_96 : memref<624x64xf32, #tpu.memory_space<hbm>>)
      tpu.yield
    }) : () -> ()
    %eq3A_87 = arith.constant 15 : i32
    %eq3A_88 = arith.cmpi eq, %arg1, %eq3A_87 : i32
    %convert_element_type3A_89 = arith.extui %eq3A_88 : i1 to i32
    %cond3A_90 = arith.constant 0 : i32
    %cond3A_91 = arith.cmpi ne, %convert_element_type3A_89, %cond3A_90 : i32
    scf.if %cond3A_91 {
      %add3A_92 = arith.constant 9984 : i32
      %add3A_93 = arith.addi %mul3A_81, %add3A_92 : i32
      "tpu.region"() ({
        %run_scoped3A = tpu.sem_alloc : memref<!tpu.dma_semaphore, #tpu.memory_space<semaphore_mem>>
        %dma_start3A_94 = arith.constant 0 : i32
        %dma_start3A_95 = tpu.memref_slice %arg7[%add3A_93, %dma_start3A_94] : memref<40000x64xf32, #tpu.memory_space<hbm>> -> memref<16x64xf32, #tpu.memory_space<hbm>>
        %dma_start3A_96 = arith.constant 9984 : i32
        %dma_start3A_97 = arith.constant 0 : i32
        %dma_start3A_98 = tpu.memref_slice %arg16[%dma_start3A_96, %dma_start3A_97] : memref<10000x64xf32, #tpu.memory_space<vmem_shared>> -> memref<16x64xf32, #tpu.memory_space<vmem_shared>>
        tpu.enqueue_dma source(%dma_start3A_98 : memref<16x64xf32, #tpu.memory_space<vmem_shared>>) target(%dma_start3A_95 : memref<16x64xf32, #tpu.memory_space<hbm>>) target_semaphore(%run_scoped3A : memref<!tpu.dma_semaphore, #tpu.memory_space<semaphore_mem>>)
        %dma_wait3A = arith.constant 0 : i32
        %dma_wait3A_99 = tpu.memref_slice %arg7[%add3A_93, %dma_wait3A] : memref<40000x64xf32, #tpu.memory_space<hbm>> -> memref<16x64xf32, #tpu.memory_space<hbm>>
        %dma_wait3A_100 = arith.constant 9984 : i32
        %dma_wait3A_101 = arith.constant 0 : i32
        %dma_wait3A_102 = tpu.memref_slice %arg16[%dma_wait3A_100, %dma_wait3A_101] : memref<10000x64xf32, #tpu.memory_space<vmem_shared>> -> memref<16x64xf32, #tpu.memory_space<vmem_shared>>
        tpu.wait_dma2 semaphore(%run_scoped3A : memref<!tpu.dma_semaphore, #tpu.memory_space<semaphore_mem>>) src(%dma_wait3A_102 : memref<16x64xf32, #tpu.memory_space<vmem_shared>>) dst(%dma_wait3A_99 : memref<16x64xf32, #tpu.memory_space<hbm>>)
        tpu.yield
      }) : () -> ()
    } else {
    }
    return
  }
}

#map = affine_map<(d0, d1) -> (0)>
#map1 = affine_map<(d0, d1) -> (0, 0, 0, 0)>
module attributes {stable_mosaic.version = 14 : i64} {
  func.func @_deg_dre_kernel(%arg0: i32, %arg1: i32, %arg2: memref<160000xi32, #tpu.memory_space<hbm>>, %arg3: memref<4x16x125x80xi32, #tpu.memory_space<hbm>>, %arg4: memref<10000xf32, #tpu.memory_space<hbm>>, %arg5: memref<80xf32, #tpu.memory_space<hbm>>, %arg6: memref<10000xf32, #tpu.memory_space<hbm>>, %arg7: memref<160000xf32, #tpu.memory_space<hbm>>, %arg8: memref<80xf32, #tpu.memory_space<vmem>>, %arg9: memref<125x80xi32, #tpu.memory_space<vmem>>, %arg10: memref<10000xf32, #tpu.memory_space<vmem>>, %arg11: memref<5016xi32, #tpu.memory_space<vmem>>, %arg12: memref<5016xf32, #tpu.memory_space<vmem>>, %arg13: memref<10000xf32, #tpu.memory_space<vmem_shared>>) attributes {dimension_semantics = [#tpu.dimension_semantics<core_parallel>, #tpu.dimension_semantics<subcore_parallel>], iteration_bounds = array<i64: 2, 16>, scalar_prefetch = 0 : i64, scratch_operands = 6 : i64, tpu.core_type = #tpu.core_type<sc_vector_subcore>, window_params = [{transform_indices = #map}, {transform_indices = #map1}, {transform_indices = #map}, {transform_indices = #map}, {transform_indices = #map}, {transform_indices = #map}]} {
    "tpu.region"() ({
      %run_scoped3A_32 = tpu.sem_alloc : memref<!tpu.dma_semaphore, #tpu.memory_space<semaphore_mem>>
      tpu.enqueue_dma source(%arg5 : memref<80xf32, #tpu.memory_space<hbm>>) target(%arg8 : memref<80xf32, #tpu.memory_space<vmem>>) target_semaphore(%run_scoped3A_32 : memref<!tpu.dma_semaphore, #tpu.memory_space<semaphore_mem>>)
      tpu.wait_dma2 semaphore(%run_scoped3A_32 : memref<!tpu.dma_semaphore, #tpu.memory_space<semaphore_mem>>) src(%arg5 : memref<80xf32, #tpu.memory_space<hbm>>) dst(%arg8 : memref<80xf32, #tpu.memory_space<vmem>>)
      tpu.yield
    }) : () -> ()
    %mul3A = arith.constant 624 : i32
    %mul3A_0 = arith.muli %arg1, %mul3A : i32
    "tpu.region"() ({
      %run_scoped3A_32 = tpu.sem_alloc : memref<!tpu.dma_semaphore, #tpu.memory_space<semaphore_mem>>
      %dma_start3A = arith.constant 0 : i32
      %dma_start3A_33 = tpu.memref_slice %arg12[%dma_start3A] : memref<5016xf32, #tpu.memory_space<vmem>> -> memref<640xf32, #tpu.memory_space<vmem>>
      %dma_start3A_34 = arith.constant 0 : i32
      %dma_start3A_35 = tpu.memref_slice %arg4[%dma_start3A_34] : memref<10000xf32, #tpu.memory_space<hbm>> -> memref<640xf32, #tpu.memory_space<hbm>>
      %dma_start3A_36 = arith.constant 0 : i32
      %dma_start3A_37 = tpu.memref_slice %arg12[%dma_start3A_36] : memref<5016xf32, #tpu.memory_space<vmem>> -> memref<640xf32, #tpu.memory_space<vmem>>
      %dma_start3A_38 = arith.constant 0 : i32
      %dma_start3A_39 = tpu.memref_slice %arg4[%dma_start3A_38] : memref<10000xf32, #tpu.memory_space<hbm>> -> memref<640xf32, #tpu.memory_space<hbm>>
      tpu.enqueue_dma source(%dma_start3A_39 : memref<640xf32, #tpu.memory_space<hbm>>) target(%dma_start3A_37 : memref<640xf32, #tpu.memory_space<vmem>>) target_semaphore(%run_scoped3A_32 : memref<!tpu.dma_semaphore, #tpu.memory_space<semaphore_mem>>)
      %dma_wait3A = arith.constant 0 : i32
      %dma_wait3A_40 = tpu.memref_slice %arg12[%dma_wait3A] : memref<5016xf32, #tpu.memory_space<vmem>> -> memref<640xf32, #tpu.memory_space<vmem>>
      %dma_wait3A_41 = arith.constant 0 : i32
      %dma_wait3A_42 = tpu.memref_slice %arg4[%dma_wait3A_41] : memref<10000xf32, #tpu.memory_space<hbm>> -> memref<640xf32, #tpu.memory_space<hbm>>
      %dma_wait3A_43 = arith.constant 0 : i32
      %dma_wait3A_44 = tpu.memref_slice %arg12[%dma_wait3A_43] : memref<5016xf32, #tpu.memory_space<vmem>> -> memref<640xf32, #tpu.memory_space<vmem>>
      %dma_wait3A_45 = arith.constant 0 : i32
      %dma_wait3A_46 = tpu.memref_slice %arg4[%dma_wait3A_45] : memref<10000xf32, #tpu.memory_space<hbm>> -> memref<640xf32, #tpu.memory_space<hbm>>
      tpu.wait_dma2 semaphore(%run_scoped3A_32 : memref<!tpu.dma_semaphore, #tpu.memory_space<semaphore_mem>>) src(%dma_wait3A_46 : memref<640xf32, #tpu.memory_space<hbm>>) dst(%dma_wait3A_44 : memref<640xf32, #tpu.memory_space<vmem>>)
      tpu.yield
    }) : () -> ()
    "tpu.region"() ({
      %run_scoped3A_32 = tpu.sem_alloc : memref<!tpu.dma_semaphore, #tpu.memory_space<semaphore_mem>>
      %dma_start3A = arith.constant 0 : i32
      %dma_start3A_33 = tpu.memref_slice %arg12[%dma_start3A] : memref<5016xf32, #tpu.memory_space<vmem>> -> memref<624xf32, #tpu.memory_space<vmem>>
      %dma_start3A_34 = tpu.memref_slice %arg13[%mul3A_0] : memref<10000xf32, #tpu.memory_space<vmem_shared>> -> memref<624xf32, #tpu.memory_space<vmem_shared>>
      %dma_start3A_35 = tpu.memref_slice %arg13[%mul3A_0] : memref<10000xf32, #tpu.memory_space<vmem_shared>> -> memref<624xf32, #tpu.memory_space<vmem_shared>>
      %dma_start3A_36 = arith.constant 0 : i32
      %dma_start3A_37 = tpu.memref_slice %arg12[%dma_start3A_36] : memref<5016xf32, #tpu.memory_space<vmem>> -> memref<624xf32, #tpu.memory_space<vmem>>
      tpu.enqueue_dma source(%dma_start3A_37 : memref<624xf32, #tpu.memory_space<vmem>>) target(%dma_start3A_35 : memref<624xf32, #tpu.memory_space<vmem_shared>>) target_semaphore(%run_scoped3A_32 : memref<!tpu.dma_semaphore, #tpu.memory_space<semaphore_mem>>)
      %dma_wait3A = arith.constant 0 : i32
      %dma_wait3A_38 = tpu.memref_slice %arg12[%dma_wait3A] : memref<5016xf32, #tpu.memory_space<vmem>> -> memref<624xf32, #tpu.memory_space<vmem>>
      %dma_wait3A_39 = tpu.memref_slice %arg13[%mul3A_0] : memref<10000xf32, #tpu.memory_space<vmem_shared>> -> memref<624xf32, #tpu.memory_space<vmem_shared>>
      %dma_wait3A_40 = tpu.memref_slice %arg13[%mul3A_0] : memref<10000xf32, #tpu.memory_space<vmem_shared>> -> memref<624xf32, #tpu.memory_space<vmem_shared>>
      %dma_wait3A_41 = arith.constant 0 : i32
      %dma_wait3A_42 = tpu.memref_slice %arg12[%dma_wait3A_41] : memref<5016xf32, #tpu.memory_space<vmem>> -> memref<624xf32, #tpu.memory_space<vmem>>
      tpu.wait_dma2 semaphore(%run_scoped3A_32 : memref<!tpu.dma_semaphore, #tpu.memory_space<semaphore_mem>>) src(%dma_wait3A_42 : memref<624xf32, #tpu.memory_space<vmem>>) dst(%dma_wait3A_40 : memref<624xf32, #tpu.memory_space<vmem_shared>>)
      tpu.yield
    }) : () -> ()
    %eq3A = arith.constant 15 : i32
    %eq3A_1 = arith.cmpi eq, %arg1, %eq3A : i32
    %convert_element_type3A = arith.extui %eq3A_1 : i1 to i32
    %cond3A = arith.constant 0 : i32
    %cond3A_2 = arith.cmpi ne, %convert_element_type3A, %cond3A : i32
    scf.if %cond3A_2 {
      "tpu.region"() ({
        %run_scoped3A_32 = tpu.sem_alloc : memref<!tpu.dma_semaphore, #tpu.memory_space<semaphore_mem>>
        %dma_start3A = arith.constant 0 : i32
        %dma_start3A_33 = tpu.memref_slice %arg12[%dma_start3A] : memref<5016xf32, #tpu.memory_space<vmem>> -> memref<16xf32, #tpu.memory_space<vmem>>
        %dma_start3A_34 = arith.constant 9984 : i32
        %dma_start3A_35 = tpu.memref_slice %arg13[%dma_start3A_34] : memref<10000xf32, #tpu.memory_space<vmem_shared>> -> memref<16xf32, #tpu.memory_space<vmem_shared>>
        %dma_start3A_36 = arith.constant 9984 : i32
        %dma_start3A_37 = tpu.memref_slice %arg13[%dma_start3A_36] : memref<10000xf32, #tpu.memory_space<vmem_shared>> -> memref<16xf32, #tpu.memory_space<vmem_shared>>
        %dma_start3A_38 = arith.constant 0 : i32
        %dma_start3A_39 = tpu.memref_slice %arg12[%dma_start3A_38] : memref<5016xf32, #tpu.memory_space<vmem>> -> memref<16xf32, #tpu.memory_space<vmem>>
        tpu.enqueue_dma source(%dma_start3A_39 : memref<16xf32, #tpu.memory_space<vmem>>) target(%dma_start3A_37 : memref<16xf32, #tpu.memory_space<vmem_shared>>) target_semaphore(%run_scoped3A_32 : memref<!tpu.dma_semaphore, #tpu.memory_space<semaphore_mem>>)
        %dma_wait3A = arith.constant 0 : i32
        %dma_wait3A_40 = tpu.memref_slice %arg12[%dma_wait3A] : memref<5016xf32, #tpu.memory_space<vmem>> -> memref<16xf32, #tpu.memory_space<vmem>>
        %dma_wait3A_41 = arith.constant 9984 : i32
        %dma_wait3A_42 = tpu.memref_slice %arg13[%dma_wait3A_41] : memref<10000xf32, #tpu.memory_space<vmem_shared>> -> memref<16xf32, #tpu.memory_space<vmem_shared>>
        %dma_wait3A_43 = arith.constant 9984 : i32
        %dma_wait3A_44 = tpu.memref_slice %arg13[%dma_wait3A_43] : memref<10000xf32, #tpu.memory_space<vmem_shared>> -> memref<16xf32, #tpu.memory_space<vmem_shared>>
        %dma_wait3A_45 = arith.constant 0 : i32
        %dma_wait3A_46 = tpu.memref_slice %arg12[%dma_wait3A_45] : memref<5016xf32, #tpu.memory_space<vmem>> -> memref<16xf32, #tpu.memory_space<vmem>>
        tpu.wait_dma2 semaphore(%run_scoped3A_32 : memref<!tpu.dma_semaphore, #tpu.memory_space<semaphore_mem>>) src(%dma_wait3A_46 : memref<16xf32, #tpu.memory_space<vmem>>) dst(%dma_wait3A_44 : memref<16xf32, #tpu.memory_space<vmem_shared>>)
        tpu.yield
      }) : () -> ()
    } else {
    }
    %run_scoped3A = arith.constant 0 : i32
    "tpu.region"() ({
      %run_scoped3A_32 = tpu.sem_alloc : memref<!tpu.dma_semaphore, #tpu.memory_space<semaphore_mem>>
      %dma_start3A = arith.constant 0 : i32
      %dma_start3A_33 = arith.constant 0 : i32
      %dma_start3A_34 = tpu.memref_slice %arg3[%run_scoped3A, %arg1, %dma_start3A, %dma_start3A_33] : memref<4x16x125x80xi32, #tpu.memory_space<hbm>> -> memref<1x1x125x80xi32, #tpu.memory_space<hbm>>
      %dma_start3A_35 = tpu.memref_squeeze %dma_start3A_34 : memref<1x1x125x80xi32, #tpu.memory_space<hbm>> -> memref<125x80xi32, #tpu.memory_space<hbm>>
      %dma_start3A_36 = arith.constant 0 : i32
      %dma_start3A_37 = arith.constant 0 : i32
      %dma_start3A_38 = tpu.memref_slice %arg3[%run_scoped3A, %arg1, %dma_start3A_36, %dma_start3A_37] : memref<4x16x125x80xi32, #tpu.memory_space<hbm>> -> memref<1x1x125x80xi32, #tpu.memory_space<hbm>>
      %dma_start3A_39 = tpu.memref_squeeze %dma_start3A_38 : memref<1x1x125x80xi32, #tpu.memory_space<hbm>> -> memref<125x80xi32, #tpu.memory_space<hbm>>
      tpu.enqueue_dma source(%dma_start3A_39 : memref<125x80xi32, #tpu.memory_space<hbm>>) target(%arg9 : memref<125x80xi32, #tpu.memory_space<vmem>>) target_semaphore(%run_scoped3A_32 : memref<!tpu.dma_semaphore, #tpu.memory_space<semaphore_mem>>)
      %dma_wait3A = arith.constant 0 : i32
      %dma_wait3A_40 = arith.constant 0 : i32
      %dma_wait3A_41 = tpu.memref_slice %arg3[%run_scoped3A, %arg1, %dma_wait3A, %dma_wait3A_40] : memref<4x16x125x80xi32, #tpu.memory_space<hbm>> -> memref<1x1x125x80xi32, #tpu.memory_space<hbm>>
      %dma_wait3A_42 = tpu.memref_squeeze %dma_wait3A_41 : memref<1x1x125x80xi32, #tpu.memory_space<hbm>> -> memref<125x80xi32, #tpu.memory_space<hbm>>
      %dma_wait3A_43 = arith.constant 0 : i32
      %dma_wait3A_44 = arith.constant 0 : i32
      %dma_wait3A_45 = tpu.memref_slice %arg3[%run_scoped3A, %arg1, %dma_wait3A_43, %dma_wait3A_44] : memref<4x16x125x80xi32, #tpu.memory_space<hbm>> -> memref<1x1x125x80xi32, #tpu.memory_space<hbm>>
      %dma_wait3A_46 = tpu.memref_squeeze %dma_wait3A_45 : memref<1x1x125x80xi32, #tpu.memory_space<hbm>> -> memref<125x80xi32, #tpu.memory_space<hbm>>
      tpu.wait_dma2 semaphore(%run_scoped3A_32 : memref<!tpu.dma_semaphore, #tpu.memory_space<semaphore_mem>>) src(%dma_wait3A_46 : memref<125x80xi32, #tpu.memory_space<hbm>>) dst(%arg9 : memref<125x80xi32, #tpu.memory_space<vmem>>)
      tpu.yield
    }) : () -> ()
    %mul3A_3 = arith.constant 16 : i32
    %mul3A_4 = arith.muli %arg0, %mul3A_3 : i32
    %add3A = arith.addi %mul3A_4, %arg1 : i32
    %mul3A_5 = arith.constant 5000 : i32
    %mul3A_6 = arith.muli %add3A, %mul3A_5 : i32
    %broadcast_in_dim3A = arith.constant 0 : i32
    %broadcast_in_dim3A_7 = vector.broadcast %broadcast_in_dim3A : i32 to vector<16xi32>
    %swap3A = arith.constant 4992 : index
    %swap3A_8 = tpu.vector_load %arg11[%swap3A] {strides = array<i32>} : memref<5016xi32, #tpu.memory_space<vmem>>, vector<16xi32>,
    tpu.vector_store %arg11[%swap3A], %broadcast_in_dim3A_7 {strides = array<i32>} : memref<5016xi32, #tpu.memory_space<vmem>>, vector<16xi32>,
    "tpu.region"() ({
      %run_scoped3A_32 = tpu.sem_alloc : memref<!tpu.dma_semaphore, #tpu.memory_space<semaphore_mem>>
      %dma_start3A = arith.constant 0 : i32
      %dma_start3A_33 = tpu.memref_slice %arg11[%dma_start3A] : memref<5016xi32, #tpu.memory_space<vmem>> -> memref<5000xi32, #tpu.memory_space<vmem>>
      %dma_start3A_34 = tpu.memref_slice %arg2[%mul3A_6] : memref<160000xi32, #tpu.memory_space<hbm>> -> memref<5000xi32, #tpu.memory_space<hbm>>
      %dma_start3A_35 = arith.constant 0 : i32
      %dma_start3A_36 = tpu.memref_slice %arg11[%dma_start3A_35] : memref<5016xi32, #tpu.memory_space<vmem>> -> memref<5000xi32, #tpu.memory_space<vmem>>
      %dma_start3A_37 = tpu.memref_slice %arg2[%mul3A_6] : memref<160000xi32, #tpu.memory_space<hbm>> -> memref<5000xi32, #tpu.memory_space<hbm>>
      tpu.enqueue_dma source(%dma_start3A_37 : memref<5000xi32, #tpu.memory_space<hbm>>) target(%dma_start3A_36 : memref<5000xi32, #tpu.memory_space<vmem>>) target_semaphore(%run_scoped3A_32 : memref<!tpu.dma_semaphore, #tpu.memory_space<semaphore_mem>>)
      %dma_wait3A = arith.constant 0 : i32
      %dma_wait3A_38 = tpu.memref_slice %arg11[%dma_wait3A] : memref<5016xi32, #tpu.memory_space<vmem>> -> memref<5000xi32, #tpu.memory_space<vmem>>
      %dma_wait3A_39 = tpu.memref_slice %arg2[%mul3A_6] : memref<160000xi32, #tpu.memory_space<hbm>> -> memref<5000xi32, #tpu.memory_space<hbm>>
      %dma_wait3A_40 = arith.constant 0 : i32
      %dma_wait3A_41 = tpu.memref_slice %arg11[%dma_wait3A_40] : memref<5016xi32, #tpu.memory_space<vmem>> -> memref<5000xi32, #tpu.memory_space<vmem>>
      %dma_wait3A_42 = tpu.memref_slice %arg2[%mul3A_6] : memref<160000xi32, #tpu.memory_space<hbm>> -> memref<5000xi32, #tpu.memory_space<hbm>>
      tpu.wait_dma2 semaphore(%run_scoped3A_32 : memref<!tpu.dma_semaphore, #tpu.memory_space<semaphore_mem>>) src(%dma_wait3A_42 : memref<5000xi32, #tpu.memory_space<hbm>>) dst(%dma_wait3A_41 : memref<5000xi32, #tpu.memory_space<vmem>>)
      tpu.yield
    }) : () -> ()
    %barrier3A = arith.constant 0 : index
    tpu.barrier barrier_id(%barrier3A)
    %scan3A = arith.constant 0 : i32
    %scan3A_9 = arith.constant 0 : i32
    %scan3A_10 = arith.constant 125 : i32
    %scan3A_11 = arith.addi %scan3A_9, %scan3A_10 : i32
    %scan3A_12 = arith.constant 1 : i32
    scf.for %scan3A_32 = %scan3A_9 to %scan3A_11 step %scan3A_12  : i32 {
      "tpu.region"() ({
        %run_scoped3A_33 = tpu.sem_alloc : memref<!tpu.dma_semaphore, #tpu.memory_space<semaphore_mem>>
        %dma_start3A = arith.constant 0 : i32
        %dma_start3A_34 = tpu.memref_slice %arg9[%scan3A_32, %dma_start3A] : memref<125x80xi32, #tpu.memory_space<vmem>> -> memref<1x80xi32, #tpu.memory_space<vmem>>
        %dma_start3A_35 = tpu.memref_squeeze %dma_start3A_34 : memref<1x80xi32, #tpu.memory_space<vmem>> -> memref<80xi32, #tpu.memory_space<vmem>>
        %dma_start3A_36 = arith.constant 0 : i32
        %dma_start3A_37 = tpu.memref_slice %arg13[%dma_start3A_36] : memref<10000xf32, #tpu.memory_space<vmem_shared>> -> memref<10000xf32, #tpu.memory_space<vmem_shared>>
        tpu.enqueue_indirect_dma source(%arg8 : memref<80xf32, #tpu.memory_space<vmem>>) target(%dma_start3A_37 : memref<10000xf32, #tpu.memory_space<vmem_shared>>) offsets(%dma_start3A_35 : memref<80xi32, #tpu.memory_space<vmem>>) semaphore(%run_scoped3A_33 : memref<!tpu.dma_semaphore, #tpu.memory_space<semaphore_mem>>) {add = true}
        %dma_wait3A = arith.constant 0 : i32
        %dma_wait3A_38 = tpu.memref_slice %arg9[%scan3A_32, %dma_wait3A] : memref<125x80xi32, #tpu.memory_space<vmem>> -> memref<1x80xi32, #tpu.memory_space<vmem>>
        %dma_wait3A_39 = tpu.memref_squeeze %dma_wait3A_38 : memref<1x80xi32, #tpu.memory_space<vmem>> -> memref<80xi32, #tpu.memory_space<vmem>>
        %dma_wait3A_40 = arith.constant 0 : i32
        %dma_wait3A_41 = tpu.memref_slice %arg13[%dma_wait3A_40] : memref<10000xf32, #tpu.memory_space<vmem_shared>> -> memref<10000xf32, #tpu.memory_space<vmem_shared>>
        tpu.wait_indirect_dma semaphore(%run_scoped3A_33 : memref<!tpu.dma_semaphore, #tpu.memory_space<semaphore_mem>>) src(%arg8 : memref<80xf32, #tpu.memory_space<vmem>>) dst(%dma_wait3A_41 : memref<10000xf32, #tpu.memory_space<vmem_shared>>)
        tpu.yield
      }) : () -> ()
    }
    %scan3A_13 = arith.constant 125 : i32
    %barrier3A_14 = arith.constant 0 : index
    tpu.barrier barrier_id(%barrier3A_14)
    "tpu.region"() ({
      %run_scoped3A_32 = tpu.sem_alloc : memref<!tpu.dma_semaphore, #tpu.memory_space<semaphore_mem>>
      tpu.enqueue_dma source(%arg13 : memref<10000xf32, #tpu.memory_space<vmem_shared>>) target(%arg10 : memref<10000xf32, #tpu.memory_space<vmem>>) target_semaphore(%run_scoped3A_32 : memref<!tpu.dma_semaphore, #tpu.memory_space<semaphore_mem>>)
      tpu.wait_dma2 semaphore(%run_scoped3A_32 : memref<!tpu.dma_semaphore, #tpu.memory_space<semaphore_mem>>) src(%arg13 : memref<10000xf32, #tpu.memory_space<vmem_shared>>) dst(%arg10 : memref<10000xf32, #tpu.memory_space<vmem>>)
      tpu.yield
    }) : () -> ()
    %scan3A_15 = arith.constant 0 : i32
    %scan3A_16 = arith.constant 0 : i32
    %scan3A_17 = arith.constant 625 : i32
    %scan3A_18 = arith.addi %scan3A_16, %scan3A_17 : i32
    %scan3A_19 = arith.constant 1 : i32
    scf.for %scan3A_32 = %scan3A_16 to %scan3A_18 step %scan3A_19  : i32 {
      %mul3A_33 = arith.constant 16 : i32
      %mul3A_34 = arith.muli %scan3A_32, %mul3A_33 : i32
      %get3A = arith.index_cast %mul3A_34 : i32 to index
      %get3A_35 = tpu.vector_load %arg10[%get3A] {strides = array<i32>} : memref<10000xf32, #tpu.memory_space<vmem>>, vector<16xf32>,
      %bitcast3A = vector.bitcast %get3A_35 : vector<16xf32> to vector<16xi32>
      %shift_right_arithmetic3A = arith.constant 1 : i32
      %shift_right_arithmetic3A_36 = vector.broadcast %shift_right_arithmetic3A : i32 to vector<16xi32>
      %shift_right_arithmetic3A_37 = arith.shrsi %bitcast3A, %shift_right_arithmetic3A_36 : vector<16xi32>
      %sub3A = arith.constant 1597463007 : i32
      %sub3A_38 = vector.broadcast %sub3A : i32 to vector<16xi32>
      %sub3A_39 = arith.subi %sub3A_38, %shift_right_arithmetic3A_37 : vector<16xi32>
      %bitcast3A_40 = vector.bitcast %sub3A_39 : vector<16xi32> to vector<16xf32>
      %mul3A_41 = arith.constant 5.000000e-01 : f32
      %mul3A_42 = vector.broadcast %mul3A_41 : f32 to vector<16xf32>
      %mul3A_43 = arith.mulf %mul3A_42, %get3A_35 : vector<16xf32>
      %mul3A_44 = arith.mulf %mul3A_43, %bitcast3A_40 : vector<16xf32>
      %mul3A_45 = arith.mulf %mul3A_44, %bitcast3A_40 : vector<16xf32>
      %sub3A_46 = arith.constant 1.500000e+00 : f32
      %sub3A_47 = vector.broadcast %sub3A_46 : f32 to vector<16xf32>
      %sub3A_48 = arith.subf %sub3A_47, %mul3A_45 : vector<16xf32>
      %mul3A_49 = arith.mulf %bitcast3A_40, %sub3A_48 : vector<16xf32>
      %mul3A_50 = arith.constant 5.000000e-01 : f32
      %mul3A_51 = vector.broadcast %mul3A_50 : f32 to vector<16xf32>
      %mul3A_52 = arith.mulf %mul3A_51, %get3A_35 : vector<16xf32>
      %mul3A_53 = arith.mulf %mul3A_52, %mul3A_49 : vector<16xf32>
      %mul3A_54 = arith.mulf %mul3A_53, %mul3A_49 : vector<16xf32>
      %sub3A_55 = arith.constant 1.500000e+00 : f32
      %sub3A_56 = vector.broadcast %sub3A_55 : f32 to vector<16xf32>
      %sub3A_57 = arith.subf %sub3A_56, %mul3A_54 : vector<16xf32>
      %mul3A_58 = arith.mulf %mul3A_49, %sub3A_57 : vector<16xf32>
      %mul3A_59 = arith.constant 5.000000e-01 : f32
      %mul3A_60 = vector.broadcast %mul3A_59 : f32 to vector<16xf32>
      %mul3A_61 = arith.mulf %mul3A_60, %get3A_35 : vector<16xf32>
      %mul3A_62 = arith.mulf %mul3A_61, %mul3A_58 : vector<16xf32>
      %mul3A_63 = arith.mulf %mul3A_62, %mul3A_58 : vector<16xf32>
      %sub3A_64 = arith.constant 1.500000e+00 : f32
      %sub3A_65 = vector.broadcast %sub3A_64 : f32 to vector<16xf32>
      %sub3A_66 = arith.subf %sub3A_65, %mul3A_63 : vector<16xf32>
      %mul3A_67 = arith.mulf %mul3A_58, %sub3A_66 : vector<16xf32>
      %gt3A = arith.constant 0.000000e+00 : f32
      %gt3A_68 = vector.broadcast %gt3A : f32 to vector<16xf32>
      %gt3A_69 = arith.cmpf ogt, %get3A_35, %gt3A_68 : vector<16xf32>
      %jit3A = arith.constant 0.000000e+00 : f32
      %broadcast_in_dim3A_70 = vector.broadcast %jit3A : f32 to vector<16xf32>
      %select_n3A = arith.select %gt3A_69, %mul3A_67, %broadcast_in_dim3A_70 : vector<16xi1>, vector<16xf32>
      %swap3A_71 = arith.index_cast %mul3A_34 : i32 to index
      %swap3A_72 = tpu.vector_load %arg10[%swap3A_71] {strides = array<i32>} : memref<10000xf32, #tpu.memory_space<vmem>>, vector<16xf32>,
      tpu.vector_store %arg10[%swap3A_71], %select_n3A {strides = array<i32>} : memref<10000xf32, #tpu.memory_space<vmem>>, vector<16xf32>,
    }
    %scan3A_20 = arith.constant 625 : i32
    %eq3A_21 = arith.constant 0 : i32
    %eq3A_22 = arith.cmpi eq, %arg0, %eq3A_21 : i32
    %convert_element_type3A_23 = arith.extui %eq3A_22 : i1 to i32
    %cond3A_24 = arith.constant 0 : i32
    %cond3A_25 = arith.cmpi ne, %convert_element_type3A_23, %cond3A_24 : i32
    scf.if %cond3A_25 {
      "tpu.region"() ({
        %run_scoped3A_37 = tpu.sem_alloc : memref<!tpu.dma_semaphore, #tpu.memory_space<semaphore_mem>>
        %dma_start3A = tpu.memref_slice %arg10[%mul3A_0] : memref<10000xf32, #tpu.memory_space<vmem>> -> memref<624xf32, #tpu.memory_space<vmem>>
        %dma_start3A_38 = tpu.memref_slice %arg6[%mul3A_0] : memref<10000xf32, #tpu.memory_space<hbm>> -> memref<624xf32, #tpu.memory_space<hbm>>
        %dma_start3A_39 = tpu.memref_slice %arg6[%mul3A_0] : memref<10000xf32, #tpu.memory_space<hbm>> -> memref<624xf32, #tpu.memory_space<hbm>>
        %dma_start3A_40 = tpu.memref_slice %arg10[%mul3A_0] : memref<10000xf32, #tpu.memory_space<vmem>> -> memref<624xf32, #tpu.memory_space<vmem>>
        tpu.enqueue_dma source(%dma_start3A_40 : memref<624xf32, #tpu.memory_space<vmem>>) target(%dma_start3A_39 : memref<624xf32, #tpu.memory_space<hbm>>) target_semaphore(%run_scoped3A_37 : memref<!tpu.dma_semaphore, #tpu.memory_space<semaphore_mem>>)
        %dma_wait3A = tpu.memref_slice %arg10[%mul3A_0] : memref<10000xf32, #tpu.memory_space<vmem>> -> memref<624xf32, #tpu.memory_space<vmem>>
        %dma_wait3A_41 = tpu.memref_slice %arg6[%mul3A_0] : memref<10000xf32, #tpu.memory_space<hbm>> -> memref<624xf32, #tpu.memory_space<hbm>>
        %dma_wait3A_42 = tpu.memref_slice %arg6[%mul3A_0] : memref<10000xf32, #tpu.memory_space<hbm>> -> memref<624xf32, #tpu.memory_space<hbm>>
        %dma_wait3A_43 = tpu.memref_slice %arg10[%mul3A_0] : memref<10000xf32, #tpu.memory_space<vmem>> -> memref<624xf32, #tpu.memory_space<vmem>>
        tpu.wait_dma2 semaphore(%run_scoped3A_37 : memref<!tpu.dma_semaphore, #tpu.memory_space<semaphore_mem>>) src(%dma_wait3A_43 : memref<624xf32, #tpu.memory_space<vmem>>) dst(%dma_wait3A_42 : memref<624xf32, #tpu.memory_space<hbm>>)
        tpu.yield
      }) : () -> ()
      %eq3A_32 = arith.constant 15 : i32
      %eq3A_33 = arith.cmpi eq, %arg1, %eq3A_32 : i32
      %convert_element_type3A_34 = arith.extui %eq3A_33 : i1 to i32
      %cond3A_35 = arith.constant 0 : i32
      %cond3A_36 = arith.cmpi ne, %convert_element_type3A_34, %cond3A_35 : i32
      scf.if %cond3A_36 {
        "tpu.region"() ({
          %run_scoped3A_37 = tpu.sem_alloc : memref<!tpu.dma_semaphore, #tpu.memory_space<semaphore_mem>>
          %dma_start3A = arith.constant 9984 : i32
          %dma_start3A_38 = tpu.memref_slice %arg10[%dma_start3A] : memref<10000xf32, #tpu.memory_space<vmem>> -> memref<16xf32, #tpu.memory_space<vmem>>
          %dma_start3A_39 = arith.constant 9984 : i32
          %dma_start3A_40 = tpu.memref_slice %arg6[%dma_start3A_39] : memref<10000xf32, #tpu.memory_space<hbm>> -> memref<16xf32, #tpu.memory_space<hbm>>
          %dma_start3A_41 = arith.constant 9984 : i32
          %dma_start3A_42 = tpu.memref_slice %arg6[%dma_start3A_41] : memref<10000xf32, #tpu.memory_space<hbm>> -> memref<16xf32, #tpu.memory_space<hbm>>
          %dma_start3A_43 = arith.constant 9984 : i32
          %dma_start3A_44 = tpu.memref_slice %arg10[%dma_start3A_43] : memref<10000xf32, #tpu.memory_space<vmem>> -> memref<16xf32, #tpu.memory_space<vmem>>
          tpu.enqueue_dma source(%dma_start3A_44 : memref<16xf32, #tpu.memory_space<vmem>>) target(%dma_start3A_42 : memref<16xf32, #tpu.memory_space<hbm>>) target_semaphore(%run_scoped3A_37 : memref<!tpu.dma_semaphore, #tpu.memory_space<semaphore_mem>>)
          %dma_wait3A = arith.constant 9984 : i32
          %dma_wait3A_45 = tpu.memref_slice %arg10[%dma_wait3A] : memref<10000xf32, #tpu.memory_space<vmem>> -> memref<16xf32, #tpu.memory_space<vmem>>
          %dma_wait3A_46 = arith.constant 9984 : i32
          %dma_wait3A_47 = tpu.memref_slice %arg6[%dma_wait3A_46] : memref<10000xf32, #tpu.memory_space<hbm>> -> memref<16xf32, #tpu.memory_space<hbm>>
          %dma_wait3A_48 = arith.constant 9984 : i32
          %dma_wait3A_49 = tpu.memref_slice %arg6[%dma_wait3A_48] : memref<10000xf32, #tpu.memory_space<hbm>> -> memref<16xf32, #tpu.memory_space<hbm>>
          %dma_wait3A_50 = arith.constant 9984 : i32
          %dma_wait3A_51 = tpu.memref_slice %arg10[%dma_wait3A_50] : memref<10000xf32, #tpu.memory_space<vmem>> -> memref<16xf32, #tpu.memory_space<vmem>>
          tpu.wait_dma2 semaphore(%run_scoped3A_37 : memref<!tpu.dma_semaphore, #tpu.memory_space<semaphore_mem>>) src(%dma_wait3A_51 : memref<16xf32, #tpu.memory_space<vmem>>) dst(%dma_wait3A_49 : memref<16xf32, #tpu.memory_space<hbm>>)
          tpu.yield
        }) : () -> ()
      } else {
      }
    } else {
    }
    %scan3A_26 = arith.constant 0 : i32
    %scan3A_27 = arith.constant 0 : i32
    %scan3A_28 = arith.constant 313 : i32
    %scan3A_29 = arith.addi %scan3A_27, %scan3A_28 : i32
    %scan3A_30 = arith.constant 1 : i32
    scf.for %scan3A_32 = %scan3A_27 to %scan3A_29 step %scan3A_30  : i32 {
      %mul3A_33 = arith.constant 16 : i32
      %mul3A_34 = arith.muli %scan3A_32, %mul3A_33 : i32
      %get3A = arith.index_cast %mul3A_34 : i32 to index
      %get3A_35 = tpu.vector_load %arg11[%get3A] {strides = array<i32>} : memref<5016xi32, #tpu.memory_space<vmem>>, vector<16xi32>,
      %gather3A = tpu.vector_load_idx %arg10[%get3A_35] : memref<10000xf32, #tpu.memory_space<vmem>>[vector<16xi32>], vector<16xf32>,
      %swap3A_36 = arith.index_cast %mul3A_34 : i32 to index
      %swap3A_37 = tpu.vector_load %arg12[%swap3A_36] {strides = array<i32>} : memref<5016xf32, #tpu.memory_space<vmem>>, vector<16xf32>,
      tpu.vector_store %arg12[%swap3A_36], %gather3A {strides = array<i32>} : memref<5016xf32, #tpu.memory_space<vmem>>, vector<16xf32>,
    }
    %scan3A_31 = arith.constant 313 : i32
    "tpu.region"() ({
      %run_scoped3A_32 = tpu.sem_alloc : memref<!tpu.dma_semaphore, #tpu.memory_space<semaphore_mem>>
      %dma_start3A = arith.constant 0 : i32
      %dma_start3A_33 = tpu.memref_slice %arg12[%dma_start3A] : memref<5016xf32, #tpu.memory_space<vmem>> -> memref<5000xf32, #tpu.memory_space<vmem>>
      %dma_start3A_34 = tpu.memref_slice %arg7[%mul3A_6] : memref<160000xf32, #tpu.memory_space<hbm>> -> memref<5000xf32, #tpu.memory_space<hbm>>
      %dma_start3A_35 = tpu.memref_slice %arg7[%mul3A_6] : memref<160000xf32, #tpu.memory_space<hbm>> -> memref<5000xf32, #tpu.memory_space<hbm>>
      %dma_start3A_36 = arith.constant 0 : i32
      %dma_start3A_37 = tpu.memref_slice %arg12[%dma_start3A_36] : memref<5016xf32, #tpu.memory_space<vmem>> -> memref<5000xf32, #tpu.memory_space<vmem>>
      tpu.enqueue_dma source(%dma_start3A_37 : memref<5000xf32, #tpu.memory_space<vmem>>) target(%dma_start3A_35 : memref<5000xf32, #tpu.memory_space<hbm>>) target_semaphore(%run_scoped3A_32 : memref<!tpu.dma_semaphore, #tpu.memory_space<semaphore_mem>>)
      %dma_wait3A = arith.constant 0 : i32
      %dma_wait3A_38 = tpu.memref_slice %arg12[%dma_wait3A] : memref<5016xf32, #tpu.memory_space<vmem>> -> memref<5000xf32, #tpu.memory_space<vmem>>
      %dma_wait3A_39 = tpu.memref_slice %arg7[%mul3A_6] : memref<160000xf32, #tpu.memory_space<hbm>> -> memref<5000xf32, #tpu.memory_space<hbm>>
      %dma_wait3A_40 = tpu.memref_slice %arg7[%mul3A_6] : memref<160000xf32, #tpu.memory_space<hbm>> -> memref<5000xf32, #tpu.memory_space<hbm>>
      %dma_wait3A_41 = arith.constant 0 : i32
      %dma_wait3A_42 = tpu.memref_slice %arg12[%dma_wait3A_41] : memref<5016xf32, #tpu.memory_space<vmem>> -> memref<5000xf32, #tpu.memory_space<vmem>>
      tpu.wait_dma2 semaphore(%run_scoped3A_32 : memref<!tpu.dma_semaphore, #tpu.memory_space<semaphore_mem>>) src(%dma_wait3A_42 : memref<5000xf32, #tpu.memory_space<vmem>>) dst(%dma_wait3A_40 : memref<5000xf32, #tpu.memory_space<hbm>>)
      tpu.yield
    }) : () -> ()
    return
  }
}

#map = affine_map<(d0, d1) -> (0, 0)>
#map1 = affine_map<(d0, d1) -> (0, 0, 0)>
module attributes {stable_mosaic.version = 14 : i64} {
  func.func @_edge_update_kernel(%arg0: i32, %arg1: i32, %arg2: memref<10000x16xf32, #tpu.memory_space<hbm>>, %arg3: memref<160000x16xf32, #tpu.memory_space<hbm>>, %arg4: memref<32x40x128xi32, #tpu.memory_space<hbm>>, %arg5: memref<32x40x128xi32, #tpu.memory_space<hbm>>, %arg6: memref<160000x16xf32, #tpu.memory_space<hbm>>, %arg7: memref<40x128xi32, #tpu.memory_space<vmem>>, %arg8: memref<40x128xi32, #tpu.memory_space<vmem>>, %arg9: memref<128x16xf32, #tpu.memory_space<vmem>>, %arg10: memref<128x16xf32, #tpu.memory_space<vmem>>, %arg11: memref<128x16xf32, #tpu.memory_space<vmem>>, %arg12: memref<128x16xf32, #tpu.memory_space<vmem>>, %arg13: memref<128x16xf32, #tpu.memory_space<vmem>>, %arg14: memref<128x16xf32, #tpu.memory_space<vmem>>, %arg15: memref<128x16xf32, #tpu.memory_space<vmem>>, %arg16: memref<128x16xf32, #tpu.memory_space<vmem>>, %arg17: memref<!tpu.dma_semaphore, #tpu.memory_space<semaphore_mem>>, %arg18: memref<!tpu.dma_semaphore, #tpu.memory_space<semaphore_mem>>, %arg19: memref<!tpu.dma_semaphore, #tpu.memory_space<semaphore_mem>>, %arg20: memref<!tpu.dma_semaphore, #tpu.memory_space<semaphore_mem>>, %arg21: memref<!tpu.dma_semaphore, #tpu.memory_space<semaphore_mem>>, %arg22: memref<!tpu.dma_semaphore, #tpu.memory_space<semaphore_mem>>, %arg23: memref<!tpu.dma_semaphore, #tpu.memory_space<semaphore_mem>>, %arg24: memref<!tpu.dma_semaphore, #tpu.memory_space<semaphore_mem>>) attributes {dimension_semantics = [#tpu.dimension_semantics<core_parallel>, #tpu.dimension_semantics<subcore_parallel>], iteration_bounds = array<i64: 2, 16>, scalar_prefetch = 0 : i64, scratch_operands = 18 : i64, tpu.core_type = #tpu.core_type<sc_vector_subcore>, window_params = [{transform_indices = #map}, {transform_indices = #map}, {transform_indices = #map1}, {transform_indices = #map1}, {transform_indices = #map}]} {
    %mul3A = arith.constant 16 : i32
    %mul3A_0 = arith.muli %arg0, %mul3A : i32
    %add3A = arith.addi %mul3A_0, %arg1 : i32
    %mul3A_1 = arith.constant 4992 : i32
    %mul3A_2 = arith.muli %add3A, %mul3A_1 : i32
    %lt3A = arith.constant 2 : i32
    %lt3A_3 = arith.cmpi slt, %add3A, %lt3A : i32
    %jit3A = arith.constant 40 : i32
    %jit3A_4 = arith.constant 39 : i32
    %select_n3A = arith.select %lt3A_3, %jit3A, %jit3A_4 : i32
    "tpu.region"() ({
      %run_scoped3A = tpu.sem_alloc : memref<!tpu.dma_semaphore, #tpu.memory_space<semaphore_mem>>
      %dma_start3A_35 = arith.constant 0 : i32
      %dma_start3A_36 = arith.constant 0 : i32
      %dma_start3A_37 = tpu.memref_slice %arg4[%add3A, %dma_start3A_35, %dma_start3A_36] : memref<32x40x128xi32, #tpu.memory_space<hbm>> -> memref<1x40x128xi32, #tpu.memory_space<hbm>>
      %dma_start3A_38 = tpu.memref_squeeze %dma_start3A_37 : memref<1x40x128xi32, #tpu.memory_space<hbm>> -> memref<40x128xi32, #tpu.memory_space<hbm>>
      %dma_start3A_39 = arith.constant 0 : i32
      %dma_start3A_40 = arith.constant 0 : i32
      %dma_start3A_41 = tpu.memref_slice %arg4[%add3A, %dma_start3A_39, %dma_start3A_40] : memref<32x40x128xi32, #tpu.memory_space<hbm>> -> memref<1x40x128xi32, #tpu.memory_space<hbm>>
      %dma_start3A_42 = tpu.memref_squeeze %dma_start3A_41 : memref<1x40x128xi32, #tpu.memory_space<hbm>> -> memref<40x128xi32, #tpu.memory_space<hbm>>
      tpu.enqueue_dma source(%dma_start3A_42 : memref<40x128xi32, #tpu.memory_space<hbm>>) target(%arg7 : memref<40x128xi32, #tpu.memory_space<vmem>>) target_semaphore(%run_scoped3A : memref<!tpu.dma_semaphore, #tpu.memory_space<semaphore_mem>>)
      %dma_wait3A = arith.constant 0 : i32
      %dma_wait3A_43 = arith.constant 0 : i32
      %dma_wait3A_44 = tpu.memref_slice %arg4[%add3A, %dma_wait3A, %dma_wait3A_43] : memref<32x40x128xi32, #tpu.memory_space<hbm>> -> memref<1x40x128xi32, #tpu.memory_space<hbm>>
      %dma_wait3A_45 = tpu.memref_squeeze %dma_wait3A_44 : memref<1x40x128xi32, #tpu.memory_space<hbm>> -> memref<40x128xi32, #tpu.memory_space<hbm>>
      %dma_wait3A_46 = arith.constant 0 : i32
      %dma_wait3A_47 = arith.constant 0 : i32
      %dma_wait3A_48 = tpu.memref_slice %arg4[%add3A, %dma_wait3A_46, %dma_wait3A_47] : memref<32x40x128xi32, #tpu.memory_space<hbm>> -> memref<1x40x128xi32, #tpu.memory_space<hbm>>
      %dma_wait3A_49 = tpu.memref_squeeze %dma_wait3A_48 : memref<1x40x128xi32, #tpu.memory_space<hbm>> -> memref<40x128xi32, #tpu.memory_space<hbm>>
      tpu.wait_dma2 semaphore(%run_scoped3A : memref<!tpu.dma_semaphore, #tpu.memory_space<semaphore_mem>>) src(%dma_wait3A_49 : memref<40x128xi32, #tpu.memory_space<hbm>>) dst(%arg7 : memref<40x128xi32, #tpu.memory_space<vmem>>)
      tpu.yield
    }) : () -> ()
    "tpu.region"() ({
      %run_scoped3A = tpu.sem_alloc : memref<!tpu.dma_semaphore, #tpu.memory_space<semaphore_mem>>
      %dma_start3A_35 = arith.constant 0 : i32
      %dma_start3A_36 = arith.constant 0 : i32
      %dma_start3A_37 = tpu.memref_slice %arg5[%add3A, %dma_start3A_35, %dma_start3A_36] : memref<32x40x128xi32, #tpu.memory_space<hbm>> -> memref<1x40x128xi32, #tpu.memory_space<hbm>>
      %dma_start3A_38 = tpu.memref_squeeze %dma_start3A_37 : memref<1x40x128xi32, #tpu.memory_space<hbm>> -> memref<40x128xi32, #tpu.memory_space<hbm>>
      %dma_start3A_39 = arith.constant 0 : i32
      %dma_start3A_40 = arith.constant 0 : i32
      %dma_start3A_41 = tpu.memref_slice %arg5[%add3A, %dma_start3A_39, %dma_start3A_40] : memref<32x40x128xi32, #tpu.memory_space<hbm>> -> memref<1x40x128xi32, #tpu.memory_space<hbm>>
      %dma_start3A_42 = tpu.memref_squeeze %dma_start3A_41 : memref<1x40x128xi32, #tpu.memory_space<hbm>> -> memref<40x128xi32, #tpu.memory_space<hbm>>
      tpu.enqueue_dma source(%dma_start3A_42 : memref<40x128xi32, #tpu.memory_space<hbm>>) target(%arg8 : memref<40x128xi32, #tpu.memory_space<vmem>>) target_semaphore(%run_scoped3A : memref<!tpu.dma_semaphore, #tpu.memory_space<semaphore_mem>>)
      %dma_wait3A = arith.constant 0 : i32
      %dma_wait3A_43 = arith.constant 0 : i32
      %dma_wait3A_44 = tpu.memref_slice %arg5[%add3A, %dma_wait3A, %dma_wait3A_43] : memref<32x40x128xi32, #tpu.memory_space<hbm>> -> memref<1x40x128xi32, #tpu.memory_space<hbm>>
      %dma_wait3A_45 = tpu.memref_squeeze %dma_wait3A_44 : memref<1x40x128xi32, #tpu.memory_space<hbm>> -> memref<40x128xi32, #tpu.memory_space<hbm>>
      %dma_wait3A_46 = arith.constant 0 : i32
      %dma_wait3A_47 = arith.constant 0 : i32
      %dma_wait3A_48 = tpu.memref_slice %arg5[%add3A, %dma_wait3A_46, %dma_wait3A_47] : memref<32x40x128xi32, #tpu.memory_space<hbm>> -> memref<1x40x128xi32, #tpu.memory_space<hbm>>
      %dma_wait3A_49 = tpu.memref_squeeze %dma_wait3A_48 : memref<1x40x128xi32, #tpu.memory_space<hbm>> -> memref<40x128xi32, #tpu.memory_space<hbm>>
      tpu.wait_dma2 semaphore(%run_scoped3A : memref<!tpu.dma_semaphore, #tpu.memory_space<semaphore_mem>>) src(%dma_wait3A_49 : memref<40x128xi32, #tpu.memory_space<hbm>>) dst(%arg8 : memref<40x128xi32, #tpu.memory_space<vmem>>)
      tpu.yield
    }) : () -> ()
    %dma_start3A = arith.constant 0 : i32
    %dma_start3A_5 = arith.constant 0 : i32
    %dma_start3A_6 = tpu.memref_slice %arg7[%dma_start3A, %dma_start3A_5] : memref<40x128xi32, #tpu.memory_space<vmem>> -> memref<1x128xi32, #tpu.memory_space<vmem>>
    %dma_start3A_7 = tpu.memref_squeeze %dma_start3A_6 : memref<1x128xi32, #tpu.memory_space<vmem>> -> memref<128xi32, #tpu.memory_space<vmem>>
    %dma_start3A_8 = arith.constant 0 : i32
    %dma_start3A_9 = arith.constant 0 : i32
    %dma_start3A_10 = tpu.memref_slice %arg2[%dma_start3A_8, %dma_start3A_9] : memref<10000x16xf32, #tpu.memory_space<hbm>> -> memref<10000x16xf32, #tpu.memory_space<hbm>>
    tpu.enqueue_indirect_dma source(%dma_start3A_10 : memref<10000x16xf32, #tpu.memory_space<hbm>>) target(%arg9 : memref<128x16xf32, #tpu.memory_space<vmem>>) offsets(%dma_start3A_7 : memref<128xi32, #tpu.memory_space<vmem>>) semaphore(%arg17 : memref<!tpu.dma_semaphore, #tpu.memory_space<semaphore_mem>>)
    %dma_start3A_11 = arith.constant 0 : i32
    %dma_start3A_12 = arith.constant 0 : i32
    %dma_start3A_13 = tpu.memref_slice %arg8[%dma_start3A_11, %dma_start3A_12] : memref<40x128xi32, #tpu.memory_space<vmem>> -> memref<1x128xi32, #tpu.memory_space<vmem>>
    %dma_start3A_14 = tpu.memref_squeeze %dma_start3A_13 : memref<1x128xi32, #tpu.memory_space<vmem>> -> memref<128xi32, #tpu.memory_space<vmem>>
    %dma_start3A_15 = arith.constant 0 : i32
    %dma_start3A_16 = arith.constant 0 : i32
    %dma_start3A_17 = tpu.memref_slice %arg2[%dma_start3A_15, %dma_start3A_16] : memref<10000x16xf32, #tpu.memory_space<hbm>> -> memref<10000x16xf32, #tpu.memory_space<hbm>>
    tpu.enqueue_indirect_dma source(%dma_start3A_17 : memref<10000x16xf32, #tpu.memory_space<hbm>>) target(%arg11 : memref<128x16xf32, #tpu.memory_space<vmem>>) offsets(%dma_start3A_14 : memref<128xi32, #tpu.memory_space<vmem>>) semaphore(%arg19 : memref<!tpu.dma_semaphore, #tpu.memory_space<semaphore_mem>>)
    %add3A_18 = arith.constant 0 : i32
    %add3A_19 = arith.addi %mul3A_2, %add3A_18 : i32
    %mul3A_20 = arith.constant 128 : i32
    %mul3A_21 = arith.muli %add3A, %mul3A_20 : i32
    %add3A_22 = arith.constant 159744 : i32
    %add3A_23 = arith.addi %add3A_22, %mul3A_21 : i32
    %jit3A_24 = arith.constant true
    %select_n3A_25 = arith.select %jit3A_24, %add3A_19, %add3A_23 : i32
    %dma_start3A_26 = arith.constant 0 : i32
    %dma_start3A_27 = tpu.memref_slice %arg3[%select_n3A_25, %dma_start3A_26] : memref<160000x16xf32, #tpu.memory_space<hbm>> -> memref<128x16xf32, #tpu.memory_space<hbm>>
    %dma_start3A_28 = arith.constant 0 : i32
    %dma_start3A_29 = tpu.memref_slice %arg3[%select_n3A_25, %dma_start3A_28] : memref<160000x16xf32, #tpu.memory_space<hbm>> -> memref<128x16xf32, #tpu.memory_space<hbm>>
    tpu.enqueue_dma source(%dma_start3A_29 : memref<128x16xf32, #tpu.memory_space<hbm>>) target(%arg13 : memref<128x16xf32, #tpu.memory_space<vmem>>) target_semaphore(%arg21 : memref<!tpu.dma_semaphore, #tpu.memory_space<semaphore_mem>>)
    %scan3A = arith.constant 0 : i32
    %scan3A_30 = arith.constant 0 : i32
    %scan3A_31 = arith.constant 40 : i32
    %scan3A_32 = arith.addi %scan3A_30, %scan3A_31 : i32
    %scan3A_33 = arith.constant 1 : i32
    scf.for %scan3A_35 = %scan3A_30 to %scan3A_32 step %scan3A_33  : i32 {
      %lt3A_36 = arith.cmpi slt, %scan3A_35, %select_n3A : i32
      %convert_element_type3A = arith.extui %lt3A_36 : i1 to i32
      %cond3A = arith.constant 0 : i32
      %cond3A_37 = arith.cmpi ne, %convert_element_type3A, %cond3A : i32
      scf.if %cond3A_37 {
        %jit3A_38 = arith.constant 2 : i32
        %eq3A = arith.constant 0 : i32
        %eq3A_39 = arith.cmpi eq, %jit3A_38, %eq3A : i32
        %jit3A_40 = arith.constant 1 : i32
        %select_n3A_41 = arith.select %eq3A_39, %jit3A_40, %jit3A_38 : i32
        %rem3A = arith.remsi %scan3A_35, %select_n3A_41 : i32
        %ne3A = arith.constant 0 : i32
        %ne3A_42 = arith.cmpi ne, %rem3A, %ne3A : i32
        %lt3A_43 = arith.constant 0 : i32
        %lt3A_44 = arith.cmpi slt, %rem3A, %lt3A_43 : i32
        %lt3A_45 = arith.constant 0 : i32
        %lt3A_46 = arith.cmpi slt, %select_n3A_41, %lt3A_45 : i32
        %ne3A_47 = arith.xori %lt3A_44, %lt3A_46 : i1
        %and3A = arith.andi %ne3A_47, %ne3A_42 : i1
        %add3A_48 = arith.addi %rem3A, %select_n3A_41 : i32
        %select_n3A_49 = arith.select %and3A, %add3A_48, %rem3A : i32
        %eq3A_50 = arith.constant 0 : i32
        %eq3A_51 = arith.cmpi eq, %select_n3A_49, %eq3A_50 : i32
        %convert_element_type3A_52 = arith.extui %eq3A_51 : i1 to i32
        %cond3A_53 = arith.constant 0 : i32
        %cond3A_54 = arith.cmpi ne, %convert_element_type3A_52, %cond3A_53 : i32
        scf.if %cond3A_54 {
          %add3A_76 = arith.constant 1 : i32
          %add3A_77 = arith.addi %scan3A_35, %add3A_76 : i32
          %lt3A_78 = arith.cmpi slt, %add3A_77, %select_n3A : i32
          %convert_element_type3A_79 = arith.extui %lt3A_78 : i1 to i32
          %cond3A_80 = arith.constant 0 : i32
          %cond3A_81 = arith.cmpi ne, %convert_element_type3A_79, %cond3A_80 : i32
          scf.if %cond3A_81 {
            %add3A_137 = arith.constant 1 : i32
            %add3A_138 = arith.addi %scan3A_35, %add3A_137 : i32
            %dma_start3A_139 = arith.constant 0 : i32
            %dma_start3A_140 = tpu.memref_slice %arg7[%add3A_138, %dma_start3A_139] : memref<40x128xi32, #tpu.memory_space<vmem>> -> memref<1x128xi32, #tpu.memory_space<vmem>>
            %dma_start3A_141 = tpu.memref_squeeze %dma_start3A_140 : memref<1x128xi32, #tpu.memory_space<vmem>> -> memref<128xi32, #tpu.memory_space<vmem>>
            %dma_start3A_142 = arith.constant 0 : i32
            %dma_start3A_143 = arith.constant 0 : i32
            %dma_start3A_144 = tpu.memref_slice %arg2[%dma_start3A_142, %dma_start3A_143] : memref<10000x16xf32, #tpu.memory_space<hbm>> -> memref<10000x16xf32, #tpu.memory_space<hbm>>
            tpu.enqueue_indirect_dma source(%dma_start3A_144 : memref<10000x16xf32, #tpu.memory_space<hbm>>) target(%arg10 : memref<128x16xf32, #tpu.memory_space<vmem>>) offsets(%dma_start3A_141 : memref<128xi32, #tpu.memory_space<vmem>>) semaphore(%arg18 : memref<!tpu.dma_semaphore, #tpu.memory_space<semaphore_mem>>)
            %dma_start3A_145 = arith.constant 0 : i32
            %dma_start3A_146 = tpu.memref_slice %arg8[%add3A_138, %dma_start3A_145] : memref<40x128xi32, #tpu.memory_space<vmem>> -> memref<1x128xi32, #tpu.memory_space<vmem>>
            %dma_start3A_147 = tpu.memref_squeeze %dma_start3A_146 : memref<1x128xi32, #tpu.memory_space<vmem>> -> memref<128xi32, #tpu.memory_space<vmem>>
            %dma_start3A_148 = arith.constant 0 : i32
            %dma_start3A_149 = arith.constant 0 : i32
            %dma_start3A_150 = tpu.memref_slice %arg2[%dma_start3A_148, %dma_start3A_149] : memref<10000x16xf32, #tpu.memory_space<hbm>> -> memref<10000x16xf32, #tpu.memory_space<hbm>>
            tpu.enqueue_indirect_dma source(%dma_start3A_150 : memref<10000x16xf32, #tpu.memory_space<hbm>>) target(%arg12 : memref<128x16xf32, #tpu.memory_space<vmem>>) offsets(%dma_start3A_147 : memref<128xi32, #tpu.memory_space<vmem>>) semaphore(%arg20 : memref<!tpu.dma_semaphore, #tpu.memory_space<semaphore_mem>>)
            %lt3A_151 = arith.constant 39 : i32
            %lt3A_152 = arith.cmpi slt, %add3A_138, %lt3A_151 : i32
            %mul3A_153 = arith.constant 128 : i32
            %mul3A_154 = arith.muli %add3A_138, %mul3A_153 : i32
            %add3A_155 = arith.addi %mul3A_2, %mul3A_154 : i32
            %mul3A_156 = arith.constant 128 : i32
            %mul3A_157 = arith.muli %add3A, %mul3A_156 : i32
            %add3A_158 = arith.constant 159744 : i32
            %add3A_159 = arith.addi %add3A_158, %mul3A_157 : i32
            %select_n3A_160 = arith.select %lt3A_152, %add3A_155, %add3A_159 : i32
            %dma_start3A_161 = arith.constant 0 : i32
            %dma_start3A_162 = tpu.memref_slice %arg3[%select_n3A_160, %dma_start3A_161] : memref<160000x16xf32, #tpu.memory_space<hbm>> -> memref<128x16xf32, #tpu.memory_space<hbm>>
            %dma_start3A_163 = arith.constant 0 : i32
            %dma_start3A_164 = tpu.memref_slice %arg3[%select_n3A_160, %dma_start3A_163] : memref<160000x16xf32, #tpu.memory_space<hbm>> -> memref<128x16xf32, #tpu.memory_space<hbm>>
            tpu.enqueue_dma source(%dma_start3A_164 : memref<128x16xf32, #tpu.memory_space<hbm>>) target(%arg14 : memref<128x16xf32, #tpu.memory_space<vmem>>) target_semaphore(%arg22 : memref<!tpu.dma_semaphore, #tpu.memory_space<semaphore_mem>>)
          } else {
          }
          %dma_wait3A = arith.constant 0 : i32
          %dma_wait3A_82 = tpu.memref_slice %arg7[%scan3A_35, %dma_wait3A] : memref<40x128xi32, #tpu.memory_space<vmem>> -> memref<1x128xi32, #tpu.memory_space<vmem>>
          %dma_wait3A_83 = tpu.memref_squeeze %dma_wait3A_82 : memref<1x128xi32, #tpu.memory_space<vmem>> -> memref<128xi32, #tpu.memory_space<vmem>>
          %dma_wait3A_84 = arith.constant 0 : i32
          %dma_wait3A_85 = arith.constant 0 : i32
          %dma_wait3A_86 = tpu.memref_slice %arg2[%dma_wait3A_84, %dma_wait3A_85] : memref<10000x16xf32, #tpu.memory_space<hbm>> -> memref<10000x16xf32, #tpu.memory_space<hbm>>
          tpu.wait_indirect_dma semaphore(%arg17 : memref<!tpu.dma_semaphore, #tpu.memory_space<semaphore_mem>>) src(%dma_wait3A_86 : memref<10000x16xf32, #tpu.memory_space<hbm>>) dst(%arg9 : memref<128x16xf32, #tpu.memory_space<vmem>>)
          %dma_wait3A_87 = arith.constant 0 : i32
          %dma_wait3A_88 = tpu.memref_slice %arg8[%scan3A_35, %dma_wait3A_87] : memref<40x128xi32, #tpu.memory_space<vmem>> -> memref<1x128xi32, #tpu.memory_space<vmem>>
          %dma_wait3A_89 = tpu.memref_squeeze %dma_wait3A_88 : memref<1x128xi32, #tpu.memory_space<vmem>> -> memref<128xi32, #tpu.memory_space<vmem>>
          %dma_wait3A_90 = arith.constant 0 : i32
          %dma_wait3A_91 = arith.constant 0 : i32
          %dma_wait3A_92 = tpu.memref_slice %arg2[%dma_wait3A_90, %dma_wait3A_91] : memref<10000x16xf32, #tpu.memory_space<hbm>> -> memref<10000x16xf32, #tpu.memory_space<hbm>>
          tpu.wait_indirect_dma semaphore(%arg19 : memref<!tpu.dma_semaphore, #tpu.memory_space<semaphore_mem>>) src(%dma_wait3A_92 : memref<10000x16xf32, #tpu.memory_space<hbm>>) dst(%arg11 : memref<128x16xf32, #tpu.memory_space<vmem>>)
          %lt3A_93 = arith.constant 39 : i32
          %lt3A_94 = arith.cmpi slt, %scan3A_35, %lt3A_93 : i32
          %mul3A_95 = arith.constant 128 : i32
          %mul3A_96 = arith.muli %scan3A_35, %mul3A_95 : i32
          %add3A_97 = arith.addi %mul3A_2, %mul3A_96 : i32
          %mul3A_98 = arith.constant 128 : i32
          %mul3A_99 = arith.muli %add3A, %mul3A_98 : i32
          %add3A_100 = arith.constant 159744 : i32
          %add3A_101 = arith.addi %add3A_100, %mul3A_99 : i32
          %select_n3A_102 = arith.select %lt3A_94, %add3A_97, %add3A_101 : i32
          %dma_wait3A_103 = arith.constant 0 : i32
          %dma_wait3A_104 = tpu.memref_slice %arg3[%select_n3A_102, %dma_wait3A_103] : memref<160000x16xf32, #tpu.memory_space<hbm>> -> memref<128x16xf32, #tpu.memory_space<hbm>>
          %dma_wait3A_105 = arith.constant 0 : i32
          %dma_wait3A_106 = tpu.memref_slice %arg3[%select_n3A_102, %dma_wait3A_105] : memref<160000x16xf32, #tpu.memory_space<hbm>> -> memref<128x16xf32, #tpu.memory_space<hbm>>
          tpu.wait_dma2 semaphore(%arg21 : memref<!tpu.dma_semaphore, #tpu.memory_space<semaphore_mem>>) src(%dma_wait3A_106 : memref<128x16xf32, #tpu.memory_space<hbm>>) dst(%arg13 : memref<128x16xf32, #tpu.memory_space<vmem>>)
          %ge3A = arith.constant 2 : i32
          %ge3A_107 = arith.cmpi sge, %scan3A_35, %ge3A : i32
          %convert_element_type3A_108 = arith.extui %ge3A_107 : i1 to i32
          %cond3A_109 = arith.constant 0 : i32
          %cond3A_110 = arith.cmpi ne, %convert_element_type3A_108, %cond3A_109 : i32
          scf.if %cond3A_110 {
            %sub3A = arith.constant 2 : i32
            %sub3A_137 = arith.subi %scan3A_35, %sub3A : i32
            %lt3A_138 = arith.constant 39 : i32
            %lt3A_139 = arith.cmpi slt, %sub3A_137, %lt3A_138 : i32
            %mul3A_140 = arith.constant 128 : i32
            %mul3A_141 = arith.muli %sub3A_137, %mul3A_140 : i32
            %add3A_142 = arith.addi %mul3A_2, %mul3A_141 : i32
            %mul3A_143 = arith.constant 128 : i32
            %mul3A_144 = arith.muli %add3A, %mul3A_143 : i32
            %add3A_145 = arith.constant 159744 : i32
            %add3A_146 = arith.addi %add3A_145, %mul3A_144 : i32
            %select_n3A_147 = arith.select %lt3A_139, %add3A_142, %add3A_146 : i32
            %dma_wait3A_148 = arith.constant 0 : i32
            %dma_wait3A_149 = tpu.memref_slice %arg6[%select_n3A_147, %dma_wait3A_148] : memref<160000x16xf32, #tpu.memory_space<hbm>> -> memref<128x16xf32, #tpu.memory_space<hbm>>
            %dma_wait3A_150 = arith.constant 0 : i32
            %dma_wait3A_151 = tpu.memref_slice %arg6[%select_n3A_147, %dma_wait3A_150] : memref<160000x16xf32, #tpu.memory_space<hbm>> -> memref<128x16xf32, #tpu.memory_space<hbm>>
            tpu.wait_dma2 semaphore(%arg23 : memref<!tpu.dma_semaphore, #tpu.memory_space<semaphore_mem>>) src(%arg15 : memref<128x16xf32, #tpu.memory_space<vmem>>) dst(%dma_wait3A_151 : memref<128x16xf32, #tpu.memory_space<hbm>>)
          } else {
          }
          %scan3A_111 = arith.constant 0 : i32
          %scan3A_112 = arith.constant 0 : i32
          %scan3A_113 = arith.constant 128 : i32
          %scan3A_114 = arith.addi %scan3A_112, %scan3A_113 : i32
          %scan3A_115 = arith.constant 1 : i32
          scf.for %scan3A_137 = %scan3A_112 to %scan3A_114 step %scan3A_115  : i32 {
            %get3A = arith.index_cast %scan3A_137 : i32 to index
            %get3A_138 = arith.constant 0 : index
            %get3A_139 = tpu.vector_load %arg9[%get3A, %get3A_138] {strides = array<i32>} : memref<128x16xf32, #tpu.memory_space<vmem>>, vector<1x16xf32>,
            %get3A_140 = vector.shape_cast %get3A_139 : vector<1x16xf32> to vector<16xf32>
            %get3A_141 = arith.index_cast %scan3A_137 : i32 to index
            %get3A_142 = arith.constant 0 : index
            %get3A_143 = tpu.vector_load %arg11[%get3A_141, %get3A_142] {strides = array<i32>} : memref<128x16xf32, #tpu.memory_space<vmem>>, vector<1x16xf32>,
            %get3A_144 = vector.shape_cast %get3A_143 : vector<1x16xf32> to vector<16xf32>
            %add3A_145 = arith.addf %get3A_140, %get3A_144 : vector<16xf32>
            %get3A_146 = arith.index_cast %scan3A_137 : i32 to index
            %get3A_147 = arith.constant 0 : index
            %get3A_148 = tpu.vector_load %arg13[%get3A_146, %get3A_147] {strides = array<i32>} : memref<128x16xf32, #tpu.memory_space<vmem>>, vector<1x16xf32>,
            %get3A_149 = vector.shape_cast %get3A_148 : vector<1x16xf32> to vector<16xf32>
            %add3A_150 = arith.addf %add3A_145, %get3A_149 : vector<16xf32>
            %max3A = arith.constant 0.000000e+00 : f32
            %max3A_151 = vector.broadcast %max3A : f32 to vector<16xf32>
            %max3A_152 = arith.maximumf %add3A_150, %max3A_151 : vector<16xf32>
            %swap3A = arith.index_cast %scan3A_137 : i32 to index
            %swap3A_153 = arith.constant 0 : index
            %swap3A_154 = tpu.vector_load %arg15[%swap3A, %swap3A_153] {strides = array<i32>} : memref<128x16xf32, #tpu.memory_space<vmem>>, vector<1x16xf32>,
            %swap3A_155 = vector.shape_cast %swap3A_154 : vector<1x16xf32> to vector<16xf32>
            %swap3A_156 = vector.shape_cast %max3A_152 : vector<16xf32> to vector<1x16xf32>
            tpu.vector_store %arg15[%swap3A, %swap3A_153], %swap3A_156 {strides = array<i32>} : memref<128x16xf32, #tpu.memory_space<vmem>>, vector<1x16xf32>,
          }
          %scan3A_116 = arith.constant 128 : i32
          %lt3A_117 = arith.constant 39 : i32
          %lt3A_118 = arith.cmpi slt, %scan3A_35, %lt3A_117 : i32
          %mul3A_119 = arith.constant 128 : i32
          %mul3A_120 = arith.muli %scan3A_35, %mul3A_119 : i32
          %add3A_121 = arith.addi %mul3A_2, %mul3A_120 : i32
          %mul3A_122 = arith.constant 128 : i32
          %mul3A_123 = arith.muli %add3A, %mul3A_122 : i32
          %add3A_124 = arith.constant 159744 : i32
          %add3A_125 = arith.addi %add3A_124, %mul3A_123 : i32
          %select_n3A_126 = arith.select %lt3A_118, %add3A_121, %add3A_125 : i32
          %dma_start3A_127 = arith.constant 0 : i32
          %dma_start3A_128 = tpu.memref_slice %arg6[%select_n3A_126, %dma_start3A_127] : memref<160000x16xf32, #tpu.memory_space<hbm>> -> memref<128x16xf32, #tpu.memory_space<hbm>>
          %dma_start3A_129 = arith.constant 0 : i32
          %dma_start3A_130 = tpu.memref_slice %arg6[%select_n3A_126, %dma_start3A_129] : memref<160000x16xf32, #tpu.memory_space<hbm>> -> memref<128x16xf32, #tpu.memory_space<hbm>>
          tpu.enqueue_dma source(%arg15 : memref<128x16xf32, #tpu.memory_space<vmem>>) target(%dma_start3A_130 : memref<128x16xf32, #tpu.memory_space<hbm>>) target_semaphore(%arg23 : memref<!tpu.dma_semaphore, #tpu.memory_space<semaphore_mem>>)
          %add3A_131 = arith.constant 1 : i32
          %add3A_132 = arith.addi %scan3A_35, %add3A_131 : i32
          %ge3A_133 = arith.cmpi sge, %add3A_132, %select_n3A : i32
          %convert_element_type3A_134 = arith.extui %ge3A_133 : i1 to i32
          %cond3A_135 = arith.constant 0 : i32
          %cond3A_136 = arith.cmpi ne, %convert_element_type3A_134, %cond3A_135 : i32
          scf.if %cond3A_136 {
            %lt3A_137 = arith.constant 39 : i32
            %lt3A_138 = arith.cmpi slt, %scan3A_35, %lt3A_137 : i32
            %mul3A_139 = arith.constant 128 : i32
            %mul3A_140 = arith.muli %scan3A_35, %mul3A_139 : i32
            %add3A_141 = arith.addi %mul3A_2, %mul3A_140 : i32
            %mul3A_142 = arith.constant 128 : i32
            %mul3A_143 = arith.muli %add3A, %mul3A_142 : i32
            %add3A_144 = arith.constant 159744 : i32
            %add3A_145 = arith.addi %add3A_144, %mul3A_143 : i32
            %select_n3A_146 = arith.select %lt3A_138, %add3A_141, %add3A_145 : i32
            %dma_wait3A_147 = arith.constant 0 : i32
            %dma_wait3A_148 = tpu.memref_slice %arg6[%select_n3A_146, %dma_wait3A_147] : memref<160000x16xf32, #tpu.memory_space<hbm>> -> memref<128x16xf32, #tpu.memory_space<hbm>>
            %dma_wait3A_149 = arith.constant 0 : i32
            %dma_wait3A_150 = tpu.memref_slice %arg6[%select_n3A_146, %dma_wait3A_149] : memref<160000x16xf32, #tpu.memory_space<hbm>> -> memref<128x16xf32, #tpu.memory_space<hbm>>
            tpu.wait_dma2 semaphore(%arg23 : memref<!tpu.dma_semaphore, #tpu.memory_space<semaphore_mem>>) src(%arg15 : memref<128x16xf32, #tpu.memory_space<vmem>>) dst(%dma_wait3A_150 : memref<128x16xf32, #tpu.memory_space<hbm>>)
            %sub3A = arith.constant 1 : i32
            %sub3A_151 = arith.subi %scan3A_35, %sub3A : i32
            %lt3A_152 = arith.constant 39 : i32
            %lt3A_153 = arith.cmpi slt, %sub3A_151, %lt3A_152 : i32
            %mul3A_154 = arith.constant 128 : i32
            %mul3A_155 = arith.muli %sub3A_151, %mul3A_154 : i32
            %add3A_156 = arith.addi %mul3A_2, %mul3A_155 : i32
            %mul3A_157 = arith.constant 128 : i32
            %mul3A_158 = arith.muli %add3A, %mul3A_157 : i32
            %add3A_159 = arith.constant 159744 : i32
            %add3A_160 = arith.addi %add3A_159, %mul3A_158 : i32
            %select_n3A_161 = arith.select %lt3A_153, %add3A_156, %add3A_160 : i32
            %dma_wait3A_162 = arith.constant 0 : i32
            %dma_wait3A_163 = tpu.memref_slice %arg6[%select_n3A_161, %dma_wait3A_162] : memref<160000x16xf32, #tpu.memory_space<hbm>> -> memref<128x16xf32, #tpu.memory_space<hbm>>
            %dma_wait3A_164 = arith.constant 0 : i32
            %dma_wait3A_165 = tpu.memref_slice %arg6[%select_n3A_161, %dma_wait3A_164] : memref<160000x16xf32, #tpu.memory_space<hbm>> -> memref<128x16xf32, #tpu.memory_space<hbm>>
            tpu.wait_dma2 semaphore(%arg24 : memref<!tpu.dma_semaphore, #tpu.memory_space<semaphore_mem>>) src(%arg16 : memref<128x16xf32, #tpu.memory_space<vmem>>) dst(%dma_wait3A_165 : memref<128x16xf32, #tpu.memory_space<hbm>>)
          } else {
          }
        } else {
        }
        %jit3A_55 = arith.constant 2 : i32
        %eq3A_56 = arith.constant 0 : i32
        %eq3A_57 = arith.cmpi eq, %jit3A_55, %eq3A_56 : i32
        %jit3A_58 = arith.constant 1 : i32
        %select_n3A_59 = arith.select %eq3A_57, %jit3A_58, %jit3A_55 : i32
        %rem3A_60 = arith.remsi %scan3A_35, %select_n3A_59 : i32
        %ne3A_61 = arith.constant 0 : i32
        %ne3A_62 = arith.cmpi ne, %rem3A_60, %ne3A_61 : i32
        %lt3A_63 = arith.constant 0 : i32
        %lt3A_64 = arith.cmpi slt, %rem3A_60, %lt3A_63 : i32
        %lt3A_65 = arith.constant 0 : i32
        %lt3A_66 = arith.cmpi slt, %select_n3A_59, %lt3A_65 : i32
        %ne3A_67 = arith.xori %lt3A_64, %lt3A_66 : i1
        %and3A_68 = arith.andi %ne3A_67, %ne3A_62 : i1
        %add3A_69 = arith.addi %rem3A_60, %select_n3A_59 : i32
        %select_n3A_70 = arith.select %and3A_68, %add3A_69, %rem3A_60 : i32
        %eq3A_71 = arith.constant 1 : i32
        %eq3A_72 = arith.cmpi eq, %select_n3A_70, %eq3A_71 : i32
        %convert_element_type3A_73 = arith.extui %eq3A_72 : i1 to i32
        %cond3A_74 = arith.constant 0 : i32
        %cond3A_75 = arith.cmpi ne, %convert_element_type3A_73, %cond3A_74 : i32
        scf.if %cond3A_75 {
          %add3A_76 = arith.constant 1 : i32
          %add3A_77 = arith.addi %scan3A_35, %add3A_76 : i32
          %lt3A_78 = arith.cmpi slt, %add3A_77, %select_n3A : i32
          %convert_element_type3A_79 = arith.extui %lt3A_78 : i1 to i32
          %cond3A_80 = arith.constant 0 : i32
          %cond3A_81 = arith.cmpi ne, %convert_element_type3A_79, %cond3A_80 : i32
          scf.if %cond3A_81 {
            %add3A_137 = arith.constant 1 : i32
            %add3A_138 = arith.addi %scan3A_35, %add3A_137 : i32
            %dma_start3A_139 = arith.constant 0 : i32
            %dma_start3A_140 = tpu.memref_slice %arg7[%add3A_138, %dma_start3A_139] : memref<40x128xi32, #tpu.memory_space<vmem>> -> memref<1x128xi32, #tpu.memory_space<vmem>>
            %dma_start3A_141 = tpu.memref_squeeze %dma_start3A_140 : memref<1x128xi32, #tpu.memory_space<vmem>> -> memref<128xi32, #tpu.memory_space<vmem>>
            %dma_start3A_142 = arith.constant 0 : i32
            %dma_start3A_143 = arith.constant 0 : i32
            %dma_start3A_144 = tpu.memref_slice %arg2[%dma_start3A_142, %dma_start3A_143] : memref<10000x16xf32, #tpu.memory_space<hbm>> -> memref<10000x16xf32, #tpu.memory_space<hbm>>
            tpu.enqueue_indirect_dma source(%dma_start3A_144 : memref<10000x16xf32, #tpu.memory_space<hbm>>) target(%arg9 : memref<128x16xf32, #tpu.memory_space<vmem>>) offsets(%dma_start3A_141 : memref<128xi32, #tpu.memory_space<vmem>>) semaphore(%arg17 : memref<!tpu.dma_semaphore, #tpu.memory_space<semaphore_mem>>)
            %dma_start3A_145 = arith.constant 0 : i32
            %dma_start3A_146 = tpu.memref_slice %arg8[%add3A_138, %dma_start3A_145] : memref<40x128xi32, #tpu.memory_space<vmem>> -> memref<1x128xi32, #tpu.memory_space<vmem>>
            %dma_start3A_147 = tpu.memref_squeeze %dma_start3A_146 : memref<1x128xi32, #tpu.memory_space<vmem>> -> memref<128xi32, #tpu.memory_space<vmem>>
            %dma_start3A_148 = arith.constant 0 : i32
            %dma_start3A_149 = arith.constant 0 : i32
            %dma_start3A_150 = tpu.memref_slice %arg2[%dma_start3A_148, %dma_start3A_149] : memref<10000x16xf32, #tpu.memory_space<hbm>> -> memref<10000x16xf32, #tpu.memory_space<hbm>>
            tpu.enqueue_indirect_dma source(%dma_start3A_150 : memref<10000x16xf32, #tpu.memory_space<hbm>>) target(%arg11 : memref<128x16xf32, #tpu.memory_space<vmem>>) offsets(%dma_start3A_147 : memref<128xi32, #tpu.memory_space<vmem>>) semaphore(%arg19 : memref<!tpu.dma_semaphore, #tpu.memory_space<semaphore_mem>>)
            %lt3A_151 = arith.constant 39 : i32
            %lt3A_152 = arith.cmpi slt, %add3A_138, %lt3A_151 : i32
            %mul3A_153 = arith.constant 128 : i32
            %mul3A_154 = arith.muli %add3A_138, %mul3A_153 : i32
            %add3A_155 = arith.addi %mul3A_2, %mul3A_154 : i32
            %mul3A_156 = arith.constant 128 : i32
            %mul3A_157 = arith.muli %add3A, %mul3A_156 : i32
            %add3A_158 = arith.constant 159744 : i32
            %add3A_159 = arith.addi %add3A_158, %mul3A_157 : i32
            %select_n3A_160 = arith.select %lt3A_152, %add3A_155, %add3A_159 : i32
            %dma_start3A_161 = arith.constant 0 : i32
            %dma_start3A_162 = tpu.memref_slice %arg3[%select_n3A_160, %dma_start3A_161] : memref<160000x16xf32, #tpu.memory_space<hbm>> -> memref<128x16xf32, #tpu.memory_space<hbm>>
            %dma_start3A_163 = arith.constant 0 : i32
            %dma_start3A_164 = tpu.memref_slice %arg3[%select_n3A_160, %dma_start3A_163] : memref<160000x16xf32, #tpu.memory_space<hbm>> -> memref<128x16xf32, #tpu.memory_space<hbm>>
            tpu.enqueue_dma source(%dma_start3A_164 : memref<128x16xf32, #tpu.memory_space<hbm>>) target(%arg13 : memref<128x16xf32, #tpu.memory_space<vmem>>) target_semaphore(%arg21 : memref<!tpu.dma_semaphore, #tpu.memory_space<semaphore_mem>>)
          } else {
          }
          %dma_wait3A = arith.constant 0 : i32
          %dma_wait3A_82 = tpu.memref_slice %arg7[%scan3A_35, %dma_wait3A] : memref<40x128xi32, #tpu.memory_space<vmem>> -> memref<1x128xi32, #tpu.memory_space<vmem>>
          %dma_wait3A_83 = tpu.memref_squeeze %dma_wait3A_82 : memref<1x128xi32, #tpu.memory_space<vmem>> -> memref<128xi32, #tpu.memory_space<vmem>>
          %dma_wait3A_84 = arith.constant 0 : i32
          %dma_wait3A_85 = arith.constant 0 : i32
          %dma_wait3A_86 = tpu.memref_slice %arg2[%dma_wait3A_84, %dma_wait3A_85] : memref<10000x16xf32, #tpu.memory_space<hbm>> -> memref<10000x16xf32, #tpu.memory_space<hbm>>
          tpu.wait_indirect_dma semaphore(%arg18 : memref<!tpu.dma_semaphore, #tpu.memory_space<semaphore_mem>>) src(%dma_wait3A_86 : memref<10000x16xf32, #tpu.memory_space<hbm>>) dst(%arg10 : memref<128x16xf32, #tpu.memory_space<vmem>>)
          %dma_wait3A_87 = arith.constant 0 : i32
          %dma_wait3A_88 = tpu.memref_slice %arg8[%scan3A_35, %dma_wait3A_87] : memref<40x128xi32, #tpu.memory_space<vmem>> -> memref<1x128xi32, #tpu.memory_space<vmem>>
          %dma_wait3A_89 = tpu.memref_squeeze %dma_wait3A_88 : memref<1x128xi32, #tpu.memory_space<vmem>> -> memref<128xi32, #tpu.memory_space<vmem>>
          %dma_wait3A_90 = arith.constant 0 : i32
          %dma_wait3A_91 = arith.constant 0 : i32
          %dma_wait3A_92 = tpu.memref_slice %arg2[%dma_wait3A_90, %dma_wait3A_91] : memref<10000x16xf32, #tpu.memory_space<hbm>> -> memref<10000x16xf32, #tpu.memory_space<hbm>>
          tpu.wait_indirect_dma semaphore(%arg20 : memref<!tpu.dma_semaphore, #tpu.memory_space<semaphore_mem>>) src(%dma_wait3A_92 : memref<10000x16xf32, #tpu.memory_space<hbm>>) dst(%arg12 : memref<128x16xf32, #tpu.memory_space<vmem>>)
          %lt3A_93 = arith.constant 39 : i32
          %lt3A_94 = arith.cmpi slt, %scan3A_35, %lt3A_93 : i32
          %mul3A_95 = arith.constant 128 : i32
          %mul3A_96 = arith.muli %scan3A_35, %mul3A_95 : i32
          %add3A_97 = arith.addi %mul3A_2, %mul3A_96 : i32
          %mul3A_98 = arith.constant 128 : i32
          %mul3A_99 = arith.muli %add3A, %mul3A_98 : i32
          %add3A_100 = arith.constant 159744 : i32
          %add3A_101 = arith.addi %add3A_100, %mul3A_99 : i32
          %select_n3A_102 = arith.select %lt3A_94, %add3A_97, %add3A_101 : i32
          %dma_wait3A_103 = arith.constant 0 : i32
          %dma_wait3A_104 = tpu.memref_slice %arg3[%select_n3A_102, %dma_wait3A_103] : memref<160000x16xf32, #tpu.memory_space<hbm>> -> memref<128x16xf32, #tpu.memory_space<hbm>>
          %dma_wait3A_105 = arith.constant 0 : i32
          %dma_wait3A_106 = tpu.memref_slice %arg3[%select_n3A_102, %dma_wait3A_105] : memref<160000x16xf32, #tpu.memory_space<hbm>> -> memref<128x16xf32, #tpu.memory_space<hbm>>
          tpu.wait_dma2 semaphore(%arg22 : memref<!tpu.dma_semaphore, #tpu.memory_space<semaphore_mem>>) src(%dma_wait3A_106 : memref<128x16xf32, #tpu.memory_space<hbm>>) dst(%arg14 : memref<128x16xf32, #tpu.memory_space<vmem>>)
          %ge3A = arith.constant 2 : i32
          %ge3A_107 = arith.cmpi sge, %scan3A_35, %ge3A : i32
          %convert_element_type3A_108 = arith.extui %ge3A_107 : i1 to i32
          %cond3A_109 = arith.constant 0 : i32
          %cond3A_110 = arith.cmpi ne, %convert_element_type3A_108, %cond3A_109 : i32
          scf.if %cond3A_110 {
            %sub3A = arith.constant 2 : i32
            %sub3A_137 = arith.subi %scan3A_35, %sub3A : i32
            %lt3A_138 = arith.constant 39 : i32
            %lt3A_139 = arith.cmpi slt, %sub3A_137, %lt3A_138 : i32
            %mul3A_140 = arith.constant 128 : i32
            %mul3A_141 = arith.muli %sub3A_137, %mul3A_140 : i32
            %add3A_142 = arith.addi %mul3A_2, %mul3A_141 : i32
            %mul3A_143 = arith.constant 128 : i32
            %mul3A_144 = arith.muli %add3A, %mul3A_143 : i32
            %add3A_145 = arith.constant 159744 : i32
            %add3A_146 = arith.addi %add3A_145, %mul3A_144 : i32
            %select_n3A_147 = arith.select %lt3A_139, %add3A_142, %add3A_146 : i32
            %dma_wait3A_148 = arith.constant 0 : i32
            %dma_wait3A_149 = tpu.memref_slice %arg6[%select_n3A_147, %dma_wait3A_148] : memref<160000x16xf32, #tpu.memory_space<hbm>> -> memref<128x16xf32, #tpu.memory_space<hbm>>
            %dma_wait3A_150 = arith.constant 0 : i32
            %dma_wait3A_151 = tpu.memref_slice %arg6[%select_n3A_147, %dma_wait3A_150] : memref<160000x16xf32, #tpu.memory_space<hbm>> -> memref<128x16xf32, #tpu.memory_space<hbm>>
            tpu.wait_dma2 semaphore(%arg24 : memref<!tpu.dma_semaphore, #tpu.memory_space<semaphore_mem>>) src(%arg16 : memref<128x16xf32, #tpu.memory_space<vmem>>) dst(%dma_wait3A_151 : memref<128x16xf32, #tpu.memory_space<hbm>>)
          } else {
          }
          %scan3A_111 = arith.constant 0 : i32
          %scan3A_112 = arith.constant 0 : i32
          %scan3A_113 = arith.constant 128 : i32
          %scan3A_114 = arith.addi %scan3A_112, %scan3A_113 : i32
          %scan3A_115 = arith.constant 1 : i32
          scf.for %scan3A_137 = %scan3A_112 to %scan3A_114 step %scan3A_115  : i32 {
            %get3A = arith.index_cast %scan3A_137 : i32 to index
            %get3A_138 = arith.constant 0 : index
            %get3A_139 = tpu.vector_load %arg10[%get3A, %get3A_138] {strides = array<i32>} : memref<128x16xf32, #tpu.memory_space<vmem>>, vector<1x16xf32>,
            %get3A_140 = vector.shape_cast %get3A_139 : vector<1x16xf32> to vector<16xf32>
            %get3A_141 = arith.index_cast %scan3A_137 : i32 to index
            %get3A_142 = arith.constant 0 : index
            %get3A_143 = tpu.vector_load %arg12[%get3A_141, %get3A_142] {strides = array<i32>} : memref<128x16xf32, #tpu.memory_space<vmem>>, vector<1x16xf32>,
            %get3A_144 = vector.shape_cast %get3A_143 : vector<1x16xf32> to vector<16xf32>
            %add3A_145 = arith.addf %get3A_140, %get3A_144 : vector<16xf32>
            %get3A_146 = arith.index_cast %scan3A_137 : i32 to index
            %get3A_147 = arith.constant 0 : index
            %get3A_148 = tpu.vector_load %arg14[%get3A_146, %get3A_147] {strides = array<i32>} : memref<128x16xf32, #tpu.memory_space<vmem>>, vector<1x16xf32>,
            %get3A_149 = vector.shape_cast %get3A_148 : vector<1x16xf32> to vector<16xf32>
            %add3A_150 = arith.addf %add3A_145, %get3A_149 : vector<16xf32>
            %max3A = arith.constant 0.000000e+00 : f32
            %max3A_151 = vector.broadcast %max3A : f32 to vector<16xf32>
            %max3A_152 = arith.maximumf %add3A_150, %max3A_151 : vector<16xf32>
            %swap3A = arith.index_cast %scan3A_137 : i32 to index
            %swap3A_153 = arith.constant 0 : index
            %swap3A_154 = tpu.vector_load %arg16[%swap3A, %swap3A_153] {strides = array<i32>} : memref<128x16xf32, #tpu.memory_space<vmem>>, vector<1x16xf32>,
            %swap3A_155 = vector.shape_cast %swap3A_154 : vector<1x16xf32> to vector<16xf32>
            %swap3A_156 = vector.shape_cast %max3A_152 : vector<16xf32> to vector<1x16xf32>
            tpu.vector_store %arg16[%swap3A, %swap3A_153], %swap3A_156 {strides = array<i32>} : memref<128x16xf32, #tpu.memory_space<vmem>>, vector<1x16xf32>,
          }
          %scan3A_116 = arith.constant 128 : i32
          %lt3A_117 = arith.constant 39 : i32
          %lt3A_118 = arith.cmpi slt, %scan3A_35, %lt3A_117 : i32
          %mul3A_119 = arith.constant 128 : i32
          %mul3A_120 = arith.muli %scan3A_35, %mul3A_119 : i32
          %add3A_121 = arith.addi %mul3A_2, %mul3A_120 : i32
          %mul3A_122 = arith.constant 128 : i32
          %mul3A_123 = arith.muli %add3A, %mul3A_122 : i32
          %add3A_124 = arith.constant 159744 : i32
          %add3A_125 = arith.addi %add3A_124, %mul3A_123 : i32
          %select_n3A_126 = arith.select %lt3A_118, %add3A_121, %add3A_125 : i32
          %dma_start3A_127 = arith.constant 0 : i32
          %dma_start3A_128 = tpu.memref_slice %arg6[%select_n3A_126, %dma_start3A_127] : memref<160000x16xf32, #tpu.memory_space<hbm>> -> memref<128x16xf32, #tpu.memory_space<hbm>>
          %dma_start3A_129 = arith.constant 0 : i32
          %dma_start3A_130 = tpu.memref_slice %arg6[%select_n3A_126, %dma_start3A_129] : memref<160000x16xf32, #tpu.memory_space<hbm>> -> memref<128x16xf32, #tpu.memory_space<hbm>>
          tpu.enqueue_dma source(%arg16 : memref<128x16xf32, #tpu.memory_space<vmem>>) target(%dma_start3A_130 : memref<128x16xf32, #tpu.memory_space<hbm>>) target_semaphore(%arg24 : memref<!tpu.dma_semaphore, #tpu.memory_space<semaphore_mem>>)
          %add3A_131 = arith.constant 1 : i32
          %add3A_132 = arith.addi %scan3A_35, %add3A_131 : i32
          %ge3A_133 = arith.cmpi sge, %add3A_132, %select_n3A : i32
          %convert_element_type3A_134 = arith.extui %ge3A_133 : i1 to i32
          %cond3A_135 = arith.constant 0 : i32
          %cond3A_136 = arith.cmpi ne, %convert_element_type3A_134, %cond3A_135 : i32
          scf.if %cond3A_136 {
            %lt3A_137 = arith.constant 39 : i32
            %lt3A_138 = arith.cmpi slt, %scan3A_35, %lt3A_137 : i32
            %mul3A_139 = arith.constant 128 : i32
            %mul3A_140 = arith.muli %scan3A_35, %mul3A_139 : i32
            %add3A_141 = arith.addi %mul3A_2, %mul3A_140 : i32
            %mul3A_142 = arith.constant 128 : i32
            %mul3A_143 = arith.muli %add3A, %mul3A_142 : i32
            %add3A_144 = arith.constant 159744 : i32
            %add3A_145 = arith.addi %add3A_144, %mul3A_143 : i32
            %select_n3A_146 = arith.select %lt3A_138, %add3A_141, %add3A_145 : i32
            %dma_wait3A_147 = arith.constant 0 : i32
            %dma_wait3A_148 = tpu.memref_slice %arg6[%select_n3A_146, %dma_wait3A_147] : memref<160000x16xf32, #tpu.memory_space<hbm>> -> memref<128x16xf32, #tpu.memory_space<hbm>>
            %dma_wait3A_149 = arith.constant 0 : i32
            %dma_wait3A_150 = tpu.memref_slice %arg6[%select_n3A_146, %dma_wait3A_149] : memref<160000x16xf32, #tpu.memory_space<hbm>> -> memref<128x16xf32, #tpu.memory_space<hbm>>
            tpu.wait_dma2 semaphore(%arg24 : memref<!tpu.dma_semaphore, #tpu.memory_space<semaphore_mem>>) src(%arg16 : memref<128x16xf32, #tpu.memory_space<vmem>>) dst(%dma_wait3A_150 : memref<128x16xf32, #tpu.memory_space<hbm>>)
            %sub3A = arith.constant 1 : i32
            %sub3A_151 = arith.subi %scan3A_35, %sub3A : i32
            %lt3A_152 = arith.constant 39 : i32
            %lt3A_153 = arith.cmpi slt, %sub3A_151, %lt3A_152 : i32
            %mul3A_154 = arith.constant 128 : i32
            %mul3A_155 = arith.muli %sub3A_151, %mul3A_154 : i32
            %add3A_156 = arith.addi %mul3A_2, %mul3A_155 : i32
            %mul3A_157 = arith.constant 128 : i32
            %mul3A_158 = arith.muli %add3A, %mul3A_157 : i32
            %add3A_159 = arith.constant 159744 : i32
            %add3A_160 = arith.addi %add3A_159, %mul3A_158 : i32
            %select_n3A_161 = arith.select %lt3A_153, %add3A_156, %add3A_160 : i32
            %dma_wait3A_162 = arith.constant 0 : i32
            %dma_wait3A_163 = tpu.memref_slice %arg6[%select_n3A_161, %dma_wait3A_162] : memref<160000x16xf32, #tpu.memory_space<hbm>> -> memref<128x16xf32, #tpu.memory_space<hbm>>
            %dma_wait3A_164 = arith.constant 0 : i32
            %dma_wait3A_165 = tpu.memref_slice %arg6[%select_n3A_161, %dma_wait3A_164] : memref<160000x16xf32, #tpu.memory_space<hbm>> -> memref<128x16xf32, #tpu.memory_space<hbm>>
            tpu.wait_dma2 semaphore(%arg23 : memref<!tpu.dma_semaphore, #tpu.memory_space<semaphore_mem>>) src(%arg15 : memref<128x16xf32, #tpu.memory_space<vmem>>) dst(%dma_wait3A_165 : memref<128x16xf32, #tpu.memory_space<hbm>>)
          } else {
          }
        } else {
        }
      } else {
      }
    }
    %scan3A_34 = arith.constant 40 : i32
    return
  }
}

#map = affine_map<(d0, d1) -> (0, 0)>
#map1 = affine_map<(d0, d1) -> (0, 0, 0, 0)>
#map2 = affine_map<(d0, d1) -> (0, 0, 0)>
module attributes {stable_mosaic.version = 14 : i64} {
  func.func @_layer_kernel(%arg0: i32, %arg1: i32, %arg2: memref<40000x64xf32, #tpu.memory_space<hbm>>, %arg3: memref<640000x64xf32, #tpu.memory_space<hbm>>, %arg4: memref<4x16x125x80xi32, #tpu.memory_space<hbm>>, %arg5: memref<16x125x80xi32, #tpu.memory_space<hbm>>, %arg6: memref<10000x64xf32, #tpu.memory_space<hbm>>, %arg7: memref<40000x64xf32, #tpu.memory_space<hbm>>, %arg8: memref<125x80xi32, #tpu.memory_space<vmem>>, %arg9: memref<125x80xi32, #tpu.memory_space<vmem>>, %arg10: memref<80x64xf32, #tpu.memory_space<vmem>>, %arg11: memref<80x64xf32, #tpu.memory_space<vmem>>, %arg12: memref<80x64xf32, #tpu.memory_space<vmem>>, %arg13: memref<80x64xf32, #tpu.memory_space<vmem>>, %arg14: memref<80x64xf32, #tpu.memory_space<vmem>>, %arg15: memref<80x64xf32, #tpu.memory_space<vmem>>, %arg16: memref<10000x64xf32, #tpu.memory_space<vmem_shared>>, %arg17: memref<!tpu.dma_semaphore, #tpu.memory_space<semaphore_mem>>, %arg18: memref<!tpu.dma_semaphore, #tpu.memory_space<semaphore_mem>>, %arg19: memref<!tpu.dma_semaphore, #tpu.memory_space<semaphore_mem>>, %arg20: memref<!tpu.dma_semaphore, #tpu.memory_space<semaphore_mem>>) attributes {dimension_semantics = [#tpu.dimension_semantics<core_parallel>, #tpu.dimension_semantics<subcore_parallel>], iteration_bounds = array<i64: 2, 16>, scalar_prefetch = 0 : i64, scratch_operands = 13 : i64, tpu.core_type = #tpu.core_type<sc_vector_subcore>, window_params = [{transform_indices = #map}, {transform_indices = #map}, {transform_indices = #map1}, {transform_indices = #map2}, {transform_indices = #map}, {transform_indices = #map}]} {
    %mul3A = arith.constant 10000 : i32
    %mul3A_0 = arith.muli %arg1, %mul3A : i32
    "tpu.region"() ({
      %run_scoped3A = tpu.sem_alloc : memref<!tpu.dma_semaphore, #tpu.memory_space<semaphore_mem>>
      %dma_start3A_92 = arith.constant 0 : i32
      %dma_start3A_93 = arith.constant 0 : i32
      %dma_start3A_94 = tpu.memref_slice %arg5[%arg1, %dma_start3A_92, %dma_start3A_93] : memref<16x125x80xi32, #tpu.memory_space<hbm>> -> memref<1x125x80xi32, #tpu.memory_space<hbm>>
      %dma_start3A_95 = tpu.memref_squeeze %dma_start3A_94 : memref<1x125x80xi32, #tpu.memory_space<hbm>> -> memref<125x80xi32, #tpu.memory_space<hbm>>
      %dma_start3A_96 = arith.constant 0 : i32
      %dma_start3A_97 = arith.constant 0 : i32
      %dma_start3A_98 = tpu.memref_slice %arg5[%arg1, %dma_start3A_96, %dma_start3A_97] : memref<16x125x80xi32, #tpu.memory_space<hbm>> -> memref<1x125x80xi32, #tpu.memory_space<hbm>>
      %dma_start3A_99 = tpu.memref_squeeze %dma_start3A_98 : memref<1x125x80xi32, #tpu.memory_space<hbm>> -> memref<125x80xi32, #tpu.memory_space<hbm>>
      tpu.enqueue_dma source(%dma_start3A_99 : memref<125x80xi32, #tpu.memory_space<hbm>>) target(%arg9 : memref<125x80xi32, #tpu.memory_space<vmem>>) target_semaphore(%run_scoped3A : memref<!tpu.dma_semaphore, #tpu.memory_space<semaphore_mem>>)
      %dma_wait3A = arith.constant 0 : i32
      %dma_wait3A_100 = arith.constant 0 : i32
      %dma_wait3A_101 = tpu.memref_slice %arg5[%arg1, %dma_wait3A, %dma_wait3A_100] : memref<16x125x80xi32, #tpu.memory_space<hbm>> -> memref<1x125x80xi32, #tpu.memory_space<hbm>>
      %dma_wait3A_102 = tpu.memref_squeeze %dma_wait3A_101 : memref<1x125x80xi32, #tpu.memory_space<hbm>> -> memref<125x80xi32, #tpu.memory_space<hbm>>
      %dma_wait3A_103 = arith.constant 0 : i32
      %dma_wait3A_104 = arith.constant 0 : i32
      %dma_wait3A_105 = tpu.memref_slice %arg5[%arg1, %dma_wait3A_103, %dma_wait3A_104] : memref<16x125x80xi32, #tpu.memory_space<hbm>> -> memref<1x125x80xi32, #tpu.memory_space<hbm>>
      %dma_wait3A_106 = tpu.memref_squeeze %dma_wait3A_105 : memref<1x125x80xi32, #tpu.memory_space<hbm>> -> memref<125x80xi32, #tpu.memory_space<hbm>>
      tpu.wait_dma2 semaphore(%run_scoped3A : memref<!tpu.dma_semaphore, #tpu.memory_space<semaphore_mem>>) src(%dma_wait3A_106 : memref<125x80xi32, #tpu.memory_space<hbm>>) dst(%arg9 : memref<125x80xi32, #tpu.memory_space<vmem>>)
      tpu.yield
    }) : () -> ()
    %add3A = arith.constant 0 : i32
    %add3A_1 = arith.addi %add3A, %arg0 : i32
    "tpu.region"() ({
      %run_scoped3A = tpu.sem_alloc : memref<!tpu.dma_semaphore, #tpu.memory_space<semaphore_mem>>
      %dma_start3A_92 = arith.constant 0 : i32
      %dma_start3A_93 = arith.constant 0 : i32
      %dma_start3A_94 = tpu.memref_slice %arg4[%add3A_1, %arg1, %dma_start3A_92, %dma_start3A_93] : memref<4x16x125x80xi32, #tpu.memory_space<hbm>> -> memref<1x1x125x80xi32, #tpu.memory_space<hbm>>
      %dma_start3A_95 = tpu.memref_squeeze %dma_start3A_94 : memref<1x1x125x80xi32, #tpu.memory_space<hbm>> -> memref<125x80xi32, #tpu.memory_space<hbm>>
      %dma_start3A_96 = arith.constant 0 : i32
      %dma_start3A_97 = arith.constant 0 : i32
      %dma_start3A_98 = tpu.memref_slice %arg4[%add3A_1, %arg1, %dma_start3A_96, %dma_start3A_97] : memref<4x16x125x80xi32, #tpu.memory_space<hbm>> -> memref<1x1x125x80xi32, #tpu.memory_space<hbm>>
      %dma_start3A_99 = tpu.memref_squeeze %dma_start3A_98 : memref<1x1x125x80xi32, #tpu.memory_space<hbm>> -> memref<125x80xi32, #tpu.memory_space<hbm>>
      tpu.enqueue_dma source(%dma_start3A_99 : memref<125x80xi32, #tpu.memory_space<hbm>>) target(%arg8 : memref<125x80xi32, #tpu.memory_space<vmem>>) target_semaphore(%run_scoped3A : memref<!tpu.dma_semaphore, #tpu.memory_space<semaphore_mem>>)
      %dma_wait3A = arith.constant 0 : i32
      %dma_wait3A_100 = arith.constant 0 : i32
      %dma_wait3A_101 = tpu.memref_slice %arg4[%add3A_1, %arg1, %dma_wait3A, %dma_wait3A_100] : memref<4x16x125x80xi32, #tpu.memory_space<hbm>> -> memref<1x1x125x80xi32, #tpu.memory_space<hbm>>
      %dma_wait3A_102 = tpu.memref_squeeze %dma_wait3A_101 : memref<1x1x125x80xi32, #tpu.memory_space<hbm>> -> memref<125x80xi32, #tpu.memory_space<hbm>>
      %dma_wait3A_103 = arith.constant 0 : i32
      %dma_wait3A_104 = arith.constant 0 : i32
      %dma_wait3A_105 = tpu.memref_slice %arg4[%add3A_1, %arg1, %dma_wait3A_103, %dma_wait3A_104] : memref<4x16x125x80xi32, #tpu.memory_space<hbm>> -> memref<1x1x125x80xi32, #tpu.memory_space<hbm>>
      %dma_wait3A_106 = tpu.memref_squeeze %dma_wait3A_105 : memref<1x1x125x80xi32, #tpu.memory_space<hbm>> -> memref<125x80xi32, #tpu.memory_space<hbm>>
      tpu.wait_dma2 semaphore(%run_scoped3A : memref<!tpu.dma_semaphore, #tpu.memory_space<semaphore_mem>>) src(%dma_wait3A_106 : memref<125x80xi32, #tpu.memory_space<hbm>>) dst(%arg8 : memref<125x80xi32, #tpu.memory_space<vmem>>)
      tpu.yield
    }) : () -> ()
    %mul3A_2 = arith.constant 624 : i32
    %mul3A_3 = arith.muli %arg1, %mul3A_2 : i32
    %add3A_4 = arith.constant 0 : i32
    %add3A_5 = arith.addi %add3A_4, %mul3A_3 : i32
    %add3A_6 = arith.constant 0 : i32
    %add3A_7 = arith.addi %add3A_6, %mul3A_3 : i32
    "tpu.region"() ({
      %run_scoped3A = tpu.sem_alloc : memref<!tpu.dma_semaphore, #tpu.memory_space<semaphore_mem>>
      %dma_start3A_92 = arith.constant 0 : i32
      %dma_start3A_93 = tpu.memref_slice %arg16[%add3A_7, %dma_start3A_92] : memref<10000x64xf32, #tpu.memory_space<vmem_shared>> -> memref<624x64xf32, #tpu.memory_space<vmem_shared>>
      %dma_start3A_94 = arith.constant 0 : i32
      %dma_start3A_95 = tpu.memref_slice %arg6[%add3A_5, %dma_start3A_94] : memref<10000x64xf32, #tpu.memory_space<hbm>> -> memref<624x64xf32, #tpu.memory_space<hbm>>
      tpu.enqueue_dma source(%dma_start3A_95 : memref<624x64xf32, #tpu.memory_space<hbm>>) target(%dma_start3A_93 : memref<624x64xf32, #tpu.memory_space<vmem_shared>>) target_semaphore(%run_scoped3A : memref<!tpu.dma_semaphore, #tpu.memory_space<semaphore_mem>>)
      %dma_wait3A = arith.constant 0 : i32
      %dma_wait3A_96 = tpu.memref_slice %arg16[%add3A_7, %dma_wait3A] : memref<10000x64xf32, #tpu.memory_space<vmem_shared>> -> memref<624x64xf32, #tpu.memory_space<vmem_shared>>
      %dma_wait3A_97 = arith.constant 0 : i32
      %dma_wait3A_98 = tpu.memref_slice %arg6[%add3A_5, %dma_wait3A_97] : memref<10000x64xf32, #tpu.memory_space<hbm>> -> memref<624x64xf32, #tpu.memory_space<hbm>>
      tpu.wait_dma2 semaphore(%run_scoped3A : memref<!tpu.dma_semaphore, #tpu.memory_space<semaphore_mem>>) src(%dma_wait3A_98 : memref<624x64xf32, #tpu.memory_space<hbm>>) dst(%dma_wait3A_96 : memref<624x64xf32, #tpu.memory_space<vmem_shared>>)
      tpu.yield
    }) : () -> ()
    %eq3A = arith.constant 15 : i32
    %eq3A_8 = arith.cmpi eq, %arg1, %eq3A : i32
    %convert_element_type3A = arith.extui %eq3A_8 : i1 to i32
    %cond3A = arith.constant 0 : i32
    %cond3A_9 = arith.cmpi ne, %convert_element_type3A, %cond3A : i32
    scf.if %cond3A_9 {
      "tpu.region"() ({
        %run_scoped3A = tpu.sem_alloc : memref<!tpu.dma_semaphore, #tpu.memory_space<semaphore_mem>>
        %dma_start3A_92 = arith.constant 9984 : i32
        %dma_start3A_93 = arith.constant 0 : i32
        %dma_start3A_94 = tpu.memref_slice %arg16[%dma_start3A_92, %dma_start3A_93] : memref<10000x64xf32, #tpu.memory_space<vmem_shared>> -> memref<16x64xf32, #tpu.memory_space<vmem_shared>>
        %dma_start3A_95 = arith.constant 9984 : i32
        %dma_start3A_96 = arith.constant 0 : i32
        %dma_start3A_97 = tpu.memref_slice %arg6[%dma_start3A_95, %dma_start3A_96] : memref<10000x64xf32, #tpu.memory_space<hbm>> -> memref<16x64xf32, #tpu.memory_space<hbm>>
        tpu.enqueue_dma source(%dma_start3A_97 : memref<16x64xf32, #tpu.memory_space<hbm>>) target(%dma_start3A_94 : memref<16x64xf32, #tpu.memory_space<vmem_shared>>) target_semaphore(%run_scoped3A : memref<!tpu.dma_semaphore, #tpu.memory_space<semaphore_mem>>)
        %dma_wait3A = arith.constant 9984 : i32
        %dma_wait3A_98 = arith.constant 0 : i32
        %dma_wait3A_99 = tpu.memref_slice %arg16[%dma_wait3A, %dma_wait3A_98] : memref<10000x64xf32, #tpu.memory_space<vmem_shared>> -> memref<16x64xf32, #tpu.memory_space<vmem_shared>>
        %dma_wait3A_100 = arith.constant 9984 : i32
        %dma_wait3A_101 = arith.constant 0 : i32
        %dma_wait3A_102 = tpu.memref_slice %arg6[%dma_wait3A_100, %dma_wait3A_101] : memref<10000x64xf32, #tpu.memory_space<hbm>> -> memref<16x64xf32, #tpu.memory_space<hbm>>
        tpu.wait_dma2 semaphore(%run_scoped3A : memref<!tpu.dma_semaphore, #tpu.memory_space<semaphore_mem>>) src(%dma_wait3A_102 : memref<16x64xf32, #tpu.memory_space<hbm>>) dst(%dma_wait3A_99 : memref<16x64xf32, #tpu.memory_space<vmem_shared>>)
        tpu.yield
      }) : () -> ()
    } else {
    }
    %dma_start3A = arith.constant 0 : i32
    %dma_start3A_10 = arith.constant 0 : i32
    %dma_start3A_11 = tpu.memref_slice %arg8[%dma_start3A, %dma_start3A_10] : memref<125x80xi32, #tpu.memory_space<vmem>> -> memref<1x80xi32, #tpu.memory_space<vmem>>
    %dma_start3A_12 = tpu.memref_squeeze %dma_start3A_11 : memref<1x80xi32, #tpu.memory_space<vmem>> -> memref<80xi32, #tpu.memory_space<vmem>>
    %dma_start3A_13 = arith.constant 0 : i32
    %dma_start3A_14 = arith.constant 0 : i32
    %dma_start3A_15 = tpu.memref_slice %arg2[%dma_start3A_13, %dma_start3A_14] : memref<40000x64xf32, #tpu.memory_space<hbm>> -> memref<40000x64xf32, #tpu.memory_space<hbm>>
    tpu.enqueue_indirect_dma source(%dma_start3A_15 : memref<40000x64xf32, #tpu.memory_space<hbm>>) target(%arg10 : memref<80x64xf32, #tpu.memory_space<vmem>>) offsets(%dma_start3A_12 : memref<80xi32, #tpu.memory_space<vmem>>) semaphore(%arg17 : memref<!tpu.dma_semaphore, #tpu.memory_space<semaphore_mem>>)
    %mul3A_16 = arith.constant 160000 : i32
    %mul3A_17 = arith.muli %add3A_1, %mul3A_16 : i32
    %add3A_18 = arith.addi %mul3A_17, %mul3A_0 : i32
    %add3A_19 = arith.constant 0 : i32
    %add3A_20 = arith.addi %add3A_18, %add3A_19 : i32
    %dma_start3A_21 = arith.constant 0 : i32
    %dma_start3A_22 = tpu.memref_slice %arg3[%add3A_20, %dma_start3A_21] : memref<640000x64xf32, #tpu.memory_space<hbm>> -> memref<80x64xf32, #tpu.memory_space<hbm>>
    %dma_start3A_23 = arith.constant 0 : i32
    %dma_start3A_24 = tpu.memref_slice %arg3[%add3A_20, %dma_start3A_23] : memref<640000x64xf32, #tpu.memory_space<hbm>> -> memref<80x64xf32, #tpu.memory_space<hbm>>
    tpu.enqueue_dma source(%dma_start3A_24 : memref<80x64xf32, #tpu.memory_space<hbm>>) target(%arg12 : memref<80x64xf32, #tpu.memory_space<vmem>>) target_semaphore(%arg19 : memref<!tpu.dma_semaphore, #tpu.memory_space<semaphore_mem>>)
    %barrier3A = arith.constant 0 : index
    tpu.barrier barrier_id(%barrier3A)
    %scan3A = arith.constant 0 : i32
    %scan3A_25 = arith.constant 0 : i32
    %scan3A_26 = arith.constant 125 : i32
    %scan3A_27 = arith.addi %scan3A_25, %scan3A_26 : i32
    %scan3A_28 = arith.constant 1 : i32
    scf.for %scan3A_92 = %scan3A_25 to %scan3A_27 step %scan3A_28  : i32 {
      %jit3A = arith.constant 2 : i32
      %eq3A_93 = arith.constant 0 : i32
      %eq3A_94 = arith.cmpi eq, %jit3A, %eq3A_93 : i32
      %jit3A_95 = arith.constant 1 : i32
      %select_n3A = arith.select %eq3A_94, %jit3A_95, %jit3A : i32
      %rem3A = arith.remsi %scan3A_92, %select_n3A : i32
      %ne3A = arith.constant 0 : i32
      %ne3A_96 = arith.cmpi ne, %rem3A, %ne3A : i32
      %lt3A = arith.constant 0 : i32
      %lt3A_97 = arith.cmpi slt, %rem3A, %lt3A : i32
      %lt3A_98 = arith.constant 0 : i32
      %lt3A_99 = arith.cmpi slt, %select_n3A, %lt3A_98 : i32
      %ne3A_100 = arith.xori %lt3A_97, %lt3A_99 : i1
      %and3A = arith.andi %ne3A_100, %ne3A_96 : i1
      %add3A_101 = arith.addi %rem3A, %select_n3A : i32
      %select_n3A_102 = arith.select %and3A, %add3A_101, %rem3A : i32
      %eq3A_103 = arith.constant 0 : i32
      %eq3A_104 = arith.cmpi eq, %select_n3A_102, %eq3A_103 : i32
      %convert_element_type3A_105 = arith.extui %eq3A_104 : i1 to i32
      %cond3A_106 = arith.constant 0 : i32
      %cond3A_107 = arith.cmpi ne, %convert_element_type3A_105, %cond3A_106 : i32
      scf.if %cond3A_107 {
        %add3A_129 = arith.constant 1 : i32
        %add3A_130 = arith.addi %scan3A_92, %add3A_129 : i32
        %lt3A_131 = arith.constant 125 : i32
        %lt3A_132 = arith.cmpi slt, %add3A_130, %lt3A_131 : i32
        %convert_element_type3A_133 = arith.extui %lt3A_132 : i1 to i32
        %cond3A_134 = arith.constant 0 : i32
        %cond3A_135 = arith.cmpi ne, %convert_element_type3A_133, %cond3A_134 : i32
        scf.if %cond3A_135 {
          %add3A_157 = arith.constant 1 : i32
          %add3A_158 = arith.addi %scan3A_92, %add3A_157 : i32
          %dma_start3A_159 = arith.constant 0 : i32
          %dma_start3A_160 = tpu.memref_slice %arg8[%add3A_158, %dma_start3A_159] : memref<125x80xi32, #tpu.memory_space<vmem>> -> memref<1x80xi32, #tpu.memory_space<vmem>>
          %dma_start3A_161 = tpu.memref_squeeze %dma_start3A_160 : memref<1x80xi32, #tpu.memory_space<vmem>> -> memref<80xi32, #tpu.memory_space<vmem>>
          %dma_start3A_162 = arith.constant 0 : i32
          %dma_start3A_163 = arith.constant 0 : i32
          %dma_start3A_164 = tpu.memref_slice %arg2[%dma_start3A_162, %dma_start3A_163] : memref<40000x64xf32, #tpu.memory_space<hbm>> -> memref<40000x64xf32, #tpu.memory_space<hbm>>
          tpu.enqueue_indirect_dma source(%dma_start3A_164 : memref<40000x64xf32, #tpu.memory_space<hbm>>) target(%arg11 : memref<80x64xf32, #tpu.memory_space<vmem>>) offsets(%dma_start3A_161 : memref<80xi32, #tpu.memory_space<vmem>>) semaphore(%arg18 : memref<!tpu.dma_semaphore, #tpu.memory_space<semaphore_mem>>)
          %mul3A_165 = arith.constant 160000 : i32
          %mul3A_166 = arith.muli %add3A_1, %mul3A_165 : i32
          %add3A_167 = arith.addi %mul3A_166, %mul3A_0 : i32
          %mul3A_168 = arith.constant 80 : i32
          %mul3A_169 = arith.muli %add3A_158, %mul3A_168 : i32
          %add3A_170 = arith.addi %add3A_167, %mul3A_169 : i32
          %dma_start3A_171 = arith.constant 0 : i32
          %dma_start3A_172 = tpu.memref_slice %arg3[%add3A_170, %dma_start3A_171] : memref<640000x64xf32, #tpu.memory_space<hbm>> -> memref<80x64xf32, #tpu.memory_space<hbm>>
          %dma_start3A_173 = arith.constant 0 : i32
          %dma_start3A_174 = tpu.memref_slice %arg3[%add3A_170, %dma_start3A_173] : memref<640000x64xf32, #tpu.memory_space<hbm>> -> memref<80x64xf32, #tpu.memory_space<hbm>>
          tpu.enqueue_dma source(%dma_start3A_174 : memref<80x64xf32, #tpu.memory_space<hbm>>) target(%arg13 : memref<80x64xf32, #tpu.memory_space<vmem>>) target_semaphore(%arg20 : memref<!tpu.dma_semaphore, #tpu.memory_space<semaphore_mem>>)
        } else {
        }
        %dma_wait3A = arith.constant 0 : i32
        %dma_wait3A_136 = tpu.memref_slice %arg8[%scan3A_92, %dma_wait3A] : memref<125x80xi32, #tpu.memory_space<vmem>> -> memref<1x80xi32, #tpu.memory_space<vmem>>
        %dma_wait3A_137 = tpu.memref_squeeze %dma_wait3A_136 : memref<1x80xi32, #tpu.memory_space<vmem>> -> memref<80xi32, #tpu.memory_space<vmem>>
        %dma_wait3A_138 = arith.constant 0 : i32
        %dma_wait3A_139 = arith.constant 0 : i32
        %dma_wait3A_140 = tpu.memref_slice %arg2[%dma_wait3A_138, %dma_wait3A_139] : memref<40000x64xf32, #tpu.memory_space<hbm>> -> memref<40000x64xf32, #tpu.memory_space<hbm>>
        tpu.wait_indirect_dma semaphore(%arg17 : memref<!tpu.dma_semaphore, #tpu.memory_space<semaphore_mem>>) src(%dma_wait3A_140 : memref<40000x64xf32, #tpu.memory_space<hbm>>) dst(%arg10 : memref<80x64xf32, #tpu.memory_space<vmem>>)
        %mul3A_141 = arith.constant 160000 : i32
        %mul3A_142 = arith.muli %add3A_1, %mul3A_141 : i32
        %add3A_143 = arith.addi %mul3A_142, %mul3A_0 : i32
        %mul3A_144 = arith.constant 80 : i32
        %mul3A_145 = arith.muli %scan3A_92, %mul3A_144 : i32
        %add3A_146 = arith.addi %add3A_143, %mul3A_145 : i32
        %dma_wait3A_147 = arith.constant 0 : i32
        %dma_wait3A_148 = tpu.memref_slice %arg3[%add3A_146, %dma_wait3A_147] : memref<640000x64xf32, #tpu.memory_space<hbm>> -> memref<80x64xf32, #tpu.memory_space<hbm>>
        %dma_wait3A_149 = arith.constant 0 : i32
        %dma_wait3A_150 = tpu.memref_slice %arg3[%add3A_146, %dma_wait3A_149] : memref<640000x64xf32, #tpu.memory_space<hbm>> -> memref<80x64xf32, #tpu.memory_space<hbm>>
        tpu.wait_dma2 semaphore(%arg19 : memref<!tpu.dma_semaphore, #tpu.memory_space<semaphore_mem>>) src(%dma_wait3A_150 : memref<80x64xf32, #tpu.memory_space<hbm>>) dst(%arg12 : memref<80x64xf32, #tpu.memory_space<vmem>>)
        %scan3A_151 = arith.constant 0 : i32
        %scan3A_152 = arith.constant 0 : i32
        %scan3A_153 = arith.constant 80 : i32
        %scan3A_154 = arith.addi %scan3A_152, %scan3A_153 : i32
        %scan3A_155 = arith.constant 1 : i32
        scf.for %scan3A_157 = %scan3A_152 to %scan3A_154 step %scan3A_155  : i32 {
          %get3A = arith.index_cast %scan3A_157 : i32 to index
          %get3A_158 = arith.constant 0 : index
          %get3A_159 = tpu.vector_load %arg10[%get3A, %get3A_158] {strides = array<i32>} : memref<80x64xf32, #tpu.memory_space<vmem>>, vector<16xf32>,
          %get3A_160 = arith.index_cast %scan3A_157 : i32 to index
          %get3A_161 = arith.constant 0 : index
          %get3A_162 = tpu.vector_load %arg12[%get3A_160, %get3A_161] {strides = array<i32>} : memref<80x64xf32, #tpu.memory_space<vmem>>, vector<16xf32>,
          %add3A_163 = arith.addf %get3A_159, %get3A_162 : vector<16xf32>
          %max3A = arith.constant 0.000000e+00 : f32
          %max3A_164 = vector.broadcast %max3A : f32 to vector<16xf32>
          %max3A_165 = arith.maximumf %add3A_163, %max3A_164 : vector<16xf32>
          %swap3A = arith.index_cast %scan3A_157 : i32 to index
          %swap3A_166 = arith.constant 0 : index
          %swap3A_167 = tpu.vector_load %arg14[%swap3A, %swap3A_166] {strides = array<i32>} : memref<80x64xf32, #tpu.memory_space<vmem>>, vector<16xf32>,
          tpu.vector_store %arg14[%swap3A, %swap3A_166], %max3A_165 {strides = array<i32>} : memref<80x64xf32, #tpu.memory_space<vmem>>, vector<16xf32>,
          %get3A_168 = arith.index_cast %scan3A_157 : i32 to index
          %get3A_169 = arith.constant 16 : index
          %get3A_170 = tpu.vector_load %arg10[%get3A_168, %get3A_169] {strides = array<i32>} : memref<80x64xf32, #tpu.memory_space<vmem>>, vector<16xf32>,
          %get3A_171 = arith.index_cast %scan3A_157 : i32 to index
          %get3A_172 = arith.constant 16 : index
          %get3A_173 = tpu.vector_load %arg12[%get3A_171, %get3A_172] {strides = array<i32>} : memref<80x64xf32, #tpu.memory_space<vmem>>, vector<16xf32>,
          %add3A_174 = arith.addf %get3A_170, %get3A_173 : vector<16xf32>
          %max3A_175 = arith.constant 0.000000e+00 : f32
          %max3A_176 = vector.broadcast %max3A_175 : f32 to vector<16xf32>
          %max3A_177 = arith.maximumf %add3A_174, %max3A_176 : vector<16xf32>
          %swap3A_178 = arith.index_cast %scan3A_157 : i32 to index
          %swap3A_179 = arith.constant 16 : index
          %swap3A_180 = tpu.vector_load %arg14[%swap3A_178, %swap3A_179] {strides = array<i32>} : memref<80x64xf32, #tpu.memory_space<vmem>>, vector<16xf32>,
          tpu.vector_store %arg14[%swap3A_178, %swap3A_179], %max3A_177 {strides = array<i32>} : memref<80x64xf32, #tpu.memory_space<vmem>>, vector<16xf32>,
          %get3A_181 = arith.index_cast %scan3A_157 : i32 to index
          %get3A_182 = arith.constant 32 : index
          %get3A_183 = tpu.vector_load %arg10[%get3A_181, %get3A_182] {strides = array<i32>} : memref<80x64xf32, #tpu.memory_space<vmem>>, vector<16xf32>,
          %get3A_184 = arith.index_cast %scan3A_157 : i32 to index
          %get3A_185 = arith.constant 32 : index
          %get3A_186 = tpu.vector_load %arg12[%get3A_184, %get3A_185] {strides = array<i32>} : memref<80x64xf32, #tpu.memory_space<vmem>>, vector<16xf32>,
          %add3A_187 = arith.addf %get3A_183, %get3A_186 : vector<16xf32>
          %max3A_188 = arith.constant 0.000000e+00 : f32
          %max3A_189 = vector.broadcast %max3A_188 : f32 to vector<16xf32>
          %max3A_190 = arith.maximumf %add3A_187, %max3A_189 : vector<16xf32>
          %swap3A_191 = arith.index_cast %scan3A_157 : i32 to index
          %swap3A_192 = arith.constant 32 : index
          %swap3A_193 = tpu.vector_load %arg14[%swap3A_191, %swap3A_192] {strides = array<i32>} : memref<80x64xf32, #tpu.memory_space<vmem>>, vector<16xf32>,
          tpu.vector_store %arg14[%swap3A_191, %swap3A_192], %max3A_190 {strides = array<i32>} : memref<80x64xf32, #tpu.memory_space<vmem>>, vector<16xf32>,
          %get3A_194 = arith.index_cast %scan3A_157 : i32 to index
          %get3A_195 = arith.constant 48 : index
          %get3A_196 = tpu.vector_load %arg10[%get3A_194, %get3A_195] {strides = array<i32>} : memref<80x64xf32, #tpu.memory_space<vmem>>, vector<16xf32>,
          %get3A_197 = arith.index_cast %scan3A_157 : i32 to index
          %get3A_198 = arith.constant 48 : index
          %get3A_199 = tpu.vector_load %arg12[%get3A_197, %get3A_198] {strides = array<i32>} : memref<80x64xf32, #tpu.memory_space<vmem>>, vector<16xf32>,
          %add3A_200 = arith.addf %get3A_196, %get3A_199 : vector<16xf32>
          %max3A_201 = arith.constant 0.000000e+00 : f32
          %max3A_202 = vector.broadcast %max3A_201 : f32 to vector<16xf32>
          %max3A_203 = arith.maximumf %add3A_200, %max3A_202 : vector<16xf32>
          %swap3A_204 = arith.index_cast %scan3A_157 : i32 to index
          %swap3A_205 = arith.constant 48 : index
          %swap3A_206 = tpu.vector_load %arg14[%swap3A_204, %swap3A_205] {strides = array<i32>} : memref<80x64xf32, #tpu.memory_space<vmem>>, vector<16xf32>,
          tpu.vector_store %arg14[%swap3A_204, %swap3A_205], %max3A_203 {strides = array<i32>} : memref<80x64xf32, #tpu.memory_space<vmem>>, vector<16xf32>,
        }
        %scan3A_156 = arith.constant 80 : i32
        "tpu.region"() ({
          %run_scoped3A = tpu.sem_alloc : memref<!tpu.dma_semaphore, #tpu.memory_space<semaphore_mem>>
          %dma_start3A_157 = arith.constant 0 : i32
          %dma_start3A_158 = tpu.memref_slice %arg9[%scan3A_92, %dma_start3A_157] : memref<125x80xi32, #tpu.memory_space<vmem>> -> memref<1x80xi32, #tpu.memory_space<vmem>>
          %dma_start3A_159 = tpu.memref_squeeze %dma_start3A_158 : memref<1x80xi32, #tpu.memory_space<vmem>> -> memref<80xi32, #tpu.memory_space<vmem>>
          %dma_start3A_160 = arith.constant 0 : i32
          %dma_start3A_161 = arith.constant 0 : i32
          %dma_start3A_162 = tpu.memref_slice %arg16[%dma_start3A_160, %dma_start3A_161] : memref<10000x64xf32, #tpu.memory_space<vmem_shared>> -> memref<10000x64xf32, #tpu.memory_space<vmem_shared>>
          tpu.enqueue_indirect_dma source(%arg14 : memref<80x64xf32, #tpu.memory_space<vmem>>) target(%dma_start3A_162 : memref<10000x64xf32, #tpu.memory_space<vmem_shared>>) offsets(%dma_start3A_159 : memref<80xi32, #tpu.memory_space<vmem>>) semaphore(%run_scoped3A : memref<!tpu.dma_semaphore, #tpu.memory_space<semaphore_mem>>) {add = true}
          %dma_wait3A_163 = arith.constant 0 : i32
          %dma_wait3A_164 = tpu.memref_slice %arg9[%scan3A_92, %dma_wait3A_163] : memref<125x80xi32, #tpu.memory_space<vmem>> -> memref<1x80xi32, #tpu.memory_space<vmem>>
          %dma_wait3A_165 = tpu.memref_squeeze %dma_wait3A_164 : memref<1x80xi32, #tpu.memory_space<vmem>> -> memref<80xi32, #tpu.memory_space<vmem>>
          %dma_wait3A_166 = arith.constant 0 : i32
          %dma_wait3A_167 = arith.constant 0 : i32
          %dma_wait3A_168 = tpu.memref_slice %arg16[%dma_wait3A_166, %dma_wait3A_167] : memref<10000x64xf32, #tpu.memory_space<vmem_shared>> -> memref<10000x64xf32, #tpu.memory_space<vmem_shared>>
          tpu.wait_indirect_dma semaphore(%run_scoped3A : memref<!tpu.dma_semaphore, #tpu.memory_space<semaphore_mem>>) src(%arg14 : memref<80x64xf32, #tpu.memory_space<vmem>>) dst(%dma_wait3A_168 : memref<10000x64xf32, #tpu.memory_space<vmem_shared>>)
          tpu.yield
        }) : () -> ()
      } else {
      }
      %jit3A_108 = arith.constant 2 : i32
      %eq3A_109 = arith.constant 0 : i32
      %eq3A_110 = arith.cmpi eq, %jit3A_108, %eq3A_109 : i32
      %jit3A_111 = arith.constant 1 : i32
      %select_n3A_112 = arith.select %eq3A_110, %jit3A_111, %jit3A_108 : i32
      %rem3A_113 = arith.remsi %scan3A_92, %select_n3A_112 : i32
      %ne3A_114 = arith.constant 0 : i32
      %ne3A_115 = arith.cmpi ne, %rem3A_113, %ne3A_114 : i32
      %lt3A_116 = arith.constant 0 : i32
      %lt3A_117 = arith.cmpi slt, %rem3A_113, %lt3A_116 : i32
      %lt3A_118 = arith.constant 0 : i32
      %lt3A_119 = arith.cmpi slt, %select_n3A_112, %lt3A_118 : i32
      %ne3A_120 = arith.xori %lt3A_117, %lt3A_119 : i1
      %and3A_121 = arith.andi %ne3A_120, %ne3A_115 : i1
      %add3A_122 = arith.addi %rem3A_113, %select_n3A_112 : i32
      %select_n3A_123 = arith.select %and3A_121, %add3A_122, %rem3A_113 : i32
      %eq3A_124 = arith.constant 1 : i32
      %eq3A_125 = arith.cmpi eq, %select_n3A_123, %eq3A_124 : i32
      %convert_element_type3A_126 = arith.extui %eq3A_125 : i1 to i32
      %cond3A_127 = arith.constant 0 : i32
      %cond3A_128 = arith.cmpi ne, %convert_element_type3A_126, %cond3A_127 : i32
      scf.if %cond3A_128 {
        %add3A_129 = arith.constant 1 : i32
        %add3A_130 = arith.addi %scan3A_92, %add3A_129 : i32
        %lt3A_131 = arith.constant 125 : i32
        %lt3A_132 = arith.cmpi slt, %add3A_130, %lt3A_131 : i32
        %convert_element_type3A_133 = arith.extui %lt3A_132 : i1 to i32
        %cond3A_134 = arith.constant 0 : i32
        %cond3A_135 = arith.cmpi ne, %convert_element_type3A_133, %cond3A_134 : i32
        scf.if %cond3A_135 {
          %add3A_157 = arith.constant 1 : i32
          %add3A_158 = arith.addi %scan3A_92, %add3A_157 : i32
          %dma_start3A_159 = arith.constant 0 : i32
          %dma_start3A_160 = tpu.memref_slice %arg8[%add3A_158, %dma_start3A_159] : memref<125x80xi32, #tpu.memory_space<vmem>> -> memref<1x80xi32, #tpu.memory_space<vmem>>
          %dma_start3A_161 = tpu.memref_squeeze %dma_start3A_160 : memref<1x80xi32, #tpu.memory_space<vmem>> -> memref<80xi32, #tpu.memory_space<vmem>>
          %dma_start3A_162 = arith.constant 0 : i32
          %dma_start3A_163 = arith.constant 0 : i32
          %dma_start3A_164 = tpu.memref_slice %arg2[%dma_start3A_162, %dma_start3A_163] : memref<40000x64xf32, #tpu.memory_space<hbm>> -> memref<40000x64xf32, #tpu.memory_space<hbm>>
          tpu.enqueue_indirect_dma source(%dma_start3A_164 : memref<40000x64xf32, #tpu.memory_space<hbm>>) target(%arg10 : memref<80x64xf32, #tpu.memory_space<vmem>>) offsets(%dma_start3A_161 : memref<80xi32, #tpu.memory_space<vmem>>) semaphore(%arg17 : memref<!tpu.dma_semaphore, #tpu.memory_space<semaphore_mem>>)
          %mul3A_165 = arith.constant 160000 : i32
          %mul3A_166 = arith.muli %add3A_1, %mul3A_165 : i32
          %add3A_167 = arith.addi %mul3A_166, %mul3A_0 : i32
          %mul3A_168 = arith.constant 80 : i32
          %mul3A_169 = arith.muli %add3A_158, %mul3A_168 : i32
          %add3A_170 = arith.addi %add3A_167, %mul3A_169 : i32
          %dma_start3A_171 = arith.constant 0 : i32
          %dma_start3A_172 = tpu.memref_slice %arg3[%add3A_170, %dma_start3A_171] : memref<640000x64xf32, #tpu.memory_space<hbm>> -> memref<80x64xf32, #tpu.memory_space<hbm>>
          %dma_start3A_173 = arith.constant 0 : i32
          %dma_start3A_174 = tpu.memref_slice %arg3[%add3A_170, %dma_start3A_173] : memref<640000x64xf32, #tpu.memory_space<hbm>> -> memref<80x64xf32, #tpu.memory_space<hbm>>
          tpu.enqueue_dma source(%dma_start3A_174 : memref<80x64xf32, #tpu.memory_space<hbm>>) target(%arg12 : memref<80x64xf32, #tpu.memory_space<vmem>>) target_semaphore(%arg19 : memref<!tpu.dma_semaphore, #tpu.memory_space<semaphore_mem>>)
        } else {
        }
        %dma_wait3A = arith.constant 0 : i32
        %dma_wait3A_136 = tpu.memref_slice %arg8[%scan3A_92, %dma_wait3A] : memref<125x80xi32, #tpu.memory_space<vmem>> -> memref<1x80xi32, #tpu.memory_space<vmem>>
        %dma_wait3A_137 = tpu.memref_squeeze %dma_wait3A_136 : memref<1x80xi32, #tpu.memory_space<vmem>> -> memref<80xi32, #tpu.memory_space<vmem>>
        %dma_wait3A_138 = arith.constant 0 : i32
        %dma_wait3A_139 = arith.constant 0 : i32
        %dma_wait3A_140 = tpu.memref_slice %arg2[%dma_wait3A_138, %dma_wait3A_139] : memref<40000x64xf32, #tpu.memory_space<hbm>> -> memref<40000x64xf32, #tpu.memory_space<hbm>>
        tpu.wait_indirect_dma semaphore(%arg18 : memref<!tpu.dma_semaphore, #tpu.memory_space<semaphore_mem>>) src(%dma_wait3A_140 : memref<40000x64xf32, #tpu.memory_space<hbm>>) dst(%arg11 : memref<80x64xf32, #tpu.memory_space<vmem>>)
        %mul3A_141 = arith.constant 160000 : i32
        %mul3A_142 = arith.muli %add3A_1, %mul3A_141 : i32
        %add3A_143 = arith.addi %mul3A_142, %mul3A_0 : i32
        %mul3A_144 = arith.constant 80 : i32
        %mul3A_145 = arith.muli %scan3A_92, %mul3A_144 : i32
        %add3A_146 = arith.addi %add3A_143, %mul3A_145 : i32
        %dma_wait3A_147 = arith.constant 0 : i32
        %dma_wait3A_148 = tpu.memref_slice %arg3[%add3A_146, %dma_wait3A_147] : memref<640000x64xf32, #tpu.memory_space<hbm>> -> memref<80x64xf32, #tpu.memory_space<hbm>>
        %dma_wait3A_149 = arith.constant 0 : i32
        %dma_wait3A_150 = tpu.memref_slice %arg3[%add3A_146, %dma_wait3A_149] : memref<640000x64xf32, #tpu.memory_space<hbm>> -> memref<80x64xf32, #tpu.memory_space<hbm>>
        tpu.wait_dma2 semaphore(%arg20 : memref<!tpu.dma_semaphore, #tpu.memory_space<semaphore_mem>>) src(%dma_wait3A_150 : memref<80x64xf32, #tpu.memory_space<hbm>>) dst(%arg13 : memref<80x64xf32, #tpu.memory_space<vmem>>)
        %scan3A_151 = arith.constant 0 : i32
        %scan3A_152 = arith.constant 0 : i32
        %scan3A_153 = arith.constant 80 : i32
        %scan3A_154 = arith.addi %scan3A_152, %scan3A_153 : i32
        %scan3A_155 = arith.constant 1 : i32
        scf.for %scan3A_157 = %scan3A_152 to %scan3A_154 step %scan3A_155  : i32 {
          %get3A = arith.index_cast %scan3A_157 : i32 to index
          %get3A_158 = arith.constant 0 : index
          %get3A_159 = tpu.vector_load %arg11[%get3A, %get3A_158] {strides = array<i32>} : memref<80x64xf32, #tpu.memory_space<vmem>>, vector<16xf32>,
          %get3A_160 = arith.index_cast %scan3A_157 : i32 to index
          %get3A_161 = arith.constant 0 : index
          %get3A_162 = tpu.vector_load %arg13[%get3A_160, %get3A_161] {strides = array<i32>} : memref<80x64xf32, #tpu.memory_space<vmem>>, vector<16xf32>,
          %add3A_163 = arith.addf %get3A_159, %get3A_162 : vector<16xf32>
          %max3A = arith.constant 0.000000e+00 : f32
          %max3A_164 = vector.broadcast %max3A : f32 to vector<16xf32>
          %max3A_165 = arith.maximumf %add3A_163, %max3A_164 : vector<16xf32>
          %swap3A = arith.index_cast %scan3A_157 : i32 to index
          %swap3A_166 = arith.constant 0 : index
          %swap3A_167 = tpu.vector_load %arg15[%swap3A, %swap3A_166] {strides = array<i32>} : memref<80x64xf32, #tpu.memory_space<vmem>>, vector<16xf32>,
          tpu.vector_store %arg15[%swap3A, %swap3A_166], %max3A_165 {strides = array<i32>} : memref<80x64xf32, #tpu.memory_space<vmem>>, vector<16xf32>,
          %get3A_168 = arith.index_cast %scan3A_157 : i32 to index
          %get3A_169 = arith.constant 16 : index
          %get3A_170 = tpu.vector_load %arg11[%get3A_168, %get3A_169] {strides = array<i32>} : memref<80x64xf32, #tpu.memory_space<vmem>>, vector<16xf32>,
          %get3A_171 = arith.index_cast %scan3A_157 : i32 to index
          %get3A_172 = arith.constant 16 : index
          %get3A_173 = tpu.vector_load %arg13[%get3A_171, %get3A_172] {strides = array<i32>} : memref<80x64xf32, #tpu.memory_space<vmem>>, vector<16xf32>,
          %add3A_174 = arith.addf %get3A_170, %get3A_173 : vector<16xf32>
          %max3A_175 = arith.constant 0.000000e+00 : f32
          %max3A_176 = vector.broadcast %max3A_175 : f32 to vector<16xf32>
          %max3A_177 = arith.maximumf %add3A_174, %max3A_176 : vector<16xf32>
          %swap3A_178 = arith.index_cast %scan3A_157 : i32 to index
          %swap3A_179 = arith.constant 16 : index
          %swap3A_180 = tpu.vector_load %arg15[%swap3A_178, %swap3A_179] {strides = array<i32>} : memref<80x64xf32, #tpu.memory_space<vmem>>, vector<16xf32>,
          tpu.vector_store %arg15[%swap3A_178, %swap3A_179], %max3A_177 {strides = array<i32>} : memref<80x64xf32, #tpu.memory_space<vmem>>, vector<16xf32>,
          %get3A_181 = arith.index_cast %scan3A_157 : i32 to index
          %get3A_182 = arith.constant 32 : index
          %get3A_183 = tpu.vector_load %arg11[%get3A_181, %get3A_182] {strides = array<i32>} : memref<80x64xf32, #tpu.memory_space<vmem>>, vector<16xf32>,
          %get3A_184 = arith.index_cast %scan3A_157 : i32 to index
          %get3A_185 = arith.constant 32 : index
          %get3A_186 = tpu.vector_load %arg13[%get3A_184, %get3A_185] {strides = array<i32>} : memref<80x64xf32, #tpu.memory_space<vmem>>, vector<16xf32>,
          %add3A_187 = arith.addf %get3A_183, %get3A_186 : vector<16xf32>
          %max3A_188 = arith.constant 0.000000e+00 : f32
          %max3A_189 = vector.broadcast %max3A_188 : f32 to vector<16xf32>
          %max3A_190 = arith.maximumf %add3A_187, %max3A_189 : vector<16xf32>
          %swap3A_191 = arith.index_cast %scan3A_157 : i32 to index
          %swap3A_192 = arith.constant 32 : index
          %swap3A_193 = tpu.vector_load %arg15[%swap3A_191, %swap3A_192] {strides = array<i32>} : memref<80x64xf32, #tpu.memory_space<vmem>>, vector<16xf32>,
          tpu.vector_store %arg15[%swap3A_191, %swap3A_192], %max3A_190 {strides = array<i32>} : memref<80x64xf32, #tpu.memory_space<vmem>>, vector<16xf32>,
          %get3A_194 = arith.index_cast %scan3A_157 : i32 to index
          %get3A_195 = arith.constant 48 : index
          %get3A_196 = tpu.vector_load %arg11[%get3A_194, %get3A_195] {strides = array<i32>} : memref<80x64xf32, #tpu.memory_space<vmem>>, vector<16xf32>,
          %get3A_197 = arith.index_cast %scan3A_157 : i32 to index
          %get3A_198 = arith.constant 48 : index
          %get3A_199 = tpu.vector_load %arg13[%get3A_197, %get3A_198] {strides = array<i32>} : memref<80x64xf32, #tpu.memory_space<vmem>>, vector<16xf32>,
          %add3A_200 = arith.addf %get3A_196, %get3A_199 : vector<16xf32>
          %max3A_201 = arith.constant 0.000000e+00 : f32
          %max3A_202 = vector.broadcast %max3A_201 : f32 to vector<16xf32>
          %max3A_203 = arith.maximumf %add3A_200, %max3A_202 : vector<16xf32>
          %swap3A_204 = arith.index_cast %scan3A_157 : i32 to index
          %swap3A_205 = arith.constant 48 : index
          %swap3A_206 = tpu.vector_load %arg15[%swap3A_204, %swap3A_205] {strides = array<i32>} : memref<80x64xf32, #tpu.memory_space<vmem>>, vector<16xf32>,
          tpu.vector_store %arg15[%swap3A_204, %swap3A_205], %max3A_203 {strides = array<i32>} : memref<80x64xf32, #tpu.memory_space<vmem>>, vector<16xf32>,
        }
        %scan3A_156 = arith.constant 80 : i32
        "tpu.region"() ({
          %run_scoped3A = tpu.sem_alloc : memref<!tpu.dma_semaphore, #tpu.memory_space<semaphore_mem>>
          %dma_start3A_157 = arith.constant 0 : i32
          %dma_start3A_158 = tpu.memref_slice %arg9[%scan3A_92, %dma_start3A_157] : memref<125x80xi32, #tpu.memory_space<vmem>> -> memref<1x80xi32, #tpu.memory_space<vmem>>
          %dma_start3A_159 = tpu.memref_squeeze %dma_start3A_158 : memref<1x80xi32, #tpu.memory_space<vmem>> -> memref<80xi32, #tpu.memory_space<vmem>>
          %dma_start3A_160 = arith.constant 0 : i32
          %dma_start3A_161 = arith.constant 0 : i32
          %dma_start3A_162 = tpu.memref_slice %arg16[%dma_start3A_160, %dma_start3A_161] : memref<10000x64xf32, #tpu.memory_space<vmem_shared>> -> memref<10000x64xf32, #tpu.memory_space<vmem_shared>>
          tpu.enqueue_indirect_dma source(%arg15 : memref<80x64xf32, #tpu.memory_space<vmem>>) target(%dma_start3A_162 : memref<10000x64xf32, #tpu.memory_space<vmem_shared>>) offsets(%dma_start3A_159 : memref<80xi32, #tpu.memory_space<vmem>>) semaphore(%run_scoped3A : memref<!tpu.dma_semaphore, #tpu.memory_space<semaphore_mem>>) {add = true}
          %dma_wait3A_163 = arith.constant 0 : i32
          %dma_wait3A_164 = tpu.memref_slice %arg9[%scan3A_92, %dma_wait3A_163] : memref<125x80xi32, #tpu.memory_space<vmem>> -> memref<1x80xi32, #tpu.memory_space<vmem>>
          %dma_wait3A_165 = tpu.memref_squeeze %dma_wait3A_164 : memref<1x80xi32, #tpu.memory_space<vmem>> -> memref<80xi32, #tpu.memory_space<vmem>>
          %dma_wait3A_166 = arith.constant 0 : i32
          %dma_wait3A_167 = arith.constant 0 : i32
          %dma_wait3A_168 = tpu.memref_slice %arg16[%dma_wait3A_166, %dma_wait3A_167] : memref<10000x64xf32, #tpu.memory_space<vmem_shared>> -> memref<10000x64xf32, #tpu.memory_space<vmem_shared>>
          tpu.wait_indirect_dma semaphore(%run_scoped3A : memref<!tpu.dma_semaphore, #tpu.memory_space<semaphore_mem>>) src(%arg15 : memref<80x64xf32, #tpu.memory_space<vmem>>) dst(%dma_wait3A_168 : memref<10000x64xf32, #tpu.memory_space<vmem_shared>>)
          tpu.yield
        }) : () -> ()
      } else {
      }
    }
    %scan3A_29 = arith.constant 125 : i32
    %barrier3A_30 = arith.constant 0 : index
    tpu.barrier barrier_id(%barrier3A_30)
    %mul3A_31 = arith.constant 10000 : i32
    %mul3A_32 = arith.muli %add3A_1, %mul3A_31 : i32
    %mul3A_33 = arith.constant 624 : i32
    %mul3A_34 = arith.muli %arg1, %mul3A_33 : i32
    %add3A_35 = arith.constant 0 : i32
    %add3A_36 = arith.addi %add3A_35, %mul3A_34 : i32
    %add3A_37 = arith.addi %mul3A_32, %mul3A_34 : i32
    "tpu.region"() ({
      %run_scoped3A = tpu.sem_alloc : memref<!tpu.dma_semaphore, #tpu.memory_space<semaphore_mem>>
      %dma_start3A_92 = arith.constant 0 : i32
      %dma_start3A_93 = tpu.memref_slice %arg7[%add3A_37, %dma_start3A_92] : memref<40000x64xf32, #tpu.memory_space<hbm>> -> memref<624x64xf32, #tpu.memory_space<hbm>>
      %dma_start3A_94 = arith.constant 0 : i32
      %dma_start3A_95 = tpu.memref_slice %arg16[%add3A_36, %dma_start3A_94] : memref<10000x64xf32, #tpu.memory_space<vmem_shared>> -> memref<624x64xf32, #tpu.memory_space<vmem_shared>>
      tpu.enqueue_dma source(%dma_start3A_95 : memref<624x64xf32, #tpu.memory_space<vmem_shared>>) target(%dma_start3A_93 : memref<624x64xf32, #tpu.memory_space<hbm>>) target_semaphore(%run_scoped3A : memref<!tpu.dma_semaphore, #tpu.memory_space<semaphore_mem>>)
      %dma_wait3A = arith.constant 0 : i32
      %dma_wait3A_96 = tpu.memref_slice %arg7[%add3A_37, %dma_wait3A] : memref<40000x64xf32, #tpu.memory_space<hbm>> -> memref<624x64xf32, #tpu.memory_space<hbm>>
      %dma_wait3A_97 = arith.constant 0 : i32
      %dma_wait3A_98 = tpu.memref_slice %arg16[%add3A_36, %dma_wait3A_97] : memref<10000x64xf32, #tpu.memory_space<vmem_shared>> -> memref<624x64xf32, #tpu.memory_space<vmem_shared>>
      tpu.wait_dma2 semaphore(%run_scoped3A : memref<!tpu.dma_semaphore, #tpu.memory_space<semaphore_mem>>) src(%dma_wait3A_98 : memref<624x64xf32, #tpu.memory_space<vmem_shared>>) dst(%dma_wait3A_96 : memref<624x64xf32, #tpu.memory_space<hbm>>)
      tpu.yield
    }) : () -> ()
    %eq3A_38 = arith.constant 15 : i32
    %eq3A_39 = arith.cmpi eq, %arg1, %eq3A_38 : i32
    %convert_element_type3A_40 = arith.extui %eq3A_39 : i1 to i32
    %cond3A_41 = arith.constant 0 : i32
    %cond3A_42 = arith.cmpi ne, %convert_element_type3A_40, %cond3A_41 : i32
    scf.if %cond3A_42 {
      %add3A_92 = arith.constant 9984 : i32
      %add3A_93 = arith.addi %mul3A_32, %add3A_92 : i32
      "tpu.region"() ({
        %run_scoped3A = tpu.sem_alloc : memref<!tpu.dma_semaphore, #tpu.memory_space<semaphore_mem>>
        %dma_start3A_94 = arith.constant 0 : i32
        %dma_start3A_95 = tpu.memref_slice %arg7[%add3A_93, %dma_start3A_94] : memref<40000x64xf32, #tpu.memory_space<hbm>> -> memref<16x64xf32, #tpu.memory_space<hbm>>
        %dma_start3A_96 = arith.constant 9984 : i32
        %dma_start3A_97 = arith.constant 0 : i32
        %dma_start3A_98 = tpu.memref_slice %arg16[%dma_start3A_96, %dma_start3A_97] : memref<10000x64xf32, #tpu.memory_space<vmem_shared>> -> memref<16x64xf32, #tpu.memory_space<vmem_shared>>
        tpu.enqueue_dma source(%dma_start3A_98 : memref<16x64xf32, #tpu.memory_space<vmem_shared>>) target(%dma_start3A_95 : memref<16x64xf32, #tpu.memory_space<hbm>>) target_semaphore(%run_scoped3A : memref<!tpu.dma_semaphore, #tpu.memory_space<semaphore_mem>>)
        %dma_wait3A = arith.constant 0 : i32
        %dma_wait3A_99 = tpu.memref_slice %arg7[%add3A_93, %dma_wait3A] : memref<40000x64xf32, #tpu.memory_space<hbm>> -> memref<16x64xf32, #tpu.memory_space<hbm>>
        %dma_wait3A_100 = arith.constant 9984 : i32
        %dma_wait3A_101 = arith.constant 0 : i32
        %dma_wait3A_102 = tpu.memref_slice %arg16[%dma_wait3A_100, %dma_wait3A_101] : memref<10000x64xf32, #tpu.memory_space<vmem_shared>> -> memref<16x64xf32, #tpu.memory_space<vmem_shared>>
        tpu.wait_dma2 semaphore(%run_scoped3A : memref<!tpu.dma_semaphore, #tpu.memory_space<semaphore_mem>>) src(%dma_wait3A_102 : memref<16x64xf32, #tpu.memory_space<vmem_shared>>) dst(%dma_wait3A_99 : memref<16x64xf32, #tpu.memory_space<hbm>>)
        tpu.yield
      }) : () -> ()
    } else {
    }
    %add3A_43 = arith.constant 2 : i32
    %add3A_44 = arith.addi %add3A_43, %arg0 : i32
    "tpu.region"() ({
      %run_scoped3A = tpu.sem_alloc : memref<!tpu.dma_semaphore, #tpu.memory_space<semaphore_mem>>
      %dma_start3A_92 = arith.constant 0 : i32
      %dma_start3A_93 = arith.constant 0 : i32
      %dma_start3A_94 = tpu.memref_slice %arg4[%add3A_44, %arg1, %dma_start3A_92, %dma_start3A_93] : memref<4x16x125x80xi32, #tpu.memory_space<hbm>> -> memref<1x1x125x80xi32, #tpu.memory_space<hbm>>
      %dma_start3A_95 = tpu.memref_squeeze %dma_start3A_94 : memref<1x1x125x80xi32, #tpu.memory_space<hbm>> -> memref<125x80xi32, #tpu.memory_space<hbm>>
      %dma_start3A_96 = arith.constant 0 : i32
      %dma_start3A_97 = arith.constant 0 : i32
      %dma_start3A_98 = tpu.memref_slice %arg4[%add3A_44, %arg1, %dma_start3A_96, %dma_start3A_97] : memref<4x16x125x80xi32, #tpu.memory_space<hbm>> -> memref<1x1x125x80xi32, #tpu.memory_space<hbm>>
      %dma_start3A_99 = tpu.memref_squeeze %dma_start3A_98 : memref<1x1x125x80xi32, #tpu.memory_space<hbm>> -> memref<125x80xi32, #tpu.memory_space<hbm>>
      tpu.enqueue_dma source(%dma_start3A_99 : memref<125x80xi32, #tpu.memory_space<hbm>>) target(%arg8 : memref<125x80xi32, #tpu.memory_space<vmem>>) target_semaphore(%run_scoped3A : memref<!tpu.dma_semaphore, #tpu.memory_space<semaphore_mem>>)
      %dma_wait3A = arith.constant 0 : i32
      %dma_wait3A_100 = arith.constant 0 : i32
      %dma_wait3A_101 = tpu.memref_slice %arg4[%add3A_44, %arg1, %dma_wait3A, %dma_wait3A_100] : memref<4x16x125x80xi32, #tpu.memory_space<hbm>> -> memref<1x1x125x80xi32, #tpu.memory_space<hbm>>
      %dma_wait3A_102 = tpu.memref_squeeze %dma_wait3A_101 : memref<1x1x125x80xi32, #tpu.memory_space<hbm>> -> memref<125x80xi32, #tpu.memory_space<hbm>>
      %dma_wait3A_103 = arith.constant 0 : i32
      %dma_wait3A_104 = arith.constant 0 : i32
      %dma_wait3A_105 = tpu.memref_slice %arg4[%add3A_44, %arg1, %dma_wait3A_103, %dma_wait3A_104] : memref<4x16x125x80xi32, #tpu.memory_space<hbm>> -> memref<1x1x125x80xi32, #tpu.memory_space<hbm>>
      %dma_wait3A_106 = tpu.memref_squeeze %dma_wait3A_105 : memref<1x1x125x80xi32, #tpu.memory_space<hbm>> -> memref<125x80xi32, #tpu.memory_space<hbm>>
      tpu.wait_dma2 semaphore(%run_scoped3A : memref<!tpu.dma_semaphore, #tpu.memory_space<semaphore_mem>>) src(%dma_wait3A_106 : memref<125x80xi32, #tpu.memory_space<hbm>>) dst(%arg8 : memref<125x80xi32, #tpu.memory_space<vmem>>)
      tpu.yield
    }) : () -> ()
    %mul3A_45 = arith.constant 624 : i32
    %mul3A_46 = arith.muli %arg1, %mul3A_45 : i32
    %add3A_47 = arith.constant 0 : i32
    %add3A_48 = arith.addi %add3A_47, %mul3A_46 : i32
    %add3A_49 = arith.constant 0 : i32
    %add3A_50 = arith.addi %add3A_49, %mul3A_46 : i32
    "tpu.region"() ({
      %run_scoped3A = tpu.sem_alloc : memref<!tpu.dma_semaphore, #tpu.memory_space<semaphore_mem>>
      %dma_start3A_92 = arith.constant 0 : i32
      %dma_start3A_93 = tpu.memref_slice %arg16[%add3A_50, %dma_start3A_92] : memref<10000x64xf32, #tpu.memory_space<vmem_shared>> -> memref<624x64xf32, #tpu.memory_space<vmem_shared>>
      %dma_start3A_94 = arith.constant 0 : i32
      %dma_start3A_95 = tpu.memref_slice %arg6[%add3A_48, %dma_start3A_94] : memref<10000x64xf32, #tpu.memory_space<hbm>> -> memref<624x64xf32, #tpu.memory_space<hbm>>
      tpu.enqueue_dma source(%dma_start3A_95 : memref<624x64xf32, #tpu.memory_space<hbm>>) target(%dma_start3A_93 : memref<624x64xf32, #tpu.memory_space<vmem_shared>>) target_semaphore(%run_scoped3A : memref<!tpu.dma_semaphore, #tpu.memory_space<semaphore_mem>>)
      %dma_wait3A = arith.constant 0 : i32
      %dma_wait3A_96 = tpu.memref_slice %arg16[%add3A_50, %dma_wait3A] : memref<10000x64xf32, #tpu.memory_space<vmem_shared>> -> memref<624x64xf32, #tpu.memory_space<vmem_shared>>
      %dma_wait3A_97 = arith.constant 0 : i32
      %dma_wait3A_98 = tpu.memref_slice %arg6[%add3A_48, %dma_wait3A_97] : memref<10000x64xf32, #tpu.memory_space<hbm>> -> memref<624x64xf32, #tpu.memory_space<hbm>>
      tpu.wait_dma2 semaphore(%run_scoped3A : memref<!tpu.dma_semaphore, #tpu.memory_space<semaphore_mem>>) src(%dma_wait3A_98 : memref<624x64xf32, #tpu.memory_space<hbm>>) dst(%dma_wait3A_96 : memref<624x64xf32, #tpu.memory_space<vmem_shared>>)
      tpu.yield
    }) : () -> ()
    %eq3A_51 = arith.constant 15 : i32
    %eq3A_52 = arith.cmpi eq, %arg1, %eq3A_51 : i32
    %convert_element_type3A_53 = arith.extui %eq3A_52 : i1 to i32
    %cond3A_54 = arith.constant 0 : i32
    %cond3A_55 = arith.cmpi ne, %convert_element_type3A_53, %cond3A_54 : i32
    scf.if %cond3A_55 {
      "tpu.region"() ({
        %run_scoped3A = tpu.sem_alloc : memref<!tpu.dma_semaphore, #tpu.memory_space<semaphore_mem>>
        %dma_start3A_92 = arith.constant 9984 : i32
        %dma_start3A_93 = arith.constant 0 : i32
        %dma_start3A_94 = tpu.memref_slice %arg16[%dma_start3A_92, %dma_start3A_93] : memref<10000x64xf32, #tpu.memory_space<vmem_shared>> -> memref<16x64xf32, #tpu.memory_space<vmem_shared>>
        %dma_start3A_95 = arith.constant 9984 : i32
        %dma_start3A_96 = arith.constant 0 : i32
        %dma_start3A_97 = tpu.memref_slice %arg6[%dma_start3A_95, %dma_start3A_96] : memref<10000x64xf32, #tpu.memory_space<hbm>> -> memref<16x64xf32, #tpu.memory_space<hbm>>
        tpu.enqueue_dma source(%dma_start3A_97 : memref<16x64xf32, #tpu.memory_space<hbm>>) target(%dma_start3A_94 : memref<16x64xf32, #tpu.memory_space<vmem_shared>>) target_semaphore(%run_scoped3A : memref<!tpu.dma_semaphore, #tpu.memory_space<semaphore_mem>>)
        %dma_wait3A = arith.constant 9984 : i32
        %dma_wait3A_98 = arith.constant 0 : i32
        %dma_wait3A_99 = tpu.memref_slice %arg16[%dma_wait3A, %dma_wait3A_98] : memref<10000x64xf32, #tpu.memory_space<vmem_shared>> -> memref<16x64xf32, #tpu.memory_space<vmem_shared>>
        %dma_wait3A_100 = arith.constant 9984 : i32
        %dma_wait3A_101 = arith.constant 0 : i32
        %dma_wait3A_102 = tpu.memref_slice %arg6[%dma_wait3A_100, %dma_wait3A_101] : memref<10000x64xf32, #tpu.memory_space<hbm>> -> memref<16x64xf32, #tpu.memory_space<hbm>>
        tpu.wait_dma2 semaphore(%run_scoped3A : memref<!tpu.dma_semaphore, #tpu.memory_space<semaphore_mem>>) src(%dma_wait3A_102 : memref<16x64xf32, #tpu.memory_space<hbm>>) dst(%dma_wait3A_99 : memref<16x64xf32, #tpu.memory_space<vmem_shared>>)
        tpu.yield
      }) : () -> ()
    } else {
    }
    %dma_start3A_56 = arith.constant 0 : i32
    %dma_start3A_57 = arith.constant 0 : i32
    %dma_start3A_58 = tpu.memref_slice %arg8[%dma_start3A_56, %dma_start3A_57] : memref<125x80xi32, #tpu.memory_space<vmem>> -> memref<1x80xi32, #tpu.memory_space<vmem>>
    %dma_start3A_59 = tpu.memref_squeeze %dma_start3A_58 : memref<1x80xi32, #tpu.memory_space<vmem>> -> memref<80xi32, #tpu.memory_space<vmem>>
    %dma_start3A_60 = arith.constant 0 : i32
    %dma_start3A_61 = arith.constant 0 : i32
    %dma_start3A_62 = tpu.memref_slice %arg2[%dma_start3A_60, %dma_start3A_61] : memref<40000x64xf32, #tpu.memory_space<hbm>> -> memref<40000x64xf32, #tpu.memory_space<hbm>>
    tpu.enqueue_indirect_dma source(%dma_start3A_62 : memref<40000x64xf32, #tpu.memory_space<hbm>>) target(%arg10 : memref<80x64xf32, #tpu.memory_space<vmem>>) offsets(%dma_start3A_59 : memref<80xi32, #tpu.memory_space<vmem>>) semaphore(%arg17 : memref<!tpu.dma_semaphore, #tpu.memory_space<semaphore_mem>>)
    %mul3A_63 = arith.constant 160000 : i32
    %mul3A_64 = arith.muli %add3A_44, %mul3A_63 : i32
    %add3A_65 = arith.addi %mul3A_64, %mul3A_0 : i32
    %add3A_66 = arith.constant 0 : i32
    %add3A_67 = arith.addi %add3A_65, %add3A_66 : i32
    %dma_start3A_68 = arith.constant 0 : i32
    %dma_start3A_69 = tpu.memref_slice %arg3[%add3A_67, %dma_start3A_68] : memref<640000x64xf32, #tpu.memory_space<hbm>> -> memref<80x64xf32, #tpu.memory_space<hbm>>
    %dma_start3A_70 = arith.constant 0 : i32
    %dma_start3A_71 = tpu.memref_slice %arg3[%add3A_67, %dma_start3A_70] : memref<640000x64xf32, #tpu.memory_space<hbm>> -> memref<80x64xf32, #tpu.memory_space<hbm>>
    tpu.enqueue_dma source(%dma_start3A_71 : memref<80x64xf32, #tpu.memory_space<hbm>>) target(%arg12 : memref<80x64xf32, #tpu.memory_space<vmem>>) target_semaphore(%arg19 : memref<!tpu.dma_semaphore, #tpu.memory_space<semaphore_mem>>)
    %barrier3A_72 = arith.constant 0 : index
    tpu.barrier barrier_id(%barrier3A_72)
    %scan3A_73 = arith.constant 0 : i32
    %scan3A_74 = arith.constant 0 : i32
    %scan3A_75 = arith.constant 125 : i32
    %scan3A_76 = arith.addi %scan3A_74, %scan3A_75 : i32
    %scan3A_77 = arith.constant 1 : i32
    scf.for %scan3A_92 = %scan3A_74 to %scan3A_76 step %scan3A_77  : i32 {
      %jit3A = arith.constant 2 : i32
      %eq3A_93 = arith.constant 0 : i32
      %eq3A_94 = arith.cmpi eq, %jit3A, %eq3A_93 : i32
      %jit3A_95 = arith.constant 1 : i32
      %select_n3A = arith.select %eq3A_94, %jit3A_95, %jit3A : i32
      %rem3A = arith.remsi %scan3A_92, %select_n3A : i32
      %ne3A = arith.constant 0 : i32
      %ne3A_96 = arith.cmpi ne, %rem3A, %ne3A : i32
      %lt3A = arith.constant 0 : i32
      %lt3A_97 = arith.cmpi slt, %rem3A, %lt3A : i32
      %lt3A_98 = arith.constant 0 : i32
      %lt3A_99 = arith.cmpi slt, %select_n3A, %lt3A_98 : i32
      %ne3A_100 = arith.xori %lt3A_97, %lt3A_99 : i1
      %and3A = arith.andi %ne3A_100, %ne3A_96 : i1
      %add3A_101 = arith.addi %rem3A, %select_n3A : i32
      %select_n3A_102 = arith.select %and3A, %add3A_101, %rem3A : i32
      %eq3A_103 = arith.constant 0 : i32
      %eq3A_104 = arith.cmpi eq, %select_n3A_102, %eq3A_103 : i32
      %convert_element_type3A_105 = arith.extui %eq3A_104 : i1 to i32
      %cond3A_106 = arith.constant 0 : i32
      %cond3A_107 = arith.cmpi ne, %convert_element_type3A_105, %cond3A_106 : i32
      scf.if %cond3A_107 {
        %add3A_129 = arith.constant 1 : i32
        %add3A_130 = arith.addi %scan3A_92, %add3A_129 : i32
        %lt3A_131 = arith.constant 125 : i32
        %lt3A_132 = arith.cmpi slt, %add3A_130, %lt3A_131 : i32
        %convert_element_type3A_133 = arith.extui %lt3A_132 : i1 to i32
        %cond3A_134 = arith.constant 0 : i32
        %cond3A_135 = arith.cmpi ne, %convert_element_type3A_133, %cond3A_134 : i32
        scf.if %cond3A_135 {
          %add3A_157 = arith.constant 1 : i32
          %add3A_158 = arith.addi %scan3A_92, %add3A_157 : i32
          %dma_start3A_159 = arith.constant 0 : i32
          %dma_start3A_160 = tpu.memref_slice %arg8[%add3A_158, %dma_start3A_159] : memref<125x80xi32, #tpu.memory_space<vmem>> -> memref<1x80xi32, #tpu.memory_space<vmem>>
          %dma_start3A_161 = tpu.memref_squeeze %dma_start3A_160 : memref<1x80xi32, #tpu.memory_space<vmem>> -> memref<80xi32, #tpu.memory_space<vmem>>
          %dma_start3A_162 = arith.constant 0 : i32
          %dma_start3A_163 = arith.constant 0 : i32
          %dma_start3A_164 = tpu.memref_slice %arg2[%dma_start3A_162, %dma_start3A_163] : memref<40000x64xf32, #tpu.memory_space<hbm>> -> memref<40000x64xf32, #tpu.memory_space<hbm>>
          tpu.enqueue_indirect_dma source(%dma_start3A_164 : memref<40000x64xf32, #tpu.memory_space<hbm>>) target(%arg11 : memref<80x64xf32, #tpu.memory_space<vmem>>) offsets(%dma_start3A_161 : memref<80xi32, #tpu.memory_space<vmem>>) semaphore(%arg18 : memref<!tpu.dma_semaphore, #tpu.memory_space<semaphore_mem>>)
          %mul3A_165 = arith.constant 160000 : i32
          %mul3A_166 = arith.muli %add3A_44, %mul3A_165 : i32
          %add3A_167 = arith.addi %mul3A_166, %mul3A_0 : i32
          %mul3A_168 = arith.constant 80 : i32
          %mul3A_169 = arith.muli %add3A_158, %mul3A_168 : i32
          %add3A_170 = arith.addi %add3A_167, %mul3A_169 : i32
          %dma_start3A_171 = arith.constant 0 : i32
          %dma_start3A_172 = tpu.memref_slice %arg3[%add3A_170, %dma_start3A_171] : memref<640000x64xf32, #tpu.memory_space<hbm>> -> memref<80x64xf32, #tpu.memory_space<hbm>>
          %dma_start3A_173 = arith.constant 0 : i32
          %dma_start3A_174 = tpu.memref_slice %arg3[%add3A_170, %dma_start3A_173] : memref<640000x64xf32, #tpu.memory_space<hbm>> -> memref<80x64xf32, #tpu.memory_space<hbm>>
          tpu.enqueue_dma source(%dma_start3A_174 : memref<80x64xf32, #tpu.memory_space<hbm>>) target(%arg13 : memref<80x64xf32, #tpu.memory_space<vmem>>) target_semaphore(%arg20 : memref<!tpu.dma_semaphore, #tpu.memory_space<semaphore_mem>>)
        } else {
        }
        %dma_wait3A = arith.constant 0 : i32
        %dma_wait3A_136 = tpu.memref_slice %arg8[%scan3A_92, %dma_wait3A] : memref<125x80xi32, #tpu.memory_space<vmem>> -> memref<1x80xi32, #tpu.memory_space<vmem>>
        %dma_wait3A_137 = tpu.memref_squeeze %dma_wait3A_136 : memref<1x80xi32, #tpu.memory_space<vmem>> -> memref<80xi32, #tpu.memory_space<vmem>>
        %dma_wait3A_138 = arith.constant 0 : i32
        %dma_wait3A_139 = arith.constant 0 : i32
        %dma_wait3A_140 = tpu.memref_slice %arg2[%dma_wait3A_138, %dma_wait3A_139] : memref<40000x64xf32, #tpu.memory_space<hbm>> -> memref<40000x64xf32, #tpu.memory_space<hbm>>
        tpu.wait_indirect_dma semaphore(%arg17 : memref<!tpu.dma_semaphore, #tpu.memory_space<semaphore_mem>>) src(%dma_wait3A_140 : memref<40000x64xf32, #tpu.memory_space<hbm>>) dst(%arg10 : memref<80x64xf32, #tpu.memory_space<vmem>>)
        %mul3A_141 = arith.constant 160000 : i32
        %mul3A_142 = arith.muli %add3A_44, %mul3A_141 : i32
        %add3A_143 = arith.addi %mul3A_142, %mul3A_0 : i32
        %mul3A_144 = arith.constant 80 : i32
        %mul3A_145 = arith.muli %scan3A_92, %mul3A_144 : i32
        %add3A_146 = arith.addi %add3A_143, %mul3A_145 : i32
        %dma_wait3A_147 = arith.constant 0 : i32
        %dma_wait3A_148 = tpu.memref_slice %arg3[%add3A_146, %dma_wait3A_147] : memref<640000x64xf32, #tpu.memory_space<hbm>> -> memref<80x64xf32, #tpu.memory_space<hbm>>
        %dma_wait3A_149 = arith.constant 0 : i32
        %dma_wait3A_150 = tpu.memref_slice %arg3[%add3A_146, %dma_wait3A_149] : memref<640000x64xf32, #tpu.memory_space<hbm>> -> memref<80x64xf32, #tpu.memory_space<hbm>>
        tpu.wait_dma2 semaphore(%arg19 : memref<!tpu.dma_semaphore, #tpu.memory_space<semaphore_mem>>) src(%dma_wait3A_150 : memref<80x64xf32, #tpu.memory_space<hbm>>) dst(%arg12 : memref<80x64xf32, #tpu.memory_space<vmem>>)
        %scan3A_151 = arith.constant 0 : i32
        %scan3A_152 = arith.constant 0 : i32
        %scan3A_153 = arith.constant 80 : i32
        %scan3A_154 = arith.addi %scan3A_152, %scan3A_153 : i32
        %scan3A_155 = arith.constant 1 : i32
        scf.for %scan3A_157 = %scan3A_152 to %scan3A_154 step %scan3A_155  : i32 {
          %get3A = arith.index_cast %scan3A_157 : i32 to index
          %get3A_158 = arith.constant 0 : index
          %get3A_159 = tpu.vector_load %arg10[%get3A, %get3A_158] {strides = array<i32>} : memref<80x64xf32, #tpu.memory_space<vmem>>, vector<16xf32>,
          %get3A_160 = arith.index_cast %scan3A_157 : i32 to index
          %get3A_161 = arith.constant 0 : index
          %get3A_162 = tpu.vector_load %arg12[%get3A_160, %get3A_161] {strides = array<i32>} : memref<80x64xf32, #tpu.memory_space<vmem>>, vector<16xf32>,
          %add3A_163 = arith.addf %get3A_159, %get3A_162 : vector<16xf32>
          %max3A = arith.constant 0.000000e+00 : f32
          %max3A_164 = vector.broadcast %max3A : f32 to vector<16xf32>
          %max3A_165 = arith.maximumf %add3A_163, %max3A_164 : vector<16xf32>
          %swap3A = arith.index_cast %scan3A_157 : i32 to index
          %swap3A_166 = arith.constant 0 : index
          %swap3A_167 = tpu.vector_load %arg14[%swap3A, %swap3A_166] {strides = array<i32>} : memref<80x64xf32, #tpu.memory_space<vmem>>, vector<16xf32>,
          tpu.vector_store %arg14[%swap3A, %swap3A_166], %max3A_165 {strides = array<i32>} : memref<80x64xf32, #tpu.memory_space<vmem>>, vector<16xf32>,
          %get3A_168 = arith.index_cast %scan3A_157 : i32 to index
          %get3A_169 = arith.constant 16 : index
          %get3A_170 = tpu.vector_load %arg10[%get3A_168, %get3A_169] {strides = array<i32>} : memref<80x64xf32, #tpu.memory_space<vmem>>, vector<16xf32>,
          %get3A_171 = arith.index_cast %scan3A_157 : i32 to index
          %get3A_172 = arith.constant 16 : index
          %get3A_173 = tpu.vector_load %arg12[%get3A_171, %get3A_172] {strides = array<i32>} : memref<80x64xf32, #tpu.memory_space<vmem>>, vector<16xf32>,
          %add3A_174 = arith.addf %get3A_170, %get3A_173 : vector<16xf32>
          %max3A_175 = arith.constant 0.000000e+00 : f32
          %max3A_176 = vector.broadcast %max3A_175 : f32 to vector<16xf32>
          %max3A_177 = arith.maximumf %add3A_174, %max3A_176 : vector<16xf32>
          %swap3A_178 = arith.index_cast %scan3A_157 : i32 to index
          %swap3A_179 = arith.constant 16 : index
          %swap3A_180 = tpu.vector_load %arg14[%swap3A_178, %swap3A_179] {strides = array<i32>} : memref<80x64xf32, #tpu.memory_space<vmem>>, vector<16xf32>,
          tpu.vector_store %arg14[%swap3A_178, %swap3A_179], %max3A_177 {strides = array<i32>} : memref<80x64xf32, #tpu.memory_space<vmem>>, vector<16xf32>,
          %get3A_181 = arith.index_cast %scan3A_157 : i32 to index
          %get3A_182 = arith.constant 32 : index
          %get3A_183 = tpu.vector_load %arg10[%get3A_181, %get3A_182] {strides = array<i32>} : memref<80x64xf32, #tpu.memory_space<vmem>>, vector<16xf32>,
          %get3A_184 = arith.index_cast %scan3A_157 : i32 to index
          %get3A_185 = arith.constant 32 : index
          %get3A_186 = tpu.vector_load %arg12[%get3A_184, %get3A_185] {strides = array<i32>} : memref<80x64xf32, #tpu.memory_space<vmem>>, vector<16xf32>,
          %add3A_187 = arith.addf %get3A_183, %get3A_186 : vector<16xf32>
          %max3A_188 = arith.constant 0.000000e+00 : f32
          %max3A_189 = vector.broadcast %max3A_188 : f32 to vector<16xf32>
          %max3A_190 = arith.maximumf %add3A_187, %max3A_189 : vector<16xf32>
          %swap3A_191 = arith.index_cast %scan3A_157 : i32 to index
          %swap3A_192 = arith.constant 32 : index
          %swap3A_193 = tpu.vector_load %arg14[%swap3A_191, %swap3A_192] {strides = array<i32>} : memref<80x64xf32, #tpu.memory_space<vmem>>, vector<16xf32>,
          tpu.vector_store %arg14[%swap3A_191, %swap3A_192], %max3A_190 {strides = array<i32>} : memref<80x64xf32, #tpu.memory_space<vmem>>, vector<16xf32>,
          %get3A_194 = arith.index_cast %scan3A_157 : i32 to index
          %get3A_195 = arith.constant 48 : index
          %get3A_196 = tpu.vector_load %arg10[%get3A_194, %get3A_195] {strides = array<i32>} : memref<80x64xf32, #tpu.memory_space<vmem>>, vector<16xf32>,
          %get3A_197 = arith.index_cast %scan3A_157 : i32 to index
          %get3A_198 = arith.constant 48 : index
          %get3A_199 = tpu.vector_load %arg12[%get3A_197, %get3A_198] {strides = array<i32>} : memref<80x64xf32, #tpu.memory_space<vmem>>, vector<16xf32>,
          %add3A_200 = arith.addf %get3A_196, %get3A_199 : vector<16xf32>
          %max3A_201 = arith.constant 0.000000e+00 : f32
          %max3A_202 = vector.broadcast %max3A_201 : f32 to vector<16xf32>
          %max3A_203 = arith.maximumf %add3A_200, %max3A_202 : vector<16xf32>
          %swap3A_204 = arith.index_cast %scan3A_157 : i32 to index
          %swap3A_205 = arith.constant 48 : index
          %swap3A_206 = tpu.vector_load %arg14[%swap3A_204, %swap3A_205] {strides = array<i32>} : memref<80x64xf32, #tpu.memory_space<vmem>>, vector<16xf32>,
          tpu.vector_store %arg14[%swap3A_204, %swap3A_205], %max3A_203 {strides = array<i32>} : memref<80x64xf32, #tpu.memory_space<vmem>>, vector<16xf32>,
        }
        %scan3A_156 = arith.constant 80 : i32
        "tpu.region"() ({
          %run_scoped3A = tpu.sem_alloc : memref<!tpu.dma_semaphore, #tpu.memory_space<semaphore_mem>>
          %dma_start3A_157 = arith.constant 0 : i32
          %dma_start3A_158 = tpu.memref_slice %arg9[%scan3A_92, %dma_start3A_157] : memref<125x80xi32, #tpu.memory_space<vmem>> -> memref<1x80xi32, #tpu.memory_space<vmem>>
          %dma_start3A_159 = tpu.memref_squeeze %dma_start3A_158 : memref<1x80xi32, #tpu.memory_space<vmem>> -> memref<80xi32, #tpu.memory_space<vmem>>
          %dma_start3A_160 = arith.constant 0 : i32
          %dma_start3A_161 = arith.constant 0 : i32
          %dma_start3A_162 = tpu.memref_slice %arg16[%dma_start3A_160, %dma_start3A_161] : memref<10000x64xf32, #tpu.memory_space<vmem_shared>> -> memref<10000x64xf32, #tpu.memory_space<vmem_shared>>
          tpu.enqueue_indirect_dma source(%arg14 : memref<80x64xf32, #tpu.memory_space<vmem>>) target(%dma_start3A_162 : memref<10000x64xf32, #tpu.memory_space<vmem_shared>>) offsets(%dma_start3A_159 : memref<80xi32, #tpu.memory_space<vmem>>) semaphore(%run_scoped3A : memref<!tpu.dma_semaphore, #tpu.memory_space<semaphore_mem>>) {add = true}
          %dma_wait3A_163 = arith.constant 0 : i32
          %dma_wait3A_164 = tpu.memref_slice %arg9[%scan3A_92, %dma_wait3A_163] : memref<125x80xi32, #tpu.memory_space<vmem>> -> memref<1x80xi32, #tpu.memory_space<vmem>>
          %dma_wait3A_165 = tpu.memref_squeeze %dma_wait3A_164 : memref<1x80xi32, #tpu.memory_space<vmem>> -> memref<80xi32, #tpu.memory_space<vmem>>
          %dma_wait3A_166 = arith.constant 0 : i32
          %dma_wait3A_167 = arith.constant 0 : i32
          %dma_wait3A_168 = tpu.memref_slice %arg16[%dma_wait3A_166, %dma_wait3A_167] : memref<10000x64xf32, #tpu.memory_space<vmem_shared>> -> memref<10000x64xf32, #tpu.memory_space<vmem_shared>>
          tpu.wait_indirect_dma semaphore(%run_scoped3A : memref<!tpu.dma_semaphore, #tpu.memory_space<semaphore_mem>>) src(%arg14 : memref<80x64xf32, #tpu.memory_space<vmem>>) dst(%dma_wait3A_168 : memref<10000x64xf32, #tpu.memory_space<vmem_shared>>)
          tpu.yield
        }) : () -> ()
      } else {
      }
      %jit3A_108 = arith.constant 2 : i32
      %eq3A_109 = arith.constant 0 : i32
      %eq3A_110 = arith.cmpi eq, %jit3A_108, %eq3A_109 : i32
      %jit3A_111 = arith.constant 1 : i32
      %select_n3A_112 = arith.select %eq3A_110, %jit3A_111, %jit3A_108 : i32
      %rem3A_113 = arith.remsi %scan3A_92, %select_n3A_112 : i32
      %ne3A_114 = arith.constant 0 : i32
      %ne3A_115 = arith.cmpi ne, %rem3A_113, %ne3A_114 : i32
      %lt3A_116 = arith.constant 0 : i32
      %lt3A_117 = arith.cmpi slt, %rem3A_113, %lt3A_116 : i32
      %lt3A_118 = arith.constant 0 : i32
      %lt3A_119 = arith.cmpi slt, %select_n3A_112, %lt3A_118 : i32
      %ne3A_120 = arith.xori %lt3A_117, %lt3A_119 : i1
      %and3A_121 = arith.andi %ne3A_120, %ne3A_115 : i1
      %add3A_122 = arith.addi %rem3A_113, %select_n3A_112 : i32
      %select_n3A_123 = arith.select %and3A_121, %add3A_122, %rem3A_113 : i32
      %eq3A_124 = arith.constant 1 : i32
      %eq3A_125 = arith.cmpi eq, %select_n3A_123, %eq3A_124 : i32
      %convert_element_type3A_126 = arith.extui %eq3A_125 : i1 to i32
      %cond3A_127 = arith.constant 0 : i32
      %cond3A_128 = arith.cmpi ne, %convert_element_type3A_126, %cond3A_127 : i32
      scf.if %cond3A_128 {
        %add3A_129 = arith.constant 1 : i32
        %add3A_130 = arith.addi %scan3A_92, %add3A_129 : i32
        %lt3A_131 = arith.constant 125 : i32
        %lt3A_132 = arith.cmpi slt, %add3A_130, %lt3A_131 : i32
        %convert_element_type3A_133 = arith.extui %lt3A_132 : i1 to i32
        %cond3A_134 = arith.constant 0 : i32
        %cond3A_135 = arith.cmpi ne, %convert_element_type3A_133, %cond3A_134 : i32
        scf.if %cond3A_135 {
          %add3A_157 = arith.constant 1 : i32
          %add3A_158 = arith.addi %scan3A_92, %add3A_157 : i32
          %dma_start3A_159 = arith.constant 0 : i32
          %dma_start3A_160 = tpu.memref_slice %arg8[%add3A_158, %dma_start3A_159] : memref<125x80xi32, #tpu.memory_space<vmem>> -> memref<1x80xi32, #tpu.memory_space<vmem>>
          %dma_start3A_161 = tpu.memref_squeeze %dma_start3A_160 : memref<1x80xi32, #tpu.memory_space<vmem>> -> memref<80xi32, #tpu.memory_space<vmem>>
          %dma_start3A_162 = arith.constant 0 : i32
          %dma_start3A_163 = arith.constant 0 : i32
          %dma_start3A_164 = tpu.memref_slice %arg2[%dma_start3A_162, %dma_start3A_163] : memref<40000x64xf32, #tpu.memory_space<hbm>> -> memref<40000x64xf32, #tpu.memory_space<hbm>>
          tpu.enqueue_indirect_dma source(%dma_start3A_164 : memref<40000x64xf32, #tpu.memory_space<hbm>>) target(%arg10 : memref<80x64xf32, #tpu.memory_space<vmem>>) offsets(%dma_start3A_161 : memref<80xi32, #tpu.memory_space<vmem>>) semaphore(%arg17 : memref<!tpu.dma_semaphore, #tpu.memory_space<semaphore_mem>>)
          %mul3A_165 = arith.constant 160000 : i32
          %mul3A_166 = arith.muli %add3A_44, %mul3A_165 : i32
          %add3A_167 = arith.addi %mul3A_166, %mul3A_0 : i32
          %mul3A_168 = arith.constant 80 : i32
          %mul3A_169 = arith.muli %add3A_158, %mul3A_168 : i32
          %add3A_170 = arith.addi %add3A_167, %mul3A_169 : i32
          %dma_start3A_171 = arith.constant 0 : i32
          %dma_start3A_172 = tpu.memref_slice %arg3[%add3A_170, %dma_start3A_171] : memref<640000x64xf32, #tpu.memory_space<hbm>> -> memref<80x64xf32, #tpu.memory_space<hbm>>
          %dma_start3A_173 = arith.constant 0 : i32
          %dma_start3A_174 = tpu.memref_slice %arg3[%add3A_170, %dma_start3A_173] : memref<640000x64xf32, #tpu.memory_space<hbm>> -> memref<80x64xf32, #tpu.memory_space<hbm>>
          tpu.enqueue_dma source(%dma_start3A_174 : memref<80x64xf32, #tpu.memory_space<hbm>>) target(%arg12 : memref<80x64xf32, #tpu.memory_space<vmem>>) target_semaphore(%arg19 : memref<!tpu.dma_semaphore, #tpu.memory_space<semaphore_mem>>)
        } else {
        }
        %dma_wait3A = arith.constant 0 : i32
        %dma_wait3A_136 = tpu.memref_slice %arg8[%scan3A_92, %dma_wait3A] : memref<125x80xi32, #tpu.memory_space<vmem>> -> memref<1x80xi32, #tpu.memory_space<vmem>>
        %dma_wait3A_137 = tpu.memref_squeeze %dma_wait3A_136 : memref<1x80xi32, #tpu.memory_space<vmem>> -> memref<80xi32, #tpu.memory_space<vmem>>
        %dma_wait3A_138 = arith.constant 0 : i32
        %dma_wait3A_139 = arith.constant 0 : i32
        %dma_wait3A_140 = tpu.memref_slice %arg2[%dma_wait3A_138, %dma_wait3A_139] : memref<40000x64xf32, #tpu.memory_space<hbm>> -> memref<40000x64xf32, #tpu.memory_space<hbm>>
        tpu.wait_indirect_dma semaphore(%arg18 : memref<!tpu.dma_semaphore, #tpu.memory_space<semaphore_mem>>) src(%dma_wait3A_140 : memref<40000x64xf32, #tpu.memory_space<hbm>>) dst(%arg11 : memref<80x64xf32, #tpu.memory_space<vmem>>)
        %mul3A_141 = arith.constant 160000 : i32
        %mul3A_142 = arith.muli %add3A_44, %mul3A_141 : i32
        %add3A_143 = arith.addi %mul3A_142, %mul3A_0 : i32
        %mul3A_144 = arith.constant 80 : i32
        %mul3A_145 = arith.muli %scan3A_92, %mul3A_144 : i32
        %add3A_146 = arith.addi %add3A_143, %mul3A_145 : i32
        %dma_wait3A_147 = arith.constant 0 : i32
        %dma_wait3A_148 = tpu.memref_slice %arg3[%add3A_146, %dma_wait3A_147] : memref<640000x64xf32, #tpu.memory_space<hbm>> -> memref<80x64xf32, #tpu.memory_space<hbm>>
        %dma_wait3A_149 = arith.constant 0 : i32
        %dma_wait3A_150 = tpu.memref_slice %arg3[%add3A_146, %dma_wait3A_149] : memref<640000x64xf32, #tpu.memory_space<hbm>> -> memref<80x64xf32, #tpu.memory_space<hbm>>
        tpu.wait_dma2 semaphore(%arg20 : memref<!tpu.dma_semaphore, #tpu.memory_space<semaphore_mem>>) src(%dma_wait3A_150 : memref<80x64xf32, #tpu.memory_space<hbm>>) dst(%arg13 : memref<80x64xf32, #tpu.memory_space<vmem>>)
        %scan3A_151 = arith.constant 0 : i32
        %scan3A_152 = arith.constant 0 : i32
        %scan3A_153 = arith.constant 80 : i32
        %scan3A_154 = arith.addi %scan3A_152, %scan3A_153 : i32
        %scan3A_155 = arith.constant 1 : i32
        scf.for %scan3A_157 = %scan3A_152 to %scan3A_154 step %scan3A_155  : i32 {
          %get3A = arith.index_cast %scan3A_157 : i32 to index
          %get3A_158 = arith.constant 0 : index
          %get3A_159 = tpu.vector_load %arg11[%get3A, %get3A_158] {strides = array<i32>} : memref<80x64xf32, #tpu.memory_space<vmem>>, vector<16xf32>,
          %get3A_160 = arith.index_cast %scan3A_157 : i32 to index
          %get3A_161 = arith.constant 0 : index
          %get3A_162 = tpu.vector_load %arg13[%get3A_160, %get3A_161] {strides = array<i32>} : memref<80x64xf32, #tpu.memory_space<vmem>>, vector<16xf32>,
          %add3A_163 = arith.addf %get3A_159, %get3A_162 : vector<16xf32>
          %max3A = arith.constant 0.000000e+00 : f32
          %max3A_164 = vector.broadcast %max3A : f32 to vector<16xf32>
          %max3A_165 = arith.maximumf %add3A_163, %max3A_164 : vector<16xf32>
          %swap3A = arith.index_cast %scan3A_157 : i32 to index
          %swap3A_166 = arith.constant 0 : index
          %swap3A_167 = tpu.vector_load %arg15[%swap3A, %swap3A_166] {strides = array<i32>} : memref<80x64xf32, #tpu.memory_space<vmem>>, vector<16xf32>,
          tpu.vector_store %arg15[%swap3A, %swap3A_166], %max3A_165 {strides = array<i32>} : memref<80x64xf32, #tpu.memory_space<vmem>>, vector<16xf32>,
          %get3A_168 = arith.index_cast %scan3A_157 : i32 to index
          %get3A_169 = arith.constant 16 : index
          %get3A_170 = tpu.vector_load %arg11[%get3A_168, %get3A_169] {strides = array<i32>} : memref<80x64xf32, #tpu.memory_space<vmem>>, vector<16xf32>,
          %get3A_171 = arith.index_cast %scan3A_157 : i32 to index
          %get3A_172 = arith.constant 16 : index
          %get3A_173 = tpu.vector_load %arg13[%get3A_171, %get3A_172] {strides = array<i32>} : memref<80x64xf32, #tpu.memory_space<vmem>>, vector<16xf32>,
          %add3A_174 = arith.addf %get3A_170, %get3A_173 : vector<16xf32>
          %max3A_175 = arith.constant 0.000000e+00 : f32
          %max3A_176 = vector.broadcast %max3A_175 : f32 to vector<16xf32>
          %max3A_177 = arith.maximumf %add3A_174, %max3A_176 : vector<16xf32>
          %swap3A_178 = arith.index_cast %scan3A_157 : i32 to index
          %swap3A_179 = arith.constant 16 : index
          %swap3A_180 = tpu.vector_load %arg15[%swap3A_178, %swap3A_179] {strides = array<i32>} : memref<80x64xf32, #tpu.memory_space<vmem>>, vector<16xf32>,
          tpu.vector_store %arg15[%swap3A_178, %swap3A_179], %max3A_177 {strides = array<i32>} : memref<80x64xf32, #tpu.memory_space<vmem>>, vector<16xf32>,
          %get3A_181 = arith.index_cast %scan3A_157 : i32 to index
          %get3A_182 = arith.constant 32 : index
          %get3A_183 = tpu.vector_load %arg11[%get3A_181, %get3A_182] {strides = array<i32>} : memref<80x64xf32, #tpu.memory_space<vmem>>, vector<16xf32>,
          %get3A_184 = arith.index_cast %scan3A_157 : i32 to index
          %get3A_185 = arith.constant 32 : index
          %get3A_186 = tpu.vector_load %arg13[%get3A_184, %get3A_185] {strides = array<i32>} : memref<80x64xf32, #tpu.memory_space<vmem>>, vector<16xf32>,
          %add3A_187 = arith.addf %get3A_183, %get3A_186 : vector<16xf32>
          %max3A_188 = arith.constant 0.000000e+00 : f32
          %max3A_189 = vector.broadcast %max3A_188 : f32 to vector<16xf32>
          %max3A_190 = arith.maximumf %add3A_187, %max3A_189 : vector<16xf32>
          %swap3A_191 = arith.index_cast %scan3A_157 : i32 to index
          %swap3A_192 = arith.constant 32 : index
          %swap3A_193 = tpu.vector_load %arg15[%swap3A_191, %swap3A_192] {strides = array<i32>} : memref<80x64xf32, #tpu.memory_space<vmem>>, vector<16xf32>,
          tpu.vector_store %arg15[%swap3A_191, %swap3A_192], %max3A_190 {strides = array<i32>} : memref<80x64xf32, #tpu.memory_space<vmem>>, vector<16xf32>,
          %get3A_194 = arith.index_cast %scan3A_157 : i32 to index
          %get3A_195 = arith.constant 48 : index
          %get3A_196 = tpu.vector_load %arg11[%get3A_194, %get3A_195] {strides = array<i32>} : memref<80x64xf32, #tpu.memory_space<vmem>>, vector<16xf32>,
          %get3A_197 = arith.index_cast %scan3A_157 : i32 to index
          %get3A_198 = arith.constant 48 : index
          %get3A_199 = tpu.vector_load %arg13[%get3A_197, %get3A_198] {strides = array<i32>} : memref<80x64xf32, #tpu.memory_space<vmem>>, vector<16xf32>,
          %add3A_200 = arith.addf %get3A_196, %get3A_199 : vector<16xf32>
          %max3A_201 = arith.constant 0.000000e+00 : f32
          %max3A_202 = vector.broadcast %max3A_201 : f32 to vector<16xf32>
          %max3A_203 = arith.maximumf %add3A_200, %max3A_202 : vector<16xf32>
          %swap3A_204 = arith.index_cast %scan3A_157 : i32 to index
          %swap3A_205 = arith.constant 48 : index
          %swap3A_206 = tpu.vector_load %arg15[%swap3A_204, %swap3A_205] {strides = array<i32>} : memref<80x64xf32, #tpu.memory_space<vmem>>, vector<16xf32>,
          tpu.vector_store %arg15[%swap3A_204, %swap3A_205], %max3A_203 {strides = array<i32>} : memref<80x64xf32, #tpu.memory_space<vmem>>, vector<16xf32>,
        }
        %scan3A_156 = arith.constant 80 : i32
        "tpu.region"() ({
          %run_scoped3A = tpu.sem_alloc : memref<!tpu.dma_semaphore, #tpu.memory_space<semaphore_mem>>
          %dma_start3A_157 = arith.constant 0 : i32
          %dma_start3A_158 = tpu.memref_slice %arg9[%scan3A_92, %dma_start3A_157] : memref<125x80xi32, #tpu.memory_space<vmem>> -> memref<1x80xi32, #tpu.memory_space<vmem>>
          %dma_start3A_159 = tpu.memref_squeeze %dma_start3A_158 : memref<1x80xi32, #tpu.memory_space<vmem>> -> memref<80xi32, #tpu.memory_space<vmem>>
          %dma_start3A_160 = arith.constant 0 : i32
          %dma_start3A_161 = arith.constant 0 : i32
          %dma_start3A_162 = tpu.memref_slice %arg16[%dma_start3A_160, %dma_start3A_161] : memref<10000x64xf32, #tpu.memory_space<vmem_shared>> -> memref<10000x64xf32, #tpu.memory_space<vmem_shared>>
          tpu.enqueue_indirect_dma source(%arg15 : memref<80x64xf32, #tpu.memory_space<vmem>>) target(%dma_start3A_162 : memref<10000x64xf32, #tpu.memory_space<vmem_shared>>) offsets(%dma_start3A_159 : memref<80xi32, #tpu.memory_space<vmem>>) semaphore(%run_scoped3A : memref<!tpu.dma_semaphore, #tpu.memory_space<semaphore_mem>>) {add = true}
          %dma_wait3A_163 = arith.constant 0 : i32
          %dma_wait3A_164 = tpu.memref_slice %arg9[%scan3A_92, %dma_wait3A_163] : memref<125x80xi32, #tpu.memory_space<vmem>> -> memref<1x80xi32, #tpu.memory_space<vmem>>
          %dma_wait3A_165 = tpu.memref_squeeze %dma_wait3A_164 : memref<1x80xi32, #tpu.memory_space<vmem>> -> memref<80xi32, #tpu.memory_space<vmem>>
          %dma_wait3A_166 = arith.constant 0 : i32
          %dma_wait3A_167 = arith.constant 0 : i32
          %dma_wait3A_168 = tpu.memref_slice %arg16[%dma_wait3A_166, %dma_wait3A_167] : memref<10000x64xf32, #tpu.memory_space<vmem_shared>> -> memref<10000x64xf32, #tpu.memory_space<vmem_shared>>
          tpu.wait_indirect_dma semaphore(%run_scoped3A : memref<!tpu.dma_semaphore, #tpu.memory_space<semaphore_mem>>) src(%arg15 : memref<80x64xf32, #tpu.memory_space<vmem>>) dst(%dma_wait3A_168 : memref<10000x64xf32, #tpu.memory_space<vmem_shared>>)
          tpu.yield
        }) : () -> ()
      } else {
      }
    }
    %scan3A_78 = arith.constant 125 : i32
    %barrier3A_79 = arith.constant 0 : index
    tpu.barrier barrier_id(%barrier3A_79)
    %mul3A_80 = arith.constant 10000 : i32
    %mul3A_81 = arith.muli %add3A_44, %mul3A_80 : i32
    %mul3A_82 = arith.constant 624 : i32
    %mul3A_83 = arith.muli %arg1, %mul3A_82 : i32
    %add3A_84 = arith.constant 0 : i32
    %add3A_85 = arith.addi %add3A_84, %mul3A_83 : i32
    %add3A_86 = arith.addi %mul3A_81, %mul3A_83 : i32
    "tpu.region"() ({
      %run_scoped3A = tpu.sem_alloc : memref<!tpu.dma_semaphore, #tpu.memory_space<semaphore_mem>>
      %dma_start3A_92 = arith.constant 0 : i32
      %dma_start3A_93 = tpu.memref_slice %arg7[%add3A_86, %dma_start3A_92] : memref<40000x64xf32, #tpu.memory_space<hbm>> -> memref<624x64xf32, #tpu.memory_space<hbm>>
      %dma_start3A_94 = arith.constant 0 : i32
      %dma_start3A_95 = tpu.memref_slice %arg16[%add3A_85, %dma_start3A_94] : memref<10000x64xf32, #tpu.memory_space<vmem_shared>> -> memref<624x64xf32, #tpu.memory_space<vmem_shared>>
      tpu.enqueue_dma source(%dma_start3A_95 : memref<624x64xf32, #tpu.memory_space<vmem_shared>>) target(%dma_start3A_93 : memref<624x64xf32, #tpu.memory_space<hbm>>) target_semaphore(%run_scoped3A : memref<!tpu.dma_semaphore, #tpu.memory_space<semaphore_mem>>)
      %dma_wait3A = arith.constant 0 : i32
      %dma_wait3A_96 = tpu.memref_slice %arg7[%add3A_86, %dma_wait3A] : memref<40000x64xf32, #tpu.memory_space<hbm>> -> memref<624x64xf32, #tpu.memory_space<hbm>>
      %dma_wait3A_97 = arith.constant 0 : i32
      %dma_wait3A_98 = tpu.memref_slice %arg16[%add3A_85, %dma_wait3A_97] : memref<10000x64xf32, #tpu.memory_space<vmem_shared>> -> memref<624x64xf32, #tpu.memory_space<vmem_shared>>
      tpu.wait_dma2 semaphore(%run_scoped3A : memref<!tpu.dma_semaphore, #tpu.memory_space<semaphore_mem>>) src(%dma_wait3A_98 : memref<624x64xf32, #tpu.memory_space<vmem_shared>>) dst(%dma_wait3A_96 : memref<624x64xf32, #tpu.memory_space<hbm>>)
      tpu.yield
    }) : () -> ()
    %eq3A_87 = arith.constant 15 : i32
    %eq3A_88 = arith.cmpi eq, %arg1, %eq3A_87 : i32
    %convert_element_type3A_89 = arith.extui %eq3A_88 : i1 to i32
    %cond3A_90 = arith.constant 0 : i32
    %cond3A_91 = arith.cmpi ne, %convert_element_type3A_89, %cond3A_90 : i32
    scf.if %cond3A_91 {
      %add3A_92 = arith.constant 9984 : i32
      %add3A_93 = arith.addi %mul3A_81, %add3A_92 : i32
      "tpu.region"() ({
        %run_scoped3A = tpu.sem_alloc : memref<!tpu.dma_semaphore, #tpu.memory_space<semaphore_mem>>
        %dma_start3A_94 = arith.constant 0 : i32
        %dma_start3A_95 = tpu.memref_slice %arg7[%add3A_93, %dma_start3A_94] : memref<40000x64xf32, #tpu.memory_space<hbm>> -> memref<16x64xf32, #tpu.memory_space<hbm>>
        %dma_start3A_96 = arith.constant 9984 : i32
        %dma_start3A_97 = arith.constant 0 : i32
        %dma_start3A_98 = tpu.memref_slice %arg16[%dma_start3A_96, %dma_start3A_97] : memref<10000x64xf32, #tpu.memory_space<vmem_shared>> -> memref<16x64xf32, #tpu.memory_space<vmem_shared>>
        tpu.enqueue_dma source(%dma_start3A_98 : memref<16x64xf32, #tpu.memory_space<vmem_shared>>) target(%dma_start3A_95 : memref<16x64xf32, #tpu.memory_space<hbm>>) target_semaphore(%run_scoped3A : memref<!tpu.dma_semaphore, #tpu.memory_space<semaphore_mem>>)
        %dma_wait3A = arith.constant 0 : i32
        %dma_wait3A_99 = tpu.memref_slice %arg7[%add3A_93, %dma_wait3A] : memref<40000x64xf32, #tpu.memory_space<hbm>> -> memref<16x64xf32, #tpu.memory_space<hbm>>
        %dma_wait3A_100 = arith.constant 9984 : i32
        %dma_wait3A_101 = arith.constant 0 : i32
        %dma_wait3A_102 = tpu.memref_slice %arg16[%dma_wait3A_100, %dma_wait3A_101] : memref<10000x64xf32, #tpu.memory_space<vmem_shared>> -> memref<16x64xf32, #tpu.memory_space<vmem_shared>>
        tpu.wait_dma2 semaphore(%run_scoped3A : memref<!tpu.dma_semaphore, #tpu.memory_space<semaphore_mem>>) src(%dma_wait3A_102 : memref<16x64xf32, #tpu.memory_space<vmem_shared>>) dst(%dma_wait3A_99 : memref<16x64xf32, #tpu.memory_space<hbm>>)
        tpu.yield
      }) : () -> ()
    } else {
    }
    return
  }
}

#map = affine_map<(d0, d1) -> (0, 0)>
#map1 = affine_map<(d0, d1) -> (0, 0, 0)>
module attributes {stable_mosaic.version = 14 : i64} {
  func.func @_edge_update_kernel(%arg0: i32, %arg1: i32, %arg2: memref<10000x16xf32, #tpu.memory_space<hbm>>, %arg3: memref<160000x16xf32, #tpu.memory_space<hbm>>, %arg4: memref<32x40x128xi32, #tpu.memory_space<hbm>>, %arg5: memref<32x40x128xi32, #tpu.memory_space<hbm>>, %arg6: memref<160000x16xf32, #tpu.memory_space<hbm>>, %arg7: memref<40x128xi32, #tpu.memory_space<vmem>>, %arg8: memref<40x128xi32, #tpu.memory_space<vmem>>, %arg9: memref<128x16xf32, #tpu.memory_space<vmem>>, %arg10: memref<128x16xf32, #tpu.memory_space<vmem>>, %arg11: memref<128x16xf32, #tpu.memory_space<vmem>>, %arg12: memref<128x16xf32, #tpu.memory_space<vmem>>, %arg13: memref<128x16xf32, #tpu.memory_space<vmem>>, %arg14: memref<128x16xf32, #tpu.memory_space<vmem>>, %arg15: memref<128x16xf32, #tpu.memory_space<vmem>>, %arg16: memref<128x16xf32, #tpu.memory_space<vmem>>, %arg17: memref<!tpu.dma_semaphore, #tpu.memory_space<semaphore_mem>>, %arg18: memref<!tpu.dma_semaphore, #tpu.memory_space<semaphore_mem>>, %arg19: memref<!tpu.dma_semaphore, #tpu.memory_space<semaphore_mem>>, %arg20: memref<!tpu.dma_semaphore, #tpu.memory_space<semaphore_mem>>, %arg21: memref<!tpu.dma_semaphore, #tpu.memory_space<semaphore_mem>>, %arg22: memref<!tpu.dma_semaphore, #tpu.memory_space<semaphore_mem>>, %arg23: memref<!tpu.dma_semaphore, #tpu.memory_space<semaphore_mem>>, %arg24: memref<!tpu.dma_semaphore, #tpu.memory_space<semaphore_mem>>) attributes {dimension_semantics = [#tpu.dimension_semantics<core_parallel>, #tpu.dimension_semantics<subcore_parallel>], iteration_bounds = array<i64: 2, 16>, scalar_prefetch = 0 : i64, scratch_operands = 18 : i64, tpu.core_type = #tpu.core_type<sc_vector_subcore>, window_params = [{transform_indices = #map}, {transform_indices = #map}, {transform_indices = #map1}, {transform_indices = #map1}, {transform_indices = #map}]} {
    %mul3A = arith.constant 16 : i32
    %mul3A_0 = arith.muli %arg0, %mul3A : i32
    %add3A = arith.addi %mul3A_0, %arg1 : i32
    %mul3A_1 = arith.constant 4992 : i32
    %mul3A_2 = arith.muli %add3A, %mul3A_1 : i32
    %lt3A = arith.constant 2 : i32
    %lt3A_3 = arith.cmpi slt, %add3A, %lt3A : i32
    %jit3A = arith.constant 40 : i32
    %jit3A_4 = arith.constant 39 : i32
    %select_n3A = arith.select %lt3A_3, %jit3A, %jit3A_4 : i32
    "tpu.region"() ({
      %run_scoped3A = tpu.sem_alloc : memref<!tpu.dma_semaphore, #tpu.memory_space<semaphore_mem>>
      %dma_start3A_35 = arith.constant 0 : i32
      %dma_start3A_36 = arith.constant 0 : i32
      %dma_start3A_37 = tpu.memref_slice %arg4[%add3A, %dma_start3A_35, %dma_start3A_36] : memref<32x40x128xi32, #tpu.memory_space<hbm>> -> memref<1x40x128xi32, #tpu.memory_space<hbm>>
      %dma_start3A_38 = tpu.memref_squeeze %dma_start3A_37 : memref<1x40x128xi32, #tpu.memory_space<hbm>> -> memref<40x128xi32, #tpu.memory_space<hbm>>
      %dma_start3A_39 = arith.constant 0 : i32
      %dma_start3A_40 = arith.constant 0 : i32
      %dma_start3A_41 = tpu.memref_slice %arg4[%add3A, %dma_start3A_39, %dma_start3A_40] : memref<32x40x128xi32, #tpu.memory_space<hbm>> -> memref<1x40x128xi32, #tpu.memory_space<hbm>>
      %dma_start3A_42 = tpu.memref_squeeze %dma_start3A_41 : memref<1x40x128xi32, #tpu.memory_space<hbm>> -> memref<40x128xi32, #tpu.memory_space<hbm>>
      tpu.enqueue_dma source(%dma_start3A_42 : memref<40x128xi32, #tpu.memory_space<hbm>>) target(%arg7 : memref<40x128xi32, #tpu.memory_space<vmem>>) target_semaphore(%run_scoped3A : memref<!tpu.dma_semaphore, #tpu.memory_space<semaphore_mem>>)
      %dma_wait3A = arith.constant 0 : i32
      %dma_wait3A_43 = arith.constant 0 : i32
      %dma_wait3A_44 = tpu.memref_slice %arg4[%add3A, %dma_wait3A, %dma_wait3A_43] : memref<32x40x128xi32, #tpu.memory_space<hbm>> -> memref<1x40x128xi32, #tpu.memory_space<hbm>>
      %dma_wait3A_45 = tpu.memref_squeeze %dma_wait3A_44 : memref<1x40x128xi32, #tpu.memory_space<hbm>> -> memref<40x128xi32, #tpu.memory_space<hbm>>
      %dma_wait3A_46 = arith.constant 0 : i32
      %dma_wait3A_47 = arith.constant 0 : i32
      %dma_wait3A_48 = tpu.memref_slice %arg4[%add3A, %dma_wait3A_46, %dma_wait3A_47] : memref<32x40x128xi32, #tpu.memory_space<hbm>> -> memref<1x40x128xi32, #tpu.memory_space<hbm>>
      %dma_wait3A_49 = tpu.memref_squeeze %dma_wait3A_48 : memref<1x40x128xi32, #tpu.memory_space<hbm>> -> memref<40x128xi32, #tpu.memory_space<hbm>>
      tpu.wait_dma2 semaphore(%run_scoped3A : memref<!tpu.dma_semaphore, #tpu.memory_space<semaphore_mem>>) src(%dma_wait3A_49 : memref<40x128xi32, #tpu.memory_space<hbm>>) dst(%arg7 : memref<40x128xi32, #tpu.memory_space<vmem>>)
      tpu.yield
    }) : () -> ()
    "tpu.region"() ({
      %run_scoped3A = tpu.sem_alloc : memref<!tpu.dma_semaphore, #tpu.memory_space<semaphore_mem>>
      %dma_start3A_35 = arith.constant 0 : i32
      %dma_start3A_36 = arith.constant 0 : i32
      %dma_start3A_37 = tpu.memref_slice %arg5[%add3A, %dma_start3A_35, %dma_start3A_36] : memref<32x40x128xi32, #tpu.memory_space<hbm>> -> memref<1x40x128xi32, #tpu.memory_space<hbm>>
      %dma_start3A_38 = tpu.memref_squeeze %dma_start3A_37 : memref<1x40x128xi32, #tpu.memory_space<hbm>> -> memref<40x128xi32, #tpu.memory_space<hbm>>
      %dma_start3A_39 = arith.constant 0 : i32
      %dma_start3A_40 = arith.constant 0 : i32
      %dma_start3A_41 = tpu.memref_slice %arg5[%add3A, %dma_start3A_39, %dma_start3A_40] : memref<32x40x128xi32, #tpu.memory_space<hbm>> -> memref<1x40x128xi32, #tpu.memory_space<hbm>>
      %dma_start3A_42 = tpu.memref_squeeze %dma_start3A_41 : memref<1x40x128xi32, #tpu.memory_space<hbm>> -> memref<40x128xi32, #tpu.memory_space<hbm>>
      tpu.enqueue_dma source(%dma_start3A_42 : memref<40x128xi32, #tpu.memory_space<hbm>>) target(%arg8 : memref<40x128xi32, #tpu.memory_space<vmem>>) target_semaphore(%run_scoped3A : memref<!tpu.dma_semaphore, #tpu.memory_space<semaphore_mem>>)
      %dma_wait3A = arith.constant 0 : i32
      %dma_wait3A_43 = arith.constant 0 : i32
      %dma_wait3A_44 = tpu.memref_slice %arg5[%add3A, %dma_wait3A, %dma_wait3A_43] : memref<32x40x128xi32, #tpu.memory_space<hbm>> -> memref<1x40x128xi32, #tpu.memory_space<hbm>>
      %dma_wait3A_45 = tpu.memref_squeeze %dma_wait3A_44 : memref<1x40x128xi32, #tpu.memory_space<hbm>> -> memref<40x128xi32, #tpu.memory_space<hbm>>
      %dma_wait3A_46 = arith.constant 0 : i32
      %dma_wait3A_47 = arith.constant 0 : i32
      %dma_wait3A_48 = tpu.memref_slice %arg5[%add3A, %dma_wait3A_46, %dma_wait3A_47] : memref<32x40x128xi32, #tpu.memory_space<hbm>> -> memref<1x40x128xi32, #tpu.memory_space<hbm>>
      %dma_wait3A_49 = tpu.memref_squeeze %dma_wait3A_48 : memref<1x40x128xi32, #tpu.memory_space<hbm>> -> memref<40x128xi32, #tpu.memory_space<hbm>>
      tpu.wait_dma2 semaphore(%run_scoped3A : memref<!tpu.dma_semaphore, #tpu.memory_space<semaphore_mem>>) src(%dma_wait3A_49 : memref<40x128xi32, #tpu.memory_space<hbm>>) dst(%arg8 : memref<40x128xi32, #tpu.memory_space<vmem>>)
      tpu.yield
    }) : () -> ()
    %dma_start3A = arith.constant 0 : i32
    %dma_start3A_5 = arith.constant 0 : i32
    %dma_start3A_6 = tpu.memref_slice %arg7[%dma_start3A, %dma_start3A_5] : memref<40x128xi32, #tpu.memory_space<vmem>> -> memref<1x128xi32, #tpu.memory_space<vmem>>
    %dma_start3A_7 = tpu.memref_squeeze %dma_start3A_6 : memref<1x128xi32, #tpu.memory_space<vmem>> -> memref<128xi32, #tpu.memory_space<vmem>>
    %dma_start3A_8 = arith.constant 0 : i32
    %dma_start3A_9 = arith.constant 0 : i32
    %dma_start3A_10 = tpu.memref_slice %arg2[%dma_start3A_8, %dma_start3A_9] : memref<10000x16xf32, #tpu.memory_space<hbm>> -> memref<10000x16xf32, #tpu.memory_space<hbm>>
    tpu.enqueue_indirect_dma source(%dma_start3A_10 : memref<10000x16xf32, #tpu.memory_space<hbm>>) target(%arg9 : memref<128x16xf32, #tpu.memory_space<vmem>>) offsets(%dma_start3A_7 : memref<128xi32, #tpu.memory_space<vmem>>) semaphore(%arg17 : memref<!tpu.dma_semaphore, #tpu.memory_space<semaphore_mem>>)
    %dma_start3A_11 = arith.constant 0 : i32
    %dma_start3A_12 = arith.constant 0 : i32
    %dma_start3A_13 = tpu.memref_slice %arg8[%dma_start3A_11, %dma_start3A_12] : memref<40x128xi32, #tpu.memory_space<vmem>> -> memref<1x128xi32, #tpu.memory_space<vmem>>
    %dma_start3A_14 = tpu.memref_squeeze %dma_start3A_13 : memref<1x128xi32, #tpu.memory_space<vmem>> -> memref<128xi32, #tpu.memory_space<vmem>>
    %dma_start3A_15 = arith.constant 0 : i32
    %dma_start3A_16 = arith.constant 0 : i32
    %dma_start3A_17 = tpu.memref_slice %arg2[%dma_start3A_15, %dma_start3A_16] : memref<10000x16xf32, #tpu.memory_space<hbm>> -> memref<10000x16xf32, #tpu.memory_space<hbm>>
    tpu.enqueue_indirect_dma source(%dma_start3A_17 : memref<10000x16xf32, #tpu.memory_space<hbm>>) target(%arg11 : memref<128x16xf32, #tpu.memory_space<vmem>>) offsets(%dma_start3A_14 : memref<128xi32, #tpu.memory_space<vmem>>) semaphore(%arg19 : memref<!tpu.dma_semaphore, #tpu.memory_space<semaphore_mem>>)
    %add3A_18 = arith.constant 0 : i32
    %add3A_19 = arith.addi %mul3A_2, %add3A_18 : i32
    %mul3A_20 = arith.constant 128 : i32
    %mul3A_21 = arith.muli %add3A, %mul3A_20 : i32
    %add3A_22 = arith.constant 159744 : i32
    %add3A_23 = arith.addi %add3A_22, %mul3A_21 : i32
    %jit3A_24 = arith.constant true
    %select_n3A_25 = arith.select %jit3A_24, %add3A_19, %add3A_23 : i32
    %dma_start3A_26 = arith.constant 0 : i32
    %dma_start3A_27 = tpu.memref_slice %arg3[%select_n3A_25, %dma_start3A_26] : memref<160000x16xf32, #tpu.memory_space<hbm>> -> memref<128x16xf32, #tpu.memory_space<hbm>>
    %dma_start3A_28 = arith.constant 0 : i32
    %dma_start3A_29 = tpu.memref_slice %arg3[%select_n3A_25, %dma_start3A_28] : memref<160000x16xf32, #tpu.memory_space<hbm>> -> memref<128x16xf32, #tpu.memory_space<hbm>>
    tpu.enqueue_dma source(%dma_start3A_29 : memref<128x16xf32, #tpu.memory_space<hbm>>) target(%arg13 : memref<128x16xf32, #tpu.memory_space<vmem>>) target_semaphore(%arg21 : memref<!tpu.dma_semaphore, #tpu.memory_space<semaphore_mem>>)
    %scan3A = arith.constant 0 : i32
    %scan3A_30 = arith.constant 0 : i32
    %scan3A_31 = arith.constant 40 : i32
    %scan3A_32 = arith.addi %scan3A_30, %scan3A_31 : i32
    %scan3A_33 = arith.constant 1 : i32
    scf.for %scan3A_35 = %scan3A_30 to %scan3A_32 step %scan3A_33  : i32 {
      %lt3A_36 = arith.cmpi slt, %scan3A_35, %select_n3A : i32
      %convert_element_type3A = arith.extui %lt3A_36 : i1 to i32
      %cond3A = arith.constant 0 : i32
      %cond3A_37 = arith.cmpi ne, %convert_element_type3A, %cond3A : i32
      scf.if %cond3A_37 {
        %jit3A_38 = arith.constant 2 : i32
        %eq3A = arith.constant 0 : i32
        %eq3A_39 = arith.cmpi eq, %jit3A_38, %eq3A : i32
        %jit3A_40 = arith.constant 1 : i32
        %select_n3A_41 = arith.select %eq3A_39, %jit3A_40, %jit3A_38 : i32
        %rem3A = arith.remsi %scan3A_35, %select_n3A_41 : i32
        %ne3A = arith.constant 0 : i32
        %ne3A_42 = arith.cmpi ne, %rem3A, %ne3A : i32
        %lt3A_43 = arith.constant 0 : i32
        %lt3A_44 = arith.cmpi slt, %rem3A, %lt3A_43 : i32
        %lt3A_45 = arith.constant 0 : i32
        %lt3A_46 = arith.cmpi slt, %select_n3A_41, %lt3A_45 : i32
        %ne3A_47 = arith.xori %lt3A_44, %lt3A_46 : i1
        %and3A = arith.andi %ne3A_47, %ne3A_42 : i1
        %add3A_48 = arith.addi %rem3A, %select_n3A_41 : i32
        %select_n3A_49 = arith.select %and3A, %add3A_48, %rem3A : i32
        %eq3A_50 = arith.constant 0 : i32
        %eq3A_51 = arith.cmpi eq, %select_n3A_49, %eq3A_50 : i32
        %convert_element_type3A_52 = arith.extui %eq3A_51 : i1 to i32
        %cond3A_53 = arith.constant 0 : i32
        %cond3A_54 = arith.cmpi ne, %convert_element_type3A_52, %cond3A_53 : i32
        scf.if %cond3A_54 {
          %add3A_76 = arith.constant 1 : i32
          %add3A_77 = arith.addi %scan3A_35, %add3A_76 : i32
          %lt3A_78 = arith.cmpi slt, %add3A_77, %select_n3A : i32
          %convert_element_type3A_79 = arith.extui %lt3A_78 : i1 to i32
          %cond3A_80 = arith.constant 0 : i32
          %cond3A_81 = arith.cmpi ne, %convert_element_type3A_79, %cond3A_80 : i32
          scf.if %cond3A_81 {
            %add3A_137 = arith.constant 1 : i32
            %add3A_138 = arith.addi %scan3A_35, %add3A_137 : i32
            %dma_start3A_139 = arith.constant 0 : i32
            %dma_start3A_140 = tpu.memref_slice %arg7[%add3A_138, %dma_start3A_139] : memref<40x128xi32, #tpu.memory_space<vmem>> -> memref<1x128xi32, #tpu.memory_space<vmem>>
            %dma_start3A_141 = tpu.memref_squeeze %dma_start3A_140 : memref<1x128xi32, #tpu.memory_space<vmem>> -> memref<128xi32, #tpu.memory_space<vmem>>
            %dma_start3A_142 = arith.constant 0 : i32
            %dma_start3A_143 = arith.constant 0 : i32
            %dma_start3A_144 = tpu.memref_slice %arg2[%dma_start3A_142, %dma_start3A_143] : memref<10000x16xf32, #tpu.memory_space<hbm>> -> memref<10000x16xf32, #tpu.memory_space<hbm>>
            tpu.enqueue_indirect_dma source(%dma_start3A_144 : memref<10000x16xf32, #tpu.memory_space<hbm>>) target(%arg10 : memref<128x16xf32, #tpu.memory_space<vmem>>) offsets(%dma_start3A_141 : memref<128xi32, #tpu.memory_space<vmem>>) semaphore(%arg18 : memref<!tpu.dma_semaphore, #tpu.memory_space<semaphore_mem>>)
            %dma_start3A_145 = arith.constant 0 : i32
            %dma_start3A_146 = tpu.memref_slice %arg8[%add3A_138, %dma_start3A_145] : memref<40x128xi32, #tpu.memory_space<vmem>> -> memref<1x128xi32, #tpu.memory_space<vmem>>
            %dma_start3A_147 = tpu.memref_squeeze %dma_start3A_146 : memref<1x128xi32, #tpu.memory_space<vmem>> -> memref<128xi32, #tpu.memory_space<vmem>>
            %dma_start3A_148 = arith.constant 0 : i32
            %dma_start3A_149 = arith.constant 0 : i32
            %dma_start3A_150 = tpu.memref_slice %arg2[%dma_start3A_148, %dma_start3A_149] : memref<10000x16xf32, #tpu.memory_space<hbm>> -> memref<10000x16xf32, #tpu.memory_space<hbm>>
            tpu.enqueue_indirect_dma source(%dma_start3A_150 : memref<10000x16xf32, #tpu.memory_space<hbm>>) target(%arg12 : memref<128x16xf32, #tpu.memory_space<vmem>>) offsets(%dma_start3A_147 : memref<128xi32, #tpu.memory_space<vmem>>) semaphore(%arg20 : memref<!tpu.dma_semaphore, #tpu.memory_space<semaphore_mem>>)
            %lt3A_151 = arith.constant 39 : i32
            %lt3A_152 = arith.cmpi slt, %add3A_138, %lt3A_151 : i32
            %mul3A_153 = arith.constant 128 : i32
            %mul3A_154 = arith.muli %add3A_138, %mul3A_153 : i32
            %add3A_155 = arith.addi %mul3A_2, %mul3A_154 : i32
            %mul3A_156 = arith.constant 128 : i32
            %mul3A_157 = arith.muli %add3A, %mul3A_156 : i32
            %add3A_158 = arith.constant 159744 : i32
            %add3A_159 = arith.addi %add3A_158, %mul3A_157 : i32
            %select_n3A_160 = arith.select %lt3A_152, %add3A_155, %add3A_159 : i32
            %dma_start3A_161 = arith.constant 0 : i32
            %dma_start3A_162 = tpu.memref_slice %arg3[%select_n3A_160, %dma_start3A_161] : memref<160000x16xf32, #tpu.memory_space<hbm>> -> memref<128x16xf32, #tpu.memory_space<hbm>>
            %dma_start3A_163 = arith.constant 0 : i32
            %dma_start3A_164 = tpu.memref_slice %arg3[%select_n3A_160, %dma_start3A_163] : memref<160000x16xf32, #tpu.memory_space<hbm>> -> memref<128x16xf32, #tpu.memory_space<hbm>>
            tpu.enqueue_dma source(%dma_start3A_164 : memref<128x16xf32, #tpu.memory_space<hbm>>) target(%arg14 : memref<128x16xf32, #tpu.memory_space<vmem>>) target_semaphore(%arg22 : memref<!tpu.dma_semaphore, #tpu.memory_space<semaphore_mem>>)
          } else {
          }
          %dma_wait3A = arith.constant 0 : i32
          %dma_wait3A_82 = tpu.memref_slice %arg7[%scan3A_35, %dma_wait3A] : memref<40x128xi32, #tpu.memory_space<vmem>> -> memref<1x128xi32, #tpu.memory_space<vmem>>
          %dma_wait3A_83 = tpu.memref_squeeze %dma_wait3A_82 : memref<1x128xi32, #tpu.memory_space<vmem>> -> memref<128xi32, #tpu.memory_space<vmem>>
          %dma_wait3A_84 = arith.constant 0 : i32
          %dma_wait3A_85 = arith.constant 0 : i32
          %dma_wait3A_86 = tpu.memref_slice %arg2[%dma_wait3A_84, %dma_wait3A_85] : memref<10000x16xf32, #tpu.memory_space<hbm>> -> memref<10000x16xf32, #tpu.memory_space<hbm>>
          tpu.wait_indirect_dma semaphore(%arg17 : memref<!tpu.dma_semaphore, #tpu.memory_space<semaphore_mem>>) src(%dma_wait3A_86 : memref<10000x16xf32, #tpu.memory_space<hbm>>) dst(%arg9 : memref<128x16xf32, #tpu.memory_space<vmem>>)
          %dma_wait3A_87 = arith.constant 0 : i32
          %dma_wait3A_88 = tpu.memref_slice %arg8[%scan3A_35, %dma_wait3A_87] : memref<40x128xi32, #tpu.memory_space<vmem>> -> memref<1x128xi32, #tpu.memory_space<vmem>>
          %dma_wait3A_89 = tpu.memref_squeeze %dma_wait3A_88 : memref<1x128xi32, #tpu.memory_space<vmem>> -> memref<128xi32, #tpu.memory_space<vmem>>
          %dma_wait3A_90 = arith.constant 0 : i32
          %dma_wait3A_91 = arith.constant 0 : i32
          %dma_wait3A_92 = tpu.memref_slice %arg2[%dma_wait3A_90, %dma_wait3A_91] : memref<10000x16xf32, #tpu.memory_space<hbm>> -> memref<10000x16xf32, #tpu.memory_space<hbm>>
          tpu.wait_indirect_dma semaphore(%arg19 : memref<!tpu.dma_semaphore, #tpu.memory_space<semaphore_mem>>) src(%dma_wait3A_92 : memref<10000x16xf32, #tpu.memory_space<hbm>>) dst(%arg11 : memref<128x16xf32, #tpu.memory_space<vmem>>)
          %lt3A_93 = arith.constant 39 : i32
          %lt3A_94 = arith.cmpi slt, %scan3A_35, %lt3A_93 : i32
          %mul3A_95 = arith.constant 128 : i32
          %mul3A_96 = arith.muli %scan3A_35, %mul3A_95 : i32
          %add3A_97 = arith.addi %mul3A_2, %mul3A_96 : i32
          %mul3A_98 = arith.constant 128 : i32
          %mul3A_99 = arith.muli %add3A, %mul3A_98 : i32
          %add3A_100 = arith.constant 159744 : i32
          %add3A_101 = arith.addi %add3A_100, %mul3A_99 : i32
          %select_n3A_102 = arith.select %lt3A_94, %add3A_97, %add3A_101 : i32
          %dma_wait3A_103 = arith.constant 0 : i32
          %dma_wait3A_104 = tpu.memref_slice %arg3[%select_n3A_102, %dma_wait3A_103] : memref<160000x16xf32, #tpu.memory_space<hbm>> -> memref<128x16xf32, #tpu.memory_space<hbm>>
          %dma_wait3A_105 = arith.constant 0 : i32
          %dma_wait3A_106 = tpu.memref_slice %arg3[%select_n3A_102, %dma_wait3A_105] : memref<160000x16xf32, #tpu.memory_space<hbm>> -> memref<128x16xf32, #tpu.memory_space<hbm>>
          tpu.wait_dma2 semaphore(%arg21 : memref<!tpu.dma_semaphore, #tpu.memory_space<semaphore_mem>>) src(%dma_wait3A_106 : memref<128x16xf32, #tpu.memory_space<hbm>>) dst(%arg13 : memref<128x16xf32, #tpu.memory_space<vmem>>)
          %ge3A = arith.constant 2 : i32
          %ge3A_107 = arith.cmpi sge, %scan3A_35, %ge3A : i32
          %convert_element_type3A_108 = arith.extui %ge3A_107 : i1 to i32
          %cond3A_109 = arith.constant 0 : i32
          %cond3A_110 = arith.cmpi ne, %convert_element_type3A_108, %cond3A_109 : i32
          scf.if %cond3A_110 {
            %sub3A = arith.constant 2 : i32
            %sub3A_137 = arith.subi %scan3A_35, %sub3A : i32
            %lt3A_138 = arith.constant 39 : i32
            %lt3A_139 = arith.cmpi slt, %sub3A_137, %lt3A_138 : i32
            %mul3A_140 = arith.constant 128 : i32
            %mul3A_141 = arith.muli %sub3A_137, %mul3A_140 : i32
            %add3A_142 = arith.addi %mul3A_2, %mul3A_141 : i32
            %mul3A_143 = arith.constant 128 : i32
            %mul3A_144 = arith.muli %add3A, %mul3A_143 : i32
            %add3A_145 = arith.constant 159744 : i32
            %add3A_146 = arith.addi %add3A_145, %mul3A_144 : i32
            %select_n3A_147 = arith.select %lt3A_139, %add3A_142, %add3A_146 : i32
            %dma_wait3A_148 = arith.constant 0 : i32
            %dma_wait3A_149 = tpu.memref_slice %arg6[%select_n3A_147, %dma_wait3A_148] : memref<160000x16xf32, #tpu.memory_space<hbm>> -> memref<128x16xf32, #tpu.memory_space<hbm>>
            %dma_wait3A_150 = arith.constant 0 : i32
            %dma_wait3A_151 = tpu.memref_slice %arg6[%select_n3A_147, %dma_wait3A_150] : memref<160000x16xf32, #tpu.memory_space<hbm>> -> memref<128x16xf32, #tpu.memory_space<hbm>>
            tpu.wait_dma2 semaphore(%arg23 : memref<!tpu.dma_semaphore, #tpu.memory_space<semaphore_mem>>) src(%arg15 : memref<128x16xf32, #tpu.memory_space<vmem>>) dst(%dma_wait3A_151 : memref<128x16xf32, #tpu.memory_space<hbm>>)
          } else {
          }
          %scan3A_111 = arith.constant 0 : i32
          %scan3A_112 = arith.constant 0 : i32
          %scan3A_113 = arith.constant 128 : i32
          %scan3A_114 = arith.addi %scan3A_112, %scan3A_113 : i32
          %scan3A_115 = arith.constant 1 : i32
          scf.for %scan3A_137 = %scan3A_112 to %scan3A_114 step %scan3A_115  : i32 {
            %get3A = arith.index_cast %scan3A_137 : i32 to index
            %get3A_138 = arith.constant 0 : index
            %get3A_139 = tpu.vector_load %arg9[%get3A, %get3A_138] {strides = array<i32>} : memref<128x16xf32, #tpu.memory_space<vmem>>, vector<1x16xf32>,
            %get3A_140 = vector.shape_cast %get3A_139 : vector<1x16xf32> to vector<16xf32>
            %get3A_141 = arith.index_cast %scan3A_137 : i32 to index
            %get3A_142 = arith.constant 0 : index
            %get3A_143 = tpu.vector_load %arg11[%get3A_141, %get3A_142] {strides = array<i32>} : memref<128x16xf32, #tpu.memory_space<vmem>>, vector<1x16xf32>,
            %get3A_144 = vector.shape_cast %get3A_143 : vector<1x16xf32> to vector<16xf32>
            %add3A_145 = arith.addf %get3A_140, %get3A_144 : vector<16xf32>
            %get3A_146 = arith.index_cast %scan3A_137 : i32 to index
            %get3A_147 = arith.constant 0 : index
            %get3A_148 = tpu.vector_load %arg13[%get3A_146, %get3A_147] {strides = array<i32>} : memref<128x16xf32, #tpu.memory_space<vmem>>, vector<1x16xf32>,
            %get3A_149 = vector.shape_cast %get3A_148 : vector<1x16xf32> to vector<16xf32>
            %add3A_150 = arith.addf %add3A_145, %get3A_149 : vector<16xf32>
            %max3A = arith.constant 0.000000e+00 : f32
            %max3A_151 = vector.broadcast %max3A : f32 to vector<16xf32>
            %max3A_152 = arith.maximumf %add3A_150, %max3A_151 : vector<16xf32>
            %swap3A = arith.index_cast %scan3A_137 : i32 to index
            %swap3A_153 = arith.constant 0 : index
            %swap3A_154 = tpu.vector_load %arg15[%swap3A, %swap3A_153] {strides = array<i32>} : memref<128x16xf32, #tpu.memory_space<vmem>>, vector<1x16xf32>,
            %swap3A_155 = vector.shape_cast %swap3A_154 : vector<1x16xf32> to vector<16xf32>
            %swap3A_156 = vector.shape_cast %max3A_152 : vector<16xf32> to vector<1x16xf32>
            tpu.vector_store %arg15[%swap3A, %swap3A_153], %swap3A_156 {strides = array<i32>} : memref<128x16xf32, #tpu.memory_space<vmem>>, vector<1x16xf32>,
          }
          %scan3A_116 = arith.constant 128 : i32
          %lt3A_117 = arith.constant 39 : i32
          %lt3A_118 = arith.cmpi slt, %scan3A_35, %lt3A_117 : i32
          %mul3A_119 = arith.constant 128 : i32
          %mul3A_120 = arith.muli %scan3A_35, %mul3A_119 : i32
          %add3A_121 = arith.addi %mul3A_2, %mul3A_120 : i32
          %mul3A_122 = arith.constant 128 : i32
          %mul3A_123 = arith.muli %add3A, %mul3A_122 : i32
          %add3A_124 = arith.constant 159744 : i32
          %add3A_125 = arith.addi %add3A_124, %mul3A_123 : i32
          %select_n3A_126 = arith.select %lt3A_118, %add3A_121, %add3A_125 : i32
          %dma_start3A_127 = arith.constant 0 : i32
          %dma_start3A_128 = tpu.memref_slice %arg6[%select_n3A_126, %dma_start3A_127] : memref<160000x16xf32, #tpu.memory_space<hbm>> -> memref<128x16xf32, #tpu.memory_space<hbm>>
          %dma_start3A_129 = arith.constant 0 : i32
          %dma_start3A_130 = tpu.memref_slice %arg6[%select_n3A_126, %dma_start3A_129] : memref<160000x16xf32, #tpu.memory_space<hbm>> -> memref<128x16xf32, #tpu.memory_space<hbm>>
          tpu.enqueue_dma source(%arg15 : memref<128x16xf32, #tpu.memory_space<vmem>>) target(%dma_start3A_130 : memref<128x16xf32, #tpu.memory_space<hbm>>) target_semaphore(%arg23 : memref<!tpu.dma_semaphore, #tpu.memory_space<semaphore_mem>>)
          %add3A_131 = arith.constant 1 : i32
          %add3A_132 = arith.addi %scan3A_35, %add3A_131 : i32
          %ge3A_133 = arith.cmpi sge, %add3A_132, %select_n3A : i32
          %convert_element_type3A_134 = arith.extui %ge3A_133 : i1 to i32
          %cond3A_135 = arith.constant 0 : i32
          %cond3A_136 = arith.cmpi ne, %convert_element_type3A_134, %cond3A_135 : i32
          scf.if %cond3A_136 {
            %lt3A_137 = arith.constant 39 : i32
            %lt3A_138 = arith.cmpi slt, %scan3A_35, %lt3A_137 : i32
            %mul3A_139 = arith.constant 128 : i32
            %mul3A_140 = arith.muli %scan3A_35, %mul3A_139 : i32
            %add3A_141 = arith.addi %mul3A_2, %mul3A_140 : i32
            %mul3A_142 = arith.constant 128 : i32
            %mul3A_143 = arith.muli %add3A, %mul3A_142 : i32
            %add3A_144 = arith.constant 159744 : i32
            %add3A_145 = arith.addi %add3A_144, %mul3A_143 : i32
            %select_n3A_146 = arith.select %lt3A_138, %add3A_141, %add3A_145 : i32
            %dma_wait3A_147 = arith.constant 0 : i32
            %dma_wait3A_148 = tpu.memref_slice %arg6[%select_n3A_146, %dma_wait3A_147] : memref<160000x16xf32, #tpu.memory_space<hbm>> -> memref<128x16xf32, #tpu.memory_space<hbm>>
            %dma_wait3A_149 = arith.constant 0 : i32
            %dma_wait3A_150 = tpu.memref_slice %arg6[%select_n3A_146, %dma_wait3A_149] : memref<160000x16xf32, #tpu.memory_space<hbm>> -> memref<128x16xf32, #tpu.memory_space<hbm>>
            tpu.wait_dma2 semaphore(%arg23 : memref<!tpu.dma_semaphore, #tpu.memory_space<semaphore_mem>>) src(%arg15 : memref<128x16xf32, #tpu.memory_space<vmem>>) dst(%dma_wait3A_150 : memref<128x16xf32, #tpu.memory_space<hbm>>)
            %sub3A = arith.constant 1 : i32
            %sub3A_151 = arith.subi %scan3A_35, %sub3A : i32
            %lt3A_152 = arith.constant 39 : i32
            %lt3A_153 = arith.cmpi slt, %sub3A_151, %lt3A_152 : i32
            %mul3A_154 = arith.constant 128 : i32
            %mul3A_155 = arith.muli %sub3A_151, %mul3A_154 : i32
            %add3A_156 = arith.addi %mul3A_2, %mul3A_155 : i32
            %mul3A_157 = arith.constant 128 : i32
            %mul3A_158 = arith.muli %add3A, %mul3A_157 : i32
            %add3A_159 = arith.constant 159744 : i32
            %add3A_160 = arith.addi %add3A_159, %mul3A_158 : i32
            %select_n3A_161 = arith.select %lt3A_153, %add3A_156, %add3A_160 : i32
            %dma_wait3A_162 = arith.constant 0 : i32
            %dma_wait3A_163 = tpu.memref_slice %arg6[%select_n3A_161, %dma_wait3A_162] : memref<160000x16xf32, #tpu.memory_space<hbm>> -> memref<128x16xf32, #tpu.memory_space<hbm>>
            %dma_wait3A_164 = arith.constant 0 : i32
            %dma_wait3A_165 = tpu.memref_slice %arg6[%select_n3A_161, %dma_wait3A_164] : memref<160000x16xf32, #tpu.memory_space<hbm>> -> memref<128x16xf32, #tpu.memory_space<hbm>>
            tpu.wait_dma2 semaphore(%arg24 : memref<!tpu.dma_semaphore, #tpu.memory_space<semaphore_mem>>) src(%arg16 : memref<128x16xf32, #tpu.memory_space<vmem>>) dst(%dma_wait3A_165 : memref<128x16xf32, #tpu.memory_space<hbm>>)
          } else {
          }
        } else {
        }
        %jit3A_55 = arith.constant 2 : i32
        %eq3A_56 = arith.constant 0 : i32
        %eq3A_57 = arith.cmpi eq, %jit3A_55, %eq3A_56 : i32
        %jit3A_58 = arith.constant 1 : i32
        %select_n3A_59 = arith.select %eq3A_57, %jit3A_58, %jit3A_55 : i32
        %rem3A_60 = arith.remsi %scan3A_35, %select_n3A_59 : i32
        %ne3A_61 = arith.constant 0 : i32
        %ne3A_62 = arith.cmpi ne, %rem3A_60, %ne3A_61 : i32
        %lt3A_63 = arith.constant 0 : i32
        %lt3A_64 = arith.cmpi slt, %rem3A_60, %lt3A_63 : i32
        %lt3A_65 = arith.constant 0 : i32
        %lt3A_66 = arith.cmpi slt, %select_n3A_59, %lt3A_65 : i32
        %ne3A_67 = arith.xori %lt3A_64, %lt3A_66 : i1
        %and3A_68 = arith.andi %ne3A_67, %ne3A_62 : i1
        %add3A_69 = arith.addi %rem3A_60, %select_n3A_59 : i32
        %select_n3A_70 = arith.select %and3A_68, %add3A_69, %rem3A_60 : i32
        %eq3A_71 = arith.constant 1 : i32
        %eq3A_72 = arith.cmpi eq, %select_n3A_70, %eq3A_71 : i32
        %convert_element_type3A_73 = arith.extui %eq3A_72 : i1 to i32
        %cond3A_74 = arith.constant 0 : i32
        %cond3A_75 = arith.cmpi ne, %convert_element_type3A_73, %cond3A_74 : i32
        scf.if %cond3A_75 {
          %add3A_76 = arith.constant 1 : i32
          %add3A_77 = arith.addi %scan3A_35, %add3A_76 : i32
          %lt3A_78 = arith.cmpi slt, %add3A_77, %select_n3A : i32
          %convert_element_type3A_79 = arith.extui %lt3A_78 : i1 to i32
          %cond3A_80 = arith.constant 0 : i32
          %cond3A_81 = arith.cmpi ne, %convert_element_type3A_79, %cond3A_80 : i32
          scf.if %cond3A_81 {
            %add3A_137 = arith.constant 1 : i32
            %add3A_138 = arith.addi %scan3A_35, %add3A_137 : i32
            %dma_start3A_139 = arith.constant 0 : i32
            %dma_start3A_140 = tpu.memref_slice %arg7[%add3A_138, %dma_start3A_139] : memref<40x128xi32, #tpu.memory_space<vmem>> -> memref<1x128xi32, #tpu.memory_space<vmem>>
            %dma_start3A_141 = tpu.memref_squeeze %dma_start3A_140 : memref<1x128xi32, #tpu.memory_space<vmem>> -> memref<128xi32, #tpu.memory_space<vmem>>
            %dma_start3A_142 = arith.constant 0 : i32
            %dma_start3A_143 = arith.constant 0 : i32
            %dma_start3A_144 = tpu.memref_slice %arg2[%dma_start3A_142, %dma_start3A_143] : memref<10000x16xf32, #tpu.memory_space<hbm>> -> memref<10000x16xf32, #tpu.memory_space<hbm>>
            tpu.enqueue_indirect_dma source(%dma_start3A_144 : memref<10000x16xf32, #tpu.memory_space<hbm>>) target(%arg9 : memref<128x16xf32, #tpu.memory_space<vmem>>) offsets(%dma_start3A_141 : memref<128xi32, #tpu.memory_space<vmem>>) semaphore(%arg17 : memref<!tpu.dma_semaphore, #tpu.memory_space<semaphore_mem>>)
            %dma_start3A_145 = arith.constant 0 : i32
            %dma_start3A_146 = tpu.memref_slice %arg8[%add3A_138, %dma_start3A_145] : memref<40x128xi32, #tpu.memory_space<vmem>> -> memref<1x128xi32, #tpu.memory_space<vmem>>
            %dma_start3A_147 = tpu.memref_squeeze %dma_start3A_146 : memref<1x128xi32, #tpu.memory_space<vmem>> -> memref<128xi32, #tpu.memory_space<vmem>>
            %dma_start3A_148 = arith.constant 0 : i32
            %dma_start3A_149 = arith.constant 0 : i32
            %dma_start3A_150 = tpu.memref_slice %arg2[%dma_start3A_148, %dma_start3A_149] : memref<10000x16xf32, #tpu.memory_space<hbm>> -> memref<10000x16xf32, #tpu.memory_space<hbm>>
            tpu.enqueue_indirect_dma source(%dma_start3A_150 : memref<10000x16xf32, #tpu.memory_space<hbm>>) target(%arg11 : memref<128x16xf32, #tpu.memory_space<vmem>>) offsets(%dma_start3A_147 : memref<128xi32, #tpu.memory_space<vmem>>) semaphore(%arg19 : memref<!tpu.dma_semaphore, #tpu.memory_space<semaphore_mem>>)
            %lt3A_151 = arith.constant 39 : i32
            %lt3A_152 = arith.cmpi slt, %add3A_138, %lt3A_151 : i32
            %mul3A_153 = arith.constant 128 : i32
            %mul3A_154 = arith.muli %add3A_138, %mul3A_153 : i32
            %add3A_155 = arith.addi %mul3A_2, %mul3A_154 : i32
            %mul3A_156 = arith.constant 128 : i32
            %mul3A_157 = arith.muli %add3A, %mul3A_156 : i32
            %add3A_158 = arith.constant 159744 : i32
            %add3A_159 = arith.addi %add3A_158, %mul3A_157 : i32
            %select_n3A_160 = arith.select %lt3A_152, %add3A_155, %add3A_159 : i32
            %dma_start3A_161 = arith.constant 0 : i32
            %dma_start3A_162 = tpu.memref_slice %arg3[%select_n3A_160, %dma_start3A_161] : memref<160000x16xf32, #tpu.memory_space<hbm>> -> memref<128x16xf32, #tpu.memory_space<hbm>>
            %dma_start3A_163 = arith.constant 0 : i32
            %dma_start3A_164 = tpu.memref_slice %arg3[%select_n3A_160, %dma_start3A_163] : memref<160000x16xf32, #tpu.memory_space<hbm>> -> memref<128x16xf32, #tpu.memory_space<hbm>>
            tpu.enqueue_dma source(%dma_start3A_164 : memref<128x16xf32, #tpu.memory_space<hbm>>) target(%arg13 : memref<128x16xf32, #tpu.memory_space<vmem>>) target_semaphore(%arg21 : memref<!tpu.dma_semaphore, #tpu.memory_space<semaphore_mem>>)
          } else {
          }
          %dma_wait3A = arith.constant 0 : i32
          %dma_wait3A_82 = tpu.memref_slice %arg7[%scan3A_35, %dma_wait3A] : memref<40x128xi32, #tpu.memory_space<vmem>> -> memref<1x128xi32, #tpu.memory_space<vmem>>
          %dma_wait3A_83 = tpu.memref_squeeze %dma_wait3A_82 : memref<1x128xi32, #tpu.memory_space<vmem>> -> memref<128xi32, #tpu.memory_space<vmem>>
          %dma_wait3A_84 = arith.constant 0 : i32
          %dma_wait3A_85 = arith.constant 0 : i32
          %dma_wait3A_86 = tpu.memref_slice %arg2[%dma_wait3A_84, %dma_wait3A_85] : memref<10000x16xf32, #tpu.memory_space<hbm>> -> memref<10000x16xf32, #tpu.memory_space<hbm>>
          tpu.wait_indirect_dma semaphore(%arg18 : memref<!tpu.dma_semaphore, #tpu.memory_space<semaphore_mem>>) src(%dma_wait3A_86 : memref<10000x16xf32, #tpu.memory_space<hbm>>) dst(%arg10 : memref<128x16xf32, #tpu.memory_space<vmem>>)
          %dma_wait3A_87 = arith.constant 0 : i32
          %dma_wait3A_88 = tpu.memref_slice %arg8[%scan3A_35, %dma_wait3A_87] : memref<40x128xi32, #tpu.memory_space<vmem>> -> memref<1x128xi32, #tpu.memory_space<vmem>>
          %dma_wait3A_89 = tpu.memref_squeeze %dma_wait3A_88 : memref<1x128xi32, #tpu.memory_space<vmem>> -> memref<128xi32, #tpu.memory_space<vmem>>
          %dma_wait3A_90 = arith.constant 0 : i32
          %dma_wait3A_91 = arith.constant 0 : i32
          %dma_wait3A_92 = tpu.memref_slice %arg2[%dma_wait3A_90, %dma_wait3A_91] : memref<10000x16xf32, #tpu.memory_space<hbm>> -> memref<10000x16xf32, #tpu.memory_space<hbm>>
          tpu.wait_indirect_dma semaphore(%arg20 : memref<!tpu.dma_semaphore, #tpu.memory_space<semaphore_mem>>) src(%dma_wait3A_92 : memref<10000x16xf32, #tpu.memory_space<hbm>>) dst(%arg12 : memref<128x16xf32, #tpu.memory_space<vmem>>)
          %lt3A_93 = arith.constant 39 : i32
          %lt3A_94 = arith.cmpi slt, %scan3A_35, %lt3A_93 : i32
          %mul3A_95 = arith.constant 128 : i32
          %mul3A_96 = arith.muli %scan3A_35, %mul3A_95 : i32
          %add3A_97 = arith.addi %mul3A_2, %mul3A_96 : i32
          %mul3A_98 = arith.constant 128 : i32
          %mul3A_99 = arith.muli %add3A, %mul3A_98 : i32
          %add3A_100 = arith.constant 159744 : i32
          %add3A_101 = arith.addi %add3A_100, %mul3A_99 : i32
          %select_n3A_102 = arith.select %lt3A_94, %add3A_97, %add3A_101 : i32
          %dma_wait3A_103 = arith.constant 0 : i32
          %dma_wait3A_104 = tpu.memref_slice %arg3[%select_n3A_102, %dma_wait3A_103] : memref<160000x16xf32, #tpu.memory_space<hbm>> -> memref<128x16xf32, #tpu.memory_space<hbm>>
          %dma_wait3A_105 = arith.constant 0 : i32
          %dma_wait3A_106 = tpu.memref_slice %arg3[%select_n3A_102, %dma_wait3A_105] : memref<160000x16xf32, #tpu.memory_space<hbm>> -> memref<128x16xf32, #tpu.memory_space<hbm>>
          tpu.wait_dma2 semaphore(%arg22 : memref<!tpu.dma_semaphore, #tpu.memory_space<semaphore_mem>>) src(%dma_wait3A_106 : memref<128x16xf32, #tpu.memory_space<hbm>>) dst(%arg14 : memref<128x16xf32, #tpu.memory_space<vmem>>)
          %ge3A = arith.constant 2 : i32
          %ge3A_107 = arith.cmpi sge, %scan3A_35, %ge3A : i32
          %convert_element_type3A_108 = arith.extui %ge3A_107 : i1 to i32
          %cond3A_109 = arith.constant 0 : i32
          %cond3A_110 = arith.cmpi ne, %convert_element_type3A_108, %cond3A_109 : i32
          scf.if %cond3A_110 {
            %sub3A = arith.constant 2 : i32
            %sub3A_137 = arith.subi %scan3A_35, %sub3A : i32
            %lt3A_138 = arith.constant 39 : i32
            %lt3A_139 = arith.cmpi slt, %sub3A_137, %lt3A_138 : i32
            %mul3A_140 = arith.constant 128 : i32
            %mul3A_141 = arith.muli %sub3A_137, %mul3A_140 : i32
            %add3A_142 = arith.addi %mul3A_2, %mul3A_141 : i32
            %mul3A_143 = arith.constant 128 : i32
            %mul3A_144 = arith.muli %add3A, %mul3A_143 : i32
            %add3A_145 = arith.constant 159744 : i32
            %add3A_146 = arith.addi %add3A_145, %mul3A_144 : i32
            %select_n3A_147 = arith.select %lt3A_139, %add3A_142, %add3A_146 : i32
            %dma_wait3A_148 = arith.constant 0 : i32
            %dma_wait3A_149 = tpu.memref_slice %arg6[%select_n3A_147, %dma_wait3A_148] : memref<160000x16xf32, #tpu.memory_space<hbm>> -> memref<128x16xf32, #tpu.memory_space<hbm>>
            %dma_wait3A_150 = arith.constant 0 : i32
            %dma_wait3A_151 = tpu.memref_slice %arg6[%select_n3A_147, %dma_wait3A_150] : memref<160000x16xf32, #tpu.memory_space<hbm>> -> memref<128x16xf32, #tpu.memory_space<hbm>>
            tpu.wait_dma2 semaphore(%arg24 : memref<!tpu.dma_semaphore, #tpu.memory_space<semaphore_mem>>) src(%arg16 : memref<128x16xf32, #tpu.memory_space<vmem>>) dst(%dma_wait3A_151 : memref<128x16xf32, #tpu.memory_space<hbm>>)
          } else {
          }
          %scan3A_111 = arith.constant 0 : i32
          %scan3A_112 = arith.constant 0 : i32
          %scan3A_113 = arith.constant 128 : i32
          %scan3A_114 = arith.addi %scan3A_112, %scan3A_113 : i32
          %scan3A_115 = arith.constant 1 : i32
          scf.for %scan3A_137 = %scan3A_112 to %scan3A_114 step %scan3A_115  : i32 {
            %get3A = arith.index_cast %scan3A_137 : i32 to index
            %get3A_138 = arith.constant 0 : index
            %get3A_139 = tpu.vector_load %arg10[%get3A, %get3A_138] {strides = array<i32>} : memref<128x16xf32, #tpu.memory_space<vmem>>, vector<1x16xf32>,
            %get3A_140 = vector.shape_cast %get3A_139 : vector<1x16xf32> to vector<16xf32>
            %get3A_141 = arith.index_cast %scan3A_137 : i32 to index
            %get3A_142 = arith.constant 0 : index
            %get3A_143 = tpu.vector_load %arg12[%get3A_141, %get3A_142] {strides = array<i32>} : memref<128x16xf32, #tpu.memory_space<vmem>>, vector<1x16xf32>,
            %get3A_144 = vector.shape_cast %get3A_143 : vector<1x16xf32> to vector<16xf32>
            %add3A_145 = arith.addf %get3A_140, %get3A_144 : vector<16xf32>
            %get3A_146 = arith.index_cast %scan3A_137 : i32 to index
            %get3A_147 = arith.constant 0 : index
            %get3A_148 = tpu.vector_load %arg14[%get3A_146, %get3A_147] {strides = array<i32>} : memref<128x16xf32, #tpu.memory_space<vmem>>, vector<1x16xf32>,
            %get3A_149 = vector.shape_cast %get3A_148 : vector<1x16xf32> to vector<16xf32>
            %add3A_150 = arith.addf %add3A_145, %get3A_149 : vector<16xf32>
            %max3A = arith.constant 0.000000e+00 : f32
            %max3A_151 = vector.broadcast %max3A : f32 to vector<16xf32>
            %max3A_152 = arith.maximumf %add3A_150, %max3A_151 : vector<16xf32>
            %swap3A = arith.index_cast %scan3A_137 : i32 to index
            %swap3A_153 = arith.constant 0 : index
            %swap3A_154 = tpu.vector_load %arg16[%swap3A, %swap3A_153] {strides = array<i32>} : memref<128x16xf32, #tpu.memory_space<vmem>>, vector<1x16xf32>,
            %swap3A_155 = vector.shape_cast %swap3A_154 : vector<1x16xf32> to vector<16xf32>
            %swap3A_156 = vector.shape_cast %max3A_152 : vector<16xf32> to vector<1x16xf32>
            tpu.vector_store %arg16[%swap3A, %swap3A_153], %swap3A_156 {strides = array<i32>} : memref<128x16xf32, #tpu.memory_space<vmem>>, vector<1x16xf32>,
          }
          %scan3A_116 = arith.constant 128 : i32
          %lt3A_117 = arith.constant 39 : i32
          %lt3A_118 = arith.cmpi slt, %scan3A_35, %lt3A_117 : i32
          %mul3A_119 = arith.constant 128 : i32
          %mul3A_120 = arith.muli %scan3A_35, %mul3A_119 : i32
          %add3A_121 = arith.addi %mul3A_2, %mul3A_120 : i32
          %mul3A_122 = arith.constant 128 : i32
          %mul3A_123 = arith.muli %add3A, %mul3A_122 : i32
          %add3A_124 = arith.constant 159744 : i32
          %add3A_125 = arith.addi %add3A_124, %mul3A_123 : i32
          %select_n3A_126 = arith.select %lt3A_118, %add3A_121, %add3A_125 : i32
          %dma_start3A_127 = arith.constant 0 : i32
          %dma_start3A_128 = tpu.memref_slice %arg6[%select_n3A_126, %dma_start3A_127] : memref<160000x16xf32, #tpu.memory_space<hbm>> -> memref<128x16xf32, #tpu.memory_space<hbm>>
          %dma_start3A_129 = arith.constant 0 : i32
          %dma_start3A_130 = tpu.memref_slice %arg6[%select_n3A_126, %dma_start3A_129] : memref<160000x16xf32, #tpu.memory_space<hbm>> -> memref<128x16xf32, #tpu.memory_space<hbm>>
          tpu.enqueue_dma source(%arg16 : memref<128x16xf32, #tpu.memory_space<vmem>>) target(%dma_start3A_130 : memref<128x16xf32, #tpu.memory_space<hbm>>) target_semaphore(%arg24 : memref<!tpu.dma_semaphore, #tpu.memory_space<semaphore_mem>>)
          %add3A_131 = arith.constant 1 : i32
          %add3A_132 = arith.addi %scan3A_35, %add3A_131 : i32
          %ge3A_133 = arith.cmpi sge, %add3A_132, %select_n3A : i32
          %convert_element_type3A_134 = arith.extui %ge3A_133 : i1 to i32
          %cond3A_135 = arith.constant 0 : i32
          %cond3A_136 = arith.cmpi ne, %convert_element_type3A_134, %cond3A_135 : i32
          scf.if %cond3A_136 {
            %lt3A_137 = arith.constant 39 : i32
            %lt3A_138 = arith.cmpi slt, %scan3A_35, %lt3A_137 : i32
            %mul3A_139 = arith.constant 128 : i32
            %mul3A_140 = arith.muli %scan3A_35, %mul3A_139 : i32
            %add3A_141 = arith.addi %mul3A_2, %mul3A_140 : i32
            %mul3A_142 = arith.constant 128 : i32
            %mul3A_143 = arith.muli %add3A, %mul3A_142 : i32
            %add3A_144 = arith.constant 159744 : i32
            %add3A_145 = arith.addi %add3A_144, %mul3A_143 : i32
            %select_n3A_146 = arith.select %lt3A_138, %add3A_141, %add3A_145 : i32
            %dma_wait3A_147 = arith.constant 0 : i32
            %dma_wait3A_148 = tpu.memref_slice %arg6[%select_n3A_146, %dma_wait3A_147] : memref<160000x16xf32, #tpu.memory_space<hbm>> -> memref<128x16xf32, #tpu.memory_space<hbm>>
            %dma_wait3A_149 = arith.constant 0 : i32
            %dma_wait3A_150 = tpu.memref_slice %arg6[%select_n3A_146, %dma_wait3A_149] : memref<160000x16xf32, #tpu.memory_space<hbm>> -> memref<128x16xf32, #tpu.memory_space<hbm>>
            tpu.wait_dma2 semaphore(%arg24 : memref<!tpu.dma_semaphore, #tpu.memory_space<semaphore_mem>>) src(%arg16 : memref<128x16xf32, #tpu.memory_space<vmem>>) dst(%dma_wait3A_150 : memref<128x16xf32, #tpu.memory_space<hbm>>)
            %sub3A = arith.constant 1 : i32
            %sub3A_151 = arith.subi %scan3A_35, %sub3A : i32
            %lt3A_152 = arith.constant 39 : i32
            %lt3A_153 = arith.cmpi slt, %sub3A_151, %lt3A_152 : i32
            %mul3A_154 = arith.constant 128 : i32
            %mul3A_155 = arith.muli %sub3A_151, %mul3A_154 : i32
            %add3A_156 = arith.addi %mul3A_2, %mul3A_155 : i32
            %mul3A_157 = arith.constant 128 : i32
            %mul3A_158 = arith.muli %add3A, %mul3A_157 : i32
            %add3A_159 = arith.constant 159744 : i32
            %add3A_160 = arith.addi %add3A_159, %mul3A_158 : i32
            %select_n3A_161 = arith.select %lt3A_153, %add3A_156, %add3A_160 : i32
            %dma_wait3A_162 = arith.constant 0 : i32
            %dma_wait3A_163 = tpu.memref_slice %arg6[%select_n3A_161, %dma_wait3A_162] : memref<160000x16xf32, #tpu.memory_space<hbm>> -> memref<128x16xf32, #tpu.memory_space<hbm>>
            %dma_wait3A_164 = arith.constant 0 : i32
            %dma_wait3A_165 = tpu.memref_slice %arg6[%select_n3A_161, %dma_wait3A_164] : memref<160000x16xf32, #tpu.memory_space<hbm>> -> memref<128x16xf32, #tpu.memory_space<hbm>>
            tpu.wait_dma2 semaphore(%arg23 : memref<!tpu.dma_semaphore, #tpu.memory_space<semaphore_mem>>) src(%arg15 : memref<128x16xf32, #tpu.memory_space<vmem>>) dst(%dma_wait3A_165 : memref<128x16xf32, #tpu.memory_space<hbm>>)
          } else {
          }
        } else {
        }
      } else {
      }
    }
    %scan3A_34 = arith.constant 40 : i32
    return
  }
}

module attributes {stable_mosaic.version = 14 : i64} {
  func.func @_hm_body(%arg0: i32, %arg1: memref<1000x256xf32, #tpu.memory_space<vmem>>, %arg2: memref<256x256xf32, #tpu.memory_space<vmem>>, %arg3: memref<256x256xf32, #tpu.memory_space<vmem>>, %arg4: memref<4x1000x64xf32, #tpu.memory_space<vmem>>) attributes {dimension_semantics = [#tpu.dimension_semantics<arbitrary>], iteration_bounds = array<i64: 10>, scalar_prefetch = 0 : i64, scratch_operands = 0 : i64, tpu.core_type = #tpu.core_type<tc>, window_params = [{transform_indices = @transform_0, window_bounds = array<i64: 1000, 256>}, {pipeline_mode = #tpu.pipeline_mode<synchronous>, transform_indices = @transform_1, window_bounds = array<i64: 256, 256>}, {pipeline_mode = #tpu.pipeline_mode<synchronous>, transform_indices = @transform_2, window_bounds = array<i64: 256, 256>}, {transform_indices = @transform_3, window_bounds = array<i64: 4, 1000, 64>}]} {
    %get3A = arith.constant 0 : index
    %get3A_0 = arith.constant 0 : index
    %get3A_1 = vector.load %arg1[%get3A, %get3A_0] : memref<1000x256xf32, #tpu.memory_space<vmem>>, vector<1000x256xf32>
    %get3A_2 = arith.constant 0 : index
    %get3A_3 = arith.constant 0 : index
    %get3A_4 = vector.load %arg2[%get3A_2, %get3A_3] : memref<256x256xf32, #tpu.memory_space<vmem>>, vector<256x256xf32>
    %dot_general3A = arith.constant dense<0.000000e+00> : vector<1000x256xf32>
    %dot_general3A_5 = tpu.matmul %get3A_1, %get3A_4, %dot_general3A {dimension_numbers = #tpu.dot_dimension_numbers<[1], [0], [0], [1], [0, 0, 1, 1], [], []>, transpose_lhs_hint = false} : vector<1000x256xf32>, vector<256x256xf32>, vector<1000x256xf32> -> vector<1000x256xf32>
    %get3A_6 = arith.constant 0 : index
    %get3A_7 = arith.constant 0 : index
    %get3A_8 = vector.load %arg3[%get3A_6, %get3A_7] : memref<256x256xf32, #tpu.memory_space<vmem>>, vector<256x64xf32>
    %dot_general3A_9 = arith.constant dense<0.000000e+00> : vector<1000x64xf32>
    %dot_general3A_10 = tpu.matmul %dot_general3A_5, %get3A_8, %dot_general3A_9 {dimension_numbers = #tpu.dot_dimension_numbers<[1], [0], [0], [1], [0, 0, 1, 1], [], []>, transpose_lhs_hint = false} : vector<1000x256xf32>, vector<256x64xf32>, vector<1000x64xf32> -> vector<1000x64xf32>
    %swap3A = arith.constant 0 : index
    %swap3A_11 = arith.constant 0 : index
    %swap3A_12 = arith.constant 0 : index
    %swap3A_13 = vector.load %arg4[%swap3A, %swap3A_11, %swap3A_12] : memref<4x1000x64xf32, #tpu.memory_space<vmem>>, vector<1x1000x64xf32>
    %swap3A_14 = vector.shape_cast %swap3A_13 : vector<1x1000x64xf32> to vector<1000x64xf32>
    %swap3A_15 = vector.shape_cast %dot_general3A_10 : vector<1000x64xf32> to vector<1x1000x64xf32>
    tpu.vector_store %arg4[%swap3A, %swap3A_11, %swap3A_12], %swap3A_15 {strides = array<i32>} : memref<4x1000x64xf32, #tpu.memory_space<vmem>>, vector<1x1000x64xf32>,
    %get3A_16 = arith.constant 0 : index
    %get3A_17 = arith.constant 64 : index
    %get3A_18 = vector.load %arg3[%get3A_16, %get3A_17] : memref<256x256xf32, #tpu.memory_space<vmem>>, vector<256x64xf32>
    %dot_general3A_19 = arith.constant dense<0.000000e+00> : vector<1000x64xf32>
    %dot_general3A_20 = tpu.matmul %dot_general3A_5, %get3A_18, %dot_general3A_19 {dimension_numbers = #tpu.dot_dimension_numbers<[1], [0], [0], [1], [0, 0, 1, 1], [], []>, transpose_lhs_hint = false} : vector<1000x256xf32>, vector<256x64xf32>, vector<1000x64xf32> -> vector<1000x64xf32>
    %swap3A_21 = arith.constant 1 : index
    %swap3A_22 = arith.constant 0 : index
    %swap3A_23 = arith.constant 0 : index
    %swap3A_24 = vector.load %arg4[%swap3A_21, %swap3A_22, %swap3A_23] : memref<4x1000x64xf32, #tpu.memory_space<vmem>>, vector<1x1000x64xf32>
    %swap3A_25 = vector.shape_cast %swap3A_24 : vector<1x1000x64xf32> to vector<1000x64xf32>
    %swap3A_26 = vector.shape_cast %dot_general3A_20 : vector<1000x64xf32> to vector<1x1000x64xf32>
    tpu.vector_store %arg4[%swap3A_21, %swap3A_22, %swap3A_23], %swap3A_26 {strides = array<i32>} : memref<4x1000x64xf32, #tpu.memory_space<vmem>>, vector<1x1000x64xf32>,
    %get3A_27 = arith.constant 0 : index
    %get3A_28 = arith.constant 128 : index
    %get3A_29 = vector.load %arg3[%get3A_27, %get3A_28] : memref<256x256xf32, #tpu.memory_space<vmem>>, vector<256x64xf32>
    %dot_general3A_30 = arith.constant dense<0.000000e+00> : vector<1000x64xf32>
    %dot_general3A_31 = tpu.matmul %dot_general3A_5, %get3A_29, %dot_general3A_30 {dimension_numbers = #tpu.dot_dimension_numbers<[1], [0], [0], [1], [0, 0, 1, 1], [], []>, transpose_lhs_hint = false} : vector<1000x256xf32>, vector<256x64xf32>, vector<1000x64xf32> -> vector<1000x64xf32>
    %swap3A_32 = arith.constant 2 : index
    %swap3A_33 = arith.constant 0 : index
    %swap3A_34 = arith.constant 0 : index
    %swap3A_35 = vector.load %arg4[%swap3A_32, %swap3A_33, %swap3A_34] : memref<4x1000x64xf32, #tpu.memory_space<vmem>>, vector<1x1000x64xf32>
    %swap3A_36 = vector.shape_cast %swap3A_35 : vector<1x1000x64xf32> to vector<1000x64xf32>
    %swap3A_37 = vector.shape_cast %dot_general3A_31 : vector<1000x64xf32> to vector<1x1000x64xf32>
    tpu.vector_store %arg4[%swap3A_32, %swap3A_33, %swap3A_34], %swap3A_37 {strides = array<i32>} : memref<4x1000x64xf32, #tpu.memory_space<vmem>>, vector<1x1000x64xf32>,
    %get3A_38 = arith.constant 0 : index
    %get3A_39 = arith.constant 192 : index
    %get3A_40 = vector.load %arg3[%get3A_38, %get3A_39] : memref<256x256xf32, #tpu.memory_space<vmem>>, vector<256x64xf32>
    %dot_general3A_41 = arith.constant dense<0.000000e+00> : vector<1000x64xf32>
    %dot_general3A_42 = tpu.matmul %dot_general3A_5, %get3A_40, %dot_general3A_41 {dimension_numbers = #tpu.dot_dimension_numbers<[1], [0], [0], [1], [0, 0, 1, 1], [], []>, transpose_lhs_hint = false} : vector<1000x256xf32>, vector<256x64xf32>, vector<1000x64xf32> -> vector<1000x64xf32>
    %swap3A_43 = arith.constant 3 : index
    %swap3A_44 = arith.constant 0 : index
    %swap3A_45 = arith.constant 0 : index
    %swap3A_46 = vector.load %arg4[%swap3A_43, %swap3A_44, %swap3A_45] : memref<4x1000x64xf32, #tpu.memory_space<vmem>>, vector<1x1000x64xf32>
    %swap3A_47 = vector.shape_cast %swap3A_46 : vector<1x1000x64xf32> to vector<1000x64xf32>
    %swap3A_48 = vector.shape_cast %dot_general3A_42 : vector<1000x64xf32> to vector<1x1000x64xf32>
    tpu.vector_store %arg4[%swap3A_43, %swap3A_44, %swap3A_45], %swap3A_48 {strides = array<i32>} : memref<4x1000x64xf32, #tpu.memory_space<vmem>>, vector<1x1000x64xf32>,
    return
  }
  func.func @transform_0(%arg0: i32) -> (i32, i32) {
    %c0_i32 = arith.constant 0 : i32
    %c0_i32_0 = arith.constant 0 : i32
    return %arg0, %c0_i32 : i32, i32
  }
  func.func @transform_1(%arg0: i32) -> (i32, i32) {
    %c0_i32 = arith.constant 0 : i32
    %c0_i32_0 = arith.constant 0 : i32
    %c0_i32_1 = arith.constant 0 : i32
    return %c0_i32, %c0_i32_0 : i32, i32
  }
  func.func @transform_2(%arg0: i32) -> (i32, i32) {
    %c0_i32 = arith.constant 0 : i32
    %c0_i32_0 = arith.constant 0 : i32
    %c0_i32_1 = arith.constant 0 : i32
    return %c0_i32, %c0_i32_0 : i32, i32
  }
  func.func @transform_3(%arg0: i32) -> (i32, i32, i32) {
    %c0_i32 = arith.constant 0 : i32
    %c0_i32_0 = arith.constant 0 : i32
    %c0_i32_1 = arith.constant 0 : i32
    return %c0_i32, %arg0, %c0_i32_0 : i32, i32, i32
  }
}

module attributes {stable_mosaic.version = 14 : i64} {
  func.func @_eap_body(%arg0: i32, %arg1: memref<2000x16xf32, #tpu.memory_space<vmem>>, %arg2: memref<16x256xf32, #tpu.memory_space<vmem>>, %arg3: memref<1x256xf32, #tpu.memory_space<vmem>>, %arg4: memref<2000x1xf32, #tpu.memory_space<vmem>>, %arg5: memref<4x2000x64xf32, #tpu.memory_space<vmem>>) attributes {dimension_semantics = [#tpu.dimension_semantics<arbitrary>], iteration_bounds = array<i64: 80>, scalar_prefetch = 0 : i64, scratch_operands = 0 : i64, tpu.core_type = #tpu.core_type<tc>, window_params = [{transform_indices = @transform_0, window_bounds = array<i64: 2000, 16>}, {pipeline_mode = #tpu.pipeline_mode<synchronous>, transform_indices = @transform_1, window_bounds = array<i64: 16, 256>}, {pipeline_mode = #tpu.pipeline_mode<synchronous>, transform_indices = @transform_2, window_bounds = array<i64: 1, 256>}, {transform_indices = @transform_3, window_bounds = array<i64: 2000, 1>}, {transform_indices = @transform_4, window_bounds = array<i64: 4, 2000, 64>}]} {
    %get3A = arith.constant 0 : index
    %get3A_0 = arith.constant 0 : index
    %get3A_1 = vector.load %arg1[%get3A, %get3A_0] : memref<2000x16xf32, #tpu.memory_space<vmem>>, vector<2000x16xf32>
    %get3A_2 = arith.constant 0 : index
    %get3A_3 = arith.constant 0 : index
    %get3A_4 = vector.load %arg2[%get3A_2, %get3A_3] : memref<16x256xf32, #tpu.memory_space<vmem>>, vector<16x256xf32>
    %dot_general3A = arith.constant dense<0.000000e+00> : vector<2000x256xf32>
    %dot_general3A_5 = tpu.matmul %get3A_1, %get3A_4, %dot_general3A {dimension_numbers = #tpu.dot_dimension_numbers<[1], [0], [0], [1], [0, 0, 1, 1], [], []>, transpose_lhs_hint = false} : vector<2000x16xf32>, vector<16x256xf32>, vector<2000x256xf32> -> vector<2000x256xf32>
    %get3A_6 = arith.constant 0 : index
    %get3A_7 = arith.constant 0 : index
    %get3A_8 = vector.load %arg3[%get3A_6, %get3A_7] : memref<1x256xf32, #tpu.memory_space<vmem>>, vector<1x256xf32>
    %add3A = vector.broadcast %get3A_8 : vector<1x256xf32> to vector<2000x256xf32>
    %add3A_9 = arith.addf %dot_general3A_5, %add3A : vector<2000x256xf32>
    %get3A_10 = arith.constant 0 : index
    %get3A_11 = arith.constant 0 : index
    %get3A_12 = vector.load %arg4[%get3A_10, %get3A_11] : memref<2000x1xf32, #tpu.memory_space<vmem>>, vector<2000x1xf32>
    %mul3A = vector.broadcast %get3A_12 : vector<2000x1xf32> to vector<2000x256xf32>
    %mul3A_13 = arith.mulf %add3A_9, %mul3A : vector<2000x256xf32>
    %slice3A = vector.extract_strided_slice %mul3A_13 {offsets = [0, 0], sizes = [2000, 64], strides = [1, 1]} : vector<2000x256xf32> to vector<2000x64xf32>
    %swap3A = arith.constant 0 : index
    %swap3A_14 = arith.constant 0 : index
    %swap3A_15 = arith.constant 0 : index
    %swap3A_16 = vector.load %arg5[%swap3A, %swap3A_14, %swap3A_15] : memref<4x2000x64xf32, #tpu.memory_space<vmem>>, vector<1x2000x64xf32>
    %swap3A_17 = vector.shape_cast %swap3A_16 : vector<1x2000x64xf32> to vector<2000x64xf32>
    %swap3A_18 = vector.shape_cast %slice3A : vector<2000x64xf32> to vector<1x2000x64xf32>
    tpu.vector_store %arg5[%swap3A, %swap3A_14, %swap3A_15], %swap3A_18 {strides = array<i32>} : memref<4x2000x64xf32, #tpu.memory_space<vmem>>, vector<1x2000x64xf32>,
    %slice3A_19 = vector.extract_strided_slice %mul3A_13 {offsets = [0, 64], sizes = [2000, 64], strides = [1, 1]} : vector<2000x256xf32> to vector<2000x64xf32>
    %swap3A_20 = arith.constant 1 : index
    %swap3A_21 = arith.constant 0 : index
    %swap3A_22 = arith.constant 0 : index
    %swap3A_23 = vector.load %arg5[%swap3A_20, %swap3A_21, %swap3A_22] : memref<4x2000x64xf32, #tpu.memory_space<vmem>>, vector<1x2000x64xf32>
    %swap3A_24 = vector.shape_cast %swap3A_23 : vector<1x2000x64xf32> to vector<2000x64xf32>
    %swap3A_25 = vector.shape_cast %slice3A_19 : vector<2000x64xf32> to vector<1x2000x64xf32>
    tpu.vector_store %arg5[%swap3A_20, %swap3A_21, %swap3A_22], %swap3A_25 {strides = array<i32>} : memref<4x2000x64xf32, #tpu.memory_space<vmem>>, vector<1x2000x64xf32>,
    %slice3A_26 = vector.extract_strided_slice %mul3A_13 {offsets = [0, 128], sizes = [2000, 64], strides = [1, 1]} : vector<2000x256xf32> to vector<2000x64xf32>
    %swap3A_27 = arith.constant 2 : index
    %swap3A_28 = arith.constant 0 : index
    %swap3A_29 = arith.constant 0 : index
    %swap3A_30 = vector.load %arg5[%swap3A_27, %swap3A_28, %swap3A_29] : memref<4x2000x64xf32, #tpu.memory_space<vmem>>, vector<1x2000x64xf32>
    %swap3A_31 = vector.shape_cast %swap3A_30 : vector<1x2000x64xf32> to vector<2000x64xf32>
    %swap3A_32 = vector.shape_cast %slice3A_26 : vector<2000x64xf32> to vector<1x2000x64xf32>
    tpu.vector_store %arg5[%swap3A_27, %swap3A_28, %swap3A_29], %swap3A_32 {strides = array<i32>} : memref<4x2000x64xf32, #tpu.memory_space<vmem>>, vector<1x2000x64xf32>,
    %slice3A_33 = vector.extract_strided_slice %mul3A_13 {offsets = [0, 192], sizes = [2000, 64], strides = [1, 1]} : vector<2000x256xf32> to vector<2000x64xf32>
    %swap3A_34 = arith.constant 3 : index
    %swap3A_35 = arith.constant 0 : index
    %swap3A_36 = arith.constant 0 : index
    %swap3A_37 = vector.load %arg5[%swap3A_34, %swap3A_35, %swap3A_36] : memref<4x2000x64xf32, #tpu.memory_space<vmem>>, vector<1x2000x64xf32>
    %swap3A_38 = vector.shape_cast %swap3A_37 : vector<1x2000x64xf32> to vector<2000x64xf32>
    %swap3A_39 = vector.shape_cast %slice3A_33 : vector<2000x64xf32> to vector<1x2000x64xf32>
    tpu.vector_store %arg5[%swap3A_34, %swap3A_35, %swap3A_36], %swap3A_39 {strides = array<i32>} : memref<4x2000x64xf32, #tpu.memory_space<vmem>>, vector<1x2000x64xf32>,
    return
  }
  func.func @transform_0(%arg0: i32) -> (i32, i32) {
    %c0_i32 = arith.constant 0 : i32
    %c0_i32_0 = arith.constant 0 : i32
    return %arg0, %c0_i32 : i32, i32
  }
  func.func @transform_1(%arg0: i32) -> (i32, i32) {
    %c0_i32 = arith.constant 0 : i32
    %c0_i32_0 = arith.constant 0 : i32
    %c0_i32_1 = arith.constant 0 : i32
    return %c0_i32, %c0_i32_0 : i32, i32
  }
  func.func @transform_2(%arg0: i32) -> (i32, i32) {
    %c0_i32 = arith.constant 0 : i32
    %c0_i32_0 = arith.constant 0 : i32
    %c0_i32_1 = arith.constant 0 : i32
    return %c0_i32, %c0_i32_0 : i32, i32
  }
  func.func @transform_3(%arg0: i32) -> (i32, i32) {
    %c0_i32 = arith.constant 0 : i32
    %c0_i32_0 = arith.constant 0 : i32
    return %arg0, %c0_i32 : i32, i32
  }
  func.func @transform_4(%arg0: i32) -> (i32, i32, i32) {
    %c0_i32 = arith.constant 0 : i32
    %c0_i32_0 = arith.constant 0 : i32
    %c0_i32_1 = arith.constant 0 : i32
    return %c0_i32, %arg0, %c0_i32_0 : i32, i32, i32
  }
}

module attributes {stable_mosaic.version = 14 : i64} {
  func.func @_mm_bias_body(%arg0: i32, %arg1: memref<2000x16xf32, #tpu.memory_space<vmem>>, %arg2: memref<16x16xf32, #tpu.memory_space<vmem>>, %arg3: memref<1x16xf32, #tpu.memory_space<vmem>>, %arg4: memref<2000x16xf32, #tpu.memory_space<vmem>>) attributes {dimension_semantics = [#tpu.dimension_semantics<arbitrary>], iteration_bounds = array<i64: 80>, scalar_prefetch = 0 : i64, scratch_operands = 0 : i64, tpu.core_type = #tpu.core_type<tc>, window_params = [{transform_indices = @transform_0, window_bounds = array<i64: 2000, 16>}, {pipeline_mode = #tpu.pipeline_mode<synchronous>, transform_indices = @transform_1, window_bounds = array<i64: 16, 16>}, {pipeline_mode = #tpu.pipeline_mode<synchronous>, transform_indices = @transform_2, window_bounds = array<i64: 1, 16>}, {transform_indices = @transform_3, window_bounds = array<i64: 2000, 16>}]} {
    %get3A = arith.constant 0 : index
    %get3A_0 = arith.constant 0 : index
    %get3A_1 = vector.load %arg1[%get3A, %get3A_0] : memref<2000x16xf32, #tpu.memory_space<vmem>>, vector<2000x16xf32>
    %get3A_2 = arith.constant 0 : index
    %get3A_3 = arith.constant 0 : index
    %get3A_4 = vector.load %arg2[%get3A_2, %get3A_3] : memref<16x16xf32, #tpu.memory_space<vmem>>, vector<16x16xf32>
    %dot_general3A = arith.constant dense<0.000000e+00> : vector<2000x16xf32>
    %dot_general3A_5 = tpu.matmul %get3A_1, %get3A_4, %dot_general3A {dimension_numbers = #tpu.dot_dimension_numbers<[1], [0], [0], [1], [0, 0, 1, 1], [], []>, transpose_lhs_hint = false} : vector<2000x16xf32>, vector<16x16xf32>, vector<2000x16xf32> -> vector<2000x16xf32>
    %get3A_6 = arith.constant 0 : index
    %get3A_7 = arith.constant 0 : index
    %get3A_8 = vector.load %arg3[%get3A_6, %get3A_7] : memref<1x16xf32, #tpu.memory_space<vmem>>, vector<1x16xf32>
    %add3A = vector.broadcast %get3A_8 : vector<1x16xf32> to vector<2000x16xf32>
    %add3A_9 = arith.addf %dot_general3A_5, %add3A : vector<2000x16xf32>
    %swap3A = arith.constant 0 : index
    %swap3A_10 = arith.constant 0 : index
    %swap3A_11 = vector.load %arg4[%swap3A, %swap3A_10] : memref<2000x16xf32, #tpu.memory_space<vmem>>, vector<2000x16xf32>
    tpu.vector_store %arg4[%swap3A, %swap3A_10], %add3A_9 {strides = array<i32>} : memref<2000x16xf32, #tpu.memory_space<vmem>>, vector<2000x16xf32>,
    return
  }
  func.func @transform_0(%arg0: i32) -> (i32, i32) {
    %c0_i32 = arith.constant 0 : i32
    %c0_i32_0 = arith.constant 0 : i32
    return %arg0, %c0_i32 : i32, i32
  }
  func.func @transform_1(%arg0: i32) -> (i32, i32) {
    %c0_i32 = arith.constant 0 : i32
    %c0_i32_0 = arith.constant 0 : i32
    %c0_i32_1 = arith.constant 0 : i32
    return %c0_i32, %c0_i32_0 : i32, i32
  }
  func.func @transform_2(%arg0: i32) -> (i32, i32) {
    %c0_i32 = arith.constant 0 : i32
    %c0_i32_0 = arith.constant 0 : i32
    %c0_i32_1 = arith.constant 0 : i32
    return %c0_i32, %c0_i32_0 : i32, i32
  }
  func.func @transform_3(%arg0: i32) -> (i32, i32) {
    %c0_i32 = arith.constant 0 : i32
    %c0_i32_0 = arith.constant 0 : i32
    return %arg0, %c0_i32 : i32, i32
  }
}

module attributes {stable_mosaic.version = 14 : i64} {
  func.func @_mm_body(%arg0: i32, %arg1: memref<1000x256xf32, #tpu.memory_space<vmem>>, %arg2: memref<256x16xf32, #tpu.memory_space<vmem>>, %arg3: memref<1000x16xf32, #tpu.memory_space<vmem>>) attributes {dimension_semantics = [#tpu.dimension_semantics<arbitrary>], iteration_bounds = array<i64: 10>, scalar_prefetch = 0 : i64, scratch_operands = 0 : i64, tpu.core_type = #tpu.core_type<tc>, window_params = [{transform_indices = @transform_0, window_bounds = array<i64: 1000, 256>}, {pipeline_mode = #tpu.pipeline_mode<synchronous>, transform_indices = @transform_1, window_bounds = array<i64: 256, 16>}, {transform_indices = @transform_2, window_bounds = array<i64: 1000, 16>}]} {
    %get3A = arith.constant 0 : index
    %get3A_0 = arith.constant 0 : index
    %get3A_1 = vector.load %arg1[%get3A, %get3A_0] : memref<1000x256xf32, #tpu.memory_space<vmem>>, vector<1000x256xf32>
    %get3A_2 = arith.constant 0 : index
    %get3A_3 = arith.constant 0 : index
    %get3A_4 = vector.load %arg2[%get3A_2, %get3A_3] : memref<256x16xf32, #tpu.memory_space<vmem>>, vector<256x16xf32>
    %dot_general3A = arith.constant dense<0.000000e+00> : vector<1000x16xf32>
    %dot_general3A_5 = tpu.matmul %get3A_1, %get3A_4, %dot_general3A {dimension_numbers = #tpu.dot_dimension_numbers<[1], [0], [0], [1], [0, 0, 1, 1], [], []>, transpose_lhs_hint = false} : vector<1000x256xf32>, vector<256x16xf32>, vector<1000x16xf32> -> vector<1000x16xf32>
    %swap3A = arith.constant 0 : index
    %swap3A_6 = arith.constant 0 : index
    %swap3A_7 = vector.load %arg3[%swap3A, %swap3A_6] : memref<1000x16xf32, #tpu.memory_space<vmem>>, vector<1000x16xf32>
    tpu.vector_store %arg3[%swap3A, %swap3A_6], %dot_general3A_5 {strides = array<i32>} : memref<1000x16xf32, #tpu.memory_space<vmem>>, vector<1000x16xf32>,
    return
  }
  func.func @transform_0(%arg0: i32) -> (i32, i32) {
    %c0_i32 = arith.constant 0 : i32
    %c0_i32_0 = arith.constant 0 : i32
    return %arg0, %c0_i32 : i32, i32
  }
  func.func @transform_1(%arg0: i32) -> (i32, i32) {
    %c0_i32 = arith.constant 0 : i32
    %c0_i32_0 = arith.constant 0 : i32
    %c0_i32_1 = arith.constant 0 : i32
    return %c0_i32, %c0_i32_0 : i32, i32
  }
  func.func @transform_2(%arg0: i32) -> (i32, i32) {
    %c0_i32 = arith.constant 0 : i32
    %c0_i32_0 = arith.constant 0 : i32
    return %arg0, %c0_i32 : i32, i32
  }
}

</mosaic_0001>

<sc_bundles>
// kernel: kernel.15.cloned.1.call-start
scs
__scs_entry_jumppad:
0x0: {  	(pc) =	sbr.rel $0x88, $3  }
0x1: {  	(tag) =	ssettag $0x0;
	lr =	simm.s32 $0x1  }
0x2: {  	[smem:$0x3F92] =	sst lr;
	_ =	strace $0xD0000000  }
0x3: {  	_ = 	snop  }
0x4: {  	_ = 	snop  }
0x5: {  	_ = 	snop  }
0x6: {  	_ = 	snop  }
0x7: {  	_ = 	snop  }
__scs_overlays_trampoline_lowered:
0x8: {  	[smem:$0x3FA1] =	sst s0  }
0x9: {  	[smem:$0x3FA2] =	sst s1  }
0xa: {  	[smem:$0x3FA3] =	sst s2  }
0xb: {  	[smem:$0x3FA4] =	sst s3  }
0xc: {  	[smem:$0x3FA5] =	sst s4  }
0xd: {  	[smem:$0x3FA6] =	sst s5  }
0xe: {  	[smem:$0x3FA7] =	sst s6  }
0xf: {  	[smem:$0x3FA8] =	sst s7  }
0x10: {  	[smem:$0x3FA9] =	sst s8  }
0x11: {  	[smem:$0x3FAA] =	sst s9;
	s0 =	simm.s32 @!p0 $0x0  }
0x12: {  	s1 =	sld [smem:$0x3F90];
	s0 =	simm.s32 @p0 $0x1  }
0x13: {  	[smem:$0x3FAB] =	sst s0;
	s0 =	simm.s32 @!p1 $0x0  }
0x14: {  	s2 =	sld [smem:$0x3F8F];
	s0 =	simm.s32 @p1 $0x1  }
0x15: {  	[smem:$0x3FAC] =	sst s0;
	s0 =	simm.s32 @!p2 $0x0  }
0x16: {  	s3 =	sld [smem:$0x3FDB];
	s0 =	simm.s32 @p2 $0x1  }
0x17: {  	s4 =	simm.s32 $0x1BF5;
	[smem:$0x3FAE] =	sst s0  }
0x18: {  	s0 =	sld [smem:$0x3F91];
	_ =	swait.ge [sflag:s4], $0x0  }
0x19: {  	s7 =	sld [smem:$0x3F92]  }
0x1a: {  	s8 =	sadd.s32 $0xFFFFE003, lr  }
0x1b: {  	s9 =	sadd.s32 $0xFFFFFEF7, lr;
	s5 =	simm.s32 $0xFFFFFFFF;
	p2 =	slt.u32 s8, $0xFFFFF086  }
0x1c: {  	p1 =	slt.u32 s9, $0xF7A;
	s5 =	simm.s32 @!p2 $0x0  }
0x1d: {  	s5 =	simm.s32 @p1 $0x1;
	p0 =	seq.s32 s7, s2  }
0x1e: {  	s7 =	smul.u32 @!p0 $0xF7A, s2;
	p2 =	seq.s32 @!p0 s5, $0x0  }
0x1f: {  	s9 =	smul.u32 $0xF7A, s1;
	s8 =	simm.s32 @!p0 $0x1BF5;
	p2 =	por !p2, p0  }
0x20: {  	[sflag:s8] =	ssyncset.s32 @!p0 $0xFFFFF086;
	s6 =	sadd.s32 @!p0 s3, s7;
	s7 =	simm.s32 @!p0 $0x108  }
0x21: {  	s3 =	sadd.s32 s3, s9;
	s6 =	sadd.s32 @!p0 $0x88, s6;
	s7 =	simm.s32 @p2 $0x1082  }
0x22: {  	[simem:s7], [sflag:s8] =	dma.local @!p0 [hbm:s6], $0xF7A  }
0x23: {  	s9 =	sor.u32 $0xD0000000, s2;
	s6 =	simm.s32 $0x108;
	_ =	swait.ge @!p0 [sflag:s8], $0x0  }
0x24: {  	s3 =	sadd.s32 $0x88, s3;
	s6 =	simm.s32 @!p1 $0x1082;
	[sflag:s4] =	ssyncset.s32 $0xFFFFF086  }
0x25: {  	[simem:s6], [sflag:s4] =	dma.local [hbm:s3], $0xF7A  }
0x26: {  	[smem:$0x3F92] =	sst s1;
	(tag) =	ssettag s2;
	_ =	strace s9  }
0x27: {  	s1 =	sld [smem:$0x3FA2]  }
0x28: {  	s2 =	sld [smem:$0x3FA3]  }
0x29: {  	s4 =	sld [smem:$0x3FA5]  }
0x2a: {  	p0 =	seq.s32 s5, $0x0;
	s5 =	sld [smem:$0x3FA6]  }
0x2b: {  	s6 =	sld [smem:$0x3FA7]  }
0x2c: {  	s7 =	sld [smem:$0x3FA8]  }
0x2d: {  	s3 =	simm.s32 $0x108;
	s8 =	sld [smem:$0x3FA9]  }
0x2e: {  	s3 =	simm.s32 @!p0 $0x1082;
	s9 =	sld [smem:$0x3FAA]  }
0x2f: {  	lr =	sadd.s32 s0, s3;
	s0 =	sld [smem:$0x3FA1]  }
0x30: {  	s3 =	sld [smem:$0x3FA4]  }
0x31: {  	[smem:$0x3FAD] =	sst s10  }
0x32: {  	s10 =	sld [smem:$0x3FAB];
	_ =	sdelay $0x3  }
0x33: {  	p0 =	seq.s32 s10, $0x1;
	s10 =	sld [smem:$0x3FAD];
	_ =	sdelay $0x3  }
0x34: {  	[smem:$0x3FAD] =	sst s10  }
0x35: {  	s10 =	sld [smem:$0x3FAC];
	_ =	sdelay $0x3  }
0x36: {  	p1 =	seq.s32 s10, $0x1;
	s10 =	sld [smem:$0x3FAD];
	_ =	sdelay $0x3  }
0x37: {  	[smem:$0x3FAD] =	sst s10  }
0x38: {  	s10 =	sld [smem:$0x3FAE]  }
0x39: {  	_ = 	snop;
	(pc) =	sbr.ind lr, $3  }
0x3a: {  	_ = 	snop  }
0x3b: {  	_ = 	snop  }
0x3c: {  	p2 =	seq.s32 s10, $0x1;
	s10 =	sld [smem:$0x3FAD]  }
0x3d: {  	_ =	shalt  }
0x3e: {  	_ =	shalt  }
0x3f: {  	_ =	shalt  }
0x40: {  	_ =	shalt  }
0x41: {  	_ =	shalt  }
0x42: {  	_ =	shalt  }
0x43: {  	_ =	shalt  }
0x44: {  	_ =	shalt  }
0x45: {  	_ =	shalt  }
0x46: {  	_ =	shalt  }
0x47: {  	_ =	shalt  }
0x48: {  	_ =	shalt  }
0x49: {  	_ =	shalt  }
0x4a: {  	_ =	shalt  }
0x4b: {  	_ =	shalt  }
0x4c: {  	_ =	shalt  }
0x4d: {  	_ =	shalt  }
0x4e: {  	_ =	shalt  }
0x4f: {  	_ =	shalt  }
0x50: {  	_ =	shalt  }
0x51: {  	_ =	shalt  }
0x52: {  	_ =	shalt  }
0x53: {  	_ =	shalt  }
0x54: {  	_ =	shalt  }
0x55: {  	_ =	shalt  }
0x56: {  	_ =	shalt  }
0x57: {  	_ =	shalt  }
0x58: {  	_ =	shalt  }
0x59: {  	_ =	shalt  }
0x5a: {  	_ =	shalt  }
0x5b: {  	_ =	shalt  }
0x5c: {  	_ =	shalt  }
0x5d: {  	_ =	shalt  }
0x5e: {  	_ =	shalt  }
0x5f: {  	_ =	shalt  }
0x60: {  	_ =	shalt  }
0x61: {  	_ =	shalt  }
0x62: {  	_ =	shalt  }
0x63: {  	_ =	shalt  }
0x64: {  	_ =	shalt  }
0x65: {  	_ =	shalt  }
0x66: {  	_ =	shalt  }
0x67: {  	_ =	shalt  }
0x68: {  	_ =	shalt  }
0x69: {  	_ =	shalt  }
0x6a: {  	_ =	shalt  }
0x6b: {  	_ =	shalt  }
0x6c: {  	_ =	shalt  }
0x6d: {  	_ =	shalt  }
0x6e: {  	_ =	shalt  }
0x6f: {  	_ =	shalt  }
0x70: {  	_ =	shalt  }
0x71: {  	_ =	shalt  }
0x72: {  	_ =	shalt  }
0x73: {  	_ =	shalt  }
0x74: {  	_ =	shalt  }
0x75: {  	_ =	shalt  }
0x76: {  	_ =	shalt  }
0x77: {  	_ =	shalt  }
0x78: {  	_ =	shalt  }
0x79: {  	_ =	shalt  }
0x7a: {  	_ =	shalt  }
0x7b: {  	_ =	shalt  }
0x7c: {  	_ =	shalt  }
0x7d: {  	_ =	shalt  }
0x7e: {  	_ =	shalt  }
0x7f: {  	_ =	shalt  }
0x80: {  	_ =	shalt  }
0x81: {  	_ =	shalt  }
0x82: {  	_ =	shalt  }
0x83: {  	_ =	shalt  }
0x84: {  	_ =	shalt  }
0x85: {  	_ =	shalt  }
0x86: {  	_ =	shalt  }
0x87: {  	_ =	shalt  }
.Lfunc_end0:
.L_simem_size_0:
called_computation_lowered:
.L_overlay_start_0:
0x88: {  	s2 =	sld [smem:$0x3FD9]  }
0x89: {  	s3 =	sld [smem:$0x3FFE];
	_ =	sdelay $0x1  }
0x8a: {  	s1 =	srdreg.scid  }
0x8b: {  	s0 =	sand.u32 $0x1, s1  }
0x8c: {  	s14 =	sshll.u32 s0, $0xA;
	s2 =	sadd.s32 s3, s2  }
0x8d: {  	s2 =	sadd.s32 s2, s14  }
0x8e: {  	[smem:$0x3FB9] =	sst s2  }
0x8f: {  	_ = 	snop  }
0x90: {  	s2 =	sld [smem:$0x3FD0];
	_ =	sdelay $0x2  }
0x91: {  	s15 =	simm.s32 $0xA;
	s4 =	simm.s32 $0x10  }
0x92: {  	[smem:s4], [sflag:s15] =	dma.local [hbm:s2], $0x1  }
0x93: {  	_ =	swait.eq [sflag:s15], $0x1  }
0x94: {  	[sflag:s15] =	ssyncset.done $0x0  }
0x95: {  	s16 =	sld [smem:$0x10];
	[sflag:s15] =	ssyncadd.s32 $0xFFFFFFFF  }
0x96: {  	s17 =	sld [smem:$0x11];
	(tm) =	ssettm $0x1  }
0x97: {  	s18 =	sld [smem:$0x3FFB];
	_ =	sdelay $0x3  }
0x98: {  	_ =	strace s18  }
0x99: {  	s4 =	sld [smem:$0x3FFC];
	_ =	sdelay $0x3  }
0x9a: {  	_ =	strace s4  }
0x9b: {  	s4 =	sld [smem:$0x3FFD];
	_ =	sdelay $0x3  }
0x9c: {  	_ =	strace s4  }
0x9d: {  	_ =	strace $0x8FFFFFFF  }
0x9e: {  	s19 =	sld [smem:$0x3FDB];
	_ =	sdelay $0x1  }
0x9f: {  	s5 =	simm.s32 $_scs_section_size  }
0xa0: {  	s6 =	simm.s32 $_size__tile_overlayer_lowered;
	s7 =	simm.s32 $_tile_overlayer_lowered  }
0xa1: {  	s22 =	simm.s32 $0x1BFF;
	s21 =	sshll.u32 s7, $0x1;
	s4 =	sadd.s32 s5, s19  }
0xa2: {  	s8 =	simm.s32 $0x0;
	s20 =	sshll.u32 s6, $0x1;
	s6 =	sadd.s32 s21, s4  }
0xa3: {  	[timem:s8], [sflag:s22] =	dma.local [hbm:s6], s20  }
0xa4: {  	_ =	swait.ge [sflag:s22], s20  }
0xa5: {  	s5 =	ssub.s32 $0x0, s20;
	[sflag:s22] =	ssyncset.done $0x0  }
0xa6: {  	[sflag:s22] =	ssyncadd.s32 s5;
	_ =	sdelay $0x1  }
0xa7: {  	s23 =	simm.s32 $0x1B8B  }
0xa8: {  	_ =	swait.ge [sflag:s23], $0x1  }
0xa9: {  	[sflag:s23] =	ssyncset.done $0x0  }
0xaa: {  	s25 =	simm.s32 $0x1B8E;
	s24 =	sld [smem:$0x3FFE];
	[sflag:s23] =	ssyncadd.s32 $0xFFFFFFFF  }
0xab: {  	s26 =	simm.s32 $execute0_lowered;
	[smem:$0x3FD2] =	sst s25  }
0xac: {  	s6 =	sshll.u32 s26, $0x1;
	_ =	strace $0x80000046;
	[dreg:$0x1] =	wrdreg $0xFFFFFFFF  }
0xad: {  	s28 =	simm.s32 $_size_execute0_lowered;
	s4 =	sadd.s32 s4, s6;
	[dreg:$0x0] =	wrdreg $0x0  }
0xae: {  	s6 =	sshll.u32 s28, $0x1;
	[dreg:$0x2] =	wrdreg s4  }
0xaf: {  	[dreg:$0x3] =	wrdreg s6  }
0xb0: {  	[dreg:$0x4] =	wrdreg $0xC0  }
0xb1: {  	_ =	task [dreg:s8], $0x5FFFF  }
0xb2: {  	[dreg:$0x1] =	wrdreg $0xFFFFFFFF  }
0xb3: {  	[dreg:$0x0] =	wrdreg $0x60  }
0xb4: {  	[dreg:$0x2] =	wrdreg s16  }
0xb5: {  	[dreg:$0x3] =	wrdreg s17  }
0xb6: {  	[dreg:$0x4] =	wrdreg s24  }
0xb7: {  	[dreg:$0x5] =	wrdreg $0x90000  }
0xb8: {  	[dreg:$0x6] =	wrdreg $0x9  }
0xb9: {  	_ =	task.clear_ibuf [dreg:s8], $0x7FFFF;
	_ =	strace $0x90000046  }
0xba: {  	s29 =	simm.s32 $0x9;
	_ =	strace $0x80000048  }
0xbb: {  	_ =	swait.ge [sflag:s29], $0x1  }
0xbc: {  	[sflag:s29] =	ssyncadd.s32 $0xFFFFFFFF  }
0xbd: {  	_ =	strace $0x90000048  }
0xbe: {  	_ =	sfence  }
0xbf: {  	s30 =	sld [smem:$0x0];
	_ =	sdelay $0x2  }
0xc0: {  	s31 =	sshll.u32 s1, $0xD;
	s1 =	sshrl.u32 s1, $0x2  }
0xc1: {  	s3 =	sand.u32 $0x4000, s31;
	s1 =	sadd.s32 s1, s30  }
0xc2: {  	s0 =	sor.u32 s3, s0;
	s1 =	sshll.u32 s1, $0x11  }
0xc3: {  	s0 =	sor.u32 s1, s0  }
0xc4: {  	s0 =	sadd.s32 $0x8F2B, s0  }
0xc5: {  	[sflag:s0] =	ssyncadd.remote.s32 $0x1  }
0xc6: {  	_ =	sfence.sel $0xFFFF  }
0xc7: {  	[dreg:$0x0] =	wrdreg $0xFFFFFFFF;
	(pc) =	sbr.abs _section_cstart, $3  }
0xc8: {  	[dreg:$0x1] =	wrdreg $0xFFFFFFFF  }
0xc9: {  	_ =	task.clear_ibuf [dreg:s8], $0x2FFFF;
	_ =	strace $0x9FFFFFFF  }
0xca: {  	(tm) =	ssettm $0x7FFFFFFF  }
0xcb: {  	_ =	shalt  }
tec
execute0_lowered:
.L_overlay_start_1:
0x0: {  	(tag) =	ssettag $0x1  }
0x1: {  	s9 =	rddreg [dreg:$0x0]  }
0x2: {  	s8 =	rddreg [dreg:$0x1]  }
0x3: {  	s12 =	rddreg [dreg:$0x2]  }
0x4: {  	s1 =	rddreg [dreg:$0x3];
	s2 =	srdreg.scid  }
0x5: {  	s0 =	rddreg [dreg:$0x4];
	s3 =	simm.s32 $0x0;
	s17 =	simm.s32 $0x80  }
0x6: {  	s19 =	simm.s32 $0x50;
	s20 =	simm.s32 $0x4080;
	s21 =	simm.s32 $0x0  }
0x7: {  	s18 =	sand.u32 $0x1, s2;
	[smem:$0x7FF] =	sst s3;
	s2 =	stileid.u32  }
0x8: {  	s4 =	sshll.u32 s18, $0x4;
	_ =	strace $0x80000047;
	s11 =	smul.u32 $0x270, s2  }
0x9: {  	s6 =	ssub.s32 $0x2, s18;
	s31 =	sshll.u32 s2, $0xB;
	p0 =	sne.s32 s2, $0xF  }
0xa: {  	p1 =	sne.s32 s18, $0x0;
	s18 =	simm.s32 $0x6800;
	s5 =	sor.u32 s2, s4  }
0xb: {  	s4 =	sadd.s32 $0xA800, s12;
	s13 =	sshrl.u32 s6, $0x1;
	s8 =	sadd.s32 s8, s31  }
0xc: {  	p2 =	sne.s32 @!p1 s2, $0xF;
	s10 =	smul.u32 $0x271, s5;
	s5 =	sadd.s32 $0xA600, s12  }
0xd: {  	s7 =	sshrl.u32 s11, $0x3;
	s16 =	ssub.s32 s6, s13;
	s6 =	sadd.s32 s11, s1  }
0xe: {  	s11 =	sadd.s32 $0x4080, s11;
	p2 =	por p2, p1;
	s14 =	sadd.s32 s7, s12  }
0xf: {  	s7 =	sadd.s32 $0x2700, s1;
	s15 =	sadd.s32 s10, s12;
	s9 =	sadd.s32 s9, s10  }
0x10: {  	s10 =	sadd.s32 $0xFE00, s14;
	s12 =	sadd.s32 $0x102E0, s12;
	s14 =	smax.u32 s16, $0x1  }
0x11: {  	v0 =	vimm.s32 $0x0;
	s16 =	simm.s32 $0x7C00;
	s13 =	sadd.s32 $0xAE00, s15;
	s15 =	simm.s32 $0x1  }
.LBB2_1:
0x12: {  	[tilespmem:s3], [sflag:$0x1] =	stream.linear.gather [hbm4b:s5+s3], $0x80, $0x38;
	[tilespmem:$0x9278] =	vst v63  }
0x13: {  	_ =	swait.ge [sflag:s15], $0x80  }
0x14: {  	[sflag:s15] =	ssyncset.done $0x0  }
0x15: {  	[sflag:s15] =	ssyncadd.s32 $0xFFFFFF80  }
0x16: {  	[tilespmem:s16], [sflag:$0x1] =	stream.linear.gather [hbm4b:s4+s3], $0x280, $0x38;
	[tilespmem:$0x9278] =	vst v63  }
0x17: {  	_ =	swait.ge [sflag:s15], $0x280  }
0x18: {  	[sflag:s15] =	ssyncset.done $0x0  }
0x19: {  	[sflag:s15] =	ssyncadd.s32 $0xFFFFFD80  }
0x1a: {  	[spmem:s6] =	stream.linear.scatter [tilespmem:s16], [sflag:$0x1], $0x270, $0x38;
	[tilespmem:$0x9278] =	vst v63  }
0x1b: {  	_ =	swait.ge [sflag:s15], $0x270  }
0x1c: {  	[sflag:s15] =	ssyncset.done $0x0  }
0x1d: {  	s22 =	simm.s32 @!p0 $0x7C00;
	[sflag:s15] =	ssyncadd.s32 $0xFFFFFD90  }
0x1e: {  	[spmem:s7] =	stream.linear.scatter @!p0 [tilespmem:s22], [sflag:$0x1], $0x10, $0x38;
	[tilespmem:$0x9278] =	vst v63  }
0x1f: {  	s22 =	simm.s32 @!p0 $0x1  }
0x20: {  	_ =	swait.ge @!p0 [sflag:s22], $0x10  }
0x21: {  	[sflag:s22] =	ssyncset.done @!p0 $0x0  }
0x22: {  	[sflag:s22] =	ssyncadd.s32 @!p0 $0xFFFFFFF0  }
0x23: {  	[tilespmem:s17], [sflag:$0x1] =	stream.linear.gather [hbm4b:s8+s3], $0x3E80, $0x38;
	[tilespmem:$0x9278] =	vst v63  }
0x24: {  	_ =	swait.ge [sflag:s15], $0x3E80  }
0x25: {  	[sflag:s15] =	ssyncset.done $0x0  }
0x26: {  	[sflag:s15] =	ssyncadd.s32 $0xFFFFC180  }
0x27: {  	[tilespmem:$0x7B80] =	vst v0  }
0x28: {  	[tilespmem:s18], [sflag:$0x1] =	stream.linear.gather [hbm4b:s9+s3], $0x1388, $0x38;
	[tilespmem:$0x9278] =	vst v63  }
0x29: {  	_ =	swait.ge [sflag:s15], $0x1388  }
0x2a: {  	[sflag:s15] =	ssyncset.done $0x0  }
0x2b: {  	[sflag:s15] =	ssyncadd.s32 $0xFFFFEC78  }
0x2c: {  	s31 =	simm.s32 $0x80;
	[bflag:$0x0] =	sbarrier.arrive $0xFFFF  }
0x2d: {  	[spmem:s1] =	stream.indirect.scatter.add.f32 [tilespmem:s3], [sflag:$0x1], $0x1, s31, s19, $0xb8;
	[tilespmem:$0x9278] =	vst v63  }
0x2e: {  	s22 =	simm.s32 $0x200;
	_ =	swait.ge [sflag:s15], $0x50  }
.LBB2_2:
0x2f: {  	s23 =	sshra.s32 s22, $0x2;
	[sflag:s15] =	ssyncset.done $0x0;
	p3 =	sne.s32 s22, $0xF800  }
.Ltmp0:
0x30: {  	s23 =	sadd.s32 $0x80, s23;
	[sflag:s15] =	ssyncadd.s32 $0xFFFFFFB0;
	(pc) =	sbr.rel @p3 .LBB2_2-.Ltmp0, $3  }
0x31: {  	[spmem:s1] =	stream.indirect.scatter.add.f32 [tilespmem:s3], [sflag:$0x1], $0x1, s23, s19, $0xb8;
	[tilespmem:$0x9278] =	vst v63  }
0x32: {  	s22 =	sadd.s32 $0x200, s22;
	_ =	sdelay $0x1  }
0x33: {  	_ =	swait.ge [sflag:s15], $0x50  }
0x34: {  	[sflag:s15] =	ssyncset.done $0x0  }
0x35: {  	[sflag:s15] =	ssyncadd.s32 $0xFFFFFFB0  }
0x36: {  	[bflag:$0x0] =	sbarrier.arrive $0xFFFF  }
0x37: {  	[tilespmem:s20], [sflag:$0x1] =	stream.linear.gather [spmem:s1], $0x2780, $0x38;
	[tilespmem:$0x9278] =	vst v63  }
0x38: {  	_ =	swait.ge [sflag:s15], $0x2780  }
0x39: {  	[sflag:s15] =	ssyncset.done $0x0  }
0x3a: {  	s22 =	simm.s32 $0x0;
	s23 =	simm.s32 $0x40;
	[sflag:s15] =	ssyncadd.s32 $0xFFFFD880  }
.LBB2_4:
0x3b: {  	p3 =	sne.s32 s23, $0x9C00;
	v1 =	vld [tilespmem:s22+$0x4080];
	_ =	sdelay $0x4  }
0x3c: {  	v2 =	vshra.s32 v1, $0x1;
	v3 =	vmul.f32 $5.000000000e-01, v1  }
0x3d: {  	v2 =	vsub.s32 $0x5F3759DF, v2  }
0x3e: {  	v4 =	vmul.f32 v2, v3;
	_ =	sdelay $0x1  }
0x3f: {  	v4 =	vmul.f32 v2, v4;
	_ =	sdelay $0x1  }
0x40: {  	v4 =	vsub.f32 $1.500000000e+00, v4;
	_ =	sdelay $0x1  }
0x41: {  	v2 =	vmul.f32 v2, v4;
	_ =	sdelay $0x1  }
0x42: {  	v4 =	vmul.f32 v2, v3;
	_ =	sdelay $0x1  }
0x43: {  	v4 =	vmul.f32 v4, v2;
	_ =	sdelay $0x1  }
0x44: {  	v4 =	vsub.f32 $1.500000000e+00, v4;
	_ =	sdelay $0x1  }
0x45: {  	v2 =	vmul.f32 v4, v2;
	_ =	sdelay $0x1  }
0x46: {  	v3 =	vmul.f32 v2, v3;
	_ =	sdelay $0x1  }
0x47: {  	v3 =	vmul.f32 v3, v2;
	_ =	sdelay $0x1  }
0x48: {  	v3 =	vsub.f32 $1.500000000e+00, v3  }
.Ltmp1:
0x49: {  	(pc) =	sbr.rel @p3 .LBB2_4-.Ltmp1, $4  }
0x4a: {  	v2 =	vmul.f32 v3, v2  }
0x4b: {  	vm0 =	vgt.f32 v1, $0.0e+00  }
0x4c: {  	v1 =	vnsel vm0, $0x0, v2  }
0x4d: {  	[tilespmem:s22+$0x4080] =	vst v1;
	s22 =	sshra.s32 s23, $0x2;
	s23 =	sadd.s32 $0x40, s23  }
0x4e: {  	v1 =	vld [tilespmem:s22+$0x4080];
	_ =	sdelay $0x4  }
0x4f: {  	v2 =	vshra.s32 v1, $0x1;
	v3 =	vmul.f32 $5.000000000e-01, v1  }
0x50: {  	v2 =	vsub.s32 $0x5F3759DF, v2  }
0x51: {  	v4 =	vmul.f32 v2, v3;
	_ =	sdelay $0x1  }
0x52: {  	v4 =	vmul.f32 v2, v4;
	_ =	sdelay $0x1  }
0x53: {  	v4 =	vsub.f32 $1.500000000e+00, v4;
	_ =	sdelay $0x1  }
0x54: {  	v2 =	vmul.f32 v2, v4;
	_ =	sdelay $0x1  }
0x55: {  	v4 =	vmul.f32 v2, v3;
	_ =	sdelay $0x1  }
0x56: {  	v4 =	vmul.f32 v4, v2;
	_ =	sdelay $0x1  }
0x57: {  	v4 =	vsub.f32 $1.500000000e+00, v4;
	_ =	sdelay $0x1  }
0x58: {  	v2 =	vmul.f32 v4, v2;
	_ =	sdelay $0x1  }
0x59: {  	v3 =	vmul.f32 v2, v3;
	_ =	sdelay $0x1  }
0x5a: {  	v3 =	vmul.f32 v3, v2;
	_ =	sdelay $0x1  }
0x5b: {  	v3 =	vsub.f32 $1.500000000e+00, v3;
	_ =	sdelay $0x1  }
0x5c: {  	v2 =	vmul.f32 v3, v2  }
0x5d: {  	vm0 =	vgt.f32 v1, $0.0e+00  }
0x5e: {  	v1 =	vnsel vm0, $0x0, v2  }
0x5f: {  	[tilespmem:s22+$0x4080] =	vst v1;
	s22 =	simm.s32 @!p1 $0x0  }
0x60: {  	[hbm4b:s10+s22] =	stream.linear.scatter @!p1 [tilespmem:s11], [sflag:$0x1], $0x270, $0x38;
	[tilespmem:$0x9278] =	vst v63  }
0x61: {  	s22 =	simm.s32 @!p1 $0x1  }
0x62: {  	_ =	swait.ge @!p1 [sflag:s22], $0x270  }
0x63: {  	[sflag:s22] =	ssyncset.done @!p1 $0x0  }
0x64: {  	s23 =	simm.s32 @!p2 $0x6780;
	[sflag:s22] =	ssyncadd.s32 @!p1 $0xFFFFFD90;
	s22 =	simm.s32 @!p2 $0x0  }
0x65: {  	[hbm4b:s12+s22] =	stream.linear.scatter @!p2 [tilespmem:s23], [sflag:$0x1], $0x10, $0x38;
	[tilespmem:$0x9278] =	vst v63  }
0x66: {  	s22 =	simm.s32 @!p2 $0x1  }
0x67: {  	_ =	swait.ge @!p2 [sflag:s22], $0x10  }
0x68: {  	[sflag:s22] =	ssyncset.done @!p2 $0x0  }
0x69: {  	[sflag:s22] =	ssyncadd.s32 @!p2 $0xFFFFFFF0;
	s22 =	simm.s32 $0x0  }
0x6a: {  	v1 =	vld [tilespmem:s22+$0x6800];
	_ =	sdelay $0x7  }
0x6b: {  	s24 =	simm.s32 $0x80;
	s23 =	simm.s32 $0x10;
	v1 =	vld.idx.msk [tilespmem:v1+s20+$0x0], $0xffff  }
.LBB2_6:
0x6c: {  	p3 =	sne.s32 s24, $0x4E00;
	v2 =	vld [tilespmem:s23+$0x6800];
	_ =	sdelay $0x3  }
.Ltmp2:
0x6d: {  	(pc) =	sbr.rel @p3 .LBB2_6-.Ltmp2, $2  }
0x6e: {  	[tilespmem:s22+$0x7C00] =	vst v1;
	s22 =	smov.u32 s23;
	_ =	sdelay $0x2  }
0x6f: {  	s23 =	sshra.s32 s24, $0x2;
	s24 =	sadd.s32 $0x40, s24;
	v1 =	vld.idx.msk [tilespmem:v2+s20+$0x0], $0xffff  }
0x70: {  	v2 =	vld [tilespmem:s23+$0x6800];
	_ =	sdelay $0x6  }
0x71: {  	[tilespmem:s22+$0x7C00] =	vst v1  }
0x72: {  	v1 =	vld.idx.msk [tilespmem:v2+s20+$0x0], $0xffff;
	_ =	sdelay $0x2  }
0x73: {  	s21 =	sadd.s32 $0x1, s21  }
0x74: {  	p3 =	sne.s32 s21, s14  }
.Ltmp3:
0x75: {  	[tilespmem:s23+$0x7C00] =	vst v1;
	(pc) =	sbr.rel @p3 .LBB2_1-.Ltmp3, $4  }
0x76: {  	[hbm4b:s13+s3] =	stream.linear.scatter [tilespmem:s16], [sflag:$0x1], $0x1388, $0x38;
	[tilespmem:$0x9278] =	vst v63  }
0x77: {  	_ =	swait.ge [sflag:s15], $0x1388  }
0x78: {  	[sflag:s15] =	ssyncset.done $0x0  }
0x79: {  	[sflag:s15] =	ssyncadd.s32 $0xFFFFEC78  }
0x7a: {  	_ =	sfence.sel $0x180000  }
0x7b: {  	[bflag:$0x0] =	sbarrier.arrive $0xFFFF  }
0x7c: {  	p0 =	sne.s32 s2, $0x0;
	_ =	strace $0x90000047  }
0x7d: {  	s0 =	sadd.s32 @!p0 $0x100000, s0;
	[bflag:$0x2] =	sbarrier.arrive $0xFFFF  }
0x7e: {  	[sflag:s0] =	ssyncadd.tile.s32 @!p0 $0x1;
	_ =	shalt  }
.Lfunc_end2:
_tile_overlayer_lowered:
.L_overlay_start_2:
0x7f: {  	(tag) =	ssettag $0x2  }
0x80: {  	s0 =	rddreg [dreg:$0x0];
	s2 =	stileid.u32  }
0x81: {  	s1 =	rddreg [dreg:$0x1];
	p0 =	sne.s32 s2, $0x0  }
0x82: {  	s3 =	rddreg [dreg:$0x2];
	[bflag:$0x3] =	sbarrier.arrive $0xFFFF;
	s2 =	simm.s32 @!p0 $0x1C01  }
0x83: {  	[timem:s3], [sflag:s2] =	dma.local @!p0 [hbm:s0], s1  }
0x84: {  	s0 =	simm.s32 @!p0 $0x1  }
0x85: {  	_ =	swait.ge @!p0 [sflag:s0], s1  }
0x86: {  	s1 =	ssub.s32 @!p0 $0x0, s1;
	[sflag:s0] =	ssyncset.done @!p0 $0x0  }
0x87: {  	[sflag:s0] =	ssyncadd.s32 @!p0 s1  }
0x88: {  	[bflag:$0x3] =	sbarrier.arrive $0xFFFF  }
0x89: {  	_ =	shalt  }

// kernel: kernel.18.cloned.1.call-start
scs
__scs_entry_jumppad:
0x0: {  	(pc) =	sbr.rel $0x88, $3  }
0x1: {  	(tag) =	ssettag $0x0;
	lr =	simm.s32 $0x1  }
0x2: {  	[smem:$0x3F92] =	sst lr;
	_ =	strace $0xD0000000  }
0x3: {  	_ = 	snop  }
0x4: {  	_ = 	snop  }
0x5: {  	_ = 	snop  }
0x6: {  	_ = 	snop  }
0x7: {  	_ = 	snop  }
__scs_overlays_trampoline_lowered:
0x8: {  	[smem:$0x3FA1] =	sst s0  }
0x9: {  	[smem:$0x3FA2] =	sst s1  }
0xa: {  	[smem:$0x3FA3] =	sst s2  }
0xb: {  	[smem:$0x3FA4] =	sst s3  }
0xc: {  	[smem:$0x3FA5] =	sst s4  }
0xd: {  	[smem:$0x3FA6] =	sst s5  }
0xe: {  	[smem:$0x3FA7] =	sst s6  }
0xf: {  	[smem:$0x3FA8] =	sst s7  }
0x10: {  	[smem:$0x3FA9] =	sst s8  }
0x11: {  	[smem:$0x3FAA] =	sst s9;
	s0 =	simm.s32 @!p0 $0x0  }
0x12: {  	s1 =	sld [smem:$0x3F90];
	s0 =	simm.s32 @p0 $0x1  }
0x13: {  	[smem:$0x3FAB] =	sst s0;
	s0 =	simm.s32 @!p1 $0x0  }
0x14: {  	s2 =	sld [smem:$0x3F8F];
	s0 =	simm.s32 @p1 $0x1  }
0x15: {  	[smem:$0x3FAC] =	sst s0;
	s0 =	simm.s32 @!p2 $0x0  }
0x16: {  	s3 =	sld [smem:$0x3FDB];
	s0 =	simm.s32 @p2 $0x1  }
0x17: {  	s4 =	simm.s32 $0x1BF5;
	[smem:$0x3FAE] =	sst s0  }
0x18: {  	s0 =	sld [smem:$0x3F91];
	_ =	swait.ge [sflag:s4], $0x0  }
0x19: {  	s7 =	sld [smem:$0x3F92]  }
0x1a: {  	s8 =	sadd.s32 $0xFFFFE003, lr  }
0x1b: {  	s9 =	sadd.s32 $0xFFFFFEF7, lr;
	s5 =	simm.s32 $0xFFFFFFFF;
	p2 =	slt.u32 s8, $0xFFFFF086  }
0x1c: {  	p1 =	slt.u32 s9, $0xF7A;
	s5 =	simm.s32 @!p2 $0x0  }
0x1d: {  	s5 =	simm.s32 @p1 $0x1;
	p0 =	seq.s32 s7, s2  }
0x1e: {  	s7 =	smul.u32 @!p0 $0xF7A, s2;
	p2 =	seq.s32 @!p0 s5, $0x0  }
0x1f: {  	s9 =	smul.u32 $0xF7A, s1;
	s8 =	simm.s32 @!p0 $0x1BF5;
	p2 =	por !p2, p0  }
0x20: {  	[sflag:s8] =	ssyncset.s32 @!p0 $0xFFFFF086;
	s6 =	sadd.s32 @!p0 s3, s7;
	s7 =	simm.s32 @!p0 $0x108  }
0x21: {  	s3 =	sadd.s32 s3, s9;
	s6 =	sadd.s32 @!p0 $0x88, s6;
	s7 =	simm.s32 @p2 $0x1082  }
0x22: {  	[simem:s7], [sflag:s8] =	dma.local @!p0 [hbm:s6], $0xF7A  }
0x23: {  	s9 =	sor.u32 $0xD0000000, s2;
	s6 =	simm.s32 $0x108;
	_ =	swait.ge @!p0 [sflag:s8], $0x0  }
0x24: {  	s3 =	sadd.s32 $0x88, s3;
	s6 =	simm.s32 @!p1 $0x1082;
	[sflag:s4] =	ssyncset.s32 $0xFFFFF086  }
0x25: {  	[simem:s6], [sflag:s4] =	dma.local [hbm:s3], $0xF7A  }
0x26: {  	[smem:$0x3F92] =	sst s1;
	(tag) =	ssettag s2;
	_ =	strace s9  }
0x27: {  	s1 =	sld [smem:$0x3FA2]  }
0x28: {  	s2 =	sld [smem:$0x3FA3]  }
0x29: {  	s4 =	sld [smem:$0x3FA5]  }
0x2a: {  	p0 =	seq.s32 s5, $0x0;
	s5 =	sld [smem:$0x3FA6]  }
0x2b: {  	s6 =	sld [smem:$0x3FA7]  }
0x2c: {  	s7 =	sld [smem:$0x3FA8]  }
0x2d: {  	s3 =	simm.s32 $0x108;
	s8 =	sld [smem:$0x3FA9]  }
0x2e: {  	s3 =	simm.s32 @!p0 $0x1082;
	s9 =	sld [smem:$0x3FAA]  }
0x2f: {  	lr =	sadd.s32 s0, s3;
	s0 =	sld [smem:$0x3FA1]  }
0x30: {  	s3 =	sld [smem:$0x3FA4]  }
0x31: {  	[smem:$0x3FAD] =	sst s10  }
0x32: {  	s10 =	sld [smem:$0x3FAB];
	_ =	sdelay $0x3  }
0x33: {  	p0 =	seq.s32 s10, $0x1;
	s10 =	sld [smem:$0x3FAD];
	_ =	sdelay $0x3  }
0x34: {  	[smem:$0x3FAD] =	sst s10  }
0x35: {  	s10 =	sld [smem:$0x3FAC];
	_ =	sdelay $0x3  }
0x36: {  	p1 =	seq.s32 s10, $0x1;
	s10 =	sld [smem:$0x3FAD];
	_ =	sdelay $0x3  }
0x37: {  	[smem:$0x3FAD] =	sst s10  }
0x38: {  	s10 =	sld [smem:$0x3FAE]  }
0x39: {  	_ = 	snop;
	(pc) =	sbr.ind lr, $3  }
0x3a: {  	_ = 	snop  }
0x3b: {  	_ = 	snop  }
0x3c: {  	p2 =	seq.s32 s10, $0x1;
	s10 =	sld [smem:$0x3FAD]  }
0x3d: {  	_ =	shalt  }
0x3e: {  	_ =	shalt  }
0x3f: {  	_ =	shalt  }
0x40: {  	_ =	shalt  }
0x41: {  	_ =	shalt  }
0x42: {  	_ =	shalt  }
0x43: {  	_ =	shalt  }
0x44: {  	_ =	shalt  }
0x45: {  	_ =	shalt  }
0x46: {  	_ =	shalt  }
0x47: {  	_ =	shalt  }
0x48: {  	_ =	shalt  }
0x49: {  	_ =	shalt  }
0x4a: {  	_ =	shalt  }
0x4b: {  	_ =	shalt  }
0x4c: {  	_ =	shalt  }
0x4d: {  	_ =	shalt  }
0x4e: {  	_ =	shalt  }
0x4f: {  	_ =	shalt  }
0x50: {  	_ =	shalt  }
0x51: {  	_ =	shalt  }
0x52: {  	_ =	shalt  }
0x53: {  	_ =	shalt  }
0x54: {  	_ =	shalt  }
0x55: {  	_ =	shalt  }
0x56: {  	_ =	shalt  }
0x57: {  	_ =	shalt  }
0x58: {  	_ =	shalt  }
0x59: {  	_ =	shalt  }
0x5a: {  	_ =	shalt  }
0x5b: {  	_ =	shalt  }
0x5c: {  	_ =	shalt  }
0x5d: {  	_ =	shalt  }
0x5e: {  	_ =	shalt  }
0x5f: {  	_ =	shalt  }
0x60: {  	_ =	shalt  }
0x61: {  	_ =	shalt  }
0x62: {  	_ =	shalt  }
0x63: {  	_ =	shalt  }
0x64: {  	_ =	shalt  }
0x65: {  	_ =	shalt  }
0x66: {  	_ =	shalt  }
0x67: {  	_ =	shalt  }
0x68: {  	_ =	shalt  }
0x69: {  	_ =	shalt  }
0x6a: {  	_ =	shalt  }
0x6b: {  	_ =	shalt  }
0x6c: {  	_ =	shalt  }
0x6d: {  	_ =	shalt  }
0x6e: {  	_ =	shalt  }
0x6f: {  	_ =	shalt  }
0x70: {  	_ =	shalt  }
0x71: {  	_ =	shalt  }
0x72: {  	_ =	shalt  }
0x73: {  	_ =	shalt  }
0x74: {  	_ =	shalt  }
0x75: {  	_ =	shalt  }
0x76: {  	_ =	shalt  }
0x77: {  	_ =	shalt  }
0x78: {  	_ =	shalt  }
0x79: {  	_ =	shalt  }
0x7a: {  	_ =	shalt  }
0x7b: {  	_ =	shalt  }
0x7c: {  	_ =	shalt  }
0x7d: {  	_ =	shalt  }
0x7e: {  	_ =	shalt  }
0x7f: {  	_ =	shalt  }
0x80: {  	_ =	shalt  }
0x81: {  	_ =	shalt  }
0x82: {  	_ =	shalt  }
0x83: {  	_ =	shalt  }
0x84: {  	_ =	shalt  }
0x85: {  	_ =	shalt  }
0x86: {  	_ =	shalt  }
0x87: {  	_ =	shalt  }
.Lfunc_end0:
.L_simem_size_0:
called_computation.1_lowered:
.L_overlay_start_0:
0x88: {  	s2 =	sld [smem:$0x3FD9]  }
0x89: {  	s3 =	sld [smem:$0x3FFE];
	_ =	sdelay $0x1  }
0x8a: {  	s1 =	srdreg.scid  }
0x8b: {  	s0 =	sand.u32 $0x1, s1  }
0x8c: {  	s14 =	sshll.u32 s0, $0xA;
	s2 =	sadd.s32 s3, s2  }
0x8d: {  	s2 =	sadd.s32 s2, s14  }
0x8e: {  	[smem:$0x3FB9] =	sst s2  }
0x8f: {  	_ = 	snop  }
0x90: {  	s2 =	sld [smem:$0x3FD0];
	_ =	sdelay $0x2  }
0x91: {  	s15 =	simm.s32 $0xA;
	s4 =	simm.s32 $0x10  }
0x92: {  	[smem:s4], [sflag:s15] =	dma.local [hbm:s2], $0x1  }
0x93: {  	_ =	swait.eq [sflag:s15], $0x1  }
0x94: {  	[sflag:s15] =	ssyncset.done $0x0  }
0x95: {  	[sflag:s15] =	ssyncadd.s32 $0xFFFFFFFF  }
0x96: {  	s16 =	sld [smem:$0x11];
	(tm) =	ssettm $0x1  }
0x97: {  	s17 =	sld [smem:$0x3FFB];
	_ =	sdelay $0x3  }
0x98: {  	_ =	strace s17  }
0x99: {  	s3 =	sld [smem:$0x3FFC];
	_ =	sdelay $0x3  }
0x9a: {  	_ =	strace s3  }
0x9b: {  	s3 =	sld [smem:$0x3FFD];
	_ =	sdelay $0x3  }
0x9c: {  	_ =	strace s3  }
0x9d: {  	_ =	strace $0x8FFFFFFF  }
0x9e: {  	s18 =	sld [smem:$0x3FDB];
	_ =	sdelay $0x1  }
0x9f: {  	s19 =	simm.s32 $_scs_section_size  }
0xa0: {  	s5 =	simm.s32 $_size__tile_overlayer_lowered;
	s6 =	simm.s32 $_tile_overlayer_lowered  }
0xa1: {  	s22 =	simm.s32 $0x1BFF;
	s21 =	sshll.u32 s6, $0x1;
	s3 =	sadd.s32 s19, s18  }
0xa2: {  	s7 =	simm.s32 $0x0;
	s20 =	sshll.u32 s5, $0x1;
	s5 =	sadd.s32 s21, s3  }
0xa3: {  	[timem:s7], [sflag:s22] =	dma.local [hbm:s5], s20  }
0xa4: {  	_ =	swait.ge [sflag:s22], s20  }
0xa5: {  	s4 =	ssub.s32 $0x0, s20;
	[sflag:s22] =	ssyncset.done $0x0  }
0xa6: {  	[sflag:s22] =	ssyncadd.s32 s4;
	_ =	sdelay $0x1  }
0xa7: {  	s23 =	simm.s32 $0x1B8B  }
0xa8: {  	_ =	swait.ge [sflag:s23], $0x1  }
0xa9: {  	[sflag:s23] =	ssyncset.done $0x0  }
0xaa: {  	s25 =	simm.s32 $0x1B8E;
	s24 =	sld [smem:$0x3FFE];
	[sflag:s23] =	ssyncadd.s32 $0xFFFFFFFF  }
0xab: {  	s26 =	simm.s32 $execute0_lowered;
	[smem:$0x3FD2] =	sst s25  }
0xac: {  	s5 =	sshll.u32 s26, $0x1;
	_ =	strace $0x80000049;
	[dreg:$0x1] =	wrdreg $0xFFFFFFFF  }
0xad: {  	s28 =	simm.s32 $_size_execute0_lowered;
	s3 =	sadd.s32 s3, s5;
	[dreg:$0x0] =	wrdreg $0x0  }
0xae: {  	s5 =	sshll.u32 s28, $0x1;
	[dreg:$0x2] =	wrdreg s3  }
0xaf: {  	[dreg:$0x3] =	wrdreg s5  }
0xb0: {  	[dreg:$0x4] =	wrdreg $0xC0  }
0xb1: {  	_ =	task [dreg:s7], $0x5FFFF  }
0xb2: {  	[dreg:$0x1] =	wrdreg $0xFFFFFFFF  }
0xb3: {  	[dreg:$0x0] =	wrdreg $0x60  }
0xb4: {  	[dreg:$0x2] =	wrdreg s16  }
0xb5: {  	[dreg:$0x3] =	wrdreg s24  }
0xb6: {  	[dreg:$0x4] =	wrdreg $0xC6200  }
0xb7: {  	[dreg:$0x5] =	wrdreg $0x9  }
0xb8: {  	_ =	task.clear_ibuf [dreg:s7], $0x6FFFF;
	_ =	strace $0x90000049  }
0xb9: {  	s29 =	simm.s32 $0x9;
	_ =	strace $0x8000004B  }
0xba: {  	_ =	swait.ge [sflag:s29], $0x1  }
0xbb: {  	[sflag:s29] =	ssyncadd.s32 $0xFFFFFFFF  }
0xbc: {  	_ =	strace $0x9000004B  }
0xbd: {  	_ =	sfence  }
0xbe: {  	s30 =	sld [smem:$0x0];
	_ =	sdelay $0x2  }
0xbf: {  	s31 =	sshll.u32 s1, $0xD;
	s1 =	sshrl.u32 s1, $0x2  }
0xc0: {  	s3 =	sand.u32 $0x4000, s31;
	s1 =	sadd.s32 s1, s30  }
0xc1: {  	s0 =	sor.u32 s3, s0;
	s1 =	sshll.u32 s1, $0x11  }
0xc2: {  	s0 =	sor.u32 s1, s0  }
0xc3: {  	s0 =	sadd.s32 $0x8F2B, s0  }
0xc4: {  	[sflag:s0] =	ssyncadd.remote.s32 $0x1  }
0xc5: {  	_ =	sfence.sel $0xFFFF  }
0xc6: {  	[dreg:$0x0] =	wrdreg $0xFFFFFFFF;
	(pc) =	sbr.abs _section_cstart, $3  }
0xc7: {  	[dreg:$0x1] =	wrdreg $0xFFFFFFFF  }
0xc8: {  	_ =	task.clear_ibuf [dreg:s7], $0x2FFFF;
	_ =	strace $0x9FFFFFFF  }
0xc9: {  	(tm) =	ssettm $0x7FFFFFFF  }
tec
execute0_lowered:
.L_overlay_start_1:
0x0: {  	(tag) =	ssettag $0x1  }
0x1: {  	s1 =	rddreg [dreg:$0x0]  }
0x2: {  	s0 =	rddreg [dreg:$0x1]  }
0x3: {  	s3 =	rddreg [dreg:$0x2];
	s4 =	simm.s32 $0x0;
	s22 =	stileid.u32  }
0x4: {  	s6 =	srdreg.scid;
	s28 =	simm.s32 $0x1;
	s29 =	simm.s32 $0x3  }
0x5: {  	s30 =	simm.s32 $0x9E20;
	s31 =	simm.s32 $0x2;
	s2 =	smul.u32 $0x2710, s22  }
0x6: {  	[smem:$0x7FF] =	sst s4;
	s7 =	smul.u32 $0x9C00, s22;
	s5 =	sadd.s32 $0xEC9E00, s0  }
0x7: {  	s8 =	sadd.s32 $0x10400, s0;
	s9 =	sand.u32 $0x1, s6;
	s14 =	sadd.s32 $0x519800, s0  }
0x8: {  	s16 =	smul.u32 $0x270, s22;
	s23 =	sadd.s32 $0x9C000, s3;
	p0 =	sne.s32 s22, $0xF  }
0x9: {  	s22 =	simm.s32 $0xB220;
	_ =	strace $0x8000004A;
	s11 =	smul.u32 $0x27100, s9  }
0xa: {  	s13 =	ssub.s32 $0x2, s9;
	s21 =	smul.u32 $0x2710, s9;
	[dreg:$0x7] =	wrdreg s23  }
0xb: {  	s25 =	smul.u32 $0x9C400, s9;
	s9 =	sor.u32 $0x2, s9;
	s18 =	sshrl.u32 s2, $0x3  }
0xc: {  	s10 =	sshrl.u32 s7, $0x3;
	s15 =	sshrl.u32 s13, $0x1;
	s7 =	sadd.s32 s7, s3  }
0xd: {  	s17 =	smul.u32 $0x27100, s9;
	s12 =	sadd.s32 s18, s0;
	s10 =	sadd.s32 s10, s0  }
0xe: {  	s6 =	sadd.s32 s2, s11;
	s11 =	ssub.s32 s13, s15;
	[dreg:$0x6] =	wrdreg s7  }
0xf: {  	s24 =	sadd.s32 s16, s21;
	s19 =	sshrl.u32 s6, $0x3;
	s12 =	sadd.s32 $0x5600, s12  }
0x10: {  	s26 =	sshll.u32 s6, $0x3;
	[dreg:$0x4] =	wrdreg s12;
	s20 =	sadd.s32 s8, s19  }
0x11: {  	s7 =	sshll.u32 s24, $0x3;
	s15 =	sadd.s32 s5, s26;
	[dreg:$0x5] =	wrdreg s20  }
0x12: {  	s10 =	sadd.s32 $0x505E00, s10;
	s18 =	sadd.s32 s14, s7;
	[dreg:$0x8] =	wrdreg s15  }
0x13: {  	s12 =	sadd.s32 $0x519600, s0;
	s19 =	sshrl.u32 s25, $0x3;
	[dreg:$0x9] =	wrdreg s18  }
0x14: {  	s15 =	sadd.s32 s2, s17;
	s20 =	smul.u32 $0x2710, s9;
	s0 =	sadd.s32 s14, s19  }
0x15: {  	s9 =	smul.u32 $0x9C400, s9;
	s2 =	simm.s32 $0x0;
	s0 =	sadd.s32 $0x13800, s0  }
0x16: {  	s21 =	sshrl.u32 s15, $0x3;
	s24 =	sshll.u32 s15, $0x3;
	[dreg:$0xa] =	wrdreg s0  }
.Ltmp0:
0x17: {  	s17 =	sadd.s32 s8, s21;
	s23 =	sadd.s32 s16, s20;
	(pc) =	sbr.rel .LBB2_1-.Ltmp0, $4  }
0x18: {  	s25 =	sshrl.u32 s9, $0x3;
	s18 =	sadd.s32 s5, s24;
	s21 =	smax.u32 s11, $0x1  }
0x19: {  	s24 =	simm.s32 $0x50;
	s0 =	sshll.u32 s23, $0x3;
	s26 =	sadd.s32 s14, s25  }
0x1a: {  	s23 =	simm.s32 $0x5;
	s25 =	simm.s32 $0x4E20;
	s19 =	sadd.s32 s14, s0  }
0x1b: {  	s20 =	sadd.s32 $0x13800, s26;
	s26 =	simm.s32 $0x7620;
	s0 =	simm.s32 $0x4  }
.LBB2_19:
0x1c: {  	[bflag:$0x0] =	sbarrier.arrive $0xFFFF  }
0x1d: {  	[hbm:s19], [sflag:s7] =	dma.local [spmem:s8], $0x1380  }
0x1e: {  	_ =	swait.ge [sflag:s23], $0x1380  }
0x1f: {  	s2 =	sadd.s32 $0x1, s2;
	[sflag:s23] =	ssyncset.done $0x0  }
0x20: {  	p1 =	sne.s32 s2, s21;
	[sflag:s23] =	ssyncadd.s32 $0xFFFFEC80  }
0x21: {  	[hbm:s20], [sflag:s7] =	dma.local @!p0 [spmem:s9], $0x80  }
.Ltmp1:
0x22: {  	_ = 	snop;
	(pc) =	sbr.rel @!p1 .LBB2_20-.Ltmp1, $4  }
0x23: {  	s7 =	simm.s32 @!p0 $0x5  }
0x24: {  	_ =	swait.ge @!p0 [sflag:s7], $0x80  }
0x25: {  	[sflag:s7] =	ssyncset.done @!p0 $0x0  }
0x26: {  	[sflag:s7] =	ssyncadd.s32 @!p0 $0xFFFFFF80  }
.LBB2_1:
0x27: {  	s7 =	rddreg [dreg:$0x4];
	s8 =	simm.s32 $0x2710  }
0x28: {  	[tilespmem:s8], [sflag:$0x5] =	stream.linear.gather [hbm4b:s7+s4], $0x2710, $0x38;
	[tilespmem:$0x16260] =	vst v63  }
0x29: {  	_ =	swait.ge [sflag:s23], $0x2710  }
0x2a: {  	[sflag:s23] =	ssyncset.done $0x0  }
0x2b: {  	s11 =	rddreg [dreg:$0x5];
	[sflag:s23] =	ssyncadd.s32 $0xFFFFD8F0  }
0x2c: {  	[tilespmem:s4], [sflag:$0x5] =	stream.linear.gather [hbm4b:s11+s4], $0x2710, $0x38;
	[tilespmem:$0x16260] =	vst v63  }
0x2d: {  	s13 =	stileid.u32;
	_ =	swait.ge [sflag:s23], $0x2710  }
0x2e: {  	s7 =	sshll.u32 s13, $0x6;
	[sflag:s23] =	ssyncset.done $0x0;
	s14 =	rddreg [dreg:$0x6]  }
0x2f: {  	s7 =	sor.u32 $0x1C05, s7;
	[sflag:s23] =	ssyncadd.s32 $0xFFFFD8F0;
	s8 =	sshrl.u32 s14, $0x3  }
0x30: {  	[spmem:s8], [sflag:s7] =	dma.local [hbm:s10], $0x1380  }
0x31: {  	_ =	swait.ge [sflag:s23], $0x1380  }
0x32: {  	[sflag:s23] =	ssyncset.done $0x0;
	s9 =	rddreg [dreg:$0x7]  }
0x33: {  	s11 =	simm.s32 @!p0 $0x5;
	[sflag:s23] =	ssyncadd.s32 $0xFFFFEC80;
	s9 =	sshrl.u32 @!p0 s9, $0x3  }
0x34: {  	[spmem:s9], [sflag:s7] =	dma.local @!p0 [hbm:s12], $0x80  }
0x35: {  	_ =	swait.ge @!p0 [sflag:s11], $0x80  }
0x36: {  	[sflag:s11] =	ssyncset.done @!p0 $0x0  }
0x37: {  	[sflag:s11] =	ssyncadd.s32 @!p0 $0xFFFFFF80  }
0x38: {  	[tilespmem:s25], [sflag:$0x1] =	stream.indirect.gather [hbm4b:s1+s24], $0x40, s4, s24, $0xb8;
	[tilespmem:$0x16260] =	vst v63  }
.Ltmp2:
0x39: {  	_ = 	snop;
	(pc) =	sbr.rel .LBB2_2-.Ltmp2, $4  }
0x3a: {  	s16 =	rddreg [dreg:$0x8]  }
0x3b: {  	[tilespmem:s26], [sflag:$0x3] =	stream.linear.gather [hbm4b:s16+s4], $0x1400, $0x38;
	[tilespmem:$0x16260] =	vst v63  }
0x3c: {  	[bflag:$0x0] =	sbarrier.arrive $0xFFFF  }
0x3d: {  	s11 =	simm.s32 $0x0  }
.LBB2_8:
0x3e: {  	v7 =	vld [tilespmem:s13+$0x8A50];
	[tilespmem:s14+$0xB250] =	vst v6  }
0x3f: {  	v5 =	vmax.f32 v5, $0.0e+00;
	v1 =	vadd.f32 v4, v1;
	v6 =	vld [tilespmem:s13+$0x6220]  }
0x40: {  	v8 =	vld [tilespmem:s13+$0x8A20];
	[tilespmem:s14+$0xB220] =	vst v5  }
0x41: {  	v57 =	vld [tilespmem:s13+$0x6230];
	v1 =	vmax.f32 v1, $0.0e+00  }
0x42: {  	v5 =	vld [tilespmem:s13+$0x8A30];
	[tilespmem:s14+$0xB230] =	vst v1  }
0x43: {  	v1 =	vld [tilespmem:s13+$0x6240]  }
0x44: {  	v9 =	vld [tilespmem:s13+$0x8A40]  }
0x45: {  	v0 =	vadd.f32 v3, v0  }
0x46: {  	v2 =	vadd.f32 v7, v2  }
0x47: {  	v0 =	vmax.f32 v0, $0.0e+00;
	v58 =	vadd.f32 v8, v6  }
0x48: {  	[tilespmem:s14+$0xB240] =	vst v0;
	v59 =	vmax.f32 v2, $0.0e+00;
	v60 =	vadd.f32 v5, v57  }
0x49: {  	s16 =	smul.u32 $0x140, s11;
	[tilespmem:s13+$0xB250] =	vst v59;
	v61 =	vmax.f32 v58, $0.0e+00;
	v1 =	vadd.f32 v9, v1  }
0x4a: {  	[tilespmem:s13+$0xB220] =	vst v61;
	v62 =	vmax.f32 v60, $0.0e+00  }
0x4b: {  	s14 =	sshra.s32 s16, $0x2;
	[tilespmem:s13+$0xB230] =	vst v62;
	v63 =	vmax.f32 v1, $0.0e+00  }
0x4c: {  	s16 =	sadd.s32 $0x2710, s14;
	[tilespmem:s13+$0xB240] =	vst v63;
	s13 =	simm.s32 $0x5  }
0x4d: {  	[spmem:s3] =	stream.indirect.scatter.add.f32 [tilespmem:s22], [sflag:$0x5], $0x40, s16, s24, $0xb8;
	[tilespmem:$0x16260] =	vst v63  }
.LBB2_9:
0x4e: {  	s11 =	sadd.s32 $0x1, s11  }
0x4f: {  	p1 =	sne.s32 s11, $0x7D  }
.Ltmp3:
0x50: {  	_ = 	snop;
	(pc) =	sbr.rel @!p1 .LBB2_10-.Ltmp3, $4  }
0x51: {  	_ = 	snop  }
0x52: {  	_ =	swait.ge [sflag:s13], $0x1400  }
0x53: {  	[sflag:s13] =	ssyncset.done $0x0  }
0x54: {  	[sflag:s13] =	ssyncadd.s32 $0xFFFFEC00  }
.LBB2_2:
0x55: {  	s13 =	sand.u32 $0x1, s11  }
0x56: {  	p1 =	seq.s32 s13, $0x1  }
.Ltmp4:
0x57: {  	_ = 	snop;
	(pc) =	sbr.rel @p1 .LBB2_6-.Ltmp4, $1  }
0x58: {  	_ =	sdelay $0x3  }
0x59: {  	s13 =	sor.u32 $0x1, s11  }
0x5a: {  	p1 =	sgt.u32 s13, $0x7C  }
0x5b: {  	s13 =	smul.u32 @!p1 $0x50, s13  }
0x5c: {  	s14 =	simm.s32 @!p1 $0x50;
	s16 =	simm.s32 @!p1 $0x6220  }
0x5d: {  	[tilespmem:s16], [sflag:$0x2] =	stream.indirect.gather @!p1 [hbm4b:s1+s14], $0x40, s13, s14, $0xb8;
	[tilespmem:$0x16260] =	vst v63  }
0x5e: {  	s13 =	sadd.s32 @!p1 s6, s13  }
0x5f: {  	s13 =	sshll.u32 @!p1 s13, $0x3  }
0x60: {  	s14 =	simm.s32 @!p1 $0x0;
	s16 =	simm.s32 @!p1 $0x8A20;
	s13 =	sadd.s32 @!p1 s5, s13  }
0x61: {  	[tilespmem:s16], [sflag:$0x4] =	stream.linear.gather @!p1 [hbm4b:s13+s14], $0x1400, $0x38;
	[tilespmem:$0x16260] =	vst v63  }
0x62: {  	_ =	swait.ge [sflag:s28], $0x1400  }
0x63: {  	[sflag:s28] =	ssyncset.done $0x0  }
0x64: {  	[sflag:s28] =	ssyncadd.s32 $0xFFFFEC00  }
0x65: {  	_ =	swait.ge [sflag:s29], $0x1400  }
0x66: {  	[sflag:s29] =	ssyncset.done $0x0  }
0x67: {  	s14 =	simm.s32 $0x0;
	[sflag:s29] =	ssyncadd.s32 $0xFFFFEC00  }
0x68: {  	v2 =	vld [tilespmem:s14+$0x4E50]  }
0x69: {  	v3 =	vld [tilespmem:s14+$0x7650]  }
0x6a: {  	v5 =	vld [tilespmem:s14+$0x4E20]  }
0x6b: {  	v6 =	vld [tilespmem:s14+$0x7620]  }
0x6c: {  	v1 =	vld [tilespmem:s14+$0x4E30]  }
0x6d: {  	v4 =	vld [tilespmem:s14+$0x7630]  }
0x6e: {  	v0 =	vld [tilespmem:s14+$0x4E40];
	v7 =	vadd.f32 v3, v2  }
0x6f: {  	s13 =	simm.s32 $0x40;
	v3 =	vld [tilespmem:s14+$0x7640]  }
0x70: {  	s16 =	simm.s32 $0x200;
	v2 =	vld [tilespmem:s13+$0x4E50];
	v5 =	vadd.f32 v6, v5;
	v6 =	vmax.f32 v7, $0.0e+00  }
.LBB2_4:
0x71: {  	p1 =	sne.s32 s16, $0x4F00;
	v7 =	vld [tilespmem:s13+$0x7650];
	[tilespmem:s14+$0x9E50] =	vst v6  }
0x72: {  	v6 =	vld [tilespmem:s13+$0x4E20];
	v5 =	vmax.f32 v5, $0.0e+00;
	v4 =	vadd.f32 v4, v1  }
0x73: {  	v8 =	vld [tilespmem:s13+$0x7620];
	[tilespmem:s14+$0x9E20] =	vst v5  }
.Ltmp5:
0x74: {  	v1 =	vld [tilespmem:s13+$0x4E30];
	v5 =	vmax.f32 v4, $0.0e+00;
	v3 =	vadd.f32 v3, v0;
	(pc) =	sbr.rel @p1 .LBB2_4-.Ltmp5, $4  }
0x75: {  	v4 =	vld [tilespmem:s13+$0x7630];
	[tilespmem:s14+$0x9E30] =	vst v5  }
0x76: {  	v0 =	vld [tilespmem:s13+$0x4E40];
	v7 =	vadd.f32 v7, v2;
	v2 =	vmax.f32 v3, $0.0e+00  }
0x77: {  	v3 =	vld [tilespmem:s13+$0x7640];
	[tilespmem:s14+$0x9E40] =	vst v2;
	s14 =	smov.u32 s13;
	s13 =	sshra.s32 s16, $0x2  }
0x78: {  	s16 =	sadd.s32 $0x100, s16;
	v2 =	vld [tilespmem:s13+$0x4E50];
	v5 =	vadd.f32 v8, v6;
	v6 =	vmax.f32 v7, $0.0e+00  }
0x79: {  	v7 =	vld [tilespmem:s13+$0x7650];
	[tilespmem:s14+$0x9E50] =	vst v6  }
0x7a: {  	v6 =	vld [tilespmem:s13+$0x4E20];
	v5 =	vmax.f32 v5, $0.0e+00;
	v1 =	vadd.f32 v4, v1  }
0x7b: {  	v8 =	vld [tilespmem:s13+$0x7620];
	[tilespmem:s14+$0x9E20] =	vst v5  }
0x7c: {  	v57 =	vld [tilespmem:s13+$0x4E30];
	v1 =	vmax.f32 v1, $0.0e+00  }
0x7d: {  	v5 =	vld [tilespmem:s13+$0x7630];
	[tilespmem:s14+$0x9E30] =	vst v1  }
0x7e: {  	v1 =	vld [tilespmem:s13+$0x4E40]  }
0x7f: {  	v9 =	vld [tilespmem:s13+$0x7640]  }
0x80: {  	v0 =	vadd.f32 v3, v0  }
0x81: {  	v2 =	vadd.f32 v7, v2  }
0x82: {  	v0 =	vmax.f32 v0, $0.0e+00;
	v58 =	vadd.f32 v8, v6  }
0x83: {  	s16 =	smul.u32 $0x140, s11;
	[tilespmem:s14+$0x9E40] =	vst v0;
	v59 =	vmax.f32 v2, $0.0e+00;
	v60 =	vadd.f32 v5, v57  }
.Ltmp6:
0x84: {  	[tilespmem:s13+$0x9E50] =	vst v59;
	v61 =	vmax.f32 v58, $0.0e+00;
	v1 =	vadd.f32 v9, v1;
	(pc) =	sbr.rel .LBB2_9-.Ltmp6, $4  }
0x85: {  	[tilespmem:s13+$0x9E20] =	vst v61;
	v62 =	vmax.f32 v60, $0.0e+00  }
0x86: {  	s14 =	sshra.s32 s16, $0x2;
	[tilespmem:s13+$0x9E30] =	vst v62;
	v63 =	vmax.f32 v1, $0.0e+00  }
0x87: {  	s16 =	sadd.s32 $0x2710, s14;
	[tilespmem:s13+$0x9E40] =	vst v63;
	s13 =	simm.s32 $0x6  }
0x88: {  	[spmem:s3] =	stream.indirect.scatter.add.f32 [tilespmem:s30], [sflag:$0x6], $0x40, s16, s24, $0xb8;
	[tilespmem:$0x16260] =	vst v63  }
.LBB2_6:
0x89: {  	s13 =	smul.u32 $0x50, s11;
	_ =	sdelay $0x1  }
0x8a: {  	s13 =	sadd.s32 $0x50, s13  }
0x8b: {  	[tilespmem:s25], [sflag:$0x1] =	stream.indirect.gather [hbm4b:s1+s24], $0x40, s13, s24, $0xb8;
	[tilespmem:$0x16260] =	vst v63  }
0x8c: {  	s13 =	sadd.s32 s6, s13  }
0x8d: {  	s13 =	sshll.u32 s13, $0x3  }
0x8e: {  	s14 =	simm.s32 $0x0;
	s13 =	sadd.s32 s5, s13  }
0x8f: {  	[tilespmem:s26], [sflag:$0x3] =	stream.linear.gather [hbm4b:s13+s14], $0x1400, $0x38;
	[tilespmem:$0x16260] =	vst v63  }
0x90: {  	_ =	swait.ge [sflag:s31], $0x1400  }
0x91: {  	[sflag:s31] =	ssyncset.done $0x0  }
0x92: {  	[sflag:s31] =	ssyncadd.s32 $0xFFFFEC00  }
0x93: {  	_ =	swait.ge [sflag:s0], $0x1400  }
0x94: {  	[sflag:s0] =	ssyncset.done $0x0  }
0x95: {  	s14 =	simm.s32 $0x0;
	[sflag:s0] =	ssyncadd.s32 $0xFFFFEC00  }
0x96: {  	v2 =	vld [tilespmem:s14+$0x6250]  }
0x97: {  	v3 =	vld [tilespmem:s14+$0x8A50]  }
0x98: {  	v5 =	vld [tilespmem:s14+$0x6220]  }
0x99: {  	v6 =	vld [tilespmem:s14+$0x8A20]  }
0x9a: {  	v1 =	vld [tilespmem:s14+$0x6230]  }
0x9b: {  	v4 =	vld [tilespmem:s14+$0x8A30]  }
0x9c: {  	v0 =	vld [tilespmem:s14+$0x6240];
	v7 =	vadd.f32 v3, v2  }
0x9d: {  	s13 =	simm.s32 $0x40;
	v3 =	vld [tilespmem:s14+$0x8A40]  }
0x9e: {  	s16 =	simm.s32 $0x200;
	v2 =	vld [tilespmem:s13+$0x6250];
	v5 =	vadd.f32 v6, v5;
	v6 =	vmax.f32 v7, $0.0e+00  }
.LBB2_7:
0x9f: {  	p1 =	sne.s32 s16, $0x4F00;
	v7 =	vld [tilespmem:s13+$0x8A50];
	[tilespmem:s14+$0xB250] =	vst v6  }
0xa0: {  	v5 =	vmax.f32 v5, $0.0e+00;
	v4 =	vadd.f32 v4, v1;
	v6 =	vld [tilespmem:s13+$0x6220]  }
0xa1: {  	v8 =	vld [tilespmem:s13+$0x8A20];
	[tilespmem:s14+$0xB220] =	vst v5  }
.Ltmp7:
0xa2: {  	v3 =	vadd.f32 v3, v0;
	v5 =	vmax.f32 v4, $0.0e+00;
	v1 =	vld [tilespmem:s13+$0x6230];
	(pc) =	sbr.rel @p1 .LBB2_7-.Ltmp7, $4  }
0xa3: {  	v4 =	vld [tilespmem:s13+$0x8A30];
	[tilespmem:s14+$0xB230] =	vst v5  }
0xa4: {  	v0 =	vld [tilespmem:s13+$0x6240];
	v7 =	vadd.f32 v7, v2;
	v2 =	vmax.f32 v3, $0.0e+00  }
0xa5: {  	v3 =	vld [tilespmem:s13+$0x8A40];
	[tilespmem:s14+$0xB240] =	vst v2;
	s14 =	smov.u32 s13;
	s13 =	sshra.s32 s16, $0x2  }
0xa6: {  	s16 =	sadd.s32 $0x100, s16;
	v2 =	vld [tilespmem:s13+$0x6250];
	v5 =	vadd.f32 v8, v6;
	v6 =	vmax.f32 v7, $0.0e+00  }
.Ltmp8:
0xa7: {  	_ = 	snop;
	(pc) =	sbr.rel .LBB2_8-.Ltmp8, $1  }
0xa8: {  	_ =	sdelay $0x3  }
.LBB2_10:
0xa9: {  	[bflag:$0x0] =	sbarrier.arrive $0xFFFF  }
0xaa: {  	s11 =	rddreg [dreg:$0x9]  }
0xab: {  	[hbm:s11], [sflag:s7] =	dma.local [spmem:s8], $0x1380  }
0xac: {  	_ =	swait.ge [sflag:s23], $0x1380  }
0xad: {  	[sflag:s23] =	ssyncset.done $0x0  }
0xae: {  	s11 =	rddreg [dreg:$0xa];
	[sflag:s23] =	ssyncadd.s32 $0xFFFFEC80  }
0xaf: {  	[hbm:s11], [sflag:s7] =	dma.local @!p0 [spmem:s9], $0x80  }
0xb0: {  	s11 =	simm.s32 @!p0 $0x5  }
0xb1: {  	_ =	swait.ge @!p0 [sflag:s11], $0x80  }
0xb2: {  	[sflag:s11] =	ssyncset.done @!p0 $0x0  }
0xb3: {  	[sflag:s11] =	ssyncadd.s32 @!p0 $0xFFFFFF80  }
0xb4: {  	[tilespmem:s4], [sflag:$0x5] =	stream.linear.gather [hbm4b:s17+s4], $0x2710, $0x38;
	[tilespmem:$0x16260] =	vst v63  }
0xb5: {  	_ =	swait.ge [sflag:s23], $0x2710  }
0xb6: {  	[sflag:s23] =	ssyncset.done $0x0  }
0xb7: {  	[sflag:s23] =	ssyncadd.s32 $0xFFFFD8F0  }
0xb8: {  	[spmem:s8], [sflag:s7] =	dma.local [hbm:s10], $0x1380  }
0xb9: {  	_ =	swait.ge [sflag:s23], $0x1380  }
0xba: {  	[sflag:s23] =	ssyncset.done $0x0  }
0xbb: {  	[sflag:s23] =	ssyncadd.s32 $0xFFFFEC80  }
0xbc: {  	[spmem:s9], [sflag:s7] =	dma.local @!p0 [hbm:s12], $0x80  }
0xbd: {  	_ =	swait.ge @!p0 [sflag:s11], $0x80  }
0xbe: {  	[sflag:s11] =	ssyncset.done @!p0 $0x0  }
0xbf: {  	[sflag:s11] =	ssyncadd.s32 @!p0 $0xFFFFFF80;
	s11 =	simm.s32 $0x0  }
0xc0: {  	[tilespmem:s25], [sflag:$0x1] =	stream.indirect.gather [hbm4b:s1+s24], $0x40, s11, s24, $0xb8;
	[tilespmem:$0x16260] =	vst v63  }
.Ltmp9:
0xc1: {  	_ = 	snop;
	(pc) =	sbr.rel .LBB2_11-.Ltmp9, $3  }
0xc2: {  	_ = 	snop  }
0xc3: {  	[tilespmem:s26], [sflag:$0x3] =	stream.linear.gather [hbm4b:s18+s11], $0x1400, $0x38;
	[tilespmem:$0x16260] =	vst v63  }
0xc4: {  	[bflag:$0x0] =	sbarrier.arrive $0xFFFF;
	_ =	sdelay $0x1  }
.LBB2_17:
0xc5: {  	v7 =	vld [tilespmem:s13+$0x8A50];
	[tilespmem:s14+$0xB250] =	vst v6  }
0xc6: {  	v5 =	vmax.f32 v5, $0.0e+00;
	v1 =	vadd.f32 v4, v1;
	v6 =	vld [tilespmem:s13+$0x6220]  }
0xc7: {  	v8 =	vld [tilespmem:s13+$0x8A20];
	[tilespmem:s14+$0xB220] =	vst v5  }
0xc8: {  	v57 =	vld [tilespmem:s13+$0x6230];
	v1 =	vmax.f32 v1, $0.0e+00  }
0xc9: {  	v5 =	vld [tilespmem:s13+$0x8A30];
	[tilespmem:s14+$0xB230] =	vst v1  }
0xca: {  	v1 =	vld [tilespmem:s13+$0x6240]  }
0xcb: {  	v9 =	vld [tilespmem:s13+$0x8A40]  }
0xcc: {  	v0 =	vadd.f32 v3, v0  }
0xcd: {  	v2 =	vadd.f32 v7, v2  }
0xce: {  	v0 =	vmax.f32 v0, $0.0e+00;
	v58 =	vadd.f32 v8, v6  }
0xcf: {  	[tilespmem:s14+$0xB240] =	vst v0;
	v59 =	vmax.f32 v2, $0.0e+00;
	v60 =	vadd.f32 v5, v57  }
0xd0: {  	s16 =	smul.u32 $0x140, s11;
	[tilespmem:s13+$0xB250] =	vst v59;
	v61 =	vmax.f32 v58, $0.0e+00;
	v1 =	vadd.f32 v9, v1  }
0xd1: {  	[tilespmem:s13+$0xB220] =	vst v61;
	v62 =	vmax.f32 v60, $0.0e+00  }
0xd2: {  	s14 =	sshra.s32 s16, $0x2;
	[tilespmem:s13+$0xB230] =	vst v62;
	v63 =	vmax.f32 v1, $0.0e+00  }
0xd3: {  	s16 =	sadd.s32 $0x2710, s14;
	[tilespmem:s13+$0xB240] =	vst v63;
	s13 =	simm.s32 $0x5  }
0xd4: {  	[spmem:s3] =	stream.indirect.scatter.add.f32 [tilespmem:s22], [sflag:$0x5], $0x40, s16, s24, $0xb8;
	[tilespmem:$0x16260] =	vst v63  }
.LBB2_18:
0xd5: {  	s11 =	sadd.s32 $0x1, s11  }
0xd6: {  	p1 =	sne.s32 s11, $0x7D  }
.Ltmp10:
0xd7: {  	_ = 	snop;
	(pc) =	sbr.rel @!p1 .LBB2_19-.Ltmp10, $4  }
0xd8: {  	_ = 	snop  }
0xd9: {  	_ =	swait.ge [sflag:s13], $0x1400  }
0xda: {  	[sflag:s13] =	ssyncset.done $0x0  }
0xdb: {  	[sflag:s13] =	ssyncadd.s32 $0xFFFFEC00  }
.LBB2_11:
0xdc: {  	s13 =	sand.u32 $0x1, s11  }
0xdd: {  	p1 =	seq.s32 s13, $0x1  }
.Ltmp11:
0xde: {  	_ = 	snop;
	(pc) =	sbr.rel @p1 .LBB2_15-.Ltmp11, $1  }
0xdf: {  	_ =	sdelay $0x3  }
0xe0: {  	s13 =	sor.u32 $0x1, s11  }
0xe1: {  	p1 =	sgt.u32 s13, $0x7C  }
0xe2: {  	s13 =	smul.u32 @!p1 $0x50, s13  }
0xe3: {  	s14 =	simm.s32 @!p1 $0x50;
	s16 =	simm.s32 @!p1 $0x6220  }
0xe4: {  	[tilespmem:s16], [sflag:$0x2] =	stream.indirect.gather @!p1 [hbm4b:s1+s14], $0x40, s13, s14, $0xb8;
	[tilespmem:$0x16260] =	vst v63  }
0xe5: {  	s13 =	sadd.s32 @!p1 s15, s13  }
0xe6: {  	s13 =	sshll.u32 @!p1 s13, $0x3  }
0xe7: {  	s13 =	sand.u32 @!p1 $0x1FFFFF80, s13  }
0xe8: {  	s14 =	simm.s32 @!p1 $0x0;
	s16 =	simm.s32 @!p1 $0x8A20;
	s13 =	sadd.s32 @!p1 s5, s13  }
0xe9: {  	[tilespmem:s16], [sflag:$0x4] =	stream.linear.gather @!p1 [hbm4b:s13+s14], $0x1400, $0x38;
	[tilespmem:$0x16260] =	vst v63  }
0xea: {  	_ =	swait.ge [sflag:s28], $0x1400  }
0xeb: {  	[sflag:s28] =	ssyncset.done $0x0  }
0xec: {  	[sflag:s28] =	ssyncadd.s32 $0xFFFFEC00  }
0xed: {  	_ =	swait.ge [sflag:s29], $0x1400  }
0xee: {  	[sflag:s29] =	ssyncset.done $0x0  }
0xef: {  	s14 =	simm.s32 $0x0;
	[sflag:s29] =	ssyncadd.s32 $0xFFFFEC00  }
0xf0: {  	v2 =	vld [tilespmem:s14+$0x4E50]  }
0xf1: {  	v3 =	vld [tilespmem:s14+$0x7650]  }
0xf2: {  	v5 =	vld [tilespmem:s14+$0x4E20]  }
0xf3: {  	v6 =	vld [tilespmem:s14+$0x7620]  }
0xf4: {  	v1 =	vld [tilespmem:s14+$0x4E30]  }
0xf5: {  	v4 =	vld [tilespmem:s14+$0x7630]  }
0xf6: {  	v0 =	vld [tilespmem:s14+$0x4E40];
	v7 =	vadd.f32 v3, v2  }
0xf7: {  	s13 =	simm.s32 $0x40;
	v3 =	vld [tilespmem:s14+$0x7640]  }
0xf8: {  	s16 =	simm.s32 $0x200;
	v2 =	vld [tilespmem:s13+$0x4E50];
	v5 =	vadd.f32 v6, v5;
	v6 =	vmax.f32 v7, $0.0e+00  }
.LBB2_13:
0xf9: {  	p1 =	sne.s32 s16, $0x4F00;
	v7 =	vld [tilespmem:s13+$0x7650];
	[tilespmem:s14+$0x9E50] =	vst v6  }
0xfa: {  	v6 =	vld [tilespmem:s13+$0x4E20];
	v5 =	vmax.f32 v5, $0.0e+00;
	v4 =	vadd.f32 v4, v1  }
0xfb: {  	v8 =	vld [tilespmem:s13+$0x7620];
	[tilespmem:s14+$0x9E20] =	vst v5  }
.Ltmp12:
0xfc: {  	v1 =	vld [tilespmem:s13+$0x4E30];
	v5 =	vmax.f32 v4, $0.0e+00;
	v3 =	vadd.f32 v3, v0;
	(pc) =	sbr.rel @p1 .LBB2_13-.Ltmp12, $4  }
0xfd: {  	v4 =	vld [tilespmem:s13+$0x7630];
	[tilespmem:s14+$0x9E30] =	vst v5  }
0xfe: {  	v0 =	vld [tilespmem:s13+$0x4E40];
	v7 =	vadd.f32 v7, v2;
	v2 =	vmax.f32 v3, $0.0e+00  }
0xff: {  	v3 =	vld [tilespmem:s13+$0x7640];
	[tilespmem:s14+$0x9E40] =	vst v2;
	s14 =	smov.u32 s13;
	s13 =	sshra.s32 s16, $0x2  }
0x100: {  	s16 =	sadd.s32 $0x100, s16;
	v2 =	vld [tilespmem:s13+$0x4E50];
	v5 =	vadd.f32 v8, v6;
	v6 =	vmax.f32 v7, $0.0e+00  }
0x101: {  	v7 =	vld [tilespmem:s13+$0x7650];
	[tilespmem:s14+$0x9E50] =	vst v6  }
0x102: {  	v6 =	vld [tilespmem:s13+$0x4E20];
	v5 =	vmax.f32 v5, $0.0e+00;
	v1 =	vadd.f32 v4, v1  }
0x103: {  	v8 =	vld [tilespmem:s13+$0x7620];
	[tilespmem:s14+$0x9E20] =	vst v5  }
0x104: {  	v57 =	vld [tilespmem:s13+$0x4E30];
	v1 =	vmax.f32 v1, $0.0e+00  }
0x105: {  	v5 =	vld [tilespmem:s13+$0x7630];
	[tilespmem:s14+$0x9E30] =	vst v1  }
0x106: {  	v1 =	vld [tilespmem:s13+$0x4E40]  }
0x107: {  	v9 =	vld [tilespmem:s13+$0x7640]  }
0x108: {  	v0 =	vadd.f32 v3, v0  }
0x109: {  	v2 =	vadd.f32 v7, v2  }
0x10a: {  	v0 =	vmax.f32 v0, $0.0e+00;
	v58 =	vadd.f32 v8, v6  }
0x10b: {  	s16 =	smul.u32 $0x140, s11;
	[tilespmem:s14+$0x9E40] =	vst v0;
	v59 =	vmax.f32 v2, $0.0e+00;
	v60 =	vadd.f32 v5, v57  }
.Ltmp13:
0x10c: {  	[tilespmem:s13+$0x9E50] =	vst v59;
	v61 =	vmax.f32 v58, $0.0e+00;
	v1 =	vadd.f32 v9, v1;
	(pc) =	sbr.rel .LBB2_18-.Ltmp13, $4  }
0x10d: {  	[tilespmem:s13+$0x9E20] =	vst v61;
	v62 =	vmax.f32 v60, $0.0e+00  }
0x10e: {  	s14 =	sshra.s32 s16, $0x2;
	[tilespmem:s13+$0x9E30] =	vst v62;
	v63 =	vmax.f32 v1, $0.0e+00  }
0x10f: {  	s16 =	sadd.s32 $0x2710, s14;
	[tilespmem:s13+$0x9E40] =	vst v63;
	s13 =	simm.s32 $0x6  }
0x110: {  	[spmem:s3] =	stream.indirect.scatter.add.f32 [tilespmem:s30], [sflag:$0x6], $0x40, s16, s24, $0xb8;
	[tilespmem:$0x16260] =	vst v63  }
.LBB2_15:
0x111: {  	s13 =	smul.u32 $0x50, s11;
	_ =	sdelay $0x1  }
0x112: {  	s13 =	sadd.s32 $0x50, s13  }
0x113: {  	[tilespmem:s25], [sflag:$0x1] =	stream.indirect.gather [hbm4b:s1+s24], $0x40, s13, s24, $0xb8;
	[tilespmem:$0x16260] =	vst v63  }
0x114: {  	s13 =	sadd.s32 s15, s13  }
0x115: {  	s13 =	sshll.u32 s13, $0x3  }
0x116: {  	s13 =	sand.u32 $0x1FFFFF80, s13  }
0x117: {  	s14 =	simm.s32 $0x0;
	s13 =	sadd.s32 s5, s13  }
0x118: {  	[tilespmem:s26], [sflag:$0x3] =	stream.linear.gather [hbm4b:s13+s14], $0x1400, $0x38;
	[tilespmem:$0x16260] =	vst v63  }
0x119: {  	_ =	swait.ge [sflag:s31], $0x1400  }
0x11a: {  	[sflag:s31] =	ssyncset.done $0x0  }
0x11b: {  	[sflag:s31] =	ssyncadd.s32 $0xFFFFEC00  }
0x11c: {  	_ =	swait.ge [sflag:s0], $0x1400  }
0x11d: {  	[sflag:s0] =	ssyncset.done $0x0  }
0x11e: {  	s14 =	simm.s32 $0x0;
	[sflag:s0] =	ssyncadd.s32 $0xFFFFEC00  }
0x11f: {  	v2 =	vld [tilespmem:s14+$0x6250]  }
0x120: {  	v3 =	vld [tilespmem:s14+$0x8A50]  }
0x121: {  	v5 =	vld [tilespmem:s14+$0x6220]  }
0x122: {  	v6 =	vld [tilespmem:s14+$0x8A20]  }
0x123: {  	v1 =	vld [tilespmem:s14+$0x6230]  }
0x124: {  	v4 =	vld [tilespmem:s14+$0x8A30]  }
0x125: {  	v0 =	vld [tilespmem:s14+$0x6240];
	v7 =	vadd.f32 v3, v2  }
0x126: {  	s13 =	simm.s32 $0x40;
	v3 =	vld [tilespmem:s14+$0x8A40]  }
0x127: {  	s16 =	simm.s32 $0x200;
	v2 =	vld [tilespmem:s13+$0x6250];
	v5 =	vadd.f32 v6, v5;
	v6 =	vmax.f32 v7, $0.0e+00  }
.LBB2_16:
0x128: {  	p1 =	sne.s32 s16, $0x4F00;
	v7 =	vld [tilespmem:s13+$0x8A50];
	[tilespmem:s14+$0xB250] =	vst v6  }
0x129: {  	v5 =	vmax.f32 v5, $0.0e+00;
	v4 =	vadd.f32 v4, v1;
	v6 =	vld [tilespmem:s13+$0x6220]  }
0x12a: {  	v8 =	vld [tilespmem:s13+$0x8A20];
	[tilespmem:s14+$0xB220] =	vst v5  }
.Ltmp14:
0x12b: {  	v3 =	vadd.f32 v3, v0;
	v5 =	vmax.f32 v4, $0.0e+00;
	v1 =	vld [tilespmem:s13+$0x6230];
	(pc) =	sbr.rel @p1 .LBB2_16-.Ltmp14, $4  }
0x12c: {  	v4 =	vld [tilespmem:s13+$0x8A30];
	[tilespmem:s14+$0xB230] =	vst v5  }
0x12d: {  	v0 =	vld [tilespmem:s13+$0x6240];
	v7 =	vadd.f32 v7, v2;
	v2 =	vmax.f32 v3, $0.0e+00  }
0x12e: {  	v3 =	vld [tilespmem:s13+$0x8A40];
	[tilespmem:s14+$0xB240] =	vst v2;
	s14 =	smov.u32 s13;
	s13 =	sshra.s32 s16, $0x2  }
0x12f: {  	s16 =	sadd.s32 $0x100, s16;
	v2 =	vld [tilespmem:s13+$0x6250];
	v5 =	vadd.f32 v8, v6;
	v6 =	vmax.f32 v7, $0.0e+00  }
.Ltmp15:
0x130: {  	_ = 	snop;
	(pc) =	sbr.rel .LBB2_17-.Ltmp15, $1  }
0x131: {  	_ =	sdelay $0x3  }
.LBB2_20:
0x132: {  	_ =	sfence.sel $0x180000  }
0x133: {  	[bflag:$0x0] =	sbarrier.arrive $0xFFFF  }
0x134: {  	_ =	strace $0x9000004A  }
0x135: {  	s0 =	stileid.u32;
	[bflag:$0x2] =	sbarrier.arrive $0xFFFF  }
0x136: {  	p0 =	sne.s32 s0, $0x0;
	s0 =	rddreg [dreg:$0x3]  }
0x137: {  	s0 =	sadd.s32 @!p0 $0x100000, s0  }
0x138: {  	[sflag:s0] =	ssyncadd.tile.s32 @!p0 $0x1;
	_ =	shalt  }
.Lfunc_end2:
_tile_overlayer_lowered:
.L_overlay_start_2:
0x139: {  	(tag) =	ssettag $0x2  }
0x13a: {  	s0 =	rddreg [dreg:$0x0];
	s2 =	stileid.u32  }
0x13b: {  	s1 =	rddreg [dreg:$0x1];
	p0 =	sne.s32 s2, $0x0  }
0x13c: {  	s3 =	rddreg [dreg:$0x2];
	[bflag:$0x3] =	sbarrier.arrive $0xFFFF;
	s2 =	simm.s32 @!p0 $0x1C05  }
0x13d: {  	[timem:s3], [sflag:s2] =	dma.local @!p0 [hbm:s0], s1  }
0x13e: {  	s0 =	simm.s32 @!p0 $0x5  }
0x13f: {  	_ =	swait.ge @!p0 [sflag:s0], s1  }
0x140: {  	s1 =	ssub.s32 @!p0 $0x0, s1;
	[sflag:s0] =	ssyncset.done @!p0 $0x0  }
0x141: {  	[sflag:s0] =	ssyncadd.s32 @!p0 s1  }
0x142: {  	[bflag:$0x3] =	sbarrier.arrive $0xFFFF  }
0x143: {  	_ =	shalt  }

// kernel: kernel.21.cloned.1.call-start
scs
__scs_entry_jumppad:
0x0: {  	(pc) =	sbr.rel $0x88, $3  }
0x1: {  	(tag) =	ssettag $0x0;
	lr =	simm.s32 $0x1  }
0x2: {  	[smem:$0x3F92] =	sst lr;
	_ =	strace $0xD0000000  }
0x3: {  	_ = 	snop  }
0x4: {  	_ = 	snop  }
0x5: {  	_ = 	snop  }
0x6: {  	_ = 	snop  }
0x7: {  	_ = 	snop  }
__scs_overlays_trampoline_lowered:
0x8: {  	[smem:$0x3FA1] =	sst s0  }
0x9: {  	[smem:$0x3FA2] =	sst s1  }
0xa: {  	[smem:$0x3FA3] =	sst s2  }
0xb: {  	[smem:$0x3FA4] =	sst s3  }
0xc: {  	[smem:$0x3FA5] =	sst s4  }
0xd: {  	[smem:$0x3FA6] =	sst s5  }
0xe: {  	[smem:$0x3FA7] =	sst s6  }
0xf: {  	[smem:$0x3FA8] =	sst s7  }
0x10: {  	[smem:$0x3FA9] =	sst s8  }
0x11: {  	[smem:$0x3FAA] =	sst s9;
	s0 =	simm.s32 @!p0 $0x0  }
0x12: {  	s1 =	sld [smem:$0x3F90];
	s0 =	simm.s32 @p0 $0x1  }
0x13: {  	[smem:$0x3FAB] =	sst s0;
	s0 =	simm.s32 @!p1 $0x0  }
0x14: {  	s2 =	sld [smem:$0x3F8F];
	s0 =	simm.s32 @p1 $0x1  }
0x15: {  	[smem:$0x3FAC] =	sst s0;
	s0 =	simm.s32 @!p2 $0x0  }
0x16: {  	s3 =	sld [smem:$0x3FDB];
	s0 =	simm.s32 @p2 $0x1  }
0x17: {  	s4 =	simm.s32 $0x1BF5;
	[smem:$0x3FAE] =	sst s0  }
0x18: {  	s0 =	sld [smem:$0x3F91];
	_ =	swait.ge [sflag:s4], $0x0  }
0x19: {  	s7 =	sld [smem:$0x3F92]  }
0x1a: {  	s8 =	sadd.s32 $0xFFFFE003, lr  }
0x1b: {  	s9 =	sadd.s32 $0xFFFFFEF7, lr;
	s5 =	simm.s32 $0xFFFFFFFF;
	p2 =	slt.u32 s8, $0xFFFFF086  }
0x1c: {  	p1 =	slt.u32 s9, $0xF7A;
	s5 =	simm.s32 @!p2 $0x0  }
0x1d: {  	s5 =	simm.s32 @p1 $0x1;
	p0 =	seq.s32 s7, s2  }
0x1e: {  	s7 =	smul.u32 @!p0 $0xF7A, s2;
	p2 =	seq.s32 @!p0 s5, $0x0  }
0x1f: {  	s9 =	smul.u32 $0xF7A, s1;
	s8 =	simm.s32 @!p0 $0x1BF5;
	p2 =	por !p2, p0  }
0x20: {  	[sflag:s8] =	ssyncset.s32 @!p0 $0xFFFFF086;
	s6 =	sadd.s32 @!p0 s3, s7;
	s7 =	simm.s32 @!p0 $0x108  }
0x21: {  	s3 =	sadd.s32 s3, s9;
	s6 =	sadd.s32 @!p0 $0x88, s6;
	s7 =	simm.s32 @p2 $0x1082  }
0x22: {  	[simem:s7], [sflag:s8] =	dma.local @!p0 [hbm:s6], $0xF7A  }
0x23: {  	s9 =	sor.u32 $0xD0000000, s2;
	s6 =	simm.s32 $0x108;
	_ =	swait.ge @!p0 [sflag:s8], $0x0  }
0x24: {  	s3 =	sadd.s32 $0x88, s3;
	s6 =	simm.s32 @!p1 $0x1082;
	[sflag:s4] =	ssyncset.s32 $0xFFFFF086  }
0x25: {  	[simem:s6], [sflag:s4] =	dma.local [hbm:s3], $0xF7A  }
0x26: {  	[smem:$0x3F92] =	sst s1;
	(tag) =	ssettag s2;
	_ =	strace s9  }
0x27: {  	s1 =	sld [smem:$0x3FA2]  }
0x28: {  	s2 =	sld [smem:$0x3FA3]  }
0x29: {  	s4 =	sld [smem:$0x3FA5]  }
0x2a: {  	p0 =	seq.s32 s5, $0x0;
	s5 =	sld [smem:$0x3FA6]  }
0x2b: {  	s6 =	sld [smem:$0x3FA7]  }
0x2c: {  	s7 =	sld [smem:$0x3FA8]  }
0x2d: {  	s3 =	simm.s32 $0x108;
	s8 =	sld [smem:$0x3FA9]  }
0x2e: {  	s3 =	simm.s32 @!p0 $0x1082;
	s9 =	sld [smem:$0x3FAA]  }
0x2f: {  	lr =	sadd.s32 s0, s3;
	s0 =	sld [smem:$0x3FA1]  }
0x30: {  	s3 =	sld [smem:$0x3FA4]  }
0x31: {  	[smem:$0x3FAD] =	sst s10  }
0x32: {  	s10 =	sld [smem:$0x3FAB];
	_ =	sdelay $0x3  }
0x33: {  	p0 =	seq.s32 s10, $0x1;
	s10 =	sld [smem:$0x3FAD];
	_ =	sdelay $0x3  }
0x34: {  	[smem:$0x3FAD] =	sst s10  }
0x35: {  	s10 =	sld [smem:$0x3FAC];
	_ =	sdelay $0x3  }
0x36: {  	p1 =	seq.s32 s10, $0x1;
	s10 =	sld [smem:$0x3FAD];
	_ =	sdelay $0x3  }
0x37: {  	[smem:$0x3FAD] =	sst s10  }
0x38: {  	s10 =	sld [smem:$0x3FAE]  }
0x39: {  	_ = 	snop;
	(pc) =	sbr.ind lr, $3  }
0x3a: {  	_ = 	snop  }
0x3b: {  	_ = 	snop  }
0x3c: {  	p2 =	seq.s32 s10, $0x1;
	s10 =	sld [smem:$0x3FAD]  }
0x3d: {  	_ =	shalt  }
0x3e: {  	_ =	shalt  }
0x3f: {  	_ =	shalt  }
0x40: {  	_ =	shalt  }
0x41: {  	_ =	shalt  }
0x42: {  	_ =	shalt  }
0x43: {  	_ =	shalt  }
0x44: {  	_ =	shalt  }
0x45: {  	_ =	shalt  }
0x46: {  	_ =	shalt  }
0x47: {  	_ =	shalt  }
0x48: {  	_ =	shalt  }
0x49: {  	_ =	shalt  }
0x4a: {  	_ =	shalt  }
0x4b: {  	_ =	shalt  }
0x4c: {  	_ =	shalt  }
0x4d: {  	_ =	shalt  }
0x4e: {  	_ =	shalt  }
0x4f: {  	_ =	shalt  }
0x50: {  	_ =	shalt  }
0x51: {  	_ =	shalt  }
0x52: {  	_ =	shalt  }
0x53: {  	_ =	shalt  }
0x54: {  	_ =	shalt  }
0x55: {  	_ =	shalt  }
0x56: {  	_ =	shalt  }
0x57: {  	_ =	shalt  }
0x58: {  	_ =	shalt  }
0x59: {  	_ =	shalt  }
0x5a: {  	_ =	shalt  }
0x5b: {  	_ =	shalt  }
0x5c: {  	_ =	shalt  }
0x5d: {  	_ =	shalt  }
0x5e: {  	_ =	shalt  }
0x5f: {  	_ =	shalt  }
0x60: {  	_ =	shalt  }
0x61: {  	_ =	shalt  }
0x62: {  	_ =	shalt  }
0x63: {  	_ =	shalt  }
0x64: {  	_ =	shalt  }
0x65: {  	_ =	shalt  }
0x66: {  	_ =	shalt  }
0x67: {  	_ =	shalt  }
0x68: {  	_ =	shalt  }
0x69: {  	_ =	shalt  }
0x6a: {  	_ =	shalt  }
0x6b: {  	_ =	shalt  }
0x6c: {  	_ =	shalt  }
0x6d: {  	_ =	shalt  }
0x6e: {  	_ =	shalt  }
0x6f: {  	_ =	shalt  }
0x70: {  	_ =	shalt  }
0x71: {  	_ =	shalt  }
0x72: {  	_ =	shalt  }
0x73: {  	_ =	shalt  }
0x74: {  	_ =	shalt  }
0x75: {  	_ =	shalt  }
0x76: {  	_ =	shalt  }
0x77: {  	_ =	shalt  }
0x78: {  	_ =	shalt  }
0x79: {  	_ =	shalt  }
0x7a: {  	_ =	shalt  }
0x7b: {  	_ =	shalt  }
0x7c: {  	_ =	shalt  }
0x7d: {  	_ =	shalt  }
0x7e: {  	_ =	shalt  }
0x7f: {  	_ =	shalt  }
0x80: {  	_ =	shalt  }
0x81: {  	_ =	shalt  }
0x82: {  	_ =	shalt  }
0x83: {  	_ =	shalt  }
0x84: {  	_ =	shalt  }
0x85: {  	_ =	shalt  }
0x86: {  	_ =	shalt  }
0x87: {  	_ =	shalt  }
.Lfunc_end0:
.L_simem_size_0:
called_computation.2_lowered:
.L_overlay_start_0:
0x88: {  	s2 =	sld [smem:$0x3FD9]  }
0x89: {  	s3 =	sld [smem:$0x3FFE];
	_ =	sdelay $0x1  }
0x8a: {  	s1 =	srdreg.scid  }
0x8b: {  	s0 =	sand.u32 $0x1, s1  }
0x8c: {  	s14 =	sshll.u32 s0, $0xA;
	s2 =	sadd.s32 s3, s2  }
0x8d: {  	s2 =	sadd.s32 s2, s14  }
0x8e: {  	[smem:$0x3FB9] =	sst s2  }
0x8f: {  	_ = 	snop  }
0x90: {  	s2 =	sld [smem:$0x3FD0];
	_ =	sdelay $0x2  }
0x91: {  	s15 =	simm.s32 $0xA;
	s4 =	simm.s32 $0x10  }
0x92: {  	[smem:s4], [sflag:s15] =	dma.local [hbm:s2], $0x1  }
0x93: {  	_ =	swait.eq [sflag:s15], $0x1  }
0x94: {  	[sflag:s15] =	ssyncset.done $0x0  }
0x95: {  	[sflag:s15] =	ssyncadd.s32 $0xFFFFFFFF  }
0x96: {  	s16 =	sld [smem:$0x10];
	(tm) =	ssettm $0x1  }
0x97: {  	s17 =	sld [smem:$0x3FFB];
	_ =	sdelay $0x3  }
0x98: {  	_ =	strace s17  }
0x99: {  	s3 =	sld [smem:$0x3FFC];
	_ =	sdelay $0x3  }
0x9a: {  	_ =	strace s3  }
0x9b: {  	s3 =	sld [smem:$0x3FFD];
	_ =	sdelay $0x3  }
0x9c: {  	_ =	strace s3  }
0x9d: {  	_ =	strace $0x8FFFFFFF  }
0x9e: {  	s18 =	sld [smem:$0x3FDB];
	_ =	sdelay $0x1  }
0x9f: {  	s19 =	simm.s32 $_scs_section_size  }
0xa0: {  	s5 =	simm.s32 $_size__tile_overlayer_lowered;
	s6 =	simm.s32 $_tile_overlayer_lowered  }
0xa1: {  	s22 =	simm.s32 $0x1BFF;
	s21 =	sshll.u32 s6, $0x1;
	s3 =	sadd.s32 s19, s18  }
0xa2: {  	s7 =	simm.s32 $0x0;
	s20 =	sshll.u32 s5, $0x1;
	s5 =	sadd.s32 s21, s3  }
0xa3: {  	[timem:s7], [sflag:s22] =	dma.local [hbm:s5], s20  }
0xa4: {  	_ =	swait.ge [sflag:s22], s20  }
0xa5: {  	s4 =	ssub.s32 $0x0, s20;
	[sflag:s22] =	ssyncset.done $0x0  }
0xa6: {  	[sflag:s22] =	ssyncadd.s32 s4;
	_ =	sdelay $0x1  }
0xa7: {  	s23 =	simm.s32 $0x1B8B  }
0xa8: {  	_ =	swait.ge [sflag:s23], $0x1  }
0xa9: {  	[sflag:s23] =	ssyncset.done $0x0  }
0xaa: {  	s25 =	simm.s32 $0x1B8E;
	s24 =	sld [smem:$0x3FFE];
	[sflag:s23] =	ssyncadd.s32 $0xFFFFFFFF  }
0xab: {  	s26 =	simm.s32 $execute0_lowered;
	[smem:$0x3FD2] =	sst s25  }
0xac: {  	s5 =	sshll.u32 s26, $0x1;
	_ =	strace $0x8000004C;
	[dreg:$0x1] =	wrdreg $0xFFFFFFFF  }
0xad: {  	s28 =	simm.s32 $_size_execute0_lowered;
	s3 =	sadd.s32 s3, s5;
	[dreg:$0x0] =	wrdreg $0x0  }
0xae: {  	s5 =	sshll.u32 s28, $0x1;
	[dreg:$0x2] =	wrdreg s3  }
0xaf: {  	[dreg:$0x3] =	wrdreg s5  }
0xb0: {  	[dreg:$0x4] =	wrdreg $0xC0  }
0xb1: {  	_ =	task [dreg:s7], $0x5FFFF  }
0xb2: {  	[dreg:$0x1] =	wrdreg $0xFFFFFFFF  }
0xb3: {  	[dreg:$0x0] =	wrdreg $0x60  }
0xb4: {  	[dreg:$0x2] =	wrdreg s24  }
0xb5: {  	[dreg:$0x3] =	wrdreg s16  }
0xb6: {  	[dreg:$0x4] =	wrdreg $0x9  }
0xb7: {  	_ =	task.clear_ibuf [dreg:s7], $0x5FFFF;
	_ =	strace $0x9000004C  }
0xb8: {  	s29 =	simm.s32 $0x9;
	_ =	strace $0x8000004E  }
0xb9: {  	_ =	swait.ge [sflag:s29], $0x1  }
0xba: {  	[sflag:s29] =	ssyncadd.s32 $0xFFFFFFFF  }
0xbb: {  	_ =	strace $0x9000004E  }
0xbc: {  	_ =	sfence  }
0xbd: {  	s30 =	sld [smem:$0x0];
	_ =	sdelay $0x2  }
0xbe: {  	s31 =	sshll.u32 s1, $0xD;
	s1 =	sshrl.u32 s1, $0x2  }
0xbf: {  	s3 =	sand.u32 $0x4000, s31;
	s1 =	sadd.s32 s1, s30  }
0xc0: {  	s0 =	sor.u32 s3, s0;
	s1 =	sshll.u32 s1, $0x11  }
0xc1: {  	s0 =	sor.u32 s1, s0  }
0xc2: {  	s0 =	sadd.s32 $0x8F2B, s0  }
0xc3: {  	[sflag:s0] =	ssyncadd.remote.s32 $0x1  }
0xc4: {  	_ =	sfence.sel $0xFFFF  }
0xc5: {  	[dreg:$0x0] =	wrdreg $0xFFFFFFFF;
	(pc) =	sbr.abs _section_cstart, $3  }
0xc6: {  	[dreg:$0x1] =	wrdreg $0xFFFFFFFF  }
0xc7: {  	_ =	task.clear_ibuf [dreg:s7], $0x2FFFF;
	_ =	strace $0x9FFFFFFF  }
0xc8: {  	(tm) =	ssettm $0x7FFFFFFF  }
0xc9: {  	_ =	shalt  }
tec
execute0_lowered:
.L_overlay_start_1:
0x0: {  	(tag) =	ssettag $0x1  }
0x1: {  	s1 =	rddreg [dreg:$0x0]  }
0x2: {  	s0 =	srdreg.scid;
	s2 =	rddreg [dreg:$0x1]  }
0x3: {  	s5 =	stileid.u32;
	s3 =	simm.s32 $0x0;
	s14 =	simm.s32 $0x9  }
0x4: {  	s15 =	simm.s32 $0x1400;
	s16 =	simm.s32 $0x80;
	s20 =	simm.s32 $0x2  }
0x5: {  	s21 =	simm.s32 $0x4;
	s22 =	simm.s32 $0x6;
	s23 =	simm.s32 $0x6000  }
0x6: {  	s24 =	simm.s32 $0x1;
	s25 =	simm.s32 $0x3;
	s0 =	sand.u32 $0x1, s0  }
0x7: {  	s26 =	simm.s32 $0x5;
	s28 =	simm.s32 $0x5800;
	s4 =	sshll.u32 s0, $0x4  }
0x8: {  	s29 =	simm.s32 $0x0;
	[smem:$0x7FF] =	sst s3;
	s11 =	sor.u32 s5, s4  }
0x9: {  	s0 =	ssub.s32 $0x2, s0;
	_ =	strace $0x8000004D;
	s5 =	smul.u32 $0x280, s11  }
0xa: {  	s4 =	sadd.s32 $0x28E00, s1;
	s6 =	sshrl.u32 s0, $0x1;
	s31 =	smul.u32 $0x2700, s11  }
.Ltmp0:
0xb: {  	s0 =	ssub.s32 s0, s6;
	p0 =	slt.u32 s11, $0x2;
	(pc) =	sbr.rel .LBB2_1-.Ltmp0, $4  }
0xc: {  	s6 =	simm.s32 $0x28;
	s7 =	smul.u32 $0x1380, s11;
	s11 =	sshll.u32 s11, $0x7  }
0xd: {  	s6 =	simm.s32 @!p0 $0x27;
	s11 =	sor.u32 $0x27000, s11;
	s13 =	smax.u32 s0, $0x1  }
0xe: {  	s9 =	sadd.s32 s5, s1;
	s5 =	sadd.s32 $0x2DE00, s1;
	s10 =	sadd.s32 s2, s31  }
0xf: {  	s8 =	sadd.s32 $0xA600, s9;
	s9 =	sadd.s32 $0x23E00, s9;
	s12 =	sadd.s32 s5, s31  }
.LBB2_11:
0x10: {  	s29 =	sadd.s32 $0x1, s29  }
0x11: {  	p0 =	sne.s32 s29, s13  }
.Ltmp1:
0x12: {  	_ = 	snop;
	(pc) =	sbr.rel @!p0 .LBB2_12-.Ltmp1, $1  }
0x13: {  	_ =	sdelay $0x3  }
.LBB2_1:
0x14: {  	[tilespmem:s3], [sflag:$0x9] =	stream.linear.gather [hbm4b:s8+s3], $0x1400, $0x38;
	[tilespmem:$0x6800] =	vst v63  }
0x15: {  	_ =	swait.ge [sflag:s14], $0x1400  }
0x16: {  	[sflag:s14] =	ssyncset.done $0x0  }
0x17: {  	[sflag:s14] =	ssyncadd.s32 $0xFFFFEC00  }
0x18: {  	[tilespmem:s15], [sflag:$0x9] =	stream.linear.gather [hbm4b:s9+s3], $0x1400, $0x38;
	[tilespmem:$0x6800] =	vst v63  }
0x19: {  	_ =	swait.ge [sflag:s14], $0x1400  }
0x1a: {  	[sflag:s14] =	ssyncset.done $0x0  }
0x1b: {  	s0 =	simm.s32 $0x2800;
	[sflag:s14] =	ssyncadd.s32 $0xFFFFEC00  }
0x1c: {  	[tilespmem:s0], [sflag:$0x1] =	stream.indirect.gather [hbm4b:s4+s16], $0x10, s3, s16, $0xb8;
	[tilespmem:$0x6800] =	vst v63  }
.Ltmp2:
0x1d: {  	_ = 	snop;
	(pc) =	sbr.rel .LBB2_2-.Ltmp2, $4  }
0x1e: {  	s19 =	simm.s32 $0x3800  }
0x1f: {  	[tilespmem:s19], [sflag:$0x3] =	stream.indirect.gather [hbm4b:s4+s16], $0x10, s15, s16, $0xb8;
	[tilespmem:$0x6800] =	vst v63  }
0x20: {  	s31 =	simm.s32 $0x4800;
	s30 =	simm.s32 $0x0  }
0x21: {  	[tilespmem:s31], [sflag:$0x5] =	stream.linear.gather [hbm4b:s10+s3], $0x800, $0x38;
	[tilespmem:$0x6800] =	vst v63  }
.LBB2_10:
0x22: {  	s30 =	sadd.s32 $0x1, s30  }
0x23: {  	p0 =	sne.s32 s30, $0x28  }
.Ltmp3:
0x24: {  	_ = 	snop;
	(pc) =	sbr.rel @!p0 .LBB2_11-.Ltmp3, $1  }
0x25: {  	_ =	sdelay $0x3  }
.LBB2_2:
0x26: {  	p0 =	sge.u32 s30, s6  }
.Ltmp4:
0x27: {  	_ = 	snop;
	(pc) =	sbr.rel @p0 .LBB2_10-.Ltmp4, $1  }
0x28: {  	_ =	sdelay $0x3  }
0x29: {  	s31 =	sand.u32 $0x1, s30  }
0x2a: {  	p0 =	seq.s32 s31, $0x1  }
.Ltmp5:
0x2b: {  	_ = 	snop;
	(pc) =	sbr.rel @p0 .LBB2_7-.Ltmp5, $1  }
0x2c: {  	_ =	sdelay $0x3  }
0x2d: {  	s0 =	sor.u32 $0x1, s30  }
0x2e: {  	p0 =	sge.u32 s0, s6  }
0x2f: {  	s1 =	sshll.u32 @!p0 s0, $0x7  }
0x30: {  	s17 =	simm.s32 @!p0 $0x80;
	s18 =	simm.s32 @!p0 $0x3000;
	p1 =	slt.u32 @!p0 s30, $0x26  }
0x31: {  	[tilespmem:s18], [sflag:$0x2] =	stream.indirect.gather @!p0 [hbm4b:s4+s17], $0x10, s1, s17, $0xb8;
	[tilespmem:$0x6800] =	vst v63  }
0x32: {  	s18 =	sadd.s32 @!p0 $0x1400, s1;
	s1 =	sadd.s32 @!p0 s7, s1;
	p1 =	por !p1, p0  }
0x33: {  	s19 =	simm.s32 @!p0 $0x4000;
	s1 =	smov.u32 @p1 s11  }
0x34: {  	[tilespmem:s19], [sflag:$0x4] =	stream.indirect.gather @!p0 [hbm4b:s4+s17], $0x10, s18, s17, $0xb8;
	[tilespmem:$0x6800] =	vst v63  }
0x35: {  	s1 =	sshll.u32 @!p0 s1, $0x1  }
0x36: {  	s1 =	sand.u32 @!p0 $0x1FFFFF00, s1  }
0x37: {  	s17 =	simm.s32 @!p0 $0x0;
	s18 =	simm.s32 @!p0 $0x5000;
	s1 =	sadd.s32 @!p0 s2, s1  }
0x38: {  	[tilespmem:s18], [sflag:$0x6] =	stream.linear.gather @!p0 [hbm4b:s1+s17], $0x800, $0x38;
	[tilespmem:$0x6800] =	vst v63  }
0x39: {  	_ =	swait.ge [sflag:s24], $0x800  }
0x3a: {  	[sflag:s24] =	ssyncset.done $0x0  }
0x3b: {  	[sflag:s24] =	ssyncadd.s32 $0xFFFFF800  }
0x3c: {  	_ =	swait.ge [sflag:s25], $0x800  }
0x3d: {  	[sflag:s25] =	ssyncset.done $0x0  }
0x3e: {  	[sflag:s25] =	ssyncadd.s32 $0xFFFFF800  }
0x3f: {  	_ =	swait.ge [sflag:s26], $0x800  }
0x40: {  	p0 =	slt.u32 s30, $0x2;
	[sflag:s26] =	ssyncset.done $0x0  }
0x41: {  	s1 =	simm.s32 @!p0 $0x7;
	[sflag:s26] =	ssyncadd.s32 $0xFFFFF800  }
0x42: {  	_ =	swait.ge @!p0 [sflag:s1], $0x800  }
0x43: {  	[sflag:s1] =	ssyncset.done @!p0 $0x0  }
0x44: {  	[sflag:s1] =	ssyncadd.s32 @!p0 $0xFFFFF800;
	s1 =	simm.s32 $0x0  }
0x45: {  	v0 =	vld [tilespmem:s1+$0x2800]  }
0x46: {  	v1 =	vld [tilespmem:s1+$0x3800];
	_ =	sdelay $0x1  }
0x47: {  	v2 =	vld [tilespmem:s1+$0x4800];
	_ =	sdelay $0x2  }
0x48: {  	s17 =	simm.s32 $0x10;
	v1 =	vadd.f32 v1, v0  }
0x49: {  	v0 =	vld [tilespmem:s17+$0x2800]  }
0x4a: {  	v3 =	vadd.f32 v2, v1;
	v1 =	vld [tilespmem:s17+$0x3800];
	_ =	sdelay $0x1  }
0x4b: {  	v2 =	vld [tilespmem:s17+$0x4800]  }
0x4c: {  	s18 =	simm.s32 $0x80;
	v3 =	vmax.f32 v3, $0.0e+00  }
.LBB2_5:
0x4d: {  	[tilespmem:s1+$0x5800] =	vst v3;
	s1 =	smov.u32 s17;
	s17 =	sshra.s32 s18, $0x2;
	p0 =	sne.s32 s18, $0x1FC0  }
.Ltmp6:
0x4e: {  	s18 =	sadd.s32 $0x40, s18;
	v3 =	vadd.f32 v1, v0;
	v0 =	vld [tilespmem:s17+$0x2800];
	(pc) =	sbr.rel @p0 .LBB2_5-.Ltmp6, $4  }
0x4f: {  	v1 =	vld [tilespmem:s17+$0x3800]  }
0x50: {  	v3 =	vadd.f32 v2, v3  }
0x51: {  	v2 =	vld [tilespmem:s17+$0x4800]  }
0x52: {  	v3 =	vmax.f32 v3, $0.0e+00  }
0x53: {  	_ = 	snop  }
0x54: {  	v0 =	vadd.f32 v1, v0;
	_ =	sdelay $0x1  }
0x55: {  	v0 =	vadd.f32 v2, v0;
	_ =	sdelay $0x1  }
0x56: {  	[tilespmem:s1+$0x5800] =	vst v3;
	s18 =	sshll.u32 s30, $0x8;
	p0 =	slt.u32 s0, s6;
	v0 =	vmax.f32 v0, $0.0e+00  }
0x57: {  	s19 =	sadd.s32 s18, s12;
	s0 =	simm.s32 @!p0 $0x7;
	[tilespmem:s17+$0x5800] =	vst v0  }
0x58: {  	[hbm4b:s19+s3] =	stream.linear.scatter [tilespmem:s28], [sflag:$0x7], $0x800, $0x38;
	[tilespmem:$0x6800] =	vst v63  }
0x59: {  	p1 =	seq.s32 s31, $0x0;
	_ =	swait.ge @!p0 [sflag:s0], $0x800  }
.Ltmp7:
0x5a: {  	[sflag:s0] =	ssyncset.done @!p0 $0x0;
	(pc) =	sbr.rel @p1 .LBB2_10-.Ltmp7, $4  }
0x5b: {  	[sflag:s0] =	ssyncadd.s32 @!p0 $0xFFFFF800;
	s0 =	simm.s32 @!p0 $0x8  }
0x5c: {  	_ =	swait.ge @!p0 [sflag:s0], $0x800  }
0x5d: {  	[sflag:s0] =	ssyncset.done @!p0 $0x0  }
0x5e: {  	[sflag:s0] =	ssyncadd.s32 @!p0 $0xFFFFF800  }
.LBB2_7:
0x5f: {  	s31 =	sadd.s32 $0x1, s30  }
0x60: {  	p0 =	sge.u32 s31, s6  }
0x61: {  	s0 =	sshll.u32 @!p0 s31, $0x7  }
0x62: {  	s1 =	simm.s32 @!p0 $0x80;
	s17 =	simm.s32 @!p0 $0x2800;
	p1 =	slt.u32 @!p0 s30, $0x26  }
0x63: {  	[tilespmem:s17], [sflag:$0x1] =	stream.indirect.gather @!p0 [hbm4b:s4+s1], $0x10, s0, s1, $0xb8;
	[tilespmem:$0x6800] =	vst v63  }
0x64: {  	s17 =	sadd.s32 @!p0 $0x1400, s0;
	s0 =	sadd.s32 @!p0 s7, s0;
	p1 =	por !p1, p0  }
0x65: {  	s18 =	simm.s32 @!p0 $0x3800;
	s0 =	smov.u32 @p1 s11  }
0x66: {  	[tilespmem:s18], [sflag:$0x3] =	stream.indirect.gather @!p0 [hbm4b:s4+s1], $0x10, s17, s1, $0xb8;
	[tilespmem:$0x6800] =	vst v63  }
0x67: {  	s0 =	sshll.u32 @!p0 s0, $0x1  }
0x68: {  	s0 =	sand.u32 @!p0 $0x1FFFFF00, s0  }
0x69: {  	s1 =	simm.s32 @!p0 $0x0;
	s17 =	simm.s32 @!p0 $0x4800;
	s0 =	sadd.s32 @!p0 s2, s0  }
0x6a: {  	[tilespmem:s17], [sflag:$0x5] =	stream.linear.gather @!p0 [hbm4b:s0+s1], $0x800, $0x38;
	[tilespmem:$0x6800] =	vst v63  }
0x6b: {  	_ =	swait.ge [sflag:s20], $0x800  }
0x6c: {  	[sflag:s20] =	ssyncset.done $0x0  }
0x6d: {  	[sflag:s20] =	ssyncadd.s32 $0xFFFFF800  }
0x6e: {  	_ =	swait.ge [sflag:s21], $0x800  }
0x6f: {  	[sflag:s21] =	ssyncset.done $0x0  }
0x70: {  	[sflag:s21] =	ssyncadd.s32 $0xFFFFF800  }
0x71: {  	_ =	swait.ge [sflag:s22], $0x800  }
0x72: {  	p0 =	slt.u32 s30, $0x2;
	[sflag:s22] =	ssyncset.done $0x0  }
0x73: {  	s0 =	simm.s32 @!p0 $0x8;
	[sflag:s22] =	ssyncadd.s32 $0xFFFFF800  }
0x74: {  	_ =	swait.ge @!p0 [sflag:s0], $0x800  }
0x75: {  	[sflag:s0] =	ssyncset.done @!p0 $0x0  }
0x76: {  	[sflag:s0] =	ssyncadd.s32 @!p0 $0xFFFFF800;
	s0 =	simm.s32 $0x0  }
0x77: {  	v0 =	vld [tilespmem:s0+$0x3000]  }
0x78: {  	v1 =	vld [tilespmem:s0+$0x4000];
	_ =	sdelay $0x1  }
0x79: {  	v2 =	vld [tilespmem:s0+$0x5000];
	_ =	sdelay $0x2  }
0x7a: {  	s1 =	simm.s32 $0x10;
	v1 =	vadd.f32 v1, v0  }
0x7b: {  	v0 =	vld [tilespmem:s1+$0x3000]  }
0x7c: {  	v3 =	vadd.f32 v2, v1;
	v1 =	vld [tilespmem:s1+$0x4000]  }
0x7d: {  	s19 =	sshll.u32 s30, $0x7  }
0x7e: {  	s17 =	sadd.s32 s7, s19;
	p0 =	seq.s32 s30, $0x27;
	v2 =	vld [tilespmem:s1+$0x5000]  }
0x7f: {  	s18 =	simm.s32 $0x80;
	s17 =	smov.u32 @p0 s11;
	v3 =	vmax.f32 v3, $0.0e+00  }
.LBB2_8:
0x80: {  	[tilespmem:s0+$0x6000] =	vst v3;
	s0 =	smov.u32 s1;
	s1 =	sshra.s32 s18, $0x2;
	p0 =	sne.s32 s18, $0x1FC0  }
.Ltmp8:
0x81: {  	s18 =	sadd.s32 $0x40, s18;
	v3 =	vadd.f32 v1, v0;
	v0 =	vld [tilespmem:s1+$0x3000];
	(pc) =	sbr.rel @p0 .LBB2_8-.Ltmp8, $4  }
0x82: {  	v1 =	vld [tilespmem:s1+$0x4000]  }
0x83: {  	v3 =	vadd.f32 v2, v3  }
0x84: {  	v2 =	vld [tilespmem:s1+$0x5000]  }
0x85: {  	v3 =	vmax.f32 v3, $0.0e+00  }
0x86: {  	_ = 	snop  }
0x87: {  	v0 =	vadd.f32 v1, v0;
	_ =	sdelay $0x1  }
0x88: {  	v0 =	vadd.f32 v2, v0  }
0x89: {  	s17 =	sshll.u32 s17, $0x1  }
0x8a: {  	[tilespmem:s0+$0x6000] =	vst v3;
	s19 =	sand.u32 $0x1FFFFF00, s17;
	v0 =	vmax.f32 v0, $0.0e+00  }
0x8b: {  	p0 =	slt.u32 s31, s6;
	s0 =	sadd.s32 s5, s19;
	[tilespmem:s1+$0x6000] =	vst v0  }
0x8c: {  	[hbm4b:s0+s3] =	stream.linear.scatter [tilespmem:s23], [sflag:$0x8], $0x800, $0x38;
	[tilespmem:$0x6800] =	vst v63  }
0x8d: {  	s0 =	simm.s32 @!p0 $0x8  }
0x8e: {  	_ =	swait.ge @!p0 [sflag:s0], $0x800  }
.Ltmp9:
0x8f: {  	[sflag:s0] =	ssyncset.done @!p0 $0x0;
	(pc) =	sbr.rel .LBB2_10-.Ltmp9, $4  }
0x90: {  	[sflag:s0] =	ssyncadd.s32 @!p0 $0xFFFFF800;
	s0 =	simm.s32 @!p0 $0x7  }
0x91: {  	_ =	swait.ge @!p0 [sflag:s0], $0x800  }
0x92: {  	[sflag:s0] =	ssyncset.done @!p0 $0x0  }
0x93: {  	[sflag:s0] =	ssyncadd.s32 @!p0 $0xFFFFF800  }
.LBB2_12:
0x94: {  	_ =	sfence.sel $0x180000  }
0x95: {  	[bflag:$0x0] =	sbarrier.arrive $0xFFFF  }
0x96: {  	_ =	strace $0x9000004D  }
0x97: {  	s0 =	stileid.u32;
	[bflag:$0x2] =	sbarrier.arrive $0xFFFF  }
0x98: {  	p0 =	sne.s32 s0, $0x0;
	s0 =	rddreg [dreg:$0x2]  }
0x99: {  	s0 =	sadd.s32 @!p0 $0x100000, s0  }
0x9a: {  	[sflag:s0] =	ssyncadd.tile.s32 @!p0 $0x1;
	_ =	shalt  }
.Lfunc_end2:
_tile_overlayer_lowered:
.L_overlay_start_2:
0x9b: {  	(tag) =	ssettag $0x2  }
0x9c: {  	s0 =	rddreg [dreg:$0x0];
	s2 =	stileid.u32  }
0x9d: {  	s1 =	rddreg [dreg:$0x1];
	p0 =	sne.s32 s2, $0x0  }
0x9e: {  	s3 =	rddreg [dreg:$0x2];
	[bflag:$0x3] =	sbarrier.arrive $0xFFFF;
	s2 =	simm.s32 @!p0 $0x1C09  }
0x9f: {  	[timem:s3], [sflag:s2] =	dma.local @!p0 [hbm:s0], s1  }
0xa0: {  	s0 =	simm.s32 @!p0 $0x9  }
0xa1: {  	_ =	swait.ge @!p0 [sflag:s0], s1  }
0xa2: {  	s1 =	ssub.s32 @!p0 $0x0, s1;
	[sflag:s0] =	ssyncset.done @!p0 $0x0  }
0xa3: {  	[sflag:s0] =	ssyncadd.s32 @!p0 s1  }
0xa4: {  	[bflag:$0x3] =	sbarrier.arrive $0xFFFF  }
0xa5: {  	_ =	shalt  }

// kernel: kernel.24.cloned.1.call-start
scs
__scs_entry_jumppad:
0x0: {  	(pc) =	sbr.rel $0x88, $3  }
0x1: {  	(tag) =	ssettag $0x0;
	lr =	simm.s32 $0x1  }
0x2: {  	[smem:$0x3F92] =	sst lr;
	_ =	strace $0xD0000000  }
0x3: {  	_ = 	snop  }
0x4: {  	_ = 	snop  }
0x5: {  	_ = 	snop  }
0x6: {  	_ = 	snop  }
0x7: {  	_ = 	snop  }
__scs_overlays_trampoline_lowered:
0x8: {  	[smem:$0x3FA1] =	sst s0  }
0x9: {  	[smem:$0x3FA2] =	sst s1  }
0xa: {  	[smem:$0x3FA3] =	sst s2  }
0xb: {  	[smem:$0x3FA4] =	sst s3  }
0xc: {  	[smem:$0x3FA5] =	sst s4  }
0xd: {  	[smem:$0x3FA6] =	sst s5  }
0xe: {  	[smem:$0x3FA7] =	sst s6  }
0xf: {  	[smem:$0x3FA8] =	sst s7  }
0x10: {  	[smem:$0x3FA9] =	sst s8  }
0x11: {  	[smem:$0x3FAA] =	sst s9;
	s0 =	simm.s32 @!p0 $0x0  }
0x12: {  	s1 =	sld [smem:$0x3F90];
	s0 =	simm.s32 @p0 $0x1  }
0x13: {  	[smem:$0x3FAB] =	sst s0;
	s0 =	simm.s32 @!p1 $0x0  }
0x14: {  	s2 =	sld [smem:$0x3F8F];
	s0 =	simm.s32 @p1 $0x1  }
0x15: {  	[smem:$0x3FAC] =	sst s0;
	s0 =	simm.s32 @!p2 $0x0  }
0x16: {  	s3 =	sld [smem:$0x3FDB];
	s0 =	simm.s32 @p2 $0x1  }
0x17: {  	s4 =	simm.s32 $0x1BF5;
	[smem:$0x3FAE] =	sst s0  }
0x18: {  	s0 =	sld [smem:$0x3F91];
	_ =	swait.ge [sflag:s4], $0x0  }
0x19: {  	s7 =	sld [smem:$0x3F92]  }
0x1a: {  	s8 =	sadd.s32 $0xFFFFE003, lr  }
0x1b: {  	s9 =	sadd.s32 $0xFFFFFEF7, lr;
	s5 =	simm.s32 $0xFFFFFFFF;
	p2 =	slt.u32 s8, $0xFFFFF086  }
0x1c: {  	p1 =	slt.u32 s9, $0xF7A;
	s5 =	simm.s32 @!p2 $0x0  }
0x1d: {  	s5 =	simm.s32 @p1 $0x1;
	p0 =	seq.s32 s7, s2  }
0x1e: {  	s7 =	smul.u32 @!p0 $0xF7A, s2;
	p2 =	seq.s32 @!p0 s5, $0x0  }
0x1f: {  	s9 =	smul.u32 $0xF7A, s1;
	s8 =	simm.s32 @!p0 $0x1BF5;
	p2 =	por !p2, p0  }
0x20: {  	[sflag:s8] =	ssyncset.s32 @!p0 $0xFFFFF086;
	s6 =	sadd.s32 @!p0 s3, s7;
	s7 =	simm.s32 @!p0 $0x108  }
0x21: {  	s3 =	sadd.s32 s3, s9;
	s6 =	sadd.s32 @!p0 $0x88, s6;
	s7 =	simm.s32 @p2 $0x1082  }
0x22: {  	[simem:s7], [sflag:s8] =	dma.local @!p0 [hbm:s6], $0xF7A  }
0x23: {  	s9 =	sor.u32 $0xD0000000, s2;
	s6 =	simm.s32 $0x108;
	_ =	swait.ge @!p0 [sflag:s8], $0x0  }
0x24: {  	s3 =	sadd.s32 $0x88, s3;
	s6 =	simm.s32 @!p1 $0x1082;
	[sflag:s4] =	ssyncset.s32 $0xFFFFF086  }
0x25: {  	[simem:s6], [sflag:s4] =	dma.local [hbm:s3], $0xF7A  }
0x26: {  	[smem:$0x3F92] =	sst s1;
	(tag) =	ssettag s2;
	_ =	strace s9  }
0x27: {  	s1 =	sld [smem:$0x3FA2]  }
0x28: {  	s2 =	sld [smem:$0x3FA3]  }
0x29: {  	s4 =	sld [smem:$0x3FA5]  }
0x2a: {  	p0 =	seq.s32 s5, $0x0;
	s5 =	sld [smem:$0x3FA6]  }
0x2b: {  	s6 =	sld [smem:$0x3FA7]  }
0x2c: {  	s7 =	sld [smem:$0x3FA8]  }
0x2d: {  	s3 =	simm.s32 $0x108;
	s8 =	sld [smem:$0x3FA9]  }
0x2e: {  	s3 =	simm.s32 @!p0 $0x1082;
	s9 =	sld [smem:$0x3FAA]  }
0x2f: {  	lr =	sadd.s32 s0, s3;
	s0 =	sld [smem:$0x3FA1]  }
0x30: {  	s3 =	sld [smem:$0x3FA4]  }
0x31: {  	[smem:$0x3FAD] =	sst s10  }
0x32: {  	s10 =	sld [smem:$0x3FAB];
	_ =	sdelay $0x3  }
0x33: {  	p0 =	seq.s32 s10, $0x1;
	s10 =	sld [smem:$0x3FAD];
	_ =	sdelay $0x3  }
0x34: {  	[smem:$0x3FAD] =	sst s10  }
0x35: {  	s10 =	sld [smem:$0x3FAC];
	_ =	sdelay $0x3  }
0x36: {  	p1 =	seq.s32 s10, $0x1;
	s10 =	sld [smem:$0x3FAD];
	_ =	sdelay $0x3  }
0x37: {  	[smem:$0x3FAD] =	sst s10  }
0x38: {  	s10 =	sld [smem:$0x3FAE]  }
0x39: {  	_ = 	snop;
	(pc) =	sbr.ind lr, $3  }
0x3a: {  	_ = 	snop  }
0x3b: {  	_ = 	snop  }
0x3c: {  	p2 =	seq.s32 s10, $0x1;
	s10 =	sld [smem:$0x3FAD]  }
0x3d: {  	_ =	shalt  }
0x3e: {  	_ =	shalt  }
0x3f: {  	_ =	shalt  }
0x40: {  	_ =	shalt  }
0x41: {  	_ =	shalt  }
0x42: {  	_ =	shalt  }
0x43: {  	_ =	shalt  }
0x44: {  	_ =	shalt  }
0x45: {  	_ =	shalt  }
0x46: {  	_ =	shalt  }
0x47: {  	_ =	shalt  }
0x48: {  	_ =	shalt  }
0x49: {  	_ =	shalt  }
0x4a: {  	_ =	shalt  }
0x4b: {  	_ =	shalt  }
0x4c: {  	_ =	shalt  }
0x4d: {  	_ =	shalt  }
0x4e: {  	_ =	shalt  }
0x4f: {  	_ =	shalt  }
0x50: {  	_ =	shalt  }
0x51: {  	_ =	shalt  }
0x52: {  	_ =	shalt  }
0x53: {  	_ =	shalt  }
0x54: {  	_ =	shalt  }
0x55: {  	_ =	shalt  }
0x56: {  	_ =	shalt  }
0x57: {  	_ =	shalt  }
0x58: {  	_ =	shalt  }
0x59: {  	_ =	shalt  }
0x5a: {  	_ =	shalt  }
0x5b: {  	_ =	shalt  }
0x5c: {  	_ =	shalt  }
0x5d: {  	_ =	shalt  }
0x5e: {  	_ =	shalt  }
0x5f: {  	_ =	shalt  }
0x60: {  	_ =	shalt  }
0x61: {  	_ =	shalt  }
0x62: {  	_ =	shalt  }
0x63: {  	_ =	shalt  }
0x64: {  	_ =	shalt  }
0x65: {  	_ =	shalt  }
0x66: {  	_ =	shalt  }
0x67: {  	_ =	shalt  }
0x68: {  	_ =	shalt  }
0x69: {  	_ =	shalt  }
0x6a: {  	_ =	shalt  }
0x6b: {  	_ =	shalt  }
0x6c: {  	_ =	shalt  }
0x6d: {  	_ =	shalt  }
0x6e: {  	_ =	shalt  }
0x6f: {  	_ =	shalt  }
0x70: {  	_ =	shalt  }
0x71: {  	_ =	shalt  }
0x72: {  	_ =	shalt  }
0x73: {  	_ =	shalt  }
0x74: {  	_ =	shalt  }
0x75: {  	_ =	shalt  }
0x76: {  	_ =	shalt  }
0x77: {  	_ =	shalt  }
0x78: {  	_ =	shalt  }
0x79: {  	_ =	shalt  }
0x7a: {  	_ =	shalt  }
0x7b: {  	_ =	shalt  }
0x7c: {  	_ =	shalt  }
0x7d: {  	_ =	shalt  }
0x7e: {  	_ =	shalt  }
0x7f: {  	_ =	shalt  }
0x80: {  	_ =	shalt  }
0x81: {  	_ =	shalt  }
0x82: {  	_ =	shalt  }
0x83: {  	_ =	shalt  }
0x84: {  	_ =	shalt  }
0x85: {  	_ =	shalt  }
0x86: {  	_ =	shalt  }
0x87: {  	_ =	shalt  }
.Lfunc_end0:
.L_simem_size_0:
called_computation.3_lowered:
.L_overlay_start_0:
0x88: {  	s2 =	sld [smem:$0x3FD9]  }
0x89: {  	s3 =	sld [smem:$0x3FFE];
	_ =	sdelay $0x1  }
0x8a: {  	s1 =	srdreg.scid  }
0x8b: {  	s0 =	sand.u32 $0x1, s1  }
0x8c: {  	s14 =	sshll.u32 s0, $0xA;
	s2 =	sadd.s32 s3, s2  }
0x8d: {  	s2 =	sadd.s32 s2, s14  }
0x8e: {  	[smem:$0x3FB9] =	sst s2  }
0x8f: {  	_ = 	snop  }
0x90: {  	s2 =	sld [smem:$0x3FD0];
	_ =	sdelay $0x2  }
0x91: {  	s15 =	simm.s32 $0xA;
	s4 =	simm.s32 $0x10  }
0x92: {  	[smem:s4], [sflag:s15] =	dma.local [hbm:s2], $0x1  }
0x93: {  	_ =	swait.eq [sflag:s15], $0x1  }
0x94: {  	[sflag:s15] =	ssyncset.done $0x0  }
0x95: {  	s16 =	sld [smem:$0x10];
	[sflag:s15] =	ssyncadd.s32 $0xFFFFFFFF  }
0x96: {  	s17 =	sld [smem:$0x11];
	(tm) =	ssettm $0x1  }
0x97: {  	s18 =	sld [smem:$0x3FFB];
	_ =	sdelay $0x3  }
0x98: {  	_ =	strace s18  }
0x99: {  	s4 =	sld [smem:$0x3FFC];
	_ =	sdelay $0x3  }
0x9a: {  	_ =	strace s4  }
0x9b: {  	s4 =	sld [smem:$0x3FFD];
	_ =	sdelay $0x3  }
0x9c: {  	_ =	strace s4  }
0x9d: {  	_ =	strace $0x8FFFFFFF  }
0x9e: {  	s19 =	sld [smem:$0x3FDB];
	_ =	sdelay $0x1  }
0x9f: {  	s5 =	simm.s32 $_scs_section_size  }
0xa0: {  	s6 =	simm.s32 $_size__tile_overlayer_lowered;
	s7 =	simm.s32 $_tile_overlayer_lowered  }
0xa1: {  	s22 =	simm.s32 $0x1BFF;
	s21 =	sshll.u32 s7, $0x1;
	s4 =	sadd.s32 s5, s19  }
0xa2: {  	s8 =	simm.s32 $0x0;
	s20 =	sshll.u32 s6, $0x1;
	s6 =	sadd.s32 s21, s4  }
0xa3: {  	[timem:s8], [sflag:s22] =	dma.local [hbm:s6], s20  }
0xa4: {  	_ =	swait.ge [sflag:s22], s20  }
0xa5: {  	s5 =	ssub.s32 $0x0, s20;
	[sflag:s22] =	ssyncset.done $0x0  }
0xa6: {  	[sflag:s22] =	ssyncadd.s32 s5;
	_ =	sdelay $0x1  }
0xa7: {  	s23 =	simm.s32 $0x1B8B  }
0xa8: {  	_ =	swait.ge [sflag:s23], $0x1  }
0xa9: {  	[sflag:s23] =	ssyncset.done $0x0  }
0xaa: {  	s25 =	simm.s32 $0x1B8E;
	s24 =	sld [smem:$0x3FFE];
	[sflag:s23] =	ssyncadd.s32 $0xFFFFFFFF  }
0xab: {  	s26 =	simm.s32 $execute0_lowered;
	[smem:$0x3FD2] =	sst s25  }
0xac: {  	s6 =	sshll.u32 s26, $0x1;
	_ =	strace $0x8000004F;
	[dreg:$0x1] =	wrdreg $0xFFFFFFFF  }
0xad: {  	s28 =	simm.s32 $_size_execute0_lowered;
	s4 =	sadd.s32 s4, s6;
	[dreg:$0x0] =	wrdreg $0x0  }
0xae: {  	s6 =	sshll.u32 s28, $0x1;
	[dreg:$0x2] =	wrdreg s4  }
0xaf: {  	[dreg:$0x3] =	wrdreg s6  }
0xb0: {  	[dreg:$0x4] =	wrdreg $0xC0  }
0xb1: {  	_ =	task [dreg:s8], $0x5FFFF  }
0xb2: {  	[dreg:$0x1] =	wrdreg $0xFFFFFFFF  }
0xb3: {  	[dreg:$0x0] =	wrdreg $0x60  }
0xb4: {  	[dreg:$0x2] =	wrdreg s17  }
0xb5: {  	[dreg:$0x3] =	wrdreg s24  }
0xb6: {  	[dreg:$0x4] =	wrdreg s16  }
0xb7: {  	[dreg:$0x5] =	wrdreg $0xC6200  }
0xb8: {  	[dreg:$0x6] =	wrdreg $0x9  }
0xb9: {  	_ =	task.clear_ibuf [dreg:s8], $0x7FFFF;
	_ =	strace $0x9000004F  }
0xba: {  	s29 =	simm.s32 $0x9;
	_ =	strace $0x80000051  }
0xbb: {  	_ =	swait.ge [sflag:s29], $0x1  }
0xbc: {  	[sflag:s29] =	ssyncadd.s32 $0xFFFFFFFF  }
0xbd: {  	_ =	strace $0x90000051  }
0xbe: {  	_ =	sfence  }
0xbf: {  	s30 =	sld [smem:$0x0];
	_ =	sdelay $0x2  }
0xc0: {  	s31 =	sshll.u32 s1, $0xD;
	s1 =	sshrl.u32 s1, $0x2  }
0xc1: {  	s3 =	sand.u32 $0x4000, s31;
	s1 =	sadd.s32 s1, s30  }
0xc2: {  	s0 =	sor.u32 s3, s0;
	s1 =	sshll.u32 s1, $0x11  }
0xc3: {  	s0 =	sor.u32 s1, s0  }
0xc4: {  	s0 =	sadd.s32 $0x8F2B, s0  }
0xc5: {  	[sflag:s0] =	ssyncadd.remote.s32 $0x1  }
0xc6: {  	_ =	sfence.sel $0xFFFF  }
0xc7: {  	[dreg:$0x0] =	wrdreg $0xFFFFFFFF;
	(pc) =	sbr.abs _section_cstart, $3  }
0xc8: {  	[dreg:$0x1] =	wrdreg $0xFFFFFFFF  }
0xc9: {  	_ =	task.clear_ibuf [dreg:s8], $0x2FFFF;
	_ =	strace $0x9FFFFFFF  }
0xca: {  	(tm) =	ssettm $0x7FFFFFFF  }
0xcb: {  	_ =	shalt  }
tec
execute0_lowered:
.L_overlay_start_1:
0x0: {  	(tag) =	ssettag $0x1  }
0x1: {  	s1 =	rddreg [dreg:$0x0]  }
0x2: {  	s0 =	rddreg [dreg:$0x1]  }
0x3: {  	s2 =	rddreg [dreg:$0x2]  }
0x4: {  	s3 =	rddreg [dreg:$0x3];
	s4 =	simm.s32 $0x0  }
0x5: {  	s22 =	stileid.u32;
	s6 =	srdreg.scid;
	s28 =	simm.s32 $0x1  }
0x6: {  	s29 =	simm.s32 $0x3;
	s30 =	simm.s32 $0x9E20;
	s31 =	simm.s32 $0x2  }
0x7: {  	[smem:$0x7FF] =	sst s4;
	s7 =	smul.u32 $0x2710, s22;
	s5 =	sadd.s32 $0x114E800, s0  }
0x8: {  	s8 =	smul.u32 $0x9C00, s22;
	s9 =	sand.u32 $0x1, s6;
	s11 =	sadd.s32 $0x10400, s0  }
0x9: {  	s16 =	smul.u32 $0x270, s22;
	s23 =	sadd.s32 $0x9C000, s3;
	p0 =	sne.s32 s22, $0xF  }
0xa: {  	s22 =	simm.s32 $0xB220;
	_ =	strace $0x80000050;
	s10 =	smul.u32 $0x27100, s9  }
0xb: {  	s13 =	ssub.s32 $0x2, s9;
	s21 =	smul.u32 $0x2710, s9;
	[dreg:$0x8] =	wrdreg s23  }
0xc: {  	s25 =	smul.u32 $0x9C400, s9;
	s9 =	sor.u32 $0x2, s9;
	s19 =	sshrl.u32 s7, $0x3  }
0xd: {  	s20 =	sshrl.u32 s8, $0x3;
	s15 =	sshrl.u32 s13, $0x1;
	s8 =	sadd.s32 s8, s3  }
0xe: {  	s17 =	smul.u32 $0x27100, s9;
	s12 =	sadd.s32 s19, s0;
	s14 =	sadd.s32 s20, s0  }
0xf: {  	s6 =	sadd.s32 s7, s10;
	s13 =	ssub.s32 s13, s15;
	[dreg:$0x7] =	wrdreg s8  }
0x10: {  	s24 =	sadd.s32 s16, s21;
	s19 =	sshrl.u32 s25, $0x3;
	s20 =	smul.u32 $0x2710, s9  }
0x11: {  	s9 =	smul.u32 $0x9C400, s9;
	s10 =	sshrl.u32 s6, $0x3;
	s12 =	sadd.s32 $0x5600, s12  }
0x12: {  	s26 =	sshll.u32 s6, $0x3;
	s8 =	sshll.u32 s24, $0x3;
	[dreg:$0x5] =	wrdreg s12  }
0x13: {  	s10 =	sadd.s32 s11, s10;
	s12 =	sadd.s32 $0x519600, s0;
	s15 =	sadd.s32 s5, s26  }
0x14: {  	s18 =	sadd.s32 s2, s8;
	s0 =	sadd.s32 s2, s19;
	[dreg:$0x6] =	wrdreg s10  }
0x15: {  	s23 =	sadd.s32 s16, s20;
	s25 =	sshrl.u32 s9, $0x3;
	[dreg:$0x9] =	wrdreg s15  }
0x16: {  	s10 =	sadd.s32 $0x505E00, s14;
	[dreg:$0xa] =	wrdreg s18;
	s15 =	sadd.s32 s7, s17  }
0x17: {  	s0 =	sadd.s32 $0x13800, s0;
	s26 =	sadd.s32 s2, s25;
	s25 =	simm.s32 $0x4E20  }
.Ltmp0:
0x18: {  	s21 =	sshrl.u32 s15, $0x3;
	[dreg:$0xb] =	wrdreg s0;
	(pc) =	sbr.rel .LBB2_1-.Ltmp0, $4  }
0x19: {  	s24 =	sshll.u32 s15, $0x3;
	s0 =	sshll.u32 s23, $0x3;
	s20 =	sadd.s32 $0x13800, s26  }
0x1a: {  	s23 =	simm.s32 $0x5;
	s26 =	simm.s32 $0x7620;
	s17 =	sadd.s32 s11, s21  }
0x1b: {  	s18 =	sadd.s32 s5, s24;
	s19 =	sadd.s32 s2, s0;
	s21 =	smax.u32 s13, $0x1  }
0x1c: {  	s24 =	simm.s32 $0x50;
	s0 =	simm.s32 $0x4;
	s2 =	simm.s32 $0x0  }
.LBB2_19:
0x1d: {  	[bflag:$0x0] =	sbarrier.arrive $0xFFFF  }
0x1e: {  	[hbm:s19], [sflag:s7] =	dma.local [spmem:s8], $0x1380  }
0x1f: {  	_ =	swait.ge [sflag:s23], $0x1380  }
0x20: {  	s2 =	sadd.s32 $0x1, s2;
	[sflag:s23] =	ssyncset.done $0x0  }
0x21: {  	p1 =	sne.s32 s2, s21;
	[sflag:s23] =	ssyncadd.s32 $0xFFFFEC80  }
0x22: {  	[hbm:s20], [sflag:s7] =	dma.local @!p0 [spmem:s9], $0x80  }
.Ltmp1:
0x23: {  	_ = 	snop;
	(pc) =	sbr.rel @!p1 .LBB2_20-.Ltmp1, $4  }
0x24: {  	s7 =	simm.s32 @!p0 $0x5  }
0x25: {  	_ =	swait.ge @!p0 [sflag:s7], $0x80  }
0x26: {  	[sflag:s7] =	ssyncset.done @!p0 $0x0  }
0x27: {  	[sflag:s7] =	ssyncadd.s32 @!p0 $0xFFFFFF80  }
.LBB2_1:
0x28: {  	s7 =	rddreg [dreg:$0x5];
	s8 =	simm.s32 $0x2710  }
0x29: {  	[tilespmem:s8], [sflag:$0x5] =	stream.linear.gather [hbm4b:s7+s4], $0x2710, $0x38;
	[tilespmem:$0x16260] =	vst v63  }
0x2a: {  	_ =	swait.ge [sflag:s23], $0x2710  }
0x2b: {  	[sflag:s23] =	ssyncset.done $0x0  }
0x2c: {  	s11 =	rddreg [dreg:$0x6];
	[sflag:s23] =	ssyncadd.s32 $0xFFFFD8F0  }
0x2d: {  	[tilespmem:s4], [sflag:$0x5] =	stream.linear.gather [hbm4b:s11+s4], $0x2710, $0x38;
	[tilespmem:$0x16260] =	vst v63  }
0x2e: {  	s13 =	stileid.u32;
	_ =	swait.ge [sflag:s23], $0x2710  }
0x2f: {  	s7 =	sshll.u32 s13, $0x6;
	[sflag:s23] =	ssyncset.done $0x0;
	s14 =	rddreg [dreg:$0x7]  }
0x30: {  	s7 =	sor.u32 $0x1C05, s7;
	[sflag:s23] =	ssyncadd.s32 $0xFFFFD8F0;
	s8 =	sshrl.u32 s14, $0x3  }
0x31: {  	[spmem:s8], [sflag:s7] =	dma.local [hbm:s10], $0x1380  }
0x32: {  	_ =	swait.ge [sflag:s23], $0x1380  }
0x33: {  	[sflag:s23] =	ssyncset.done $0x0;
	s9 =	rddreg [dreg:$0x8]  }
0x34: {  	s11 =	simm.s32 @!p0 $0x5;
	[sflag:s23] =	ssyncadd.s32 $0xFFFFEC80;
	s9 =	sshrl.u32 @!p0 s9, $0x3  }
0x35: {  	[spmem:s9], [sflag:s7] =	dma.local @!p0 [hbm:s12], $0x80  }
0x36: {  	_ =	swait.ge @!p0 [sflag:s11], $0x80  }
0x37: {  	[sflag:s11] =	ssyncset.done @!p0 $0x0  }
0x38: {  	[sflag:s11] =	ssyncadd.s32 @!p0 $0xFFFFFF80  }
0x39: {  	[tilespmem:s25], [sflag:$0x1] =	stream.indirect.gather [hbm4b:s1+s24], $0x40, s4, s24, $0xb8;
	[tilespmem:$0x16260] =	vst v63  }
.Ltmp2:
0x3a: {  	_ = 	snop;
	(pc) =	sbr.rel .LBB2_2-.Ltmp2, $4  }
0x3b: {  	s16 =	rddreg [dreg:$0x9]  }
0x3c: {  	[tilespmem:s26], [sflag:$0x3] =	stream.linear.gather [hbm4b:s16+s4], $0x1400, $0x38;
	[tilespmem:$0x16260] =	vst v63  }
0x3d: {  	[bflag:$0x0] =	sbarrier.arrive $0xFFFF  }
0x3e: {  	s11 =	simm.s32 $0x0  }
.LBB2_8:
0x3f: {  	v7 =	vld [tilespmem:s13+$0x8A50];
	[tilespmem:s14+$0xB250] =	vst v6  }
0x40: {  	v5 =	vmax.f32 v5, $0.0e+00;
	v1 =	vadd.f32 v4, v1;
	v6 =	vld [tilespmem:s13+$0x6220]  }
0x41: {  	v8 =	vld [tilespmem:s13+$0x8A20];
	[tilespmem:s14+$0xB220] =	vst v5  }
0x42: {  	v57 =	vld [tilespmem:s13+$0x6230];
	v1 =	vmax.f32 v1, $0.0e+00  }
0x43: {  	v5 =	vld [tilespmem:s13+$0x8A30];
	[tilespmem:s14+$0xB230] =	vst v1  }
0x44: {  	v1 =	vld [tilespmem:s13+$0x6240]  }
0x45: {  	v9 =	vld [tilespmem:s13+$0x8A40]  }
0x46: {  	v0 =	vadd.f32 v3, v0  }
0x47: {  	v2 =	vadd.f32 v7, v2  }
0x48: {  	v0 =	vmax.f32 v0, $0.0e+00;
	v58 =	vadd.f32 v8, v6  }
0x49: {  	[tilespmem:s14+$0xB240] =	vst v0;
	v59 =	vmax.f32 v2, $0.0e+00;
	v60 =	vadd.f32 v5, v57  }
0x4a: {  	s16 =	smul.u32 $0x140, s11;
	[tilespmem:s13+$0xB250] =	vst v59;
	v61 =	vmax.f32 v58, $0.0e+00;
	v1 =	vadd.f32 v9, v1  }
0x4b: {  	[tilespmem:s13+$0xB220] =	vst v61;
	v62 =	vmax.f32 v60, $0.0e+00  }
0x4c: {  	s14 =	sshra.s32 s16, $0x2;
	[tilespmem:s13+$0xB230] =	vst v62;
	v63 =	vmax.f32 v1, $0.0e+00  }
0x4d: {  	s16 =	sadd.s32 $0x2710, s14;
	[tilespmem:s13+$0xB240] =	vst v63;
	s13 =	simm.s32 $0x5  }
0x4e: {  	[spmem:s3] =	stream.indirect.scatter.add.f32 [tilespmem:s22], [sflag:$0x5], $0x40, s16, s24, $0xb8;
	[tilespmem:$0x16260] =	vst v63  }
.LBB2_9:
0x4f: {  	s11 =	sadd.s32 $0x1, s11  }
0x50: {  	p1 =	sne.s32 s11, $0x7D  }
.Ltmp3:
0x51: {  	_ = 	snop;
	(pc) =	sbr.rel @!p1 .LBB2_10-.Ltmp3, $4  }
0x52: {  	_ = 	snop  }
0x53: {  	_ =	swait.ge [sflag:s13], $0x1400  }
0x54: {  	[sflag:s13] =	ssyncset.done $0x0  }
0x55: {  	[sflag:s13] =	ssyncadd.s32 $0xFFFFEC00  }
.LBB2_2:
0x56: {  	s13 =	sand.u32 $0x1, s11  }
0x57: {  	p1 =	seq.s32 s13, $0x1  }
.Ltmp4:
0x58: {  	_ = 	snop;
	(pc) =	sbr.rel @p1 .LBB2_6-.Ltmp4, $1  }
0x59: {  	_ =	sdelay $0x3  }
0x5a: {  	s13 =	sor.u32 $0x1, s11  }
0x5b: {  	p1 =	sgt.u32 s13, $0x7C  }
0x5c: {  	s13 =	smul.u32 @!p1 $0x50, s13  }
0x5d: {  	s14 =	simm.s32 @!p1 $0x50;
	s16 =	simm.s32 @!p1 $0x6220  }
0x5e: {  	[tilespmem:s16], [sflag:$0x2] =	stream.indirect.gather @!p1 [hbm4b:s1+s14], $0x40, s13, s14, $0xb8;
	[tilespmem:$0x16260] =	vst v63  }
0x5f: {  	s13 =	sadd.s32 @!p1 s6, s13  }
0x60: {  	s13 =	sshll.u32 @!p1 s13, $0x3  }
0x61: {  	s14 =	simm.s32 @!p1 $0x0;
	s16 =	simm.s32 @!p1 $0x8A20;
	s13 =	sadd.s32 @!p1 s5, s13  }
0x62: {  	[tilespmem:s16], [sflag:$0x4] =	stream.linear.gather @!p1 [hbm4b:s13+s14], $0x1400, $0x38;
	[tilespmem:$0x16260] =	vst v63  }
0x63: {  	_ =	swait.ge [sflag:s28], $0x1400  }
0x64: {  	[sflag:s28] =	ssyncset.done $0x0  }
0x65: {  	[sflag:s28] =	ssyncadd.s32 $0xFFFFEC00  }
0x66: {  	_ =	swait.ge [sflag:s29], $0x1400  }
0x67: {  	[sflag:s29] =	ssyncset.done $0x0  }
0x68: {  	s14 =	simm.s32 $0x0;
	[sflag:s29] =	ssyncadd.s32 $0xFFFFEC00  }
0x69: {  	v2 =	vld [tilespmem:s14+$0x4E50]  }
0x6a: {  	v3 =	vld [tilespmem:s14+$0x7650]  }
0x6b: {  	v5 =	vld [tilespmem:s14+$0x4E20]  }
0x6c: {  	v6 =	vld [tilespmem:s14+$0x7620]  }
0x6d: {  	v1 =	vld [tilespmem:s14+$0x4E30]  }
0x6e: {  	v4 =	vld [tilespmem:s14+$0x7630]  }
0x6f: {  	v0 =	vld [tilespmem:s14+$0x4E40];
	v7 =	vadd.f32 v3, v2  }
0x70: {  	s13 =	simm.s32 $0x40;
	v3 =	vld [tilespmem:s14+$0x7640]  }
0x71: {  	s16 =	simm.s32 $0x200;
	v2 =	vld [tilespmem:s13+$0x4E50];
	v5 =	vadd.f32 v6, v5;
	v6 =	vmax.f32 v7, $0.0e+00  }
.LBB2_4:
0x72: {  	p1 =	sne.s32 s16, $0x4F00;
	v7 =	vld [tilespmem:s13+$0x7650];
	[tilespmem:s14+$0x9E50] =	vst v6  }
0x73: {  	v6 =	vld [tilespmem:s13+$0x4E20];
	v5 =	vmax.f32 v5, $0.0e+00;
	v4 =	vadd.f32 v4, v1  }
0x74: {  	v8 =	vld [tilespmem:s13+$0x7620];
	[tilespmem:s14+$0x9E20] =	vst v5  }
.Ltmp5:
0x75: {  	v1 =	vld [tilespmem:s13+$0x4E30];
	v5 =	vmax.f32 v4, $0.0e+00;
	v3 =	vadd.f32 v3, v0;
	(pc) =	sbr.rel @p1 .LBB2_4-.Ltmp5, $4  }
0x76: {  	v4 =	vld [tilespmem:s13+$0x7630];
	[tilespmem:s14+$0x9E30] =	vst v5  }
0x77: {  	v0 =	vld [tilespmem:s13+$0x4E40];
	v7 =	vadd.f32 v7, v2;
	v2 =	vmax.f32 v3, $0.0e+00  }
0x78: {  	v3 =	vld [tilespmem:s13+$0x7640];
	[tilespmem:s14+$0x9E40] =	vst v2;
	s14 =	smov.u32 s13;
	s13 =	sshra.s32 s16, $0x2  }
0x79: {  	s16 =	sadd.s32 $0x100, s16;
	v2 =	vld [tilespmem:s13+$0x4E50];
	v5 =	vadd.f32 v8, v6;
	v6 =	vmax.f32 v7, $0.0e+00  }
0x7a: {  	v7 =	vld [tilespmem:s13+$0x7650];
	[tilespmem:s14+$0x9E50] =	vst v6  }
0x7b: {  	v6 =	vld [tilespmem:s13+$0x4E20];
	v5 =	vmax.f32 v5, $0.0e+00;
	v1 =	vadd.f32 v4, v1  }
0x7c: {  	v8 =	vld [tilespmem:s13+$0x7620];
	[tilespmem:s14+$0x9E20] =	vst v5  }
0x7d: {  	v57 =	vld [tilespmem:s13+$0x4E30];
	v1 =	vmax.f32 v1, $0.0e+00  }
0x7e: {  	v5 =	vld [tilespmem:s13+$0x7630];
	[tilespmem:s14+$0x9E30] =	vst v1  }
0x7f: {  	v1 =	vld [tilespmem:s13+$0x4E40]  }
0x80: {  	v9 =	vld [tilespmem:s13+$0x7640]  }
0x81: {  	v0 =	vadd.f32 v3, v0  }
0x82: {  	v2 =	vadd.f32 v7, v2  }
0x83: {  	v0 =	vmax.f32 v0, $0.0e+00;
	v58 =	vadd.f32 v8, v6  }
0x84: {  	s16 =	smul.u32 $0x140, s11;
	[tilespmem:s14+$0x9E40] =	vst v0;
	v59 =	vmax.f32 v2, $0.0e+00;
	v60 =	vadd.f32 v5, v57  }
.Ltmp6:
0x85: {  	[tilespmem:s13+$0x9E50] =	vst v59;
	v61 =	vmax.f32 v58, $0.0e+00;
	v1 =	vadd.f32 v9, v1;
	(pc) =	sbr.rel .LBB2_9-.Ltmp6, $4  }
0x86: {  	[tilespmem:s13+$0x9E20] =	vst v61;
	v62 =	vmax.f32 v60, $0.0e+00  }
0x87: {  	s14 =	sshra.s32 s16, $0x2;
	[tilespmem:s13+$0x9E30] =	vst v62;
	v63 =	vmax.f32 v1, $0.0e+00  }
0x88: {  	s16 =	sadd.s32 $0x2710, s14;
	[tilespmem:s13+$0x9E40] =	vst v63;
	s13 =	simm.s32 $0x6  }
0x89: {  	[spmem:s3] =	stream.indirect.scatter.add.f32 [tilespmem:s30], [sflag:$0x6], $0x40, s16, s24, $0xb8;
	[tilespmem:$0x16260] =	vst v63  }
.LBB2_6:
0x8a: {  	s13 =	smul.u32 $0x50, s11;
	_ =	sdelay $0x1  }
0x8b: {  	s13 =	sadd.s32 $0x50, s13  }
0x8c: {  	[tilespmem:s25], [sflag:$0x1] =	stream.indirect.gather [hbm4b:s1+s24], $0x40, s13, s24, $0xb8;
	[tilespmem:$0x16260] =	vst v63  }
0x8d: {  	s13 =	sadd.s32 s6, s13  }
0x8e: {  	s13 =	sshll.u32 s13, $0x3  }
0x8f: {  	s14 =	simm.s32 $0x0;
	s13 =	sadd.s32 s5, s13  }
0x90: {  	[tilespmem:s26], [sflag:$0x3] =	stream.linear.gather [hbm4b:s13+s14], $0x1400, $0x38;
	[tilespmem:$0x16260] =	vst v63  }
0x91: {  	_ =	swait.ge [sflag:s31], $0x1400  }
0x92: {  	[sflag:s31] =	ssyncset.done $0x0  }
0x93: {  	[sflag:s31] =	ssyncadd.s32 $0xFFFFEC00  }
0x94: {  	_ =	swait.ge [sflag:s0], $0x1400  }
0x95: {  	[sflag:s0] =	ssyncset.done $0x0  }
0x96: {  	s14 =	simm.s32 $0x0;
	[sflag:s0] =	ssyncadd.s32 $0xFFFFEC00  }
0x97: {  	v2 =	vld [tilespmem:s14+$0x6250]  }
0x98: {  	v3 =	vld [tilespmem:s14+$0x8A50]  }
0x99: {  	v5 =	vld [tilespmem:s14+$0x6220]  }
0x9a: {  	v6 =	vld [tilespmem:s14+$0x8A20]  }
0x9b: {  	v1 =	vld [tilespmem:s14+$0x6230]  }
0x9c: {  	v4 =	vld [tilespmem:s14+$0x8A30]  }
0x9d: {  	v0 =	vld [tilespmem:s14+$0x6240];
	v7 =	vadd.f32 v3, v2  }
0x9e: {  	s13 =	simm.s32 $0x40;
	v3 =	vld [tilespmem:s14+$0x8A40]  }
0x9f: {  	s16 =	simm.s32 $0x200;
	v2 =	vld [tilespmem:s13+$0x6250];
	v5 =	vadd.f32 v6, v5;
	v6 =	vmax.f32 v7, $0.0e+00  }
.LBB2_7:
0xa0: {  	p1 =	sne.s32 s16, $0x4F00;
	v7 =	vld [tilespmem:s13+$0x8A50];
	[tilespmem:s14+$0xB250] =	vst v6  }
0xa1: {  	v5 =	vmax.f32 v5, $0.0e+00;
	v4 =	vadd.f32 v4, v1;
	v6 =	vld [tilespmem:s13+$0x6220]  }
0xa2: {  	v8 =	vld [tilespmem:s13+$0x8A20];
	[tilespmem:s14+$0xB220] =	vst v5  }
.Ltmp7:
0xa3: {  	v3 =	vadd.f32 v3, v0;
	v5 =	vmax.f32 v4, $0.0e+00;
	v1 =	vld [tilespmem:s13+$0x6230];
	(pc) =	sbr.rel @p1 .LBB2_7-.Ltmp7, $4  }
0xa4: {  	v4 =	vld [tilespmem:s13+$0x8A30];
	[tilespmem:s14+$0xB230] =	vst v5  }
0xa5: {  	v0 =	vld [tilespmem:s13+$0x6240];
	v7 =	vadd.f32 v7, v2;
	v2 =	vmax.f32 v3, $0.0e+00  }
0xa6: {  	v3 =	vld [tilespmem:s13+$0x8A40];
	[tilespmem:s14+$0xB240] =	vst v2;
	s14 =	smov.u32 s13;
	s13 =	sshra.s32 s16, $0x2  }
0xa7: {  	s16 =	sadd.s32 $0x100, s16;
	v2 =	vld [tilespmem:s13+$0x6250];
	v5 =	vadd.f32 v8, v6;
	v6 =	vmax.f32 v7, $0.0e+00  }
.Ltmp8:
0xa8: {  	_ = 	snop;
	(pc) =	sbr.rel .LBB2_8-.Ltmp8, $1  }
0xa9: {  	_ =	sdelay $0x3  }
.LBB2_10:
0xaa: {  	[bflag:$0x0] =	sbarrier.arrive $0xFFFF  }
0xab: {  	s11 =	rddreg [dreg:$0xa]  }
0xac: {  	[hbm:s11], [sflag:s7] =	dma.local [spmem:s8], $0x1380  }
0xad: {  	_ =	swait.ge [sflag:s23], $0x1380  }
0xae: {  	[sflag:s23] =	ssyncset.done $0x0  }
0xaf: {  	s11 =	rddreg [dreg:$0xb];
	[sflag:s23] =	ssyncadd.s32 $0xFFFFEC80  }
0xb0: {  	[hbm:s11], [sflag:s7] =	dma.local @!p0 [spmem:s9], $0x80  }
0xb1: {  	s11 =	simm.s32 @!p0 $0x5  }
0xb2: {  	_ =	swait.ge @!p0 [sflag:s11], $0x80  }
0xb3: {  	[sflag:s11] =	ssyncset.done @!p0 $0x0  }
0xb4: {  	[sflag:s11] =	ssyncadd.s32 @!p0 $0xFFFFFF80  }
0xb5: {  	[tilespmem:s4], [sflag:$0x5] =	stream.linear.gather [hbm4b:s17+s4], $0x2710, $0x38;
	[tilespmem:$0x16260] =	vst v63  }
0xb6: {  	_ =	swait.ge [sflag:s23], $0x2710  }
0xb7: {  	[sflag:s23] =	ssyncset.done $0x0  }
0xb8: {  	[sflag:s23] =	ssyncadd.s32 $0xFFFFD8F0  }
0xb9: {  	[spmem:s8], [sflag:s7] =	dma.local [hbm:s10], $0x1380  }
0xba: {  	_ =	swait.ge [sflag:s23], $0x1380  }
0xbb: {  	[sflag:s23] =	ssyncset.done $0x0  }
0xbc: {  	[sflag:s23] =	ssyncadd.s32 $0xFFFFEC80  }
0xbd: {  	[spmem:s9], [sflag:s7] =	dma.local @!p0 [hbm:s12], $0x80  }
0xbe: {  	_ =	swait.ge @!p0 [sflag:s11], $0x80  }
0xbf: {  	[sflag:s11] =	ssyncset.done @!p0 $0x0  }
0xc0: {  	[sflag:s11] =	ssyncadd.s32 @!p0 $0xFFFFFF80;
	s11 =	simm.s32 $0x0  }
0xc1: {  	[tilespmem:s25], [sflag:$0x1] =	stream.indirect.gather [hbm4b:s1+s24], $0x40, s11, s24, $0xb8;
	[tilespmem:$0x16260] =	vst v63  }
.Ltmp9:
0xc2: {  	_ = 	snop;
	(pc) =	sbr.rel .LBB2_11-.Ltmp9, $3  }
0xc3: {  	_ = 	snop  }
0xc4: {  	[tilespmem:s26], [sflag:$0x3] =	stream.linear.gather [hbm4b:s18+s11], $0x1400, $0x38;
	[tilespmem:$0x16260] =	vst v63  }
0xc5: {  	[bflag:$0x0] =	sbarrier.arrive $0xFFFF;
	_ =	sdelay $0x1  }
.LBB2_17:
0xc6: {  	v7 =	vld [tilespmem:s13+$0x8A50];
	[tilespmem:s14+$0xB250] =	vst v6  }
0xc7: {  	v5 =	vmax.f32 v5, $0.0e+00;
	v1 =	vadd.f32 v4, v1;
	v6 =	vld [tilespmem:s13+$0x6220]  }
0xc8: {  	v8 =	vld [tilespmem:s13+$0x8A20];
	[tilespmem:s14+$0xB220] =	vst v5  }
0xc9: {  	v57 =	vld [tilespmem:s13+$0x6230];
	v1 =	vmax.f32 v1, $0.0e+00  }
0xca: {  	v5 =	vld [tilespmem:s13+$0x8A30];
	[tilespmem:s14+$0xB230] =	vst v1  }
0xcb: {  	v1 =	vld [tilespmem:s13+$0x6240]  }
0xcc: {  	v9 =	vld [tilespmem:s13+$0x8A40]  }
0xcd: {  	v0 =	vadd.f32 v3, v0  }
0xce: {  	v2 =	vadd.f32 v7, v2  }
0xcf: {  	v0 =	vmax.f32 v0, $0.0e+00;
	v58 =	vadd.f32 v8, v6  }
0xd0: {  	[tilespmem:s14+$0xB240] =	vst v0;
	v59 =	vmax.f32 v2, $0.0e+00;
	v60 =	vadd.f32 v5, v57  }
0xd1: {  	s16 =	smul.u32 $0x140, s11;
	[tilespmem:s13+$0xB250] =	vst v59;
	v61 =	vmax.f32 v58, $0.0e+00;
	v1 =	vadd.f32 v9, v1  }
0xd2: {  	[tilespmem:s13+$0xB220] =	vst v61;
	v62 =	vmax.f32 v60, $0.0e+00  }
0xd3: {  	s14 =	sshra.s32 s16, $0x2;
	[tilespmem:s13+$0xB230] =	vst v62;
	v63 =	vmax.f32 v1, $0.0e+00  }
0xd4: {  	s16 =	sadd.s32 $0x2710, s14;
	[tilespmem:s13+$0xB240] =	vst v63;
	s13 =	simm.s32 $0x5  }
0xd5: {  	[spmem:s3] =	stream.indirect.scatter.add.f32 [tilespmem:s22], [sflag:$0x5], $0x40, s16, s24, $0xb8;
	[tilespmem:$0x16260] =	vst v63  }
.LBB2_18:
0xd6: {  	s11 =	sadd.s32 $0x1, s11  }
0xd7: {  	p1 =	sne.s32 s11, $0x7D  }
.Ltmp10:
0xd8: {  	_ = 	snop;
	(pc) =	sbr.rel @!p1 .LBB2_19-.Ltmp10, $4  }
0xd9: {  	_ = 	snop  }
0xda: {  	_ =	swait.ge [sflag:s13], $0x1400  }
0xdb: {  	[sflag:s13] =	ssyncset.done $0x0  }
0xdc: {  	[sflag:s13] =	ssyncadd.s32 $0xFFFFEC00  }
.LBB2_11:
0xdd: {  	s13 =	sand.u32 $0x1, s11  }
0xde: {  	p1 =	seq.s32 s13, $0x1  }
.Ltmp11:
0xdf: {  	_ = 	snop;
	(pc) =	sbr.rel @p1 .LBB2_15-.Ltmp11, $1  }
0xe0: {  	_ =	sdelay $0x3  }
0xe1: {  	s13 =	sor.u32 $0x1, s11  }
0xe2: {  	p1 =	sgt.u32 s13, $0x7C  }
0xe3: {  	s13 =	smul.u32 @!p1 $0x50, s13  }
0xe4: {  	s14 =	simm.s32 @!p1 $0x50;
	s16 =	simm.s32 @!p1 $0x6220  }
0xe5: {  	[tilespmem:s16], [sflag:$0x2] =	stream.indirect.gather @!p1 [hbm4b:s1+s14], $0x40, s13, s14, $0xb8;
	[tilespmem:$0x16260] =	vst v63  }
0xe6: {  	s13 =	sadd.s32 @!p1 s15, s13  }
0xe7: {  	s13 =	sshll.u32 @!p1 s13, $0x3  }
0xe8: {  	s13 =	sand.u32 @!p1 $0x1FFFFF80, s13  }
0xe9: {  	s14 =	simm.s32 @!p1 $0x0;
	s16 =	simm.s32 @!p1 $0x8A20;
	s13 =	sadd.s32 @!p1 s5, s13  }
0xea: {  	[tilespmem:s16], [sflag:$0x4] =	stream.linear.gather @!p1 [hbm4b:s13+s14], $0x1400, $0x38;
	[tilespmem:$0x16260] =	vst v63  }
0xeb: {  	_ =	swait.ge [sflag:s28], $0x1400  }
0xec: {  	[sflag:s28] =	ssyncset.done $0x0  }
0xed: {  	[sflag:s28] =	ssyncadd.s32 $0xFFFFEC00  }
0xee: {  	_ =	swait.ge [sflag:s29], $0x1400  }
0xef: {  	[sflag:s29] =	ssyncset.done $0x0  }
0xf0: {  	s14 =	simm.s32 $0x0;
	[sflag:s29] =	ssyncadd.s32 $0xFFFFEC00  }
0xf1: {  	v2 =	vld [tilespmem:s14+$0x4E50]  }
0xf2: {  	v3 =	vld [tilespmem:s14+$0x7650]  }
0xf3: {  	v5 =	vld [tilespmem:s14+$0x4E20]  }
0xf4: {  	v6 =	vld [tilespmem:s14+$0x7620]  }
0xf5: {  	v1 =	vld [tilespmem:s14+$0x4E30]  }
0xf6: {  	v4 =	vld [tilespmem:s14+$0x7630]  }
0xf7: {  	v0 =	vld [tilespmem:s14+$0x4E40];
	v7 =	vadd.f32 v3, v2  }
0xf8: {  	s13 =	simm.s32 $0x40;
	v3 =	vld [tilespmem:s14+$0x7640]  }
0xf9: {  	s16 =	simm.s32 $0x200;
	v2 =	vld [tilespmem:s13+$0x4E50];
	v5 =	vadd.f32 v6, v5;
	v6 =	vmax.f32 v7, $0.0e+00  }
.LBB2_13:
0xfa: {  	p1 =	sne.s32 s16, $0x4F00;
	v7 =	vld [tilespmem:s13+$0x7650];
	[tilespmem:s14+$0x9E50] =	vst v6  }
0xfb: {  	v6 =	vld [tilespmem:s13+$0x4E20];
	v5 =	vmax.f32 v5, $0.0e+00;
	v4 =	vadd.f32 v4, v1  }
0xfc: {  	v8 =	vld [tilespmem:s13+$0x7620];
	[tilespmem:s14+$0x9E20] =	vst v5  }
.Ltmp12:
0xfd: {  	v1 =	vld [tilespmem:s13+$0x4E30];
	v5 =	vmax.f32 v4, $0.0e+00;
	v3 =	vadd.f32 v3, v0;
	(pc) =	sbr.rel @p1 .LBB2_13-.Ltmp12, $4  }
0xfe: {  	v4 =	vld [tilespmem:s13+$0x7630];
	[tilespmem:s14+$0x9E30] =	vst v5  }
0xff: {  	v0 =	vld [tilespmem:s13+$0x4E40];
	v7 =	vadd.f32 v7, v2;
	v2 =	vmax.f32 v3, $0.0e+00  }
0x100: {  	v3 =	vld [tilespmem:s13+$0x7640];
	[tilespmem:s14+$0x9E40] =	vst v2;
	s14 =	smov.u32 s13;
	s13 =	sshra.s32 s16, $0x2  }
0x101: {  	s16 =	sadd.s32 $0x100, s16;
	v2 =	vld [tilespmem:s13+$0x4E50];
	v5 =	vadd.f32 v8, v6;
	v6 =	vmax.f32 v7, $0.0e+00  }
0x102: {  	v7 =	vld [tilespmem:s13+$0x7650];
	[tilespmem:s14+$0x9E50] =	vst v6  }
0x103: {  	v6 =	vld [tilespmem:s13+$0x4E20];
	v5 =	vmax.f32 v5, $0.0e+00;
	v1 =	vadd.f32 v4, v1  }
0x104: {  	v8 =	vld [tilespmem:s13+$0x7620];
	[tilespmem:s14+$0x9E20] =	vst v5  }
0x105: {  	v57 =	vld [tilespmem:s13+$0x4E30];
	v1 =	vmax.f32 v1, $0.0e+00  }
0x106: {  	v5 =	vld [tilespmem:s13+$0x7630];
	[tilespmem:s14+$0x9E30] =	vst v1  }
0x107: {  	v1 =	vld [tilespmem:s13+$0x4E40]  }
0x108: {  	v9 =	vld [tilespmem:s13+$0x7640]  }
0x109: {  	v0 =	vadd.f32 v3, v0  }
0x10a: {  	v2 =	vadd.f32 v7, v2  }
0x10b: {  	v0 =	vmax.f32 v0, $0.0e+00;
	v58 =	vadd.f32 v8, v6  }
0x10c: {  	s16 =	smul.u32 $0x140, s11;
	[tilespmem:s14+$0x9E40] =	vst v0;
	v59 =	vmax.f32 v2, $0.0e+00;
	v60 =	vadd.f32 v5, v57  }
.Ltmp13:
0x10d: {  	[tilespmem:s13+$0x9E50] =	vst v59;
	v61 =	vmax.f32 v58, $0.0e+00;
	v1 =	vadd.f32 v9, v1;
	(pc) =	sbr.rel .LBB2_18-.Ltmp13, $4  }
0x10e: {  	[tilespmem:s13+$0x9E20] =	vst v61;
	v62 =	vmax.f32 v60, $0.0e+00  }
0x10f: {  	s14 =	sshra.s32 s16, $0x2;
	[tilespmem:s13+$0x9E30] =	vst v62;
	v63 =	vmax.f32 v1, $0.0e+00  }
0x110: {  	s16 =	sadd.s32 $0x2710, s14;
	[tilespmem:s13+$0x9E40] =	vst v63;
	s13 =	simm.s32 $0x6  }
0x111: {  	[spmem:s3] =	stream.indirect.scatter.add.f32 [tilespmem:s30], [sflag:$0x6], $0x40, s16, s24, $0xb8;
	[tilespmem:$0x16260] =	vst v63  }
.LBB2_15:
0x112: {  	s13 =	smul.u32 $0x50, s11;
	_ =	sdelay $0x1  }
0x113: {  	s13 =	sadd.s32 $0x50, s13  }
0x114: {  	[tilespmem:s25], [sflag:$0x1] =	stream.indirect.gather [hbm4b:s1+s24], $0x40, s13, s24, $0xb8;
	[tilespmem:$0x16260] =	vst v63  }
0x115: {  	s13 =	sadd.s32 s15, s13  }
0x116: {  	s13 =	sshll.u32 s13, $0x3  }
0x117: {  	s13 =	sand.u32 $0x1FFFFF80, s13  }
0x118: {  	s14 =	simm.s32 $0x0;
	s13 =	sadd.s32 s5, s13  }
0x119: {  	[tilespmem:s26], [sflag:$0x3] =	stream.linear.gather [hbm4b:s13+s14], $0x1400, $0x38;
	[tilespmem:$0x16260] =	vst v63  }
0x11a: {  	_ =	swait.ge [sflag:s31], $0x1400  }
0x11b: {  	[sflag:s31] =	ssyncset.done $0x0  }
0x11c: {  	[sflag:s31] =	ssyncadd.s32 $0xFFFFEC00  }
0x11d: {  	_ =	swait.ge [sflag:s0], $0x1400  }
0x11e: {  	[sflag:s0] =	ssyncset.done $0x0  }
0x11f: {  	s14 =	simm.s32 $0x0;
	[sflag:s0] =	ssyncadd.s32 $0xFFFFEC00  }
0x120: {  	v2 =	vld [tilespmem:s14+$0x6250]  }
0x121: {  	v3 =	vld [tilespmem:s14+$0x8A50]  }
0x122: {  	v5 =	vld [tilespmem:s14+$0x6220]  }
0x123: {  	v6 =	vld [tilespmem:s14+$0x8A20]  }
0x124: {  	v1 =	vld [tilespmem:s14+$0x6230]  }
0x125: {  	v4 =	vld [tilespmem:s14+$0x8A30]  }
0x126: {  	v0 =	vld [tilespmem:s14+$0x6240];
	v7 =	vadd.f32 v3, v2  }
0x127: {  	s13 =	simm.s32 $0x40;
	v3 =	vld [tilespmem:s14+$0x8A40]  }
0x128: {  	s16 =	simm.s32 $0x200;
	v2 =	vld [tilespmem:s13+$0x6250];
	v5 =	vadd.f32 v6, v5;
	v6 =	vmax.f32 v7, $0.0e+00  }
.LBB2_16:
0x129: {  	p1 =	sne.s32 s16, $0x4F00;
	v7 =	vld [tilespmem:s13+$0x8A50];
	[tilespmem:s14+$0xB250] =	vst v6  }
0x12a: {  	v5 =	vmax.f32 v5, $0.0e+00;
	v4 =	vadd.f32 v4, v1;
	v6 =	vld [tilespmem:s13+$0x6220]  }
0x12b: {  	v8 =	vld [tilespmem:s13+$0x8A20];
	[tilespmem:s14+$0xB220] =	vst v5  }
.Ltmp14:
0x12c: {  	v3 =	vadd.f32 v3, v0;
	v5 =	vmax.f32 v4, $0.0e+00;
	v1 =	vld [tilespmem:s13+$0x6230];
	(pc) =	sbr.rel @p1 .LBB2_16-.Ltmp14, $4  }
0x12d: {  	v4 =	vld [tilespmem:s13+$0x8A30];
	[tilespmem:s14+$0xB230] =	vst v5  }
0x12e: {  	v0 =	vld [tilespmem:s13+$0x6240];
	v7 =	vadd.f32 v7, v2;
	v2 =	vmax.f32 v3, $0.0e+00  }
0x12f: {  	v3 =	vld [tilespmem:s13+$0x8A40];
	[tilespmem:s14+$0xB240] =	vst v2;
	s14 =	smov.u32 s13;
	s13 =	sshra.s32 s16, $0x2  }
0x130: {  	s16 =	sadd.s32 $0x100, s16;
	v2 =	vld [tilespmem:s13+$0x6250];
	v5 =	vadd.f32 v8, v6;
	v6 =	vmax.f32 v7, $0.0e+00  }
.Ltmp15:
0x131: {  	_ = 	snop;
	(pc) =	sbr.rel .LBB2_17-.Ltmp15, $1  }
0x132: {  	_ =	sdelay $0x3  }
.LBB2_20:
0x133: {  	_ =	sfence.sel $0x180000  }
0x134: {  	[bflag:$0x0] =	sbarrier.arrive $0xFFFF  }
0x135: {  	_ =	strace $0x90000050  }
0x136: {  	s0 =	stileid.u32;
	[bflag:$0x2] =	sbarrier.arrive $0xFFFF  }
0x137: {  	p0 =	sne.s32 s0, $0x0;
	s0 =	rddreg [dreg:$0x4]  }
0x138: {  	s0 =	sadd.s32 @!p0 $0x100000, s0  }
0x139: {  	[sflag:s0] =	ssyncadd.tile.s32 @!p0 $0x1;
	_ =	shalt  }
.Lfunc_end2:
_tile_overlayer_lowered:
.L_overlay_start_2:
0x13a: {  	(tag) =	ssettag $0x2  }
0x13b: {  	s0 =	rddreg [dreg:$0x0];
	s2 =	stileid.u32  }
0x13c: {  	s1 =	rddreg [dreg:$0x1];
	p0 =	sne.s32 s2, $0x0  }
0x13d: {  	s3 =	rddreg [dreg:$0x2];
	[bflag:$0x3] =	sbarrier.arrive $0xFFFF;
	s2 =	simm.s32 @!p0 $0x1C05  }
0x13e: {  	[timem:s3], [sflag:s2] =	dma.local @!p0 [hbm:s0], s1  }
0x13f: {  	s0 =	simm.s32 @!p0 $0x5  }
0x140: {  	_ =	swait.ge @!p0 [sflag:s0], s1  }
0x141: {  	s1 =	ssub.s32 @!p0 $0x0, s1;
	[sflag:s0] =	ssyncset.done @!p0 $0x0  }
0x142: {  	[sflag:s0] =	ssyncadd.s32 @!p0 s1  }
0x143: {  	[bflag:$0x3] =	sbarrier.arrive $0xFFFF  }
0x144: {  	_ =	shalt  }

// kernel: kernel.27.cloned.1.call-start
scs
__scs_entry_jumppad:
0x0: {  	(pc) =	sbr.rel $0x88, $3  }
0x1: {  	(tag) =	ssettag $0x0;
	lr =	simm.s32 $0x1  }
0x2: {  	[smem:$0x3F92] =	sst lr;
	_ =	strace $0xD0000000  }
0x3: {  	_ = 	snop  }
0x4: {  	_ = 	snop  }
0x5: {  	_ = 	snop  }
0x6: {  	_ = 	snop  }
0x7: {  	_ = 	snop  }
__scs_overlays_trampoline_lowered:
0x8: {  	[smem:$0x3FA1] =	sst s0  }
0x9: {  	[smem:$0x3FA2] =	sst s1  }
0xa: {  	[smem:$0x3FA3] =	sst s2  }
0xb: {  	[smem:$0x3FA4] =	sst s3  }
0xc: {  	[smem:$0x3FA5] =	sst s4  }
0xd: {  	[smem:$0x3FA6] =	sst s5  }
0xe: {  	[smem:$0x3FA7] =	sst s6  }
0xf: {  	[smem:$0x3FA8] =	sst s7  }
0x10: {  	[smem:$0x3FA9] =	sst s8  }
0x11: {  	[smem:$0x3FAA] =	sst s9;
	s0 =	simm.s32 @!p0 $0x0  }
0x12: {  	s1 =	sld [smem:$0x3F90];
	s0 =	simm.s32 @p0 $0x1  }
0x13: {  	[smem:$0x3FAB] =	sst s0;
	s0 =	simm.s32 @!p1 $0x0  }
0x14: {  	s2 =	sld [smem:$0x3F8F];
	s0 =	simm.s32 @p1 $0x1  }
0x15: {  	[smem:$0x3FAC] =	sst s0;
	s0 =	simm.s32 @!p2 $0x0  }
0x16: {  	s3 =	sld [smem:$0x3FDB];
	s0 =	simm.s32 @p2 $0x1  }
0x17: {  	s4 =	simm.s32 $0x1BF5;
	[smem:$0x3FAE] =	sst s0  }
0x18: {  	s0 =	sld [smem:$0x3F91];
	_ =	swait.ge [sflag:s4], $0x0  }
0x19: {  	s7 =	sld [smem:$0x3F92]  }
0x1a: {  	s8 =	sadd.s32 $0xFFFFE003, lr  }
0x1b: {  	s9 =	sadd.s32 $0xFFFFFEF7, lr;
	s5 =	simm.s32 $0xFFFFFFFF;
	p2 =	slt.u32 s8, $0xFFFFF086  }
0x1c: {  	p1 =	slt.u32 s9, $0xF7A;
	s5 =	simm.s32 @!p2 $0x0  }
0x1d: {  	s5 =	simm.s32 @p1 $0x1;
	p0 =	seq.s32 s7, s2  }
0x1e: {  	s7 =	smul.u32 @!p0 $0xF7A, s2;
	p2 =	seq.s32 @!p0 s5, $0x0  }
0x1f: {  	s9 =	smul.u32 $0xF7A, s1;
	s8 =	simm.s32 @!p0 $0x1BF5;
	p2 =	por !p2, p0  }
0x20: {  	[sflag:s8] =	ssyncset.s32 @!p0 $0xFFFFF086;
	s6 =	sadd.s32 @!p0 s3, s7;
	s7 =	simm.s32 @!p0 $0x108  }
0x21: {  	s3 =	sadd.s32 s3, s9;
	s6 =	sadd.s32 @!p0 $0x88, s6;
	s7 =	simm.s32 @p2 $0x1082  }
0x22: {  	[simem:s7], [sflag:s8] =	dma.local @!p0 [hbm:s6], $0xF7A  }
0x23: {  	s9 =	sor.u32 $0xD0000000, s2;
	s6 =	simm.s32 $0x108;
	_ =	swait.ge @!p0 [sflag:s8], $0x0  }
0x24: {  	s3 =	sadd.s32 $0x88, s3;
	s6 =	simm.s32 @!p1 $0x1082;
	[sflag:s4] =	ssyncset.s32 $0xFFFFF086  }
0x25: {  	[simem:s6], [sflag:s4] =	dma.local [hbm:s3], $0xF7A  }
0x26: {  	[smem:$0x3F92] =	sst s1;
	(tag) =	ssettag s2;
	_ =	strace s9  }
0x27: {  	s1 =	sld [smem:$0x3FA2]  }
0x28: {  	s2 =	sld [smem:$0x3FA3]  }
0x29: {  	s4 =	sld [smem:$0x3FA5]  }
0x2a: {  	p0 =	seq.s32 s5, $0x0;
	s5 =	sld [smem:$0x3FA6]  }
0x2b: {  	s6 =	sld [smem:$0x3FA7]  }
0x2c: {  	s7 =	sld [smem:$0x3FA8]  }
0x2d: {  	s3 =	simm.s32 $0x108;
	s8 =	sld [smem:$0x3FA9]  }
0x2e: {  	s3 =	simm.s32 @!p0 $0x1082;
	s9 =	sld [smem:$0x3FAA]  }
0x2f: {  	lr =	sadd.s32 s0, s3;
	s0 =	sld [smem:$0x3FA1]  }
0x30: {  	s3 =	sld [smem:$0x3FA4]  }
0x31: {  	[smem:$0x3FAD] =	sst s10  }
0x32: {  	s10 =	sld [smem:$0x3FAB];
	_ =	sdelay $0x3  }
0x33: {  	p0 =	seq.s32 s10, $0x1;
	s10 =	sld [smem:$0x3FAD];
	_ =	sdelay $0x3  }
0x34: {  	[smem:$0x3FAD] =	sst s10  }
0x35: {  	s10 =	sld [smem:$0x3FAC];
	_ =	sdelay $0x3  }
0x36: {  	p1 =	seq.s32 s10, $0x1;
	s10 =	sld [smem:$0x3FAD];
	_ =	sdelay $0x3  }
0x37: {  	[smem:$0x3FAD] =	sst s10  }
0x38: {  	s10 =	sld [smem:$0x3FAE]  }
0x39: {  	_ = 	snop;
	(pc) =	sbr.ind lr, $3  }
0x3a: {  	_ = 	snop  }
0x3b: {  	_ = 	snop  }
0x3c: {  	p2 =	seq.s32 s10, $0x1;
	s10 =	sld [smem:$0x3FAD]  }
0x3d: {  	_ =	shalt  }
0x3e: {  	_ =	shalt  }
0x3f: {  	_ =	shalt  }
0x40: {  	_ =	shalt  }
0x41: {  	_ =	shalt  }
0x42: {  	_ =	shalt  }
0x43: {  	_ =	shalt  }
0x44: {  	_ =	shalt  }
0x45: {  	_ =	shalt  }
0x46: {  	_ =	shalt  }
0x47: {  	_ =	shalt  }
0x48: {  	_ =	shalt  }
0x49: {  	_ =	shalt  }
0x4a: {  	_ =	shalt  }
0x4b: {  	_ =	shalt  }
0x4c: {  	_ =	shalt  }
0x4d: {  	_ =	shalt  }
0x4e: {  	_ =	shalt  }
0x4f: {  	_ =	shalt  }
0x50: {  	_ =	shalt  }
0x51: {  	_ =	shalt  }
0x52: {  	_ =	shalt  }
0x53: {  	_ =	shalt  }
0x54: {  	_ =	shalt  }
0x55: {  	_ =	shalt  }
0x56: {  	_ =	shalt  }
0x57: {  	_ =	shalt  }
0x58: {  	_ =	shalt  }
0x59: {  	_ =	shalt  }
0x5a: {  	_ =	shalt  }
0x5b: {  	_ =	shalt  }
0x5c: {  	_ =	shalt  }
0x5d: {  	_ =	shalt  }
0x5e: {  	_ =	shalt  }
0x5f: {  	_ =	shalt  }
0x60: {  	_ =	shalt  }
0x61: {  	_ =	shalt  }
0x62: {  	_ =	shalt  }
0x63: {  	_ =	shalt  }
0x64: {  	_ =	shalt  }
0x65: {  	_ =	shalt  }
0x66: {  	_ =	shalt  }
0x67: {  	_ =	shalt  }
0x68: {  	_ =	shalt  }
0x69: {  	_ =	shalt  }
0x6a: {  	_ =	shalt  }
0x6b: {  	_ =	shalt  }
0x6c: {  	_ =	shalt  }
0x6d: {  	_ =	shalt  }
0x6e: {  	_ =	shalt  }
0x6f: {  	_ =	shalt  }
0x70: {  	_ =	shalt  }
0x71: {  	_ =	shalt  }
0x72: {  	_ =	shalt  }
0x73: {  	_ =	shalt  }
0x74: {  	_ =	shalt  }
0x75: {  	_ =	shalt  }
0x76: {  	_ =	shalt  }
0x77: {  	_ =	shalt  }
0x78: {  	_ =	shalt  }
0x79: {  	_ =	shalt  }
0x7a: {  	_ =	shalt  }
0x7b: {  	_ =	shalt  }
0x7c: {  	_ =	shalt  }
0x7d: {  	_ =	shalt  }
0x7e: {  	_ =	shalt  }
0x7f: {  	_ =	shalt  }
0x80: {  	_ =	shalt  }
0x81: {  	_ =	shalt  }
0x82: {  	_ =	shalt  }
0x83: {  	_ =	shalt  }
0x84: {  	_ =	shalt  }
0x85: {  	_ =	shalt  }
0x86: {  	_ =	shalt  }
0x87: {  	_ =	shalt  }
.Lfunc_end0:
.L_simem_size_0:
called_computation.4_lowered:
.L_overlay_start_0:
0x88: {  	s2 =	sld [smem:$0x3FD9]  }
0x89: {  	s3 =	sld [smem:$0x3FFE];
	_ =	sdelay $0x1  }
0x8a: {  	s1 =	srdreg.scid  }
0x8b: {  	s0 =	sand.u32 $0x1, s1  }
0x8c: {  	s14 =	sshll.u32 s0, $0xA;
	s2 =	sadd.s32 s3, s2  }
0x8d: {  	s2 =	sadd.s32 s2, s14  }
0x8e: {  	[smem:$0x3FB9] =	sst s2  }
0x8f: {  	_ = 	snop  }
0x90: {  	s2 =	sld [smem:$0x3FD0];
	_ =	sdelay $0x2  }
0x91: {  	s15 =	simm.s32 $0xA;
	s4 =	simm.s32 $0x10  }
0x92: {  	[smem:s4], [sflag:s15] =	dma.local [hbm:s2], $0x1  }
0x93: {  	_ =	swait.eq [sflag:s15], $0x1  }
0x94: {  	[sflag:s15] =	ssyncset.done $0x0  }
0x95: {  	[sflag:s15] =	ssyncadd.s32 $0xFFFFFFFF  }
0x96: {  	s16 =	sld [smem:$0x11];
	(tm) =	ssettm $0x1  }
0x97: {  	s17 =	sld [smem:$0x3FFB];
	_ =	sdelay $0x3  }
0x98: {  	_ =	strace s17  }
0x99: {  	s3 =	sld [smem:$0x3FFC];
	_ =	sdelay $0x3  }
0x9a: {  	_ =	strace s3  }
0x9b: {  	s3 =	sld [smem:$0x3FFD];
	_ =	sdelay $0x3  }
0x9c: {  	_ =	strace s3  }
0x9d: {  	_ =	strace $0x8FFFFFFF  }
0x9e: {  	s18 =	sld [smem:$0x3FDB];
	_ =	sdelay $0x1  }
0x9f: {  	s19 =	simm.s32 $_scs_section_size  }
0xa0: {  	s5 =	simm.s32 $_size__tile_overlayer_lowered;
	s6 =	simm.s32 $_tile_overlayer_lowered  }
0xa1: {  	s22 =	simm.s32 $0x1BFF;
	s21 =	sshll.u32 s6, $0x1;
	s3 =	sadd.s32 s19, s18  }
0xa2: {  	s7 =	simm.s32 $0x0;
	s20 =	sshll.u32 s5, $0x1;
	s5 =	sadd.s32 s21, s3  }
0xa3: {  	[timem:s7], [sflag:s22] =	dma.local [hbm:s5], s20  }
0xa4: {  	_ =	swait.ge [sflag:s22], s20  }
0xa5: {  	s4 =	ssub.s32 $0x0, s20;
	[sflag:s22] =	ssyncset.done $0x0  }
0xa6: {  	[sflag:s22] =	ssyncadd.s32 s4;
	_ =	sdelay $0x1  }
0xa7: {  	s23 =	simm.s32 $0x1B8B  }
0xa8: {  	_ =	swait.ge [sflag:s23], $0x1  }
0xa9: {  	[sflag:s23] =	ssyncset.done $0x0  }
0xaa: {  	s25 =	simm.s32 $0x1B8E;
	s24 =	sld [smem:$0x3FFE];
	[sflag:s23] =	ssyncadd.s32 $0xFFFFFFFF  }
0xab: {  	s26 =	simm.s32 $execute0_lowered;
	[smem:$0x3FD2] =	sst s25  }
0xac: {  	s5 =	sshll.u32 s26, $0x1;
	_ =	strace $0x80000052;
	[dreg:$0x1] =	wrdreg $0xFFFFFFFF  }
0xad: {  	s28 =	simm.s32 $_size_execute0_lowered;
	s3 =	sadd.s32 s3, s5;
	[dreg:$0x0] =	wrdreg $0x0  }
0xae: {  	s5 =	sshll.u32 s28, $0x1;
	[dreg:$0x2] =	wrdreg s3  }
0xaf: {  	[dreg:$0x3] =	wrdreg s5  }
0xb0: {  	[dreg:$0x4] =	wrdreg $0xC0  }
0xb1: {  	_ =	task [dreg:s7], $0x5FFFF  }
0xb2: {  	[dreg:$0x1] =	wrdreg $0xFFFFFFFF  }
0xb3: {  	[dreg:$0x0] =	wrdreg $0x60  }
0xb4: {  	[dreg:$0x2] =	wrdreg s24  }
0xb5: {  	[dreg:$0x3] =	wrdreg s16  }
0xb6: {  	[dreg:$0x4] =	wrdreg $0x9  }
0xb7: {  	_ =	task.clear_ibuf [dreg:s7], $0x5FFFF;
	_ =	strace $0x90000052  }
0xb8: {  	s29 =	simm.s32 $0x9;
	_ =	strace $0x80000054  }
0xb9: {  	_ =	swait.ge [sflag:s29], $0x1  }
0xba: {  	[sflag:s29] =	ssyncadd.s32 $0xFFFFFFFF  }
0xbb: {  	_ =	strace $0x90000054  }
0xbc: {  	_ =	sfence  }
0xbd: {  	s30 =	sld [smem:$0x0];
	_ =	sdelay $0x2  }
0xbe: {  	s31 =	sshll.u32 s1, $0xD;
	s1 =	sshrl.u32 s1, $0x2  }
0xbf: {  	s3 =	sand.u32 $0x4000, s31;
	s1 =	sadd.s32 s1, s30  }
0xc0: {  	s0 =	sor.u32 s3, s0;
	s1 =	sshll.u32 s1, $0x11  }
0xc1: {  	s0 =	sor.u32 s1, s0  }
0xc2: {  	s0 =	sadd.s32 $0x8F2B, s0  }
0xc3: {  	[sflag:s0] =	ssyncadd.remote.s32 $0x1  }
0xc4: {  	_ =	sfence.sel $0xFFFF  }
0xc5: {  	[dreg:$0x0] =	wrdreg $0xFFFFFFFF;
	(pc) =	sbr.abs _section_cstart, $3  }
0xc6: {  	[dreg:$0x1] =	wrdreg $0xFFFFFFFF  }
0xc7: {  	_ =	task.clear_ibuf [dreg:s7], $0x2FFFF;
	_ =	strace $0x9FFFFFFF  }
0xc8: {  	(tm) =	ssettm $0x7FFFFFFF  }
0xc9: {  	_ =	shalt  }
tec
execute0_lowered:
.L_overlay_start_1:
0x0: {  	(tag) =	ssettag $0x1  }
0x1: {  	s1 =	rddreg [dreg:$0x0]  }
0x2: {  	s0 =	srdreg.scid;
	s2 =	rddreg [dreg:$0x1]  }
0x3: {  	s5 =	stileid.u32;
	s3 =	simm.s32 $0x0;
	s14 =	simm.s32 $0x9  }
0x4: {  	s15 =	simm.s32 $0x1400;
	s16 =	simm.s32 $0x80;
	s20 =	simm.s32 $0x2  }
0x5: {  	s21 =	simm.s32 $0x4;
	s22 =	simm.s32 $0x6;
	s23 =	simm.s32 $0x6000  }
0x6: {  	s24 =	simm.s32 $0x1;
	s25 =	simm.s32 $0x3;
	s0 =	sand.u32 $0x1, s0  }
0x7: {  	s26 =	simm.s32 $0x5;
	s28 =	simm.s32 $0x5800;
	s4 =	sshll.u32 s0, $0x4  }
0x8: {  	s29 =	simm.s32 $0x0;
	[smem:$0x7FF] =	sst s3;
	s11 =	sor.u32 s5, s4  }
0x9: {  	s0 =	ssub.s32 $0x2, s0;
	_ =	strace $0x80000053;
	s6 =	smul.u32 $0x280, s11  }
0xa: {  	s4 =	sadd.s32 $0x5600, s1;
	s7 =	sshrl.u32 s0, $0x1;
	s12 =	smul.u32 $0x2700, s11  }
.Ltmp0:
0xb: {  	s5 =	sadd.s32 $0x299E00, s1;
	s0 =	ssub.s32 s0, s7;
	(pc) =	sbr.rel .LBB2_1-.Ltmp0, $4  }
0xc: {  	p0 =	slt.u32 s11, $0x2;
	s7 =	smul.u32 $0x1380, s11;
	s31 =	sshll.u32 s11, $0x7  }
0xd: {  	s11 =	sor.u32 $0x27000, s31;
	s13 =	smax.u32 s0, $0x1;
	s1 =	sadd.s32 s6, s1  }
0xe: {  	s6 =	simm.s32 $0x28;
	s10 =	sadd.s32 s5, s12;
	s12 =	sadd.s32 s2, s12  }
0xf: {  	s6 =	simm.s32 @!p0 $0x27;
	s8 =	sadd.s32 $0xA600, s1;
	s9 =	sadd.s32 $0x23E00, s1  }
.LBB2_11:
0x10: {  	s29 =	sadd.s32 $0x1, s29  }
0x11: {  	p0 =	sne.s32 s29, s13  }
.Ltmp1:
0x12: {  	_ = 	snop;
	(pc) =	sbr.rel @!p0 .LBB2_12-.Ltmp1, $1  }
0x13: {  	_ =	sdelay $0x3  }
.LBB2_1:
0x14: {  	[tilespmem:s3], [sflag:$0x9] =	stream.linear.gather [hbm4b:s8+s3], $0x1400, $0x38;
	[tilespmem:$0x6800] =	vst v63  }
0x15: {  	_ =	swait.ge [sflag:s14], $0x1400  }
0x16: {  	[sflag:s14] =	ssyncset.done $0x0  }
0x17: {  	[sflag:s14] =	ssyncadd.s32 $0xFFFFEC00  }
0x18: {  	[tilespmem:s15], [sflag:$0x9] =	stream.linear.gather [hbm4b:s9+s3], $0x1400, $0x38;
	[tilespmem:$0x6800] =	vst v63  }
0x19: {  	_ =	swait.ge [sflag:s14], $0x1400  }
0x1a: {  	[sflag:s14] =	ssyncset.done $0x0  }
0x1b: {  	s0 =	simm.s32 $0x2800;
	[sflag:s14] =	ssyncadd.s32 $0xFFFFEC00  }
0x1c: {  	[tilespmem:s0], [sflag:$0x1] =	stream.indirect.gather [hbm4b:s4+s16], $0x10, s3, s16, $0xb8;
	[tilespmem:$0x6800] =	vst v63  }
.Ltmp2:
0x1d: {  	_ = 	snop;
	(pc) =	sbr.rel .LBB2_2-.Ltmp2, $4  }
0x1e: {  	s19 =	simm.s32 $0x3800  }
0x1f: {  	[tilespmem:s19], [sflag:$0x3] =	stream.indirect.gather [hbm4b:s4+s16], $0x10, s15, s16, $0xb8;
	[tilespmem:$0x6800] =	vst v63  }
0x20: {  	s31 =	simm.s32 $0x4800;
	s30 =	simm.s32 $0x0  }
0x21: {  	[tilespmem:s31], [sflag:$0x5] =	stream.linear.gather [hbm4b:s10+s3], $0x800, $0x38;
	[tilespmem:$0x6800] =	vst v63  }
.LBB2_10:
0x22: {  	s30 =	sadd.s32 $0x1, s30  }
0x23: {  	p0 =	sne.s32 s30, $0x28  }
.Ltmp3:
0x24: {  	_ = 	snop;
	(pc) =	sbr.rel @!p0 .LBB2_11-.Ltmp3, $1  }
0x25: {  	_ =	sdelay $0x3  }
.LBB2_2:
0x26: {  	p0 =	sge.u32 s30, s6  }
.Ltmp4:
0x27: {  	_ = 	snop;
	(pc) =	sbr.rel @p0 .LBB2_10-.Ltmp4, $1  }
0x28: {  	_ =	sdelay $0x3  }
0x29: {  	s31 =	sand.u32 $0x1, s30  }
0x2a: {  	p0 =	seq.s32 s31, $0x1  }
.Ltmp5:
0x2b: {  	_ = 	snop;
	(pc) =	sbr.rel @p0 .LBB2_7-.Ltmp5, $1  }
0x2c: {  	_ =	sdelay $0x3  }
0x2d: {  	s0 =	sor.u32 $0x1, s30  }
0x2e: {  	p0 =	sge.u32 s0, s6  }
0x2f: {  	s1 =	sshll.u32 @!p0 s0, $0x7  }
0x30: {  	s17 =	simm.s32 @!p0 $0x80;
	s18 =	simm.s32 @!p0 $0x3000;
	p1 =	slt.u32 @!p0 s30, $0x26  }
0x31: {  	[tilespmem:s18], [sflag:$0x2] =	stream.indirect.gather @!p0 [hbm4b:s4+s17], $0x10, s1, s17, $0xb8;
	[tilespmem:$0x6800] =	vst v63  }
0x32: {  	s18 =	sadd.s32 @!p0 $0x1400, s1;
	s1 =	sadd.s32 @!p0 s7, s1;
	p1 =	por !p1, p0  }
0x33: {  	s19 =	simm.s32 @!p0 $0x4000;
	s1 =	smov.u32 @p1 s11  }
0x34: {  	[tilespmem:s19], [sflag:$0x4] =	stream.indirect.gather @!p0 [hbm4b:s4+s17], $0x10, s18, s17, $0xb8;
	[tilespmem:$0x6800] =	vst v63  }
0x35: {  	s1 =	sshll.u32 @!p0 s1, $0x1  }
0x36: {  	s1 =	sand.u32 @!p0 $0x1FFFFF00, s1  }
0x37: {  	s17 =	simm.s32 @!p0 $0x0;
	s18 =	simm.s32 @!p0 $0x5000;
	s1 =	sadd.s32 @!p0 s5, s1  }
0x38: {  	[tilespmem:s18], [sflag:$0x6] =	stream.linear.gather @!p0 [hbm4b:s1+s17], $0x800, $0x38;
	[tilespmem:$0x6800] =	vst v63  }
0x39: {  	_ =	swait.ge [sflag:s24], $0x800  }
0x3a: {  	[sflag:s24] =	ssyncset.done $0x0  }
0x3b: {  	[sflag:s24] =	ssyncadd.s32 $0xFFFFF800  }
0x3c: {  	_ =	swait.ge [sflag:s25], $0x800  }
0x3d: {  	[sflag:s25] =	ssyncset.done $0x0  }
0x3e: {  	[sflag:s25] =	ssyncadd.s32 $0xFFFFF800  }
0x3f: {  	_ =	swait.ge [sflag:s26], $0x800  }
0x40: {  	p0 =	slt.u32 s30, $0x2;
	[sflag:s26] =	ssyncset.done $0x0  }
0x41: {  	s1 =	simm.s32 @!p0 $0x7;
	[sflag:s26] =	ssyncadd.s32 $0xFFFFF800  }
0x42: {  	_ =	swait.ge @!p0 [sflag:s1], $0x800  }
0x43: {  	[sflag:s1] =	ssyncset.done @!p0 $0x0  }
0x44: {  	[sflag:s1] =	ssyncadd.s32 @!p0 $0xFFFFF800;
	s1 =	simm.s32 $0x0  }
0x45: {  	v0 =	vld [tilespmem:s1+$0x2800]  }
0x46: {  	v1 =	vld [tilespmem:s1+$0x3800];
	_ =	sdelay $0x1  }
0x47: {  	v2 =	vld [tilespmem:s1+$0x4800];
	_ =	sdelay $0x2  }
0x48: {  	s17 =	simm.s32 $0x10;
	v1 =	vadd.f32 v1, v0  }
0x49: {  	v0 =	vld [tilespmem:s17+$0x2800]  }
0x4a: {  	v3 =	vadd.f32 v2, v1;
	v1 =	vld [tilespmem:s17+$0x3800];
	_ =	sdelay $0x1  }
0x4b: {  	v2 =	vld [tilespmem:s17+$0x4800]  }
0x4c: {  	s18 =	simm.s32 $0x80;
	v3 =	vmax.f32 v3, $0.0e+00  }
.LBB2_5:
0x4d: {  	[tilespmem:s1+$0x5800] =	vst v3;
	s1 =	smov.u32 s17;
	s17 =	sshra.s32 s18, $0x2;
	p0 =	sne.s32 s18, $0x1FC0  }
.Ltmp6:
0x4e: {  	s18 =	sadd.s32 $0x40, s18;
	v3 =	vadd.f32 v1, v0;
	v0 =	vld [tilespmem:s17+$0x2800];
	(pc) =	sbr.rel @p0 .LBB2_5-.Ltmp6, $4  }
0x4f: {  	v1 =	vld [tilespmem:s17+$0x3800]  }
0x50: {  	v3 =	vadd.f32 v2, v3  }
0x51: {  	v2 =	vld [tilespmem:s17+$0x4800]  }
0x52: {  	v3 =	vmax.f32 v3, $0.0e+00  }
0x53: {  	_ = 	snop  }
0x54: {  	v0 =	vadd.f32 v1, v0;
	_ =	sdelay $0x1  }
0x55: {  	v0 =	vadd.f32 v2, v0;
	_ =	sdelay $0x1  }
0x56: {  	[tilespmem:s1+$0x5800] =	vst v3;
	s18 =	sshll.u32 s30, $0x8;
	p0 =	slt.u32 s0, s6;
	v0 =	vmax.f32 v0, $0.0e+00  }
0x57: {  	s19 =	sadd.s32 s18, s12;
	s0 =	simm.s32 @!p0 $0x7;
	[tilespmem:s17+$0x5800] =	vst v0  }
0x58: {  	[hbm4b:s19+s3] =	stream.linear.scatter [tilespmem:s28], [sflag:$0x7], $0x800, $0x38;
	[tilespmem:$0x6800] =	vst v63  }
0x59: {  	p1 =	seq.s32 s31, $0x0;
	_ =	swait.ge @!p0 [sflag:s0], $0x800  }
.Ltmp7:
0x5a: {  	[sflag:s0] =	ssyncset.done @!p0 $0x0;
	(pc) =	sbr.rel @p1 .LBB2_10-.Ltmp7, $4  }
0x5b: {  	[sflag:s0] =	ssyncadd.s32 @!p0 $0xFFFFF800;
	s0 =	simm.s32 @!p0 $0x8  }
0x5c: {  	_ =	swait.ge @!p0 [sflag:s0], $0x800  }
0x5d: {  	[sflag:s0] =	ssyncset.done @!p0 $0x0  }
0x5e: {  	[sflag:s0] =	ssyncadd.s32 @!p0 $0xFFFFF800  }
.LBB2_7:
0x5f: {  	s31 =	sadd.s32 $0x1, s30  }
0x60: {  	p0 =	sge.u32 s31, s6  }
0x61: {  	s0 =	sshll.u32 @!p0 s31, $0x7  }
0x62: {  	s1 =	simm.s32 @!p0 $0x80;
	s17 =	simm.s32 @!p0 $0x2800;
	p1 =	slt.u32 @!p0 s30, $0x26  }
0x63: {  	[tilespmem:s17], [sflag:$0x1] =	stream.indirect.gather @!p0 [hbm4b:s4+s1], $0x10, s0, s1, $0xb8;
	[tilespmem:$0x6800] =	vst v63  }
0x64: {  	s17 =	sadd.s32 @!p0 $0x1400, s0;
	s0 =	sadd.s32 @!p0 s7, s0;
	p1 =	por !p1, p0  }
0x65: {  	s18 =	simm.s32 @!p0 $0x3800;
	s0 =	smov.u32 @p1 s11  }
0x66: {  	[tilespmem:s18], [sflag:$0x3] =	stream.indirect.gather @!p0 [hbm4b:s4+s1], $0x10, s17, s1, $0xb8;
	[tilespmem:$0x6800] =	vst v63  }
0x67: {  	s0 =	sshll.u32 @!p0 s0, $0x1  }
0x68: {  	s0 =	sand.u32 @!p0 $0x1FFFFF00, s0  }
0x69: {  	s1 =	simm.s32 @!p0 $0x0;
	s17 =	simm.s32 @!p0 $0x4800;
	s0 =	sadd.s32 @!p0 s5, s0  }
0x6a: {  	[tilespmem:s17], [sflag:$0x5] =	stream.linear.gather @!p0 [hbm4b:s0+s1], $0x800, $0x38;
	[tilespmem:$0x6800] =	vst v63  }
0x6b: {  	_ =	swait.ge [sflag:s20], $0x800  }
0x6c: {  	[sflag:s20] =	ssyncset.done $0x0  }
0x6d: {  	[sflag:s20] =	ssyncadd.s32 $0xFFFFF800  }
0x6e: {  	_ =	swait.ge [sflag:s21], $0x800  }
0x6f: {  	[sflag:s21] =	ssyncset.done $0x0  }
0x70: {  	[sflag:s21] =	ssyncadd.s32 $0xFFFFF800  }
0x71: {  	_ =	swait.ge [sflag:s22], $0x800  }
0x72: {  	p0 =	slt.u32 s30, $0x2;
	[sflag:s22] =	ssyncset.done $0x0  }
0x73: {  	s0 =	simm.s32 @!p0 $0x8;
	[sflag:s22] =	ssyncadd.s32 $0xFFFFF800  }
0x74: {  	_ =	swait.ge @!p0 [sflag:s0], $0x800  }
0x75: {  	[sflag:s0] =	ssyncset.done @!p0 $0x0  }
0x76: {  	[sflag:s0] =	ssyncadd.s32 @!p0 $0xFFFFF800;
	s0 =	simm.s32 $0x0  }
0x77: {  	v0 =	vld [tilespmem:s0+$0x3000]  }
0x78: {  	v1 =	vld [tilespmem:s0+$0x4000];
	_ =	sdelay $0x1  }
0x79: {  	v2 =	vld [tilespmem:s0+$0x5000];
	_ =	sdelay $0x2  }
0x7a: {  	s1 =	simm.s32 $0x10;
	v1 =	vadd.f32 v1, v0  }
0x7b: {  	v0 =	vld [tilespmem:s1+$0x3000]  }
0x7c: {  	v3 =	vadd.f32 v2, v1;
	v1 =	vld [tilespmem:s1+$0x4000]  }
0x7d: {  	s19 =	sshll.u32 s30, $0x7  }
0x7e: {  	s17 =	sadd.s32 s7, s19;
	p0 =	seq.s32 s30, $0x27;
	v2 =	vld [tilespmem:s1+$0x5000]  }
0x7f: {  	s18 =	simm.s32 $0x80;
	s17 =	smov.u32 @p0 s11;
	v3 =	vmax.f32 v3, $0.0e+00  }
.LBB2_8:
0x80: {  	[tilespmem:s0+$0x6000] =	vst v3;
	s0 =	smov.u32 s1;
	s1 =	sshra.s32 s18, $0x2;
	p0 =	sne.s32 s18, $0x1FC0  }
.Ltmp8:
0x81: {  	s18 =	sadd.s32 $0x40, s18;
	v3 =	vadd.f32 v1, v0;
	v0 =	vld [tilespmem:s1+$0x3000];
	(pc) =	sbr.rel @p0 .LBB2_8-.Ltmp8, $4  }
0x82: {  	v1 =	vld [tilespmem:s1+$0x4000]  }
0x83: {  	v3 =	vadd.f32 v2, v3  }
0x84: {  	v2 =	vld [tilespmem:s1+$0x5000]  }
0x85: {  	v3 =	vmax.f32 v3, $0.0e+00  }
0x86: {  	_ = 	snop  }
0x87: {  	v0 =	vadd.f32 v1, v0;
	_ =	sdelay $0x1  }
0x88: {  	v0 =	vadd.f32 v2, v0  }
0x89: {  	s17 =	sshll.u32 s17, $0x1  }
0x8a: {  	[tilespmem:s0+$0x6000] =	vst v3;
	s19 =	sand.u32 $0x1FFFFF00, s17;
	v0 =	vmax.f32 v0, $0.0e+00  }
0x8b: {  	p0 =	slt.u32 s31, s6;
	s0 =	sadd.s32 s2, s19;
	[tilespmem:s1+$0x6000] =	vst v0  }
0x8c: {  	[hbm4b:s0+s3] =	stream.linear.scatter [tilespmem:s23], [sflag:$0x8], $0x800, $0x38;
	[tilespmem:$0x6800] =	vst v63  }
0x8d: {  	s0 =	simm.s32 @!p0 $0x8  }
0x8e: {  	_ =	swait.ge @!p0 [sflag:s0], $0x800  }
.Ltmp9:
0x8f: {  	[sflag:s0] =	ssyncset.done @!p0 $0x0;
	(pc) =	sbr.rel .LBB2_10-.Ltmp9, $4  }
0x90: {  	[sflag:s0] =	ssyncadd.s32 @!p0 $0xFFFFF800;
	s0 =	simm.s32 @!p0 $0x7  }
0x91: {  	_ =	swait.ge @!p0 [sflag:s0], $0x800  }
0x92: {  	[sflag:s0] =	ssyncset.done @!p0 $0x0  }
0x93: {  	[sflag:s0] =	ssyncadd.s32 @!p0 $0xFFFFF800  }
.LBB2_12:
0x94: {  	_ =	sfence.sel $0x180000  }
0x95: {  	[bflag:$0x0] =	sbarrier.arrive $0xFFFF  }
0x96: {  	_ =	strace $0x90000053  }
0x97: {  	s0 =	stileid.u32;
	[bflag:$0x2] =	sbarrier.arrive $0xFFFF  }
0x98: {  	p0 =	sne.s32 s0, $0x0;
	s0 =	rddreg [dreg:$0x2]  }
0x99: {  	s0 =	sadd.s32 @!p0 $0x100000, s0  }
0x9a: {  	[sflag:s0] =	ssyncadd.tile.s32 @!p0 $0x1;
	_ =	shalt  }
.Lfunc_end2:
_tile_overlayer_lowered:
.L_overlay_start_2:
0x9b: {  	(tag) =	ssettag $0x2  }
0x9c: {  	s0 =	rddreg [dreg:$0x0];
	s2 =	stileid.u32  }
0x9d: {  	s1 =	rddreg [dreg:$0x1];
	p0 =	sne.s32 s2, $0x0  }
0x9e: {  	s3 =	rddreg [dreg:$0x2];
	[bflag:$0x3] =	sbarrier.arrive $0xFFFF;
	s2 =	simm.s32 @!p0 $0x1C09  }
0x9f: {  	[timem:s3], [sflag:s2] =	dma.local @!p0 [hbm:s0], s1  }
0xa0: {  	s0 =	simm.s32 @!p0 $0x9  }
0xa1: {  	_ =	swait.ge @!p0 [sflag:s0], s1  }
0xa2: {  	s1 =	ssub.s32 @!p0 $0x0, s1;
	[sflag:s0] =	ssyncset.done @!p0 $0x0  }
0xa3: {  	[sflag:s0] =	ssyncadd.s32 @!p0 s1  }
0xa4: {  	[bflag:$0x3] =	sbarrier.arrive $0xFFFF  }
0xa5: {  	_ =	shalt  }

</sc_bundles>
